<compile_context>
chip_gen: v7x
topology: tpu7x:2x2x1
jax: 0.10.2.dev20260603
libtpu: 0.0.44.dev20260713+nightly
codegen_flags: <defaults>
</compile_context>

<pallas_src>
import functools

import jax
import jax.numpy as jnp
from jax import lax
from jax.experimental import pallas as pl
from jax.experimental.pallas import tpu as pltpu
from jax.experimental.pallas import tpu_sc as plsc

N = 50000
E = 800000
C = 64
HC = 32
H = 256
NC, NS = 2, 16
BLK = 128
STR = 3
CHUNK = BLK * STR
PAIR = 2 * CHUNK
PROWS = PAIR // BLK
NBODY = 66
EPT = NBODY * PAIR
EPAD = EPT * NS
IDXROWS = EPAD // BLK
IDXAL = IDXROWS + 8
ROWS_PT = IDXROWS // NS
ACC_ROWS = 50048
APT = ACC_ROWS // NS
NOUT = ACC_ROWS
WPT = NOUT // NS


def _sc_segsum(xall, idx4):
    mesh = plsc.VectorSubcoreMesh(core_axis_name="c", subcore_axis_name="s")

    @functools.partial(
        pl.kernel,
        out_type=jax.ShapeDtypeStruct((2, 2 * NOUT, HC), jnp.float32),
        mesh=mesh,
        scratch_types=[
            pltpu.VMEM_SHARED((ACC_ROWS, HC), jnp.float32),
            pltpu.VMEM((CHUNK, HC), jnp.float32),
            pltpu.VMEM((CHUNK, HC), jnp.float32),
            pltpu.VMEM((PROWS, BLK), jnp.int32),
            pltpu.VMEM((PROWS, BLK), jnp.int32),
            pltpu.VMEM((PROWS, BLK), jnp.int32),
            pltpu.VMEM((PROWS, BLK), jnp.int32),
            pltpu.SemaphoreType.DMA,
            pltpu.SemaphoreType.DMA,
            pltpu.SemaphoreType.DMA,
            pltpu.SemaphoreType.DMA,
        ],
        compiler_params=pltpu.CompilerParams(use_tc_tiling_on_sc=False),
    )
    def seg_kernel(xall_hbm, idx_hbm, out_hbm,
                   acc, rowsA, rowsB, g0, s0, g1, s1,
                   gsem, ssemA, ssemB, isem):
        c = lax.axis_index("c")
        s = lax.axis_index("s")
        x_hbm = xall_hbm.at[c]

        for d in range(2):
            g_hbm = idx_hbm.at[d]
            s_hbm = idx_hbm.at[2 + d]

            def idx_row0(b):
                return s * ROWS_PT + b * PROWS

            def fire_idx(b, gbuf, sbuf):
                pltpu.async_copy(g_hbm.at[pl.ds(idx_row0(b), PROWS)],
                                 gbuf, isem)
                pltpu.async_copy(s_hbm.at[pl.ds(idx_row0(b), PROWS)],
                                 sbuf, isem)

            def wait_idx(b, gbuf, sbuf):
                pltpu.make_async_copy(
                    g_hbm.at[pl.ds(idx_row0(b), PROWS)], gbuf, isem).wait()
                pltpu.make_async_copy(
                    s_hbm.at[pl.ds(idx_row0(b), PROWS)], sbuf, isem).wait()

            def drain_sb(sbuf):
                for u in range(STR):
                    pltpu.make_async_copy(
                        rowsB.at[pl.ds(u * BLK, BLK)],
                        acc.at[sbuf.at[STR + u]], ssemB).wait()

            def fire_ga(gbuf):
                return [
                    pltpu.async_copy(x_hbm.at[gbuf.at[u]],
                                     rowsA.at[pl.ds(u * BLK, BLK)], gsem)
                    for u in range(STR)
                ]

            def finish_body(gbuf, sbuf, ga):
                gb = [
                    pltpu.async_copy(x_hbm.at[gbuf.at[STR + u]],
                                     rowsB.at[pl.ds(u * BLK, BLK)], gsem)
                    for u in range(STR)
                ]
                for dd in ga:
                    dd.wait()
                sa = [
                    pltpu.async_copy(rowsA.at[pl.ds(u * BLK, BLK)],
                                     acc.at[sbuf.at[u]], ssemA, add=True)
                    for u in range(STR)
                ]
                for dd in gb:
                    dd.wait()
                for dd in sa:
                    dd.wait()
                for u in range(STR):
                    pltpu.async_copy(rowsB.at[pl.ds(u * BLK, BLK)],
                                     acc.at[sbuf.at[STR + u]],
                                     ssemB, add=True)

            def zrow(i, z):
                rowsA[i, pl.ds(0, 16)] = jnp.zeros((16,), jnp.float32)
                rowsA[i, pl.ds(16, 16)] = jnp.zeros((16,), jnp.float32)
                return z

            def zero_acc_share():
                zbase = s * APT
                zdescs = []
                zoff = 0
                while zoff < APT:
                    zn = min(CHUNK, APT - zoff)
                    zdescs.append(pltpu.async_copy(
                        rowsA.at[pl.ds(0, zn)],
                        acc.at[pl.ds(zbase + zoff, zn)], gsem))
                    zoff += zn
                for dd in zdescs:
                    dd.wait()

            if d == 0:
                lax.fori_loop(0, CHUNK, zrow, 0)
                zero_acc_share()
                plsc.subcore_barrier()

            fire_idx(0, g0, s0)

            def body(tt, carry):
                b0 = 2 * tt
                wait_idx(b0, g0, s0)
                ga0 = fire_ga(g0)

                @pl.when(tt > 0)
                def _():
                    drain_sb(s1)

                fire_idx(b0 + 1, g1, s1)
                finish_body(g0, s0, ga0)
                wait_idx(b0 + 1, g1, s1)
                ga1 = fire_ga(g1)
                drain_sb(s0)
                fire_idx(b0 + 2, g0, s0)
                finish_body(g1, s1, ga1)
                return carry
            lax.fori_loop(0, NBODY // 2, body, 0)
            wait_idx(NBODY, g0, s0)
            drain_sb(s1)
            plsc.subcore_barrier()

            if d == 0:
                lax.fori_loop(0, CHUNK, zrow, 0)
            pltpu.sync_copy(
                acc.at[pl.ds(s * WPT, WPT)],
                out_hbm.at[d].at[pl.ds(c * NOUT + s * WPT, WPT)],
            )
            if d == 0:
                zero_acc_share()
                plsc.subcore_barrier()

    return seg_kernel(xall, idx4)


def _mlp(out4, W1r, b1, W2, b2):
    B = 5000

    def body(a_ref, w1_ref, b1_ref, w2_ref, b2_ref, o_ref):
        h1 = (
            jnp.dot(a_ref[0, 0], w1_ref[0, 0], preferred_element_type=jnp.float32)
            + jnp.dot(a_ref[0, 1], w1_ref[0, 1], preferred_element_type=jnp.float32)
            + jnp.dot(a_ref[1, 0], w1_ref[1, 0], preferred_element_type=jnp.float32)
            + jnp.dot(a_ref[1, 1], w1_ref[1, 1], preferred_element_type=jnp.float32)
            + b1_ref[...]
        )
        h1 = jnp.maximum(h1, 0.0)
        o_ref[...] = (
            jnp.dot(h1, w2_ref[...], preferred_element_type=jnp.float32)
            + b2_ref[...]
        )

    return pl.pallas_call(
        body,
        grid=(N // B,),
        in_specs=[
            pl.BlockSpec((2, 2, B, HC), lambda i: (0, 0, i, 0)),
            pl.BlockSpec((2, 2, HC, H), lambda i: (0, 0, 0, 0)),
            pl.BlockSpec((1, H), lambda i: (0, 0)),
            pl.BlockSpec((H, C), lambda i: (0, 0)),
            pl.BlockSpec((1, C), lambda i: (0, 0)),
        ],
        out_specs=pl.BlockSpec((B, C), lambda i: (i, 0)),
        out_shape=jax.ShapeDtypeStruct((N, C), jnp.float32),
    )(out4, W1r, b1.reshape(1, H), W2, b2.reshape(1, C))


def kernel(x, edge_index, W1, b1, W2, b2):
    src = edge_index[0].astype(jnp.int32)
    dst = edge_index[1].astype(jnp.int32)
    npad = IDXAL * BLK - E
    gpad = jnp.zeros((npad,), jnp.int32)
    spad = jnp.full((npad,), N, jnp.int32)
    idx4 = jnp.stack([jnp.concatenate([src, gpad]),
                      jnp.concatenate([dst, gpad]),
                      jnp.concatenate([dst, spad]),
                      jnp.concatenate([src, spad])]).reshape(4, IDXAL, BLK)
    xall = jnp.stack([x[:, :HC], x[:, HC:]])
    out = _sc_segsum(xall, idx4)
    out4 = out.reshape(2, 2, NOUT, HC)
    return _mlp(out4, W1.reshape(2, 2, HC, H), b1, W2, b2)

# --- scband reference (transcript-rebuilt; emitter-appended) ---
"""Pipeline reference for scband-directed-ginconv-8014408974487 (READ-ONLY COPY).

The authoritative reference and input builder live on the scoring server;
editing this copy changes nothing except your own understanding.
"""

import jax, jax.numpy as jnp
import numpy as np

CHANNELS = 64
GIN_HIDDEN = 256
N_NODES = 50000
N_EDGES = 800000

def setup_inputs(seed: int = 0) -> dict:
    key = jax.random.key(seed)
    k_x, k_ei, k_w1, k_b1, k_w2, k_b2 = jax.random.split(key, 6)
    x = jax.random.normal(k_x, (N_NODES, CHANNELS), dtype=jnp.float32)
    edge_index = jax.random.randint(k_ei, (2, N_EDGES), 0, N_NODES, dtype=jnp.int64)
    # Linear(2*CHANNELS, GIN_HIDDEN): weight [out, in] torch-style; we store transposed for jnp
    lim1 = 1.0 / np.sqrt(2 * CHANNELS)
    W1 = jax.random.uniform(k_w1, (2 * CHANNELS, GIN_HIDDEN), minval=-lim1, maxval=lim1, dtype=jnp.float32)
    b1 = jax.random.uniform(k_b1, (GIN_HIDDEN,), minval=-lim1, maxval=lim1, dtype=jnp.float32)
    lim2 = 1.0 / np.sqrt(GIN_HIDDEN)
    W2 = jax.random.uniform(k_w2, (GIN_HIDDEN, CHANNELS), minval=-lim2, maxval=lim2, dtype=jnp.float32)
    b2 = jax.random.uniform(k_b2, (CHANNELS,), minval=-lim2, maxval=lim2, dtype=jnp.float32)
    return {"x": x, "edge_index": edge_index, "W1": W1, "b1": b1, "W2": W2, "b2": b2}

def reference(x, edge_index, W1, b1, W2, b2):
    src = edge_index[0]
    dst = edge_index[1]
    n = x.shape[0]
    # Summation(out=True): flow source_to_target -> gather x at src, scatter-add to dst
    out = jax.ops.segment_sum(x[src], dst, num_segments=n)
    # Summation(out=False): flow target_to_source -> gather x at dst, scatter-add to src
    back = jax.ops.segment_sum(x[dst], src, num_segments=n)
    h = jnp.concatenate((out, back), axis=-1)
    h = h @ W1 + b1
    h = jax.nn.relu(h)
    return h @ W2 + b2

if __name__ == "__main__":
    import jax
    _d = setup_inputs()
    print(jax.jit(kernel)(*tuple(_d.values())))

</pallas_src>

<mosaic_0001>
#map = affine_map<(d0, d1) -> (0, 0, 0)>
module attributes {stable_mosaic.version = 14 : i64} {
  func.func @seg_kernel(%arg0: i32, %arg1: i32, %arg2: memref<2x50000x32xf32, #tpu.memory_space<hbm>>, %arg3: memref<4x6344x128xi32, #tpu.memory_space<hbm>>, %arg4: memref<2x100096x32xf32, #tpu.memory_space<hbm>>, %arg5: memref<50048x32xf32, #tpu.memory_space<vmem_shared>>, %arg6: memref<384x32xf32, #tpu.memory_space<vmem>>, %arg7: memref<384x32xf32, #tpu.memory_space<vmem>>, %arg8: memref<6x128xi32, #tpu.memory_space<vmem>>, %arg9: memref<6x128xi32, #tpu.memory_space<vmem>>, %arg10: memref<6x128xi32, #tpu.memory_space<vmem>>, %arg11: memref<6x128xi32, #tpu.memory_space<vmem>>, %arg12: memref<!tpu.dma_semaphore, #tpu.memory_space<semaphore_mem>>, %arg13: memref<!tpu.dma_semaphore, #tpu.memory_space<semaphore_mem>>, %arg14: memref<!tpu.dma_semaphore, #tpu.memory_space<semaphore_mem>>, %arg15: memref<!tpu.dma_semaphore, #tpu.memory_space<semaphore_mem>>) attributes {dimension_semantics = [#tpu.dimension_semantics<core_parallel>, #tpu.dimension_semantics<subcore_parallel>], iteration_bounds = array<i64: 2, 16>, scalar_prefetch = 0 : i64, scratch_operands = 11 : i64, tpu.core_type = #tpu.core_type<sc_vector_subcore>, window_params = [{transform_indices = #map}, {transform_indices = #map}, {transform_indices = #map}]} {
    %scan3A = arith.constant 0 : i32
    %scan3A_0 = arith.constant 0 : i32
    %scan3A_1 = arith.constant 384 : i32
    %scan3A_2 = arith.addi %scan3A_0, %scan3A_1 : i32
    %scan3A_3 = arith.constant 1 : i32
    scf.for %scan3A_637 = %scan3A_0 to %scan3A_2 step %scan3A_3  : i32 {
      %broadcast_in_dim3A = arith.constant 0.000000e+00 : f32
      %broadcast_in_dim3A_638 = vector.broadcast %broadcast_in_dim3A : f32 to vector<16xf32>
      %swap3A = arith.index_cast %scan3A_637 : i32 to index
      %swap3A_639 = arith.constant 0 : index
      %swap3A_640 = tpu.vector_load %arg6[%swap3A, %swap3A_639] {strides = array<i32>} : memref<384x32xf32, #tpu.memory_space<vmem>>, vector<1x16xf32>,
      %swap3A_641 = vector.shape_cast %swap3A_640 : vector<1x16xf32> to vector<16xf32>
      %swap3A_642 = vector.shape_cast %broadcast_in_dim3A_638 : vector<16xf32> to vector<1x16xf32>
      tpu.vector_store %arg6[%swap3A, %swap3A_639], %swap3A_642 {strides = array<i32>} : memref<384x32xf32, #tpu.memory_space<vmem>>, vector<1x16xf32>,
      %broadcast_in_dim3A_643 = arith.constant 0.000000e+00 : f32
      %broadcast_in_dim3A_644 = vector.broadcast %broadcast_in_dim3A_643 : f32 to vector<16xf32>
      %swap3A_645 = arith.index_cast %scan3A_637 : i32 to index
      %swap3A_646 = arith.constant 16 : index
      %swap3A_647 = tpu.vector_load %arg6[%swap3A_645, %swap3A_646] {strides = array<i32>} : memref<384x32xf32, #tpu.memory_space<vmem>>, vector<1x16xf32>,
      %swap3A_648 = vector.shape_cast %swap3A_647 : vector<1x16xf32> to vector<16xf32>
      %swap3A_649 = vector.shape_cast %broadcast_in_dim3A_644 : vector<16xf32> to vector<1x16xf32>
      tpu.vector_store %arg6[%swap3A_645, %swap3A_646], %swap3A_649 {strides = array<i32>} : memref<384x32xf32, #tpu.memory_space<vmem>>, vector<1x16xf32>,
    }
    %scan3A_4 = arith.constant 384 : i32
    %mul3A = arith.constant 3128 : i32
    %mul3A_5 = arith.muli %arg1, %mul3A : i32
    %add3A = arith.constant 0 : i32
    %add3A_6 = arith.addi %mul3A_5, %add3A : i32
    %dma_start3A = arith.constant 0 : i32
    %dma_start3A_7 = arith.constant 0 : i32
    %dma_start3A_8 = tpu.memref_slice %arg6[%dma_start3A, %dma_start3A_7] : memref<384x32xf32, #tpu.memory_space<vmem>> -> memref<384x32xf32, #tpu.memory_space<vmem>>
    %dma_start3A_9 = arith.constant 0 : i32
    %dma_start3A_10 = tpu.memref_slice %arg5[%add3A_6, %dma_start3A_9] : memref<50048x32xf32, #tpu.memory_space<vmem_shared>> -> memref<384x32xf32, #tpu.memory_space<vmem_shared>>
    %dma_start3A_11 = arith.constant 0 : i32
    %dma_start3A_12 = tpu.memref_slice %arg5[%add3A_6, %dma_start3A_11] : memref<50048x32xf32, #tpu.memory_space<vmem_shared>> -> memref<384x32xf32, #tpu.memory_space<vmem_shared>>
    %dma_start3A_13 = arith.constant 0 : i32
    %dma_start3A_14 = arith.constant 0 : i32
    %dma_start3A_15 = tpu.memref_slice %arg6[%dma_start3A_13, %dma_start3A_14] : memref<384x32xf32, #tpu.memory_space<vmem>> -> memref<384x32xf32, #tpu.memory_space<vmem>>
    tpu.enqueue_dma source(%dma_start3A_15 : memref<384x32xf32, #tpu.memory_space<vmem>>) target(%dma_start3A_12 : memref<384x32xf32, #tpu.memory_space<vmem_shared>>) target_semaphore(%arg12 : memref<!tpu.dma_semaphore, #tpu.memory_space<semaphore_mem>>)
    %add3A_16 = arith.constant 384 : i32
    %add3A_17 = arith.addi %mul3A_5, %add3A_16 : i32
    %dma_start3A_18 = arith.constant 0 : i32
    %dma_start3A_19 = arith.constant 0 : i32
    %dma_start3A_20 = tpu.memref_slice %arg6[%dma_start3A_18, %dma_start3A_19] : memref<384x32xf32, #tpu.memory_space<vmem>> -> memref<384x32xf32, #tpu.memory_space<vmem>>
    %dma_start3A_21 = arith.constant 0 : i32
    %dma_start3A_22 = tpu.memref_slice %arg5[%add3A_17, %dma_start3A_21] : memref<50048x32xf32, #tpu.memory_space<vmem_shared>> -> memref<384x32xf32, #tpu.memory_space<vmem_shared>>
    %dma_start3A_23 = arith.constant 0 : i32
    %dma_start3A_24 = tpu.memref_slice %arg5[%add3A_17, %dma_start3A_23] : memref<50048x32xf32, #tpu.memory_space<vmem_shared>> -> memref<384x32xf32, #tpu.memory_space<vmem_shared>>
    %dma_start3A_25 = arith.constant 0 : i32
    %dma_start3A_26 = arith.constant 0 : i32
    %dma_start3A_27 = tpu.memref_slice %arg6[%dma_start3A_25, %dma_start3A_26] : memref<384x32xf32, #tpu.memory_space<vmem>> -> memref<384x32xf32, #tpu.memory_space<vmem>>
    tpu.enqueue_dma source(%dma_start3A_27 : memref<384x32xf32, #tpu.memory_space<vmem>>) target(%dma_start3A_24 : memref<384x32xf32, #tpu.memory_space<vmem_shared>>) target_semaphore(%arg12 : memref<!tpu.dma_semaphore, #tpu.memory_space<semaphore_mem>>)
    %add3A_28 = arith.constant 768 : i32
    %add3A_29 = arith.addi %mul3A_5, %add3A_28 : i32
    %dma_start3A_30 = arith.constant 0 : i32
    %dma_start3A_31 = arith.constant 0 : i32
    %dma_start3A_32 = tpu.memref_slice %arg6[%dma_start3A_30, %dma_start3A_31] : memref<384x32xf32, #tpu.memory_space<vmem>> -> memref<384x32xf32, #tpu.memory_space<vmem>>
    %dma_start3A_33 = arith.constant 0 : i32
    %dma_start3A_34 = tpu.memref_slice %arg5[%add3A_29, %dma_start3A_33] : memref<50048x32xf32, #tpu.memory_space<vmem_shared>> -> memref<384x32xf32, #tpu.memory_space<vmem_shared>>
    %dma_start3A_35 = arith.constant 0 : i32
    %dma_start3A_36 = tpu.memref_slice %arg5[%add3A_29, %dma_start3A_35] : memref<50048x32xf32, #tpu.memory_space<vmem_shared>> -> memref<384x32xf32, #tpu.memory_space<vmem_shared>>
    %dma_start3A_37 = arith.constant 0 : i32
    %dma_start3A_38 = arith.constant 0 : i32
    %dma_start3A_39 = tpu.memref_slice %arg6[%dma_start3A_37, %dma_start3A_38] : memref<384x32xf32, #tpu.memory_space<vmem>> -> memref<384x32xf32, #tpu.memory_space<vmem>>
    tpu.enqueue_dma source(%dma_start3A_39 : memref<384x32xf32, #tpu.memory_space<vmem>>) target(%dma_start3A_36 : memref<384x32xf32, #tpu.memory_space<vmem_shared>>) target_semaphore(%arg12 : memref<!tpu.dma_semaphore, #tpu.memory_space<semaphore_mem>>)
    %add3A_40 = arith.constant 1152 : i32
    %add3A_41 = arith.addi %mul3A_5, %add3A_40 : i32
    %dma_start3A_42 = arith.constant 0 : i32
    %dma_start3A_43 = arith.constant 0 : i32
    %dma_start3A_44 = tpu.memref_slice %arg6[%dma_start3A_42, %dma_start3A_43] : memref<384x32xf32, #tpu.memory_space<vmem>> -> memref<384x32xf32, #tpu.memory_space<vmem>>
    %dma_start3A_45 = arith.constant 0 : i32
    %dma_start3A_46 = tpu.memref_slice %arg5[%add3A_41, %dma_start3A_45] : memref<50048x32xf32, #tpu.memory_space<vmem_shared>> -> memref<384x32xf32, #tpu.memory_space<vmem_shared>>
    %dma_start3A_47 = arith.constant 0 : i32
    %dma_start3A_48 = tpu.memref_slice %arg5[%add3A_41, %dma_start3A_47] : memref<50048x32xf32, #tpu.memory_space<vmem_shared>> -> memref<384x32xf32, #tpu.memory_space<vmem_shared>>
    %dma_start3A_49 = arith.constant 0 : i32
    %dma_start3A_50 = arith.constant 0 : i32
    %dma_start3A_51 = tpu.memref_slice %arg6[%dma_start3A_49, %dma_start3A_50] : memref<384x32xf32, #tpu.memory_space<vmem>> -> memref<384x32xf32, #tpu.memory_space<vmem>>
    tpu.enqueue_dma source(%dma_start3A_51 : memref<384x32xf32, #tpu.memory_space<vmem>>) target(%dma_start3A_48 : memref<384x32xf32, #tpu.memory_space<vmem_shared>>) target_semaphore(%arg12 : memref<!tpu.dma_semaphore, #tpu.memory_space<semaphore_mem>>)
    %add3A_52 = arith.constant 1536 : i32
    %add3A_53 = arith.addi %mul3A_5, %add3A_52 : i32
    %dma_start3A_54 = arith.constant 0 : i32
    %dma_start3A_55 = arith.constant 0 : i32
    %dma_start3A_56 = tpu.memref_slice %arg6[%dma_start3A_54, %dma_start3A_55] : memref<384x32xf32, #tpu.memory_space<vmem>> -> memref<384x32xf32, #tpu.memory_space<vmem>>
    %dma_start3A_57 = arith.constant 0 : i32
    %dma_start3A_58 = tpu.memref_slice %arg5[%add3A_53, %dma_start3A_57] : memref<50048x32xf32, #tpu.memory_space<vmem_shared>> -> memref<384x32xf32, #tpu.memory_space<vmem_shared>>
    %dma_start3A_59 = arith.constant 0 : i32
    %dma_start3A_60 = tpu.memref_slice %arg5[%add3A_53, %dma_start3A_59] : memref<50048x32xf32, #tpu.memory_space<vmem_shared>> -> memref<384x32xf32, #tpu.memory_space<vmem_shared>>
    %dma_start3A_61 = arith.constant 0 : i32
    %dma_start3A_62 = arith.constant 0 : i32
    %dma_start3A_63 = tpu.memref_slice %arg6[%dma_start3A_61, %dma_start3A_62] : memref<384x32xf32, #tpu.memory_space<vmem>> -> memref<384x32xf32, #tpu.memory_space<vmem>>
    tpu.enqueue_dma source(%dma_start3A_63 : memref<384x32xf32, #tpu.memory_space<vmem>>) target(%dma_start3A_60 : memref<384x32xf32, #tpu.memory_space<vmem_shared>>) target_semaphore(%arg12 : memref<!tpu.dma_semaphore, #tpu.memory_space<semaphore_mem>>)
    %add3A_64 = arith.constant 1920 : i32
    %add3A_65 = arith.addi %mul3A_5, %add3A_64 : i32
    %dma_start3A_66 = arith.constant 0 : i32
    %dma_start3A_67 = arith.constant 0 : i32
    %dma_start3A_68 = tpu.memref_slice %arg6[%dma_start3A_66, %dma_start3A_67] : memref<384x32xf32, #tpu.memory_space<vmem>> -> memref<384x32xf32, #tpu.memory_space<vmem>>
    %dma_start3A_69 = arith.constant 0 : i32
    %dma_start3A_70 = tpu.memref_slice %arg5[%add3A_65, %dma_start3A_69] : memref<50048x32xf32, #tpu.memory_space<vmem_shared>> -> memref<384x32xf32, #tpu.memory_space<vmem_shared>>
    %dma_start3A_71 = arith.constant 0 : i32
    %dma_start3A_72 = tpu.memref_slice %arg5[%add3A_65, %dma_start3A_71] : memref<50048x32xf32, #tpu.memory_space<vmem_shared>> -> memref<384x32xf32, #tpu.memory_space<vmem_shared>>
    %dma_start3A_73 = arith.constant 0 : i32
    %dma_start3A_74 = arith.constant 0 : i32
    %dma_start3A_75 = tpu.memref_slice %arg6[%dma_start3A_73, %dma_start3A_74] : memref<384x32xf32, #tpu.memory_space<vmem>> -> memref<384x32xf32, #tpu.memory_space<vmem>>
    tpu.enqueue_dma source(%dma_start3A_75 : memref<384x32xf32, #tpu.memory_space<vmem>>) target(%dma_start3A_72 : memref<384x32xf32, #tpu.memory_space<vmem_shared>>) target_semaphore(%arg12 : memref<!tpu.dma_semaphore, #tpu.memory_space<semaphore_mem>>)
    %add3A_76 = arith.constant 2304 : i32
    %add3A_77 = arith.addi %mul3A_5, %add3A_76 : i32
    %dma_start3A_78 = arith.constant 0 : i32
    %dma_start3A_79 = arith.constant 0 : i32
    %dma_start3A_80 = tpu.memref_slice %arg6[%dma_start3A_78, %dma_start3A_79] : memref<384x32xf32, #tpu.memory_space<vmem>> -> memref<384x32xf32, #tpu.memory_space<vmem>>
    %dma_start3A_81 = arith.constant 0 : i32
    %dma_start3A_82 = tpu.memref_slice %arg5[%add3A_77, %dma_start3A_81] : memref<50048x32xf32, #tpu.memory_space<vmem_shared>> -> memref<384x32xf32, #tpu.memory_space<vmem_shared>>
    %dma_start3A_83 = arith.constant 0 : i32
    %dma_start3A_84 = tpu.memref_slice %arg5[%add3A_77, %dma_start3A_83] : memref<50048x32xf32, #tpu.memory_space<vmem_shared>> -> memref<384x32xf32, #tpu.memory_space<vmem_shared>>
    %dma_start3A_85 = arith.constant 0 : i32
    %dma_start3A_86 = arith.constant 0 : i32
    %dma_start3A_87 = tpu.memref_slice %arg6[%dma_start3A_85, %dma_start3A_86] : memref<384x32xf32, #tpu.memory_space<vmem>> -> memref<384x32xf32, #tpu.memory_space<vmem>>
    tpu.enqueue_dma source(%dma_start3A_87 : memref<384x32xf32, #tpu.memory_space<vmem>>) target(%dma_start3A_84 : memref<384x32xf32, #tpu.memory_space<vmem_shared>>) target_semaphore(%arg12 : memref<!tpu.dma_semaphore, #tpu.memory_space<semaphore_mem>>)
    %add3A_88 = arith.constant 2688 : i32
    %add3A_89 = arith.addi %mul3A_5, %add3A_88 : i32
    %dma_start3A_90 = arith.constant 0 : i32
    %dma_start3A_91 = arith.constant 0 : i32
    %dma_start3A_92 = tpu.memref_slice %arg6[%dma_start3A_90, %dma_start3A_91] : memref<384x32xf32, #tpu.memory_space<vmem>> -> memref<384x32xf32, #tpu.memory_space<vmem>>
    %dma_start3A_93 = arith.constant 0 : i32
    %dma_start3A_94 = tpu.memref_slice %arg5[%add3A_89, %dma_start3A_93] : memref<50048x32xf32, #tpu.memory_space<vmem_shared>> -> memref<384x32xf32, #tpu.memory_space<vmem_shared>>
    %dma_start3A_95 = arith.constant 0 : i32
    %dma_start3A_96 = tpu.memref_slice %arg5[%add3A_89, %dma_start3A_95] : memref<50048x32xf32, #tpu.memory_space<vmem_shared>> -> memref<384x32xf32, #tpu.memory_space<vmem_shared>>
    %dma_start3A_97 = arith.constant 0 : i32
    %dma_start3A_98 = arith.constant 0 : i32
    %dma_start3A_99 = tpu.memref_slice %arg6[%dma_start3A_97, %dma_start3A_98] : memref<384x32xf32, #tpu.memory_space<vmem>> -> memref<384x32xf32, #tpu.memory_space<vmem>>
    tpu.enqueue_dma source(%dma_start3A_99 : memref<384x32xf32, #tpu.memory_space<vmem>>) target(%dma_start3A_96 : memref<384x32xf32, #tpu.memory_space<vmem_shared>>) target_semaphore(%arg12 : memref<!tpu.dma_semaphore, #tpu.memory_space<semaphore_mem>>)
    %add3A_100 = arith.constant 3072 : i32
    %add3A_101 = arith.addi %mul3A_5, %add3A_100 : i32
    %dma_start3A_102 = arith.constant 0 : i32
    %dma_start3A_103 = arith.constant 0 : i32
    %dma_start3A_104 = tpu.memref_slice %arg6[%dma_start3A_102, %dma_start3A_103] : memref<384x32xf32, #tpu.memory_space<vmem>> -> memref<56x32xf32, #tpu.memory_space<vmem>>
    %dma_start3A_105 = arith.constant 0 : i32
    %dma_start3A_106 = tpu.memref_slice %arg5[%add3A_101, %dma_start3A_105] : memref<50048x32xf32, #tpu.memory_space<vmem_shared>> -> memref<56x32xf32, #tpu.memory_space<vmem_shared>>
    %dma_start3A_107 = arith.constant 0 : i32
    %dma_start3A_108 = tpu.memref_slice %arg5[%add3A_101, %dma_start3A_107] : memref<50048x32xf32, #tpu.memory_space<vmem_shared>> -> memref<56x32xf32, #tpu.memory_space<vmem_shared>>
    %dma_start3A_109 = arith.constant 0 : i32
    %dma_start3A_110 = arith.constant 0 : i32
    %dma_start3A_111 = tpu.memref_slice %arg6[%dma_start3A_109, %dma_start3A_110] : memref<384x32xf32, #tpu.memory_space<vmem>> -> memref<56x32xf32, #tpu.memory_space<vmem>>
    tpu.enqueue_dma source(%dma_start3A_111 : memref<56x32xf32, #tpu.memory_space<vmem>>) target(%dma_start3A_108 : memref<56x32xf32, #tpu.memory_space<vmem_shared>>) target_semaphore(%arg12 : memref<!tpu.dma_semaphore, #tpu.memory_space<semaphore_mem>>)
    %dma_wait3A = arith.constant 0 : i32
    %dma_wait3A_112 = arith.constant 0 : i32
    %dma_wait3A_113 = tpu.memref_slice %arg6[%dma_wait3A, %dma_wait3A_112] : memref<384x32xf32, #tpu.memory_space<vmem>> -> memref<384x32xf32, #tpu.memory_space<vmem>>
    %dma_wait3A_114 = arith.constant 0 : i32
    %dma_wait3A_115 = tpu.memref_slice %arg5[%add3A_6, %dma_wait3A_114] : memref<50048x32xf32, #tpu.memory_space<vmem_shared>> -> memref<384x32xf32, #tpu.memory_space<vmem_shared>>
    %dma_wait3A_116 = arith.constant 0 : i32
    %dma_wait3A_117 = tpu.memref_slice %arg5[%add3A_6, %dma_wait3A_116] : memref<50048x32xf32, #tpu.memory_space<vmem_shared>> -> memref<384x32xf32, #tpu.memory_space<vmem_shared>>
    %dma_wait3A_118 = arith.constant 0 : i32
    %dma_wait3A_119 = arith.constant 0 : i32
    %dma_wait3A_120 = tpu.memref_slice %arg6[%dma_wait3A_118, %dma_wait3A_119] : memref<384x32xf32, #tpu.memory_space<vmem>> -> memref<384x32xf32, #tpu.memory_space<vmem>>
    tpu.wait_dma2 semaphore(%arg12 : memref<!tpu.dma_semaphore, #tpu.memory_space<semaphore_mem>>) src(%dma_wait3A_120 : memref<384x32xf32, #tpu.memory_space<vmem>>) dst(%dma_wait3A_117 : memref<384x32xf32, #tpu.memory_space<vmem_shared>>)
    %dma_wait3A_121 = arith.constant 0 : i32
    %dma_wait3A_122 = arith.constant 0 : i32
    %dma_wait3A_123 = tpu.memref_slice %arg6[%dma_wait3A_121, %dma_wait3A_122] : memref<384x32xf32, #tpu.memory_space<vmem>> -> memref<384x32xf32, #tpu.memory_space<vmem>>
    %dma_wait3A_124 = arith.constant 0 : i32
    %dma_wait3A_125 = tpu.memref_slice %arg5[%add3A_17, %dma_wait3A_124] : memref<50048x32xf32, #tpu.memory_space<vmem_shared>> -> memref<384x32xf32, #tpu.memory_space<vmem_shared>>
    %dma_wait3A_126 = arith.constant 0 : i32
    %dma_wait3A_127 = tpu.memref_slice %arg5[%add3A_17, %dma_wait3A_126] : memref<50048x32xf32, #tpu.memory_space<vmem_shared>> -> memref<384x32xf32, #tpu.memory_space<vmem_shared>>
    %dma_wait3A_128 = arith.constant 0 : i32
    %dma_wait3A_129 = arith.constant 0 : i32
    %dma_wait3A_130 = tpu.memref_slice %arg6[%dma_wait3A_128, %dma_wait3A_129] : memref<384x32xf32, #tpu.memory_space<vmem>> -> memref<384x32xf32, #tpu.memory_space<vmem>>
    tpu.wait_dma2 semaphore(%arg12 : memref<!tpu.dma_semaphore, #tpu.memory_space<semaphore_mem>>) src(%dma_wait3A_130 : memref<384x32xf32, #tpu.memory_space<vmem>>) dst(%dma_wait3A_127 : memref<384x32xf32, #tpu.memory_space<vmem_shared>>)
    %dma_wait3A_131 = arith.constant 0 : i32
    %dma_wait3A_132 = arith.constant 0 : i32
    %dma_wait3A_133 = tpu.memref_slice %arg6[%dma_wait3A_131, %dma_wait3A_132] : memref<384x32xf32, #tpu.memory_space<vmem>> -> memref<384x32xf32, #tpu.memory_space<vmem>>
    %dma_wait3A_134 = arith.constant 0 : i32
    %dma_wait3A_135 = tpu.memref_slice %arg5[%add3A_29, %dma_wait3A_134] : memref<50048x32xf32, #tpu.memory_space<vmem_shared>> -> memref<384x32xf32, #tpu.memory_space<vmem_shared>>
    %dma_wait3A_136 = arith.constant 0 : i32
    %dma_wait3A_137 = tpu.memref_slice %arg5[%add3A_29, %dma_wait3A_136] : memref<50048x32xf32, #tpu.memory_space<vmem_shared>> -> memref<384x32xf32, #tpu.memory_space<vmem_shared>>
    %dma_wait3A_138 = arith.constant 0 : i32
    %dma_wait3A_139 = arith.constant 0 : i32
    %dma_wait3A_140 = tpu.memref_slice %arg6[%dma_wait3A_138, %dma_wait3A_139] : memref<384x32xf32, #tpu.memory_space<vmem>> -> memref<384x32xf32, #tpu.memory_space<vmem>>
    tpu.wait_dma2 semaphore(%arg12 : memref<!tpu.dma_semaphore, #tpu.memory_space<semaphore_mem>>) src(%dma_wait3A_140 : memref<384x32xf32, #tpu.memory_space<vmem>>) dst(%dma_wait3A_137 : memref<384x32xf32, #tpu.memory_space<vmem_shared>>)
    %dma_wait3A_141 = arith.constant 0 : i32
    %dma_wait3A_142 = arith.constant 0 : i32
    %dma_wait3A_143 = tpu.memref_slice %arg6[%dma_wait3A_141, %dma_wait3A_142] : memref<384x32xf32, #tpu.memory_space<vmem>> -> memref<384x32xf32, #tpu.memory_space<vmem>>
    %dma_wait3A_144 = arith.constant 0 : i32
    %dma_wait3A_145 = tpu.memref_slice %arg5[%add3A_41, %dma_wait3A_144] : memref<50048x32xf32, #tpu.memory_space<vmem_shared>> -> memref<384x32xf32, #tpu.memory_space<vmem_shared>>
    %dma_wait3A_146 = arith.constant 0 : i32
    %dma_wait3A_147 = tpu.memref_slice %arg5[%add3A_41, %dma_wait3A_146] : memref<50048x32xf32, #tpu.memory_space<vmem_shared>> -> memref<384x32xf32, #tpu.memory_space<vmem_shared>>
    %dma_wait3A_148 = arith.constant 0 : i32
    %dma_wait3A_149 = arith.constant 0 : i32
    %dma_wait3A_150 = tpu.memref_slice %arg6[%dma_wait3A_148, %dma_wait3A_149] : memref<384x32xf32, #tpu.memory_space<vmem>> -> memref<384x32xf32, #tpu.memory_space<vmem>>
    tpu.wait_dma2 semaphore(%arg12 : memref<!tpu.dma_semaphore, #tpu.memory_space<semaphore_mem>>) src(%dma_wait3A_150 : memref<384x32xf32, #tpu.memory_space<vmem>>) dst(%dma_wait3A_147 : memref<384x32xf32, #tpu.memory_space<vmem_shared>>)
    %dma_wait3A_151 = arith.constant 0 : i32
    %dma_wait3A_152 = arith.constant 0 : i32
    %dma_wait3A_153 = tpu.memref_slice %arg6[%dma_wait3A_151, %dma_wait3A_152] : memref<384x32xf32, #tpu.memory_space<vmem>> -> memref<384x32xf32, #tpu.memory_space<vmem>>
    %dma_wait3A_154 = arith.constant 0 : i32
    %dma_wait3A_155 = tpu.memref_slice %arg5[%add3A_53, %dma_wait3A_154] : memref<50048x32xf32, #tpu.memory_space<vmem_shared>> -> memref<384x32xf32, #tpu.memory_space<vmem_shared>>
    %dma_wait3A_156 = arith.constant 0 : i32
    %dma_wait3A_157 = tpu.memref_slice %arg5[%add3A_53, %dma_wait3A_156] : memref<50048x32xf32, #tpu.memory_space<vmem_shared>> -> memref<384x32xf32, #tpu.memory_space<vmem_shared>>
    %dma_wait3A_158 = arith.constant 0 : i32
    %dma_wait3A_159 = arith.constant 0 : i32
    %dma_wait3A_160 = tpu.memref_slice %arg6[%dma_wait3A_158, %dma_wait3A_159] : memref<384x32xf32, #tpu.memory_space<vmem>> -> memref<384x32xf32, #tpu.memory_space<vmem>>
    tpu.wait_dma2 semaphore(%arg12 : memref<!tpu.dma_semaphore, #tpu.memory_space<semaphore_mem>>) src(%dma_wait3A_160 : memref<384x32xf32, #tpu.memory_space<vmem>>) dst(%dma_wait3A_157 : memref<384x32xf32, #tpu.memory_space<vmem_shared>>)
    %dma_wait3A_161 = arith.constant 0 : i32
    %dma_wait3A_162 = arith.constant 0 : i32
    %dma_wait3A_163 = tpu.memref_slice %arg6[%dma_wait3A_161, %dma_wait3A_162] : memref<384x32xf32, #tpu.memory_space<vmem>> -> memref<384x32xf32, #tpu.memory_space<vmem>>
    %dma_wait3A_164 = arith.constant 0 : i32
    %dma_wait3A_165 = tpu.memref_slice %arg5[%add3A_65, %dma_wait3A_164] : memref<50048x32xf32, #tpu.memory_space<vmem_shared>> -> memref<384x32xf32, #tpu.memory_space<vmem_shared>>
    %dma_wait3A_166 = arith.constant 0 : i32
    %dma_wait3A_167 = tpu.memref_slice %arg5[%add3A_65, %dma_wait3A_166] : memref<50048x32xf32, #tpu.memory_space<vmem_shared>> -> memref<384x32xf32, #tpu.memory_space<vmem_shared>>
    %dma_wait3A_168 = arith.constant 0 : i32
    %dma_wait3A_169 = arith.constant 0 : i32
    %dma_wait3A_170 = tpu.memref_slice %arg6[%dma_wait3A_168, %dma_wait3A_169] : memref<384x32xf32, #tpu.memory_space<vmem>> -> memref<384x32xf32, #tpu.memory_space<vmem>>
    tpu.wait_dma2 semaphore(%arg12 : memref<!tpu.dma_semaphore, #tpu.memory_space<semaphore_mem>>) src(%dma_wait3A_170 : memref<384x32xf32, #tpu.memory_space<vmem>>) dst(%dma_wait3A_167 : memref<384x32xf32, #tpu.memory_space<vmem_shared>>)
    %dma_wait3A_171 = arith.constant 0 : i32
    %dma_wait3A_172 = arith.constant 0 : i32
    %dma_wait3A_173 = tpu.memref_slice %arg6[%dma_wait3A_171, %dma_wait3A_172] : memref<384x32xf32, #tpu.memory_space<vmem>> -> memref<384x32xf32, #tpu.memory_space<vmem>>
    %dma_wait3A_174 = arith.constant 0 : i32
    %dma_wait3A_175 = tpu.memref_slice %arg5[%add3A_77, %dma_wait3A_174] : memref<50048x32xf32, #tpu.memory_space<vmem_shared>> -> memref<384x32xf32, #tpu.memory_space<vmem_shared>>
    %dma_wait3A_176 = arith.constant 0 : i32
    %dma_wait3A_177 = tpu.memref_slice %arg5[%add3A_77, %dma_wait3A_176] : memref<50048x32xf32, #tpu.memory_space<vmem_shared>> -> memref<384x32xf32, #tpu.memory_space<vmem_shared>>
    %dma_wait3A_178 = arith.constant 0 : i32
    %dma_wait3A_179 = arith.constant 0 : i32
    %dma_wait3A_180 = tpu.memref_slice %arg6[%dma_wait3A_178, %dma_wait3A_179] : memref<384x32xf32, #tpu.memory_space<vmem>> -> memref<384x32xf32, #tpu.memory_space<vmem>>
    tpu.wait_dma2 semaphore(%arg12 : memref<!tpu.dma_semaphore, #tpu.memory_space<semaphore_mem>>) src(%dma_wait3A_180 : memref<384x32xf32, #tpu.memory_space<vmem>>) dst(%dma_wait3A_177 : memref<384x32xf32, #tpu.memory_space<vmem_shared>>)
    %dma_wait3A_181 = arith.constant 0 : i32
    %dma_wait3A_182 = arith.constant 0 : i32
    %dma_wait3A_183 = tpu.memref_slice %arg6[%dma_wait3A_181, %dma_wait3A_182] : memref<384x32xf32, #tpu.memory_space<vmem>> -> memref<384x32xf32, #tpu.memory_space<vmem>>
    %dma_wait3A_184 = arith.constant 0 : i32
    %dma_wait3A_185 = tpu.memref_slice %arg5[%add3A_89, %dma_wait3A_184] : memref<50048x32xf32, #tpu.memory_space<vmem_shared>> -> memref<384x32xf32, #tpu.memory_space<vmem_shared>>
    %dma_wait3A_186 = arith.constant 0 : i32
    %dma_wait3A_187 = tpu.memref_slice %arg5[%add3A_89, %dma_wait3A_186] : memref<50048x32xf32, #tpu.memory_space<vmem_shared>> -> memref<384x32xf32, #tpu.memory_space<vmem_shared>>
    %dma_wait3A_188 = arith.constant 0 : i32
    %dma_wait3A_189 = arith.constant 0 : i32
    %dma_wait3A_190 = tpu.memref_slice %arg6[%dma_wait3A_188, %dma_wait3A_189] : memref<384x32xf32, #tpu.memory_space<vmem>> -> memref<384x32xf32, #tpu.memory_space<vmem>>
    tpu.wait_dma2 semaphore(%arg12 : memref<!tpu.dma_semaphore, #tpu.memory_space<semaphore_mem>>) src(%dma_wait3A_190 : memref<384x32xf32, #tpu.memory_space<vmem>>) dst(%dma_wait3A_187 : memref<384x32xf32, #tpu.memory_space<vmem_shared>>)
    %dma_wait3A_191 = arith.constant 0 : i32
    %dma_wait3A_192 = arith.constant 0 : i32
    %dma_wait3A_193 = tpu.memref_slice %arg6[%dma_wait3A_191, %dma_wait3A_192] : memref<384x32xf32, #tpu.memory_space<vmem>> -> memref<56x32xf32, #tpu.memory_space<vmem>>
    %dma_wait3A_194 = arith.constant 0 : i32
    %dma_wait3A_195 = tpu.memref_slice %arg5[%add3A_101, %dma_wait3A_194] : memref<50048x32xf32, #tpu.memory_space<vmem_shared>> -> memref<56x32xf32, #tpu.memory_space<vmem_shared>>
    %dma_wait3A_196 = arith.constant 0 : i32
    %dma_wait3A_197 = tpu.memref_slice %arg5[%add3A_101, %dma_wait3A_196] : memref<50048x32xf32, #tpu.memory_space<vmem_shared>> -> memref<56x32xf32, #tpu.memory_space<vmem_shared>>
    %dma_wait3A_198 = arith.constant 0 : i32
    %dma_wait3A_199 = arith.constant 0 : i32
    %dma_wait3A_200 = tpu.memref_slice %arg6[%dma_wait3A_198, %dma_wait3A_199] : memref<384x32xf32, #tpu.memory_space<vmem>> -> memref<56x32xf32, #tpu.memory_space<vmem>>
    tpu.wait_dma2 semaphore(%arg12 : memref<!tpu.dma_semaphore, #tpu.memory_space<semaphore_mem>>) src(%dma_wait3A_200 : memref<56x32xf32, #tpu.memory_space<vmem>>) dst(%dma_wait3A_197 : memref<56x32xf32, #tpu.memory_space<vmem_shared>>)
    %barrier3A = arith.constant 0 : index
    tpu.barrier barrier_id(%barrier3A)
    %mul3A_201 = arith.constant 396 : i32
    %mul3A_202 = arith.muli %arg1, %mul3A_201 : i32
    %add3A_203 = arith.constant 0 : i32
    %add3A_204 = arith.addi %mul3A_202, %add3A_203 : i32
    %dma_start3A_205 = arith.constant 0 : i32
    %dma_start3A_206 = arith.constant 0 : i32
    %dma_start3A_207 = arith.constant 0 : i32
    %dma_start3A_208 = tpu.memref_slice %arg3[%dma_start3A_205, %dma_start3A_206, %dma_start3A_207] : memref<4x6344x128xi32, #tpu.memory_space<hbm>> -> memref<1x6344x128xi32, #tpu.memory_space<hbm>>
    %dma_start3A_209 = tpu.memref_squeeze %dma_start3A_208 : memref<1x6344x128xi32, #tpu.memory_space<hbm>> -> memref<6344x128xi32, #tpu.memory_space<hbm>>
    %dma_start3A_210 = arith.constant 0 : i32
    %dma_start3A_211 = tpu.memref_slice %dma_start3A_209[%add3A_204, %dma_start3A_210] : memref<6344x128xi32, #tpu.memory_space<hbm>> -> memref<6x128xi32, #tpu.memory_space<hbm>>
    %dma_start3A_212 = arith.constant 0 : i32
    %dma_start3A_213 = arith.constant 0 : i32
    %dma_start3A_214 = tpu.memref_slice %arg3[%dma_start3A_205, %dma_start3A_212, %dma_start3A_213] : memref<4x6344x128xi32, #tpu.memory_space<hbm>> -> memref<1x6344x128xi32, #tpu.memory_space<hbm>>
    %dma_start3A_215 = tpu.memref_squeeze %dma_start3A_214 : memref<1x6344x128xi32, #tpu.memory_space<hbm>> -> memref<6344x128xi32, #tpu.memory_space<hbm>>
    %dma_start3A_216 = arith.constant 0 : i32
    %dma_start3A_217 = tpu.memref_slice %dma_start3A_215[%add3A_204, %dma_start3A_216] : memref<6344x128xi32, #tpu.memory_space<hbm>> -> memref<6x128xi32, #tpu.memory_space<hbm>>
    tpu.enqueue_dma source(%dma_start3A_217 : memref<6x128xi32, #tpu.memory_space<hbm>>) target(%arg8 : memref<6x128xi32, #tpu.memory_space<vmem>>) target_semaphore(%arg15 : memref<!tpu.dma_semaphore, #tpu.memory_space<semaphore_mem>>)
    %mul3A_218 = arith.constant 396 : i32
    %mul3A_219 = arith.muli %arg1, %mul3A_218 : i32
    %add3A_220 = arith.constant 0 : i32
    %add3A_221 = arith.addi %mul3A_219, %add3A_220 : i32
    %dma_start3A_222 = arith.constant 2 : i32
    %dma_start3A_223 = arith.constant 0 : i32
    %dma_start3A_224 = arith.constant 0 : i32
    %dma_start3A_225 = tpu.memref_slice %arg3[%dma_start3A_222, %dma_start3A_223, %dma_start3A_224] : memref<4x6344x128xi32, #tpu.memory_space<hbm>> -> memref<1x6344x128xi32, #tpu.memory_space<hbm>>
    %dma_start3A_226 = tpu.memref_squeeze %dma_start3A_225 : memref<1x6344x128xi32, #tpu.memory_space<hbm>> -> memref<6344x128xi32, #tpu.memory_space<hbm>>
    %dma_start3A_227 = arith.constant 0 : i32
    %dma_start3A_228 = tpu.memref_slice %dma_start3A_226[%add3A_221, %dma_start3A_227] : memref<6344x128xi32, #tpu.memory_space<hbm>> -> memref<6x128xi32, #tpu.memory_space<hbm>>
    %dma_start3A_229 = arith.constant 0 : i32
    %dma_start3A_230 = arith.constant 0 : i32
    %dma_start3A_231 = tpu.memref_slice %arg3[%dma_start3A_222, %dma_start3A_229, %dma_start3A_230] : memref<4x6344x128xi32, #tpu.memory_space<hbm>> -> memref<1x6344x128xi32, #tpu.memory_space<hbm>>
    %dma_start3A_232 = tpu.memref_squeeze %dma_start3A_231 : memref<1x6344x128xi32, #tpu.memory_space<hbm>> -> memref<6344x128xi32, #tpu.memory_space<hbm>>
    %dma_start3A_233 = arith.constant 0 : i32
    %dma_start3A_234 = tpu.memref_slice %dma_start3A_232[%add3A_221, %dma_start3A_233] : memref<6344x128xi32, #tpu.memory_space<hbm>> -> memref<6x128xi32, #tpu.memory_space<hbm>>
    tpu.enqueue_dma source(%dma_start3A_234 : memref<6x128xi32, #tpu.memory_space<hbm>>) target(%arg9 : memref<6x128xi32, #tpu.memory_space<vmem>>) target_semaphore(%arg15 : memref<!tpu.dma_semaphore, #tpu.memory_space<semaphore_mem>>)
    %scan3A_235 = arith.constant 0 : i32
    %scan3A_236 = arith.constant 0 : i32
    %scan3A_237 = arith.constant 2 : i32
    %scan3A_238 = arith.constant 0 : i32
    %scan3A_239 = arith.constant 33 : i32
    %scan3A_240 = arith.addi %scan3A_238, %scan3A_239 : i32
    %scan3A_241 = arith.constant 1 : i32
    scf.for %scan3A_637 = %scan3A_238 to %scan3A_240 step %scan3A_241  : i32 {
      %mul3A_638 = arith.constant 2 : i32
      %mul3A_639 = arith.muli %mul3A_638, %scan3A_637 : i32
      %mul3A_640 = arith.constant 396 : i32
      %mul3A_641 = arith.muli %arg1, %mul3A_640 : i32
      %mul3A_642 = arith.constant 6 : i32
      %mul3A_643 = arith.muli %mul3A_639, %mul3A_642 : i32
      %add3A_644 = arith.addi %mul3A_641, %mul3A_643 : i32
      %dma_wait3A_645 = arith.constant 0 : i32
      %dma_wait3A_646 = arith.constant 0 : i32
      %dma_wait3A_647 = tpu.memref_slice %arg3[%scan3A_236, %dma_wait3A_645, %dma_wait3A_646] : memref<4x6344x128xi32, #tpu.memory_space<hbm>> -> memref<1x6344x128xi32, #tpu.memory_space<hbm>>
      %dma_wait3A_648 = tpu.memref_squeeze %dma_wait3A_647 : memref<1x6344x128xi32, #tpu.memory_space<hbm>> -> memref<6344x128xi32, #tpu.memory_space<hbm>>
      %dma_wait3A_649 = arith.constant 0 : i32
      %dma_wait3A_650 = tpu.memref_slice %dma_wait3A_648[%add3A_644, %dma_wait3A_649] : memref<6344x128xi32, #tpu.memory_space<hbm>> -> memref<6x128xi32, #tpu.memory_space<hbm>>
      %dma_wait3A_651 = arith.constant 0 : i32
      %dma_wait3A_652 = arith.constant 0 : i32
      %dma_wait3A_653 = tpu.memref_slice %arg3[%scan3A_236, %dma_wait3A_651, %dma_wait3A_652] : memref<4x6344x128xi32, #tpu.memory_space<hbm>> -> memref<1x6344x128xi32, #tpu.memory_space<hbm>>
      %dma_wait3A_654 = tpu.memref_squeeze %dma_wait3A_653 : memref<1x6344x128xi32, #tpu.memory_space<hbm>> -> memref<6344x128xi32, #tpu.memory_space<hbm>>
      %dma_wait3A_655 = arith.constant 0 : i32
      %dma_wait3A_656 = tpu.memref_slice %dma_wait3A_654[%add3A_644, %dma_wait3A_655] : memref<6344x128xi32, #tpu.memory_space<hbm>> -> memref<6x128xi32, #tpu.memory_space<hbm>>
      tpu.wait_dma2 semaphore(%arg15 : memref<!tpu.dma_semaphore, #tpu.memory_space<semaphore_mem>>) src(%dma_wait3A_656 : memref<6x128xi32, #tpu.memory_space<hbm>>) dst(%arg8 : memref<6x128xi32, #tpu.memory_space<vmem>>)
      %mul3A_657 = arith.constant 396 : i32
      %mul3A_658 = arith.muli %arg1, %mul3A_657 : i32
      %mul3A_659 = arith.constant 6 : i32
      %mul3A_660 = arith.muli %mul3A_639, %mul3A_659 : i32
      %add3A_661 = arith.addi %mul3A_658, %mul3A_660 : i32
      %dma_wait3A_662 = arith.constant 0 : i32
      %dma_wait3A_663 = arith.constant 0 : i32
      %dma_wait3A_664 = tpu.memref_slice %arg3[%scan3A_237, %dma_wait3A_662, %dma_wait3A_663] : memref<4x6344x128xi32, #tpu.memory_space<hbm>> -> memref<1x6344x128xi32, #tpu.memory_space<hbm>>
      %dma_wait3A_665 = tpu.memref_squeeze %dma_wait3A_664 : memref<1x6344x128xi32, #tpu.memory_space<hbm>> -> memref<6344x128xi32, #tpu.memory_space<hbm>>
      %dma_wait3A_666 = arith.constant 0 : i32
      %dma_wait3A_667 = tpu.memref_slice %dma_wait3A_665[%add3A_661, %dma_wait3A_666] : memref<6344x128xi32, #tpu.memory_space<hbm>> -> memref<6x128xi32, #tpu.memory_space<hbm>>
      %dma_wait3A_668 = arith.constant 0 : i32
      %dma_wait3A_669 = arith.constant 0 : i32
      %dma_wait3A_670 = tpu.memref_slice %arg3[%scan3A_237, %dma_wait3A_668, %dma_wait3A_669] : memref<4x6344x128xi32, #tpu.memory_space<hbm>> -> memref<1x6344x128xi32, #tpu.memory_space<hbm>>
      %dma_wait3A_671 = tpu.memref_squeeze %dma_wait3A_670 : memref<1x6344x128xi32, #tpu.memory_space<hbm>> -> memref<6344x128xi32, #tpu.memory_space<hbm>>
      %dma_wait3A_672 = arith.constant 0 : i32
      %dma_wait3A_673 = tpu.memref_slice %dma_wait3A_671[%add3A_661, %dma_wait3A_672] : memref<6344x128xi32, #tpu.memory_space<hbm>> -> memref<6x128xi32, #tpu.memory_space<hbm>>
      tpu.wait_dma2 semaphore(%arg15 : memref<!tpu.dma_semaphore, #tpu.memory_space<semaphore_mem>>) src(%dma_wait3A_673 : memref<6x128xi32, #tpu.memory_space<hbm>>) dst(%arg9 : memref<6x128xi32, #tpu.memory_space<vmem>>)
      %dma_start3A_674 = arith.constant 0 : i32
      %dma_start3A_675 = arith.constant 0 : i32
      %dma_start3A_676 = arith.constant 0 : i32
      %dma_start3A_677 = tpu.memref_slice %arg6[%dma_start3A_675, %dma_start3A_676] : memref<384x32xf32, #tpu.memory_space<vmem>> -> memref<128x32xf32, #tpu.memory_space<vmem>>
      %dma_start3A_678 = arith.constant 0 : i32
      %dma_start3A_679 = tpu.memref_slice %arg8[%dma_start3A_674, %dma_start3A_678] : memref<6x128xi32, #tpu.memory_space<vmem>> -> memref<1x128xi32, #tpu.memory_space<vmem>>
      %dma_start3A_680 = tpu.memref_squeeze %dma_start3A_679 : memref<1x128xi32, #tpu.memory_space<vmem>> -> memref<128xi32, #tpu.memory_space<vmem>>
      %dma_start3A_681 = arith.constant 0 : i32
      %dma_start3A_682 = arith.constant 0 : i32
      %dma_start3A_683 = tpu.memref_slice %arg2[%arg0, %dma_start3A_681, %dma_start3A_682] : memref<2x50000x32xf32, #tpu.memory_space<hbm>> -> memref<1x50000x32xf32, #tpu.memory_space<hbm>>
      %dma_start3A_684 = tpu.memref_squeeze %dma_start3A_683 : memref<1x50000x32xf32, #tpu.memory_space<hbm>> -> memref<50000x32xf32, #tpu.memory_space<hbm>>
      %dma_start3A_685 = arith.constant 0 : i32
      %dma_start3A_686 = arith.constant 0 : i32
      %dma_start3A_687 = tpu.memref_slice %dma_start3A_684[%dma_start3A_685, %dma_start3A_686] : memref<50000x32xf32, #tpu.memory_space<hbm>> -> memref<50000x32xf32, #tpu.memory_space<hbm>>
      tpu.enqueue_indirect_dma source(%dma_start3A_687 : memref<50000x32xf32, #tpu.memory_space<hbm>>) target(%dma_start3A_677 : memref<128x32xf32, #tpu.memory_space<vmem>>) offsets(%dma_start3A_680 : memref<128xi32, #tpu.memory_space<vmem>>) semaphore(%arg12 : memref<!tpu.dma_semaphore, #tpu.memory_space<semaphore_mem>>)
      %dma_start3A_688 = arith.constant 1 : i32
      %dma_start3A_689 = arith.constant 128 : i32
      %dma_start3A_690 = arith.constant 0 : i32
      %dma_start3A_691 = tpu.memref_slice %arg6[%dma_start3A_689, %dma_start3A_690] : memref<384x32xf32, #tpu.memory_space<vmem>> -> memref<128x32xf32, #tpu.memory_space<vmem>>
      %dma_start3A_692 = arith.constant 0 : i32
      %dma_start3A_693 = tpu.memref_slice %arg8[%dma_start3A_688, %dma_start3A_692] : memref<6x128xi32, #tpu.memory_space<vmem>> -> memref<1x128xi32, #tpu.memory_space<vmem>>
      %dma_start3A_694 = tpu.memref_squeeze %dma_start3A_693 : memref<1x128xi32, #tpu.memory_space<vmem>> -> memref<128xi32, #tpu.memory_space<vmem>>
      %dma_start3A_695 = arith.constant 0 : i32
      %dma_start3A_696 = arith.constant 0 : i32
      %dma_start3A_697 = tpu.memref_slice %arg2[%arg0, %dma_start3A_695, %dma_start3A_696] : memref<2x50000x32xf32, #tpu.memory_space<hbm>> -> memref<1x50000x32xf32, #tpu.memory_space<hbm>>
      %dma_start3A_698 = tpu.memref_squeeze %dma_start3A_697 : memref<1x50000x32xf32, #tpu.memory_space<hbm>> -> memref<50000x32xf32, #tpu.memory_space<hbm>>
      %dma_start3A_699 = arith.constant 0 : i32
      %dma_start3A_700 = arith.constant 0 : i32
      %dma_start3A_701 = tpu.memref_slice %dma_start3A_698[%dma_start3A_699, %dma_start3A_700] : memref<50000x32xf32, #tpu.memory_space<hbm>> -> memref<50000x32xf32, #tpu.memory_space<hbm>>
      tpu.enqueue_indirect_dma source(%dma_start3A_701 : memref<50000x32xf32, #tpu.memory_space<hbm>>) target(%dma_start3A_691 : memref<128x32xf32, #tpu.memory_space<vmem>>) offsets(%dma_start3A_694 : memref<128xi32, #tpu.memory_space<vmem>>) semaphore(%arg12 : memref<!tpu.dma_semaphore, #tpu.memory_space<semaphore_mem>>)
      %dma_start3A_702 = arith.constant 2 : i32
      %dma_start3A_703 = arith.constant 256 : i32
      %dma_start3A_704 = arith.constant 0 : i32
      %dma_start3A_705 = tpu.memref_slice %arg6[%dma_start3A_703, %dma_start3A_704] : memref<384x32xf32, #tpu.memory_space<vmem>> -> memref<128x32xf32, #tpu.memory_space<vmem>>
      %dma_start3A_706 = arith.constant 0 : i32
      %dma_start3A_707 = tpu.memref_slice %arg8[%dma_start3A_702, %dma_start3A_706] : memref<6x128xi32, #tpu.memory_space<vmem>> -> memref<1x128xi32, #tpu.memory_space<vmem>>
      %dma_start3A_708 = tpu.memref_squeeze %dma_start3A_707 : memref<1x128xi32, #tpu.memory_space<vmem>> -> memref<128xi32, #tpu.memory_space<vmem>>
      %dma_start3A_709 = arith.constant 0 : i32
      %dma_start3A_710 = arith.constant 0 : i32
      %dma_start3A_711 = tpu.memref_slice %arg2[%arg0, %dma_start3A_709, %dma_start3A_710] : memref<2x50000x32xf32, #tpu.memory_space<hbm>> -> memref<1x50000x32xf32, #tpu.memory_space<hbm>>
      %dma_start3A_712 = tpu.memref_squeeze %dma_start3A_711 : memref<1x50000x32xf32, #tpu.memory_space<hbm>> -> memref<50000x32xf32, #tpu.memory_space<hbm>>
      %dma_start3A_713 = arith.constant 0 : i32
      %dma_start3A_714 = arith.constant 0 : i32
      %dma_start3A_715 = tpu.memref_slice %dma_start3A_712[%dma_start3A_713, %dma_start3A_714] : memref<50000x32xf32, #tpu.memory_space<hbm>> -> memref<50000x32xf32, #tpu.memory_space<hbm>>
      tpu.enqueue_indirect_dma source(%dma_start3A_715 : memref<50000x32xf32, #tpu.memory_space<hbm>>) target(%dma_start3A_705 : memref<128x32xf32, #tpu.memory_space<vmem>>) offsets(%dma_start3A_708 : memref<128xi32, #tpu.memory_space<vmem>>) semaphore(%arg12 : memref<!tpu.dma_semaphore, #tpu.memory_space<semaphore_mem>>)
      %gt3A = arith.constant 0 : i32
      %gt3A_716 = arith.cmpi sgt, %scan3A_637, %gt3A : i32
      %convert_element_type3A = arith.extui %gt3A_716 : i1 to i32
      %cond3A = arith.constant 0 : i32
      %cond3A_717 = arith.cmpi ne, %convert_element_type3A, %cond3A : i32
      scf.if %cond3A_717 {
        %dma_wait3A_1330 = arith.constant 3 : i32
        %dma_wait3A_1331 = arith.constant 0 : i32
        %dma_wait3A_1332 = arith.constant 0 : i32
        %dma_wait3A_1333 = tpu.memref_slice %arg7[%dma_wait3A_1331, %dma_wait3A_1332] : memref<384x32xf32, #tpu.memory_space<vmem>> -> memref<128x32xf32, #tpu.memory_space<vmem>>
        %dma_wait3A_1334 = arith.constant 0 : i32
        %dma_wait3A_1335 = tpu.memref_slice %arg11[%dma_wait3A_1330, %dma_wait3A_1334] : memref<6x128xi32, #tpu.memory_space<vmem>> -> memref<1x128xi32, #tpu.memory_space<vmem>>
        %dma_wait3A_1336 = tpu.memref_squeeze %dma_wait3A_1335 : memref<1x128xi32, #tpu.memory_space<vmem>> -> memref<128xi32, #tpu.memory_space<vmem>>
        %dma_wait3A_1337 = arith.constant 0 : i32
        %dma_wait3A_1338 = arith.constant 0 : i32
        %dma_wait3A_1339 = tpu.memref_slice %arg5[%dma_wait3A_1337, %dma_wait3A_1338] : memref<50048x32xf32, #tpu.memory_space<vmem_shared>> -> memref<50048x32xf32, #tpu.memory_space<vmem_shared>>
        tpu.wait_indirect_dma semaphore(%arg14 : memref<!tpu.dma_semaphore, #tpu.memory_space<semaphore_mem>>) src(%dma_wait3A_1333 : memref<128x32xf32, #tpu.memory_space<vmem>>) dst(%dma_wait3A_1339 : memref<50048x32xf32, #tpu.memory_space<vmem_shared>>)
        %dma_wait3A_1340 = arith.constant 4 : i32
        %dma_wait3A_1341 = arith.constant 128 : i32
        %dma_wait3A_1342 = arith.constant 0 : i32
        %dma_wait3A_1343 = tpu.memref_slice %arg7[%dma_wait3A_1341, %dma_wait3A_1342] : memref<384x32xf32, #tpu.memory_space<vmem>> -> memref<128x32xf32, #tpu.memory_space<vmem>>
        %dma_wait3A_1344 = arith.constant 0 : i32
        %dma_wait3A_1345 = tpu.memref_slice %arg11[%dma_wait3A_1340, %dma_wait3A_1344] : memref<6x128xi32, #tpu.memory_space<vmem>> -> memref<1x128xi32, #tpu.memory_space<vmem>>
        %dma_wait3A_1346 = tpu.memref_squeeze %dma_wait3A_1345 : memref<1x128xi32, #tpu.memory_space<vmem>> -> memref<128xi32, #tpu.memory_space<vmem>>
        %dma_wait3A_1347 = arith.constant 0 : i32
        %dma_wait3A_1348 = arith.constant 0 : i32
        %dma_wait3A_1349 = tpu.memref_slice %arg5[%dma_wait3A_1347, %dma_wait3A_1348] : memref<50048x32xf32, #tpu.memory_space<vmem_shared>> -> memref<50048x32xf32, #tpu.memory_space<vmem_shared>>
        tpu.wait_indirect_dma semaphore(%arg14 : memref<!tpu.dma_semaphore, #tpu.memory_space<semaphore_mem>>) src(%dma_wait3A_1343 : memref<128x32xf32, #tpu.memory_space<vmem>>) dst(%dma_wait3A_1349 : memref<50048x32xf32, #tpu.memory_space<vmem_shared>>)
        %dma_wait3A_1350 = arith.constant 5 : i32
        %dma_wait3A_1351 = arith.constant 256 : i32
        %dma_wait3A_1352 = arith.constant 0 : i32
        %dma_wait3A_1353 = tpu.memref_slice %arg7[%dma_wait3A_1351, %dma_wait3A_1352] : memref<384x32xf32, #tpu.memory_space<vmem>> -> memref<128x32xf32, #tpu.memory_space<vmem>>
        %dma_wait3A_1354 = arith.constant 0 : i32
        %dma_wait3A_1355 = tpu.memref_slice %arg11[%dma_wait3A_1350, %dma_wait3A_1354] : memref<6x128xi32, #tpu.memory_space<vmem>> -> memref<1x128xi32, #tpu.memory_space<vmem>>
        %dma_wait3A_1356 = tpu.memref_squeeze %dma_wait3A_1355 : memref<1x128xi32, #tpu.memory_space<vmem>> -> memref<128xi32, #tpu.memory_space<vmem>>
        %dma_wait3A_1357 = arith.constant 0 : i32
        %dma_wait3A_1358 = arith.constant 0 : i32
        %dma_wait3A_1359 = tpu.memref_slice %arg5[%dma_wait3A_1357, %dma_wait3A_1358] : memref<50048x32xf32, #tpu.memory_space<vmem_shared>> -> memref<50048x32xf32, #tpu.memory_space<vmem_shared>>
        tpu.wait_indirect_dma semaphore(%arg14 : memref<!tpu.dma_semaphore, #tpu.memory_space<semaphore_mem>>) src(%dma_wait3A_1353 : memref<128x32xf32, #tpu.memory_space<vmem>>) dst(%dma_wait3A_1359 : memref<50048x32xf32, #tpu.memory_space<vmem_shared>>)
      } else {
      }
      %add3A_718 = arith.constant 1 : i32
      %add3A_719 = arith.addi %mul3A_639, %add3A_718 : i32
      %mul3A_720 = arith.constant 396 : i32
      %mul3A_721 = arith.muli %arg1, %mul3A_720 : i32
      %mul3A_722 = arith.constant 6 : i32
      %mul3A_723 = arith.muli %add3A_719, %mul3A_722 : i32
      %add3A_724 = arith.addi %mul3A_721, %mul3A_723 : i32
      %dma_start3A_725 = arith.constant 0 : i32
      %dma_start3A_726 = arith.constant 0 : i32
      %dma_start3A_727 = tpu.memref_slice %arg3[%scan3A_236, %dma_start3A_725, %dma_start3A_726] : memref<4x6344x128xi32, #tpu.memory_space<hbm>> -> memref<1x6344x128xi32, #tpu.memory_space<hbm>>
      %dma_start3A_728 = tpu.memref_squeeze %dma_start3A_727 : memref<1x6344x128xi32, #tpu.memory_space<hbm>> -> memref<6344x128xi32, #tpu.memory_space<hbm>>
      %dma_start3A_729 = arith.constant 0 : i32
      %dma_start3A_730 = tpu.memref_slice %dma_start3A_728[%add3A_724, %dma_start3A_729] : memref<6344x128xi32, #tpu.memory_space<hbm>> -> memref<6x128xi32, #tpu.memory_space<hbm>>
      %dma_start3A_731 = arith.constant 0 : i32
      %dma_start3A_732 = arith.constant 0 : i32
      %dma_start3A_733 = tpu.memref_slice %arg3[%scan3A_236, %dma_start3A_731, %dma_start3A_732] : memref<4x6344x128xi32, #tpu.memory_space<hbm>> -> memref<1x6344x128xi32, #tpu.memory_space<hbm>>
      %dma_start3A_734 = tpu.memref_squeeze %dma_start3A_733 : memref<1x6344x128xi32, #tpu.memory_space<hbm>> -> memref<6344x128xi32, #tpu.memory_space<hbm>>
      %dma_start3A_735 = arith.constant 0 : i32
      %dma_start3A_736 = tpu.memref_slice %dma_start3A_734[%add3A_724, %dma_start3A_735] : memref<6344x128xi32, #tpu.memory_space<hbm>> -> memref<6x128xi32, #tpu.memory_space<hbm>>
      tpu.enqueue_dma source(%dma_start3A_736 : memref<6x128xi32, #tpu.memory_space<hbm>>) target(%arg10 : memref<6x128xi32, #tpu.memory_space<vmem>>) target_semaphore(%arg15 : memref<!tpu.dma_semaphore, #tpu.memory_space<semaphore_mem>>)
      %mul3A_737 = arith.constant 396 : i32
      %mul3A_738 = arith.muli %arg1, %mul3A_737 : i32
      %mul3A_739 = arith.constant 6 : i32
      %mul3A_740 = arith.muli %add3A_719, %mul3A_739 : i32
      %add3A_741 = arith.addi %mul3A_738, %mul3A_740 : i32
      %dma_start3A_742 = arith.constant 0 : i32
      %dma_start3A_743 = arith.constant 0 : i32
      %dma_start3A_744 = tpu.memref_slice %arg3[%scan3A_237, %dma_start3A_742, %dma_start3A_743] : memref<4x6344x128xi32, #tpu.memory_space<hbm>> -> memref<1x6344x128xi32, #tpu.memory_space<hbm>>
      %dma_start3A_745 = tpu.memref_squeeze %dma_start3A_744 : memref<1x6344x128xi32, #tpu.memory_space<hbm>> -> memref<6344x128xi32, #tpu.memory_space<hbm>>
      %dma_start3A_746 = arith.constant 0 : i32
      %dma_start3A_747 = tpu.memref_slice %dma_start3A_745[%add3A_741, %dma_start3A_746] : memref<6344x128xi32, #tpu.memory_space<hbm>> -> memref<6x128xi32, #tpu.memory_space<hbm>>
      %dma_start3A_748 = arith.constant 0 : i32
      %dma_start3A_749 = arith.constant 0 : i32
      %dma_start3A_750 = tpu.memref_slice %arg3[%scan3A_237, %dma_start3A_748, %dma_start3A_749] : memref<4x6344x128xi32, #tpu.memory_space<hbm>> -> memref<1x6344x128xi32, #tpu.memory_space<hbm>>
      %dma_start3A_751 = tpu.memref_squeeze %dma_start3A_750 : memref<1x6344x128xi32, #tpu.memory_space<hbm>> -> memref<6344x128xi32, #tpu.memory_space<hbm>>
      %dma_start3A_752 = arith.constant 0 : i32
      %dma_start3A_753 = tpu.memref_slice %dma_start3A_751[%add3A_741, %dma_start3A_752] : memref<6344x128xi32, #tpu.memory_space<hbm>> -> memref<6x128xi32, #tpu.memory_space<hbm>>
      tpu.enqueue_dma source(%dma_start3A_753 : memref<6x128xi32, #tpu.memory_space<hbm>>) target(%arg11 : memref<6x128xi32, #tpu.memory_space<vmem>>) target_semaphore(%arg15 : memref<!tpu.dma_semaphore, #tpu.memory_space<semaphore_mem>>)
      %dma_start3A_754 = arith.constant 3 : i32
      %dma_start3A_755 = arith.constant 0 : i32
      %dma_start3A_756 = arith.constant 0 : i32
      %dma_start3A_757 = tpu.memref_slice %arg7[%dma_start3A_755, %dma_start3A_756] : memref<384x32xf32, #tpu.memory_space<vmem>> -> memref<128x32xf32, #tpu.memory_space<vmem>>
      %dma_start3A_758 = arith.constant 0 : i32
      %dma_start3A_759 = tpu.memref_slice %arg8[%dma_start3A_754, %dma_start3A_758] : memref<6x128xi32, #tpu.memory_space<vmem>> -> memref<1x128xi32, #tpu.memory_space<vmem>>
      %dma_start3A_760 = tpu.memref_squeeze %dma_start3A_759 : memref<1x128xi32, #tpu.memory_space<vmem>> -> memref<128xi32, #tpu.memory_space<vmem>>
      %dma_start3A_761 = arith.constant 0 : i32
      %dma_start3A_762 = arith.constant 0 : i32
      %dma_start3A_763 = tpu.memref_slice %arg2[%arg0, %dma_start3A_761, %dma_start3A_762] : memref<2x50000x32xf32, #tpu.memory_space<hbm>> -> memref<1x50000x32xf32, #tpu.memory_space<hbm>>
      %dma_start3A_764 = tpu.memref_squeeze %dma_start3A_763 : memref<1x50000x32xf32, #tpu.memory_space<hbm>> -> memref<50000x32xf32, #tpu.memory_space<hbm>>
      %dma_start3A_765 = arith.constant 0 : i32
      %dma_start3A_766 = arith.constant 0 : i32
      %dma_start3A_767 = tpu.memref_slice %dma_start3A_764[%dma_start3A_765, %dma_start3A_766] : memref<50000x32xf32, #tpu.memory_space<hbm>> -> memref<50000x32xf32, #tpu.memory_space<hbm>>
      tpu.enqueue_indirect_dma source(%dma_start3A_767 : memref<50000x32xf32, #tpu.memory_space<hbm>>) target(%dma_start3A_757 : memref<128x32xf32, #tpu.memory_space<vmem>>) offsets(%dma_start3A_760 : memref<128xi32, #tpu.memory_space<vmem>>) semaphore(%arg12 : memref<!tpu.dma_semaphore, #tpu.memory_space<semaphore_mem>>)
      %dma_start3A_768 = arith.constant 4 : i32
      %dma_start3A_769 = arith.constant 128 : i32
      %dma_start3A_770 = arith.constant 0 : i32
      %dma_start3A_771 = tpu.memref_slice %arg7[%dma_start3A_769, %dma_start3A_770] : memref<384x32xf32, #tpu.memory_space<vmem>> -> memref<128x32xf32, #tpu.memory_space<vmem>>
      %dma_start3A_772 = arith.constant 0 : i32
      %dma_start3A_773 = tpu.memref_slice %arg8[%dma_start3A_768, %dma_start3A_772] : memref<6x128xi32, #tpu.memory_space<vmem>> -> memref<1x128xi32, #tpu.memory_space<vmem>>
      %dma_start3A_774 = tpu.memref_squeeze %dma_start3A_773 : memref<1x128xi32, #tpu.memory_space<vmem>> -> memref<128xi32, #tpu.memory_space<vmem>>
      %dma_start3A_775 = arith.constant 0 : i32
      %dma_start3A_776 = arith.constant 0 : i32
      %dma_start3A_777 = tpu.memref_slice %arg2[%arg0, %dma_start3A_775, %dma_start3A_776] : memref<2x50000x32xf32, #tpu.memory_space<hbm>> -> memref<1x50000x32xf32, #tpu.memory_space<hbm>>
      %dma_start3A_778 = tpu.memref_squeeze %dma_start3A_777 : memref<1x50000x32xf32, #tpu.memory_space<hbm>> -> memref<50000x32xf32, #tpu.memory_space<hbm>>
      %dma_start3A_779 = arith.constant 0 : i32
      %dma_start3A_780 = arith.constant 0 : i32
      %dma_start3A_781 = tpu.memref_slice %dma_start3A_778[%dma_start3A_779, %dma_start3A_780] : memref<50000x32xf32, #tpu.memory_space<hbm>> -> memref<50000x32xf32, #tpu.memory_space<hbm>>
      tpu.enqueue_indirect_dma source(%dma_start3A_781 : memref<50000x32xf32, #tpu.memory_space<hbm>>) target(%dma_start3A_771 : memref<128x32xf32, #tpu.memory_space<vmem>>) offsets(%dma_start3A_774 : memref<128xi32, #tpu.memory_space<vmem>>) semaphore(%arg12 : memref<!tpu.dma_semaphore, #tpu.memory_space<semaphore_mem>>)
      %dma_start3A_782 = arith.constant 5 : i32
      %dma_start3A_783 = arith.constant 256 : i32
      %dma_start3A_784 = arith.constant 0 : i32
      %dma_start3A_785 = tpu.memref_slice %arg7[%dma_start3A_783, %dma_start3A_784] : memref<384x32xf32, #tpu.memory_space<vmem>> -> memref<128x32xf32, #tpu.memory_space<vmem>>
      %dma_start3A_786 = arith.constant 0 : i32
      %dma_start3A_787 = tpu.memref_slice %arg8[%dma_start3A_782, %dma_start3A_786] : memref<6x128xi32, #tpu.memory_space<vmem>> -> memref<1x128xi32, #tpu.memory_space<vmem>>
      %dma_start3A_788 = tpu.memref_squeeze %dma_start3A_787 : memref<1x128xi32, #tpu.memory_space<vmem>> -> memref<128xi32, #tpu.memory_space<vmem>>
      %dma_start3A_789 = arith.constant 0 : i32
      %dma_start3A_790 = arith.constant 0 : i32
      %dma_start3A_791 = tpu.memref_slice %arg2[%arg0, %dma_start3A_789, %dma_start3A_790] : memref<2x50000x32xf32, #tpu.memory_space<hbm>> -> memref<1x50000x32xf32, #tpu.memory_space<hbm>>
      %dma_start3A_792 = tpu.memref_squeeze %dma_start3A_791 : memref<1x50000x32xf32, #tpu.memory_space<hbm>> -> memref<50000x32xf32, #tpu.memory_space<hbm>>
      %dma_start3A_793 = arith.constant 0 : i32
      %dma_start3A_794 = arith.constant 0 : i32
      %dma_start3A_795 = tpu.memref_slice %dma_start3A_792[%dma_start3A_793, %dma_start3A_794] : memref<50000x32xf32, #tpu.memory_space<hbm>> -> memref<50000x32xf32, #tpu.memory_space<hbm>>
      tpu.enqueue_indirect_dma source(%dma_start3A_795 : memref<50000x32xf32, #tpu.memory_space<hbm>>) target(%dma_start3A_785 : memref<128x32xf32, #tpu.memory_space<vmem>>) offsets(%dma_start3A_788 : memref<128xi32, #tpu.memory_space<vmem>>) semaphore(%arg12 : memref<!tpu.dma_semaphore, #tpu.memory_space<semaphore_mem>>)
      %dma_wait3A_796 = arith.constant 0 : i32
      %dma_wait3A_797 = arith.constant 0 : i32
      %dma_wait3A_798 = arith.constant 0 : i32
      %dma_wait3A_799 = tpu.memref_slice %arg6[%dma_wait3A_797, %dma_wait3A_798] : memref<384x32xf32, #tpu.memory_space<vmem>> -> memref<128x32xf32, #tpu.memory_space<vmem>>
      %dma_wait3A_800 = arith.constant 0 : i32
      %dma_wait3A_801 = tpu.memref_slice %arg8[%dma_wait3A_796, %dma_wait3A_800] : memref<6x128xi32, #tpu.memory_space<vmem>> -> memref<1x128xi32, #tpu.memory_space<vmem>>
      %dma_wait3A_802 = tpu.memref_squeeze %dma_wait3A_801 : memref<1x128xi32, #tpu.memory_space<vmem>> -> memref<128xi32, #tpu.memory_space<vmem>>
      %dma_wait3A_803 = arith.constant 0 : i32
      %dma_wait3A_804 = arith.constant 0 : i32
      %dma_wait3A_805 = tpu.memref_slice %arg2[%arg0, %dma_wait3A_803, %dma_wait3A_804] : memref<2x50000x32xf32, #tpu.memory_space<hbm>> -> memref<1x50000x32xf32, #tpu.memory_space<hbm>>
      %dma_wait3A_806 = tpu.memref_squeeze %dma_wait3A_805 : memref<1x50000x32xf32, #tpu.memory_space<hbm>> -> memref<50000x32xf32, #tpu.memory_space<hbm>>
      %dma_wait3A_807 = arith.constant 0 : i32
      %dma_wait3A_808 = arith.constant 0 : i32
      %dma_wait3A_809 = tpu.memref_slice %dma_wait3A_806[%dma_wait3A_807, %dma_wait3A_808] : memref<50000x32xf32, #tpu.memory_space<hbm>> -> memref<50000x32xf32, #tpu.memory_space<hbm>>
      tpu.wait_indirect_dma semaphore(%arg12 : memref<!tpu.dma_semaphore, #tpu.memory_space<semaphore_mem>>) src(%dma_wait3A_809 : memref<50000x32xf32, #tpu.memory_space<hbm>>) dst(%dma_wait3A_799 : memref<128x32xf32, #tpu.memory_space<vmem>>)
      %dma_wait3A_810 = arith.constant 1 : i32
      %dma_wait3A_811 = arith.constant 128 : i32
      %dma_wait3A_812 = arith.constant 0 : i32
      %dma_wait3A_813 = tpu.memref_slice %arg6[%dma_wait3A_811, %dma_wait3A_812] : memref<384x32xf32, #tpu.memory_space<vmem>> -> memref<128x32xf32, #tpu.memory_space<vmem>>
      %dma_wait3A_814 = arith.constant 0 : i32
      %dma_wait3A_815 = tpu.memref_slice %arg8[%dma_wait3A_810, %dma_wait3A_814] : memref<6x128xi32, #tpu.memory_space<vmem>> -> memref<1x128xi32, #tpu.memory_space<vmem>>
      %dma_wait3A_816 = tpu.memref_squeeze %dma_wait3A_815 : memref<1x128xi32, #tpu.memory_space<vmem>> -> memref<128xi32, #tpu.memory_space<vmem>>
      %dma_wait3A_817 = arith.constant 0 : i32
      %dma_wait3A_818 = arith.constant 0 : i32
      %dma_wait3A_819 = tpu.memref_slice %arg2[%arg0, %dma_wait3A_817, %dma_wait3A_818] : memref<2x50000x32xf32, #tpu.memory_space<hbm>> -> memref<1x50000x32xf32, #tpu.memory_space<hbm>>
      %dma_wait3A_820 = tpu.memref_squeeze %dma_wait3A_819 : memref<1x50000x32xf32, #tpu.memory_space<hbm>> -> memref<50000x32xf32, #tpu.memory_space<hbm>>
      %dma_wait3A_821 = arith.constant 0 : i32
      %dma_wait3A_822 = arith.constant 0 : i32
      %dma_wait3A_823 = tpu.memref_slice %dma_wait3A_820[%dma_wait3A_821, %dma_wait3A_822] : memref<50000x32xf32, #tpu.memory_space<hbm>> -> memref<50000x32xf32, #tpu.memory_space<hbm>>
      tpu.wait_indirect_dma semaphore(%arg12 : memref<!tpu.dma_semaphore, #tpu.memory_space<semaphore_mem>>) src(%dma_wait3A_823 : memref<50000x32xf32, #tpu.memory_space<hbm>>) dst(%dma_wait3A_813 : memref<128x32xf32, #tpu.memory_space<vmem>>)
      %dma_wait3A_824 = arith.constant 2 : i32
      %dma_wait3A_825 = arith.constant 256 : i32
      %dma_wait3A_826 = arith.constant 0 : i32
      %dma_wait3A_827 = tpu.memref_slice %arg6[%dma_wait3A_825, %dma_wait3A_826] : memref<384x32xf32, #tpu.memory_space<vmem>> -> memref<128x32xf32, #tpu.memory_space<vmem>>
      %dma_wait3A_828 = arith.constant 0 : i32
      %dma_wait3A_829 = tpu.memref_slice %arg8[%dma_wait3A_824, %dma_wait3A_828] : memref<6x128xi32, #tpu.memory_space<vmem>> -> memref<1x128xi32, #tpu.memory_space<vmem>>
      %dma_wait3A_830 = tpu.memref_squeeze %dma_wait3A_829 : memref<1x128xi32, #tpu.memory_space<vmem>> -> memref<128xi32, #tpu.memory_space<vmem>>
      %dma_wait3A_831 = arith.constant 0 : i32
      %dma_wait3A_832 = arith.constant 0 : i32
      %dma_wait3A_833 = tpu.memref_slice %arg2[%arg0, %dma_wait3A_831, %dma_wait3A_832] : memref<2x50000x32xf32, #tpu.memory_space<hbm>> -> memref<1x50000x32xf32, #tpu.memory_space<hbm>>
      %dma_wait3A_834 = tpu.memref_squeeze %dma_wait3A_833 : memref<1x50000x32xf32, #tpu.memory_space<hbm>> -> memref<50000x32xf32, #tpu.memory_space<hbm>>
      %dma_wait3A_835 = arith.constant 0 : i32
      %dma_wait3A_836 = arith.constant 0 : i32
      %dma_wait3A_837 = tpu.memref_slice %dma_wait3A_834[%dma_wait3A_835, %dma_wait3A_836] : memref<50000x32xf32, #tpu.memory_space<hbm>> -> memref<50000x32xf32, #tpu.memory_space<hbm>>
      tpu.wait_indirect_dma semaphore(%arg12 : memref<!tpu.dma_semaphore, #tpu.memory_space<semaphore_mem>>) src(%dma_wait3A_837 : memref<50000x32xf32, #tpu.memory_space<hbm>>) dst(%dma_wait3A_827 : memref<128x32xf32, #tpu.memory_space<vmem>>)
      %dma_start3A_838 = arith.constant 0 : i32
      %dma_start3A_839 = arith.constant 0 : i32
      %dma_start3A_840 = arith.constant 0 : i32
      %dma_start3A_841 = tpu.memref_slice %arg6[%dma_start3A_839, %dma_start3A_840] : memref<384x32xf32, #tpu.memory_space<vmem>> -> memref<128x32xf32, #tpu.memory_space<vmem>>
      %dma_start3A_842 = arith.constant 0 : i32
      %dma_start3A_843 = tpu.memref_slice %arg9[%dma_start3A_838, %dma_start3A_842] : memref<6x128xi32, #tpu.memory_space<vmem>> -> memref<1x128xi32, #tpu.memory_space<vmem>>
      %dma_start3A_844 = tpu.memref_squeeze %dma_start3A_843 : memref<1x128xi32, #tpu.memory_space<vmem>> -> memref<128xi32, #tpu.memory_space<vmem>>
      %dma_start3A_845 = arith.constant 0 : i32
      %dma_start3A_846 = arith.constant 0 : i32
      %dma_start3A_847 = tpu.memref_slice %arg5[%dma_start3A_845, %dma_start3A_846] : memref<50048x32xf32, #tpu.memory_space<vmem_shared>> -> memref<50048x32xf32, #tpu.memory_space<vmem_shared>>
      tpu.enqueue_indirect_dma source(%dma_start3A_841 : memref<128x32xf32, #tpu.memory_space<vmem>>) target(%dma_start3A_847 : memref<50048x32xf32, #tpu.memory_space<vmem_shared>>) offsets(%dma_start3A_844 : memref<128xi32, #tpu.memory_space<vmem>>) semaphore(%arg13 : memref<!tpu.dma_semaphore, #tpu.memory_space<semaphore_mem>>) {add = true}
      %dma_start3A_848 = arith.constant 1 : i32
      %dma_start3A_849 = arith.constant 128 : i32
      %dma_start3A_850 = arith.constant 0 : i32
      %dma_start3A_851 = tpu.memref_slice %arg6[%dma_start3A_849, %dma_start3A_850] : memref<384x32xf32, #tpu.memory_space<vmem>> -> memref<128x32xf32, #tpu.memory_space<vmem>>
      %dma_start3A_852 = arith.constant 0 : i32
      %dma_start3A_853 = tpu.memref_slice %arg9[%dma_start3A_848, %dma_start3A_852] : memref<6x128xi32, #tpu.memory_space<vmem>> -> memref<1x128xi32, #tpu.memory_space<vmem>>
      %dma_start3A_854 = tpu.memref_squeeze %dma_start3A_853 : memref<1x128xi32, #tpu.memory_space<vmem>> -> memref<128xi32, #tpu.memory_space<vmem>>
      %dma_start3A_855 = arith.constant 0 : i32
      %dma_start3A_856 = arith.constant 0 : i32
      %dma_start3A_857 = tpu.memref_slice %arg5[%dma_start3A_855, %dma_start3A_856] : memref<50048x32xf32, #tpu.memory_space<vmem_shared>> -> memref<50048x32xf32, #tpu.memory_space<vmem_shared>>
      tpu.enqueue_indirect_dma source(%dma_start3A_851 : memref<128x32xf32, #tpu.memory_space<vmem>>) target(%dma_start3A_857 : memref<50048x32xf32, #tpu.memory_space<vmem_shared>>) offsets(%dma_start3A_854 : memref<128xi32, #tpu.memory_space<vmem>>) semaphore(%arg13 : memref<!tpu.dma_semaphore, #tpu.memory_space<semaphore_mem>>) {add = true}
      %dma_start3A_858 = arith.constant 2 : i32
      %dma_start3A_859 = arith.constant 256 : i32
      %dma_start3A_860 = arith.constant 0 : i32
      %dma_start3A_861 = tpu.memref_slice %arg6[%dma_start3A_859, %dma_start3A_860] : memref<384x32xf32, #tpu.memory_space<vmem>> -> memref<128x32xf32, #tpu.memory_space<vmem>>
      %dma_start3A_862 = arith.constant 0 : i32
      %dma_start3A_863 = tpu.memref_slice %arg9[%dma_start3A_858, %dma_start3A_862] : memref<6x128xi32, #tpu.memory_space<vmem>> -> memref<1x128xi32, #tpu.memory_space<vmem>>
      %dma_start3A_864 = tpu.memref_squeeze %dma_start3A_863 : memref<1x128xi32, #tpu.memory_space<vmem>> -> memref<128xi32, #tpu.memory_space<vmem>>
      %dma_start3A_865 = arith.constant 0 : i32
      %dma_start3A_866 = arith.constant 0 : i32
      %dma_start3A_867 = tpu.memref_slice %arg5[%dma_start3A_865, %dma_start3A_866] : memref<50048x32xf32, #tpu.memory_space<vmem_shared>> -> memref<50048x32xf32, #tpu.memory_space<vmem_shared>>
      tpu.enqueue_indirect_dma source(%dma_start3A_861 : memref<128x32xf32, #tpu.memory_space<vmem>>) target(%dma_start3A_867 : memref<50048x32xf32, #tpu.memory_space<vmem_shared>>) offsets(%dma_start3A_864 : memref<128xi32, #tpu.memory_space<vmem>>) semaphore(%arg13 : memref<!tpu.dma_semaphore, #tpu.memory_space<semaphore_mem>>) {add = true}
      %dma_wait3A_868 = arith.constant 3 : i32
      %dma_wait3A_869 = arith.constant 0 : i32
      %dma_wait3A_870 = arith.constant 0 : i32
      %dma_wait3A_871 = tpu.memref_slice %arg7[%dma_wait3A_869, %dma_wait3A_870] : memref<384x32xf32, #tpu.memory_space<vmem>> -> memref<128x32xf32, #tpu.memory_space<vmem>>
      %dma_wait3A_872 = arith.constant 0 : i32
      %dma_wait3A_873 = tpu.memref_slice %arg8[%dma_wait3A_868, %dma_wait3A_872] : memref<6x128xi32, #tpu.memory_space<vmem>> -> memref<1x128xi32, #tpu.memory_space<vmem>>
      %dma_wait3A_874 = tpu.memref_squeeze %dma_wait3A_873 : memref<1x128xi32, #tpu.memory_space<vmem>> -> memref<128xi32, #tpu.memory_space<vmem>>
      %dma_wait3A_875 = arith.constant 0 : i32
      %dma_wait3A_876 = arith.constant 0 : i32
      %dma_wait3A_877 = tpu.memref_slice %arg2[%arg0, %dma_wait3A_875, %dma_wait3A_876] : memref<2x50000x32xf32, #tpu.memory_space<hbm>> -> memref<1x50000x32xf32, #tpu.memory_space<hbm>>
      %dma_wait3A_878 = tpu.memref_squeeze %dma_wait3A_877 : memref<1x50000x32xf32, #tpu.memory_space<hbm>> -> memref<50000x32xf32, #tpu.memory_space<hbm>>
      %dma_wait3A_879 = arith.constant 0 : i32
      %dma_wait3A_880 = arith.constant 0 : i32
      %dma_wait3A_881 = tpu.memref_slice %dma_wait3A_878[%dma_wait3A_879, %dma_wait3A_880] : memref<50000x32xf32, #tpu.memory_space<hbm>> -> memref<50000x32xf32, #tpu.memory_space<hbm>>
      tpu.wait_indirect_dma semaphore(%arg12 : memref<!tpu.dma_semaphore, #tpu.memory_space<semaphore_mem>>) src(%dma_wait3A_881 : memref<50000x32xf32, #tpu.memory_space<hbm>>) dst(%dma_wait3A_871 : memref<128x32xf32, #tpu.memory_space<vmem>>)
      %dma_wait3A_882 = arith.constant 4 : i32
      %dma_wait3A_883 = arith.constant 128 : i32
      %dma_wait3A_884 = arith.constant 0 : i32
      %dma_wait3A_885 = tpu.memref_slice %arg7[%dma_wait3A_883, %dma_wait3A_884] : memref<384x32xf32, #tpu.memory_space<vmem>> -> memref<128x32xf32, #tpu.memory_space<vmem>>
      %dma_wait3A_886 = arith.constant 0 : i32
      %dma_wait3A_887 = tpu.memref_slice %arg8[%dma_wait3A_882, %dma_wait3A_886] : memref<6x128xi32, #tpu.memory_space<vmem>> -> memref<1x128xi32, #tpu.memory_space<vmem>>
      %dma_wait3A_888 = tpu.memref_squeeze %dma_wait3A_887 : memref<1x128xi32, #tpu.memory_space<vmem>> -> memref<128xi32, #tpu.memory_space<vmem>>
      %dma_wait3A_889 = arith.constant 0 : i32
      %dma_wait3A_890 = arith.constant 0 : i32
      %dma_wait3A_891 = tpu.memref_slice %arg2[%arg0, %dma_wait3A_889, %dma_wait3A_890] : memref<2x50000x32xf32, #tpu.memory_space<hbm>> -> memref<1x50000x32xf32, #tpu.memory_space<hbm>>
      %dma_wait3A_892 = tpu.memref_squeeze %dma_wait3A_891 : memref<1x50000x32xf32, #tpu.memory_space<hbm>> -> memref<50000x32xf32, #tpu.memory_space<hbm>>
      %dma_wait3A_893 = arith.constant 0 : i32
      %dma_wait3A_894 = arith.constant 0 : i32
      %dma_wait3A_895 = tpu.memref_slice %dma_wait3A_892[%dma_wait3A_893, %dma_wait3A_894] : memref<50000x32xf32, #tpu.memory_space<hbm>> -> memref<50000x32xf32, #tpu.memory_space<hbm>>
      tpu.wait_indirect_dma semaphore(%arg12 : memref<!tpu.dma_semaphore, #tpu.memory_space<semaphore_mem>>) src(%dma_wait3A_895 : memref<50000x32xf32, #tpu.memory_space<hbm>>) dst(%dma_wait3A_885 : memref<128x32xf32, #tpu.memory_space<vmem>>)
      %dma_wait3A_896 = arith.constant 5 : i32
      %dma_wait3A_897 = arith.constant 256 : i32
      %dma_wait3A_898 = arith.constant 0 : i32
      %dma_wait3A_899 = tpu.memref_slice %arg7[%dma_wait3A_897, %dma_wait3A_898] : memref<384x32xf32, #tpu.memory_space<vmem>> -> memref<128x32xf32, #tpu.memory_space<vmem>>
      %dma_wait3A_900 = arith.constant 0 : i32
      %dma_wait3A_901 = tpu.memref_slice %arg8[%dma_wait3A_896, %dma_wait3A_900] : memref<6x128xi32, #tpu.memory_space<vmem>> -> memref<1x128xi32, #tpu.memory_space<vmem>>
      %dma_wait3A_902 = tpu.memref_squeeze %dma_wait3A_901 : memref<1x128xi32, #tpu.memory_space<vmem>> -> memref<128xi32, #tpu.memory_space<vmem>>
      %dma_wait3A_903 = arith.constant 0 : i32
      %dma_wait3A_904 = arith.constant 0 : i32
      %dma_wait3A_905 = tpu.memref_slice %arg2[%arg0, %dma_wait3A_903, %dma_wait3A_904] : memref<2x50000x32xf32, #tpu.memory_space<hbm>> -> memref<1x50000x32xf32, #tpu.memory_space<hbm>>
      %dma_wait3A_906 = tpu.memref_squeeze %dma_wait3A_905 : memref<1x50000x32xf32, #tpu.memory_space<hbm>> -> memref<50000x32xf32, #tpu.memory_space<hbm>>
      %dma_wait3A_907 = arith.constant 0 : i32
      %dma_wait3A_908 = arith.constant 0 : i32
      %dma_wait3A_909 = tpu.memref_slice %dma_wait3A_906[%dma_wait3A_907, %dma_wait3A_908] : memref<50000x32xf32, #tpu.memory_space<hbm>> -> memref<50000x32xf32, #tpu.memory_space<hbm>>
      tpu.wait_indirect_dma semaphore(%arg12 : memref<!tpu.dma_semaphore, #tpu.memory_space<semaphore_mem>>) src(%dma_wait3A_909 : memref<50000x32xf32, #tpu.memory_space<hbm>>) dst(%dma_wait3A_899 : memref<128x32xf32, #tpu.memory_space<vmem>>)
      %dma_wait3A_910 = arith.constant 0 : i32
      %dma_wait3A_911 = arith.constant 0 : i32
      %dma_wait3A_912 = arith.constant 0 : i32
      %dma_wait3A_913 = tpu.memref_slice %arg6[%dma_wait3A_911, %dma_wait3A_912] : memref<384x32xf32, #tpu.memory_space<vmem>> -> memref<128x32xf32, #tpu.memory_space<vmem>>
      %dma_wait3A_914 = arith.constant 0 : i32
      %dma_wait3A_915 = tpu.memref_slice %arg9[%dma_wait3A_910, %dma_wait3A_914] : memref<6x128xi32, #tpu.memory_space<vmem>> -> memref<1x128xi32, #tpu.memory_space<vmem>>
      %dma_wait3A_916 = tpu.memref_squeeze %dma_wait3A_915 : memref<1x128xi32, #tpu.memory_space<vmem>> -> memref<128xi32, #tpu.memory_space<vmem>>
      %dma_wait3A_917 = arith.constant 0 : i32
      %dma_wait3A_918 = arith.constant 0 : i32
      %dma_wait3A_919 = tpu.memref_slice %arg5[%dma_wait3A_917, %dma_wait3A_918] : memref<50048x32xf32, #tpu.memory_space<vmem_shared>> -> memref<50048x32xf32, #tpu.memory_space<vmem_shared>>
      tpu.wait_indirect_dma semaphore(%arg13 : memref<!tpu.dma_semaphore, #tpu.memory_space<semaphore_mem>>) src(%dma_wait3A_913 : memref<128x32xf32, #tpu.memory_space<vmem>>) dst(%dma_wait3A_919 : memref<50048x32xf32, #tpu.memory_space<vmem_shared>>)
      %dma_wait3A_920 = arith.constant 1 : i32
      %dma_wait3A_921 = arith.constant 128 : i32
      %dma_wait3A_922 = arith.constant 0 : i32
      %dma_wait3A_923 = tpu.memref_slice %arg6[%dma_wait3A_921, %dma_wait3A_922] : memref<384x32xf32, #tpu.memory_space<vmem>> -> memref<128x32xf32, #tpu.memory_space<vmem>>
      %dma_wait3A_924 = arith.constant 0 : i32
      %dma_wait3A_925 = tpu.memref_slice %arg9[%dma_wait3A_920, %dma_wait3A_924] : memref<6x128xi32, #tpu.memory_space<vmem>> -> memref<1x128xi32, #tpu.memory_space<vmem>>
      %dma_wait3A_926 = tpu.memref_squeeze %dma_wait3A_925 : memref<1x128xi32, #tpu.memory_space<vmem>> -> memref<128xi32, #tpu.memory_space<vmem>>
      %dma_wait3A_927 = arith.constant 0 : i32
      %dma_wait3A_928 = arith.constant 0 : i32
      %dma_wait3A_929 = tpu.memref_slice %arg5[%dma_wait3A_927, %dma_wait3A_928] : memref<50048x32xf32, #tpu.memory_space<vmem_shared>> -> memref<50048x32xf32, #tpu.memory_space<vmem_shared>>
      tpu.wait_indirect_dma semaphore(%arg13 : memref<!tpu.dma_semaphore, #tpu.memory_space<semaphore_mem>>) src(%dma_wait3A_923 : memref<128x32xf32, #tpu.memory_space<vmem>>) dst(%dma_wait3A_929 : memref<50048x32xf32, #tpu.memory_space<vmem_shared>>)
      %dma_wait3A_930 = arith.constant 2 : i32
      %dma_wait3A_931 = arith.constant 256 : i32
      %dma_wait3A_932 = arith.constant 0 : i32
      %dma_wait3A_933 = tpu.memref_slice %arg6[%dma_wait3A_931, %dma_wait3A_932] : memref<384x32xf32, #tpu.memory_space<vmem>> -> memref<128x32xf32, #tpu.memory_space<vmem>>
      %dma_wait3A_934 = arith.constant 0 : i32
      %dma_wait3A_935 = tpu.memref_slice %arg9[%dma_wait3A_930, %dma_wait3A_934] : memref<6x128xi32, #tpu.memory_space<vmem>> -> memref<1x128xi32, #tpu.memory_space<vmem>>
      %dma_wait3A_936 = tpu.memref_squeeze %dma_wait3A_935 : memref<1x128xi32, #tpu.memory_space<vmem>> -> memref<128xi32, #tpu.memory_space<vmem>>
      %dma_wait3A_937 = arith.constant 0 : i32
      %dma_wait3A_938 = arith.constant 0 : i32
      %dma_wait3A_939 = tpu.memref_slice %arg5[%dma_wait3A_937, %dma_wait3A_938] : memref<50048x32xf32, #tpu.memory_space<vmem_shared>> -> memref<50048x32xf32, #tpu.memory_space<vmem_shared>>
      tpu.wait_indirect_dma semaphore(%arg13 : memref<!tpu.dma_semaphore, #tpu.memory_space<semaphore_mem>>) src(%dma_wait3A_933 : memref<128x32xf32, #tpu.memory_space<vmem>>) dst(%dma_wait3A_939 : memref<50048x32xf32, #tpu.memory_space<vmem_shared>>)
      %dma_start3A_940 = arith.constant 3 : i32
      %dma_start3A_941 = arith.constant 0 : i32
      %dma_start3A_942 = arith.constant 0 : i32
      %dma_start3A_943 = tpu.memref_slice %arg7[%dma_start3A_941, %dma_start3A_942] : memref<384x32xf32, #tpu.memory_space<vmem>> -> memref<128x32xf32, #tpu.memory_space<vmem>>
      %dma_start3A_944 = arith.constant 0 : i32
      %dma_start3A_945 = tpu.memref_slice %arg9[%dma_start3A_940, %dma_start3A_944] : memref<6x128xi32, #tpu.memory_space<vmem>> -> memref<1x128xi32, #tpu.memory_space<vmem>>
      %dma_start3A_946 = tpu.memref_squeeze %dma_start3A_945 : memref<1x128xi32, #tpu.memory_space<vmem>> -> memref<128xi32, #tpu.memory_space<vmem>>
      %dma_start3A_947 = arith.constant 0 : i32
      %dma_start3A_948 = arith.constant 0 : i32
      %dma_start3A_949 = tpu.memref_slice %arg5[%dma_start3A_947, %dma_start3A_948] : memref<50048x32xf32, #tpu.memory_space<vmem_shared>> -> memref<50048x32xf32, #tpu.memory_space<vmem_shared>>
      tpu.enqueue_indirect_dma source(%dma_start3A_943 : memref<128x32xf32, #tpu.memory_space<vmem>>) target(%dma_start3A_949 : memref<50048x32xf32, #tpu.memory_space<vmem_shared>>) offsets(%dma_start3A_946 : memref<128xi32, #tpu.memory_space<vmem>>) semaphore(%arg14 : memref<!tpu.dma_semaphore, #tpu.memory_space<semaphore_mem>>) {add = true}
      %dma_start3A_950 = arith.constant 4 : i32
      %dma_start3A_951 = arith.constant 128 : i32
      %dma_start3A_952 = arith.constant 0 : i32
      %dma_start3A_953 = tpu.memref_slice %arg7[%dma_start3A_951, %dma_start3A_952] : memref<384x32xf32, #tpu.memory_space<vmem>> -> memref<128x32xf32, #tpu.memory_space<vmem>>
      %dma_start3A_954 = arith.constant 0 : i32
      %dma_start3A_955 = tpu.memref_slice %arg9[%dma_start3A_950, %dma_start3A_954] : memref<6x128xi32, #tpu.memory_space<vmem>> -> memref<1x128xi32, #tpu.memory_space<vmem>>
      %dma_start3A_956 = tpu.memref_squeeze %dma_start3A_955 : memref<1x128xi32, #tpu.memory_space<vmem>> -> memref<128xi32, #tpu.memory_space<vmem>>
      %dma_start3A_957 = arith.constant 0 : i32
      %dma_start3A_958 = arith.constant 0 : i32
      %dma_start3A_959 = tpu.memref_slice %arg5[%dma_start3A_957, %dma_start3A_958] : memref<50048x32xf32, #tpu.memory_space<vmem_shared>> -> memref<50048x32xf32, #tpu.memory_space<vmem_shared>>
      tpu.enqueue_indirect_dma source(%dma_start3A_953 : memref<128x32xf32, #tpu.memory_space<vmem>>) target(%dma_start3A_959 : memref<50048x32xf32, #tpu.memory_space<vmem_shared>>) offsets(%dma_start3A_956 : memref<128xi32, #tpu.memory_space<vmem>>) semaphore(%arg14 : memref<!tpu.dma_semaphore, #tpu.memory_space<semaphore_mem>>) {add = true}
      %dma_start3A_960 = arith.constant 5 : i32
      %dma_start3A_961 = arith.constant 256 : i32
      %dma_start3A_962 = arith.constant 0 : i32
      %dma_start3A_963 = tpu.memref_slice %arg7[%dma_start3A_961, %dma_start3A_962] : memref<384x32xf32, #tpu.memory_space<vmem>> -> memref<128x32xf32, #tpu.memory_space<vmem>>
      %dma_start3A_964 = arith.constant 0 : i32
      %dma_start3A_965 = tpu.memref_slice %arg9[%dma_start3A_960, %dma_start3A_964] : memref<6x128xi32, #tpu.memory_space<vmem>> -> memref<1x128xi32, #tpu.memory_space<vmem>>
      %dma_start3A_966 = tpu.memref_squeeze %dma_start3A_965 : memref<1x128xi32, #tpu.memory_space<vmem>> -> memref<128xi32, #tpu.memory_space<vmem>>
      %dma_start3A_967 = arith.constant 0 : i32
      %dma_start3A_968 = arith.constant 0 : i32
      %dma_start3A_969 = tpu.memref_slice %arg5[%dma_start3A_967, %dma_start3A_968] : memref<50048x32xf32, #tpu.memory_space<vmem_shared>> -> memref<50048x32xf32, #tpu.memory_space<vmem_shared>>
      tpu.enqueue_indirect_dma source(%dma_start3A_963 : memref<128x32xf32, #tpu.memory_space<vmem>>) target(%dma_start3A_969 : memref<50048x32xf32, #tpu.memory_space<vmem_shared>>) offsets(%dma_start3A_966 : memref<128xi32, #tpu.memory_space<vmem>>) semaphore(%arg14 : memref<!tpu.dma_semaphore, #tpu.memory_space<semaphore_mem>>) {add = true}
      %add3A_970 = arith.constant 1 : i32
      %add3A_971 = arith.addi %mul3A_639, %add3A_970 : i32
      %mul3A_972 = arith.constant 396 : i32
      %mul3A_973 = arith.muli %arg1, %mul3A_972 : i32
      %mul3A_974 = arith.constant 6 : i32
      %mul3A_975 = arith.muli %add3A_971, %mul3A_974 : i32
      %add3A_976 = arith.addi %mul3A_973, %mul3A_975 : i32
      %dma_wait3A_977 = arith.constant 0 : i32
      %dma_wait3A_978 = arith.constant 0 : i32
      %dma_wait3A_979 = tpu.memref_slice %arg3[%scan3A_236, %dma_wait3A_977, %dma_wait3A_978] : memref<4x6344x128xi32, #tpu.memory_space<hbm>> -> memref<1x6344x128xi32, #tpu.memory_space<hbm>>
      %dma_wait3A_980 = tpu.memref_squeeze %dma_wait3A_979 : memref<1x6344x128xi32, #tpu.memory_space<hbm>> -> memref<6344x128xi32, #tpu.memory_space<hbm>>
      %dma_wait3A_981 = arith.constant 0 : i32
      %dma_wait3A_982 = tpu.memref_slice %dma_wait3A_980[%add3A_976, %dma_wait3A_981] : memref<6344x128xi32, #tpu.memory_space<hbm>> -> memref<6x128xi32, #tpu.memory_space<hbm>>
      %dma_wait3A_983 = arith.constant 0 : i32
      %dma_wait3A_984 = arith.constant 0 : i32
      %dma_wait3A_985 = tpu.memref_slice %arg3[%scan3A_236, %dma_wait3A_983, %dma_wait3A_984] : memref<4x6344x128xi32, #tpu.memory_space<hbm>> -> memref<1x6344x128xi32, #tpu.memory_space<hbm>>
      %dma_wait3A_986 = tpu.memref_squeeze %dma_wait3A_985 : memref<1x6344x128xi32, #tpu.memory_space<hbm>> -> memref<6344x128xi32, #tpu.memory_space<hbm>>
      %dma_wait3A_987 = arith.constant 0 : i32
      %dma_wait3A_988 = tpu.memref_slice %dma_wait3A_986[%add3A_976, %dma_wait3A_987] : memref<6344x128xi32, #tpu.memory_space<hbm>> -> memref<6x128xi32, #tpu.memory_space<hbm>>
      tpu.wait_dma2 semaphore(%arg15 : memref<!tpu.dma_semaphore, #tpu.memory_space<semaphore_mem>>) src(%dma_wait3A_988 : memref<6x128xi32, #tpu.memory_space<hbm>>) dst(%arg10 : memref<6x128xi32, #tpu.memory_space<vmem>>)
      %mul3A_989 = arith.constant 396 : i32
      %mul3A_990 = arith.muli %arg1, %mul3A_989 : i32
      %mul3A_991 = arith.constant 6 : i32
      %mul3A_992 = arith.muli %add3A_971, %mul3A_991 : i32
      %add3A_993 = arith.addi %mul3A_990, %mul3A_992 : i32
      %dma_wait3A_994 = arith.constant 0 : i32
      %dma_wait3A_995 = arith.constant 0 : i32
      %dma_wait3A_996 = tpu.memref_slice %arg3[%scan3A_237, %dma_wait3A_994, %dma_wait3A_995] : memref<4x6344x128xi32, #tpu.memory_space<hbm>> -> memref<1x6344x128xi32, #tpu.memory_space<hbm>>
      %dma_wait3A_997 = tpu.memref_squeeze %dma_wait3A_996 : memref<1x6344x128xi32, #tpu.memory_space<hbm>> -> memref<6344x128xi32, #tpu.memory_space<hbm>>
      %dma_wait3A_998 = arith.constant 0 : i32
      %dma_wait3A_999 = tpu.memref_slice %dma_wait3A_997[%add3A_993, %dma_wait3A_998] : memref<6344x128xi32, #tpu.memory_space<hbm>> -> memref<6x128xi32, #tpu.memory_space<hbm>>
      %dma_wait3A_1000 = arith.constant 0 : i32
      %dma_wait3A_1001 = arith.constant 0 : i32
      %dma_wait3A_1002 = tpu.memref_slice %arg3[%scan3A_237, %dma_wait3A_1000, %dma_wait3A_1001] : memref<4x6344x128xi32, #tpu.memory_space<hbm>> -> memref<1x6344x128xi32, #tpu.memory_space<hbm>>
      %dma_wait3A_1003 = tpu.memref_squeeze %dma_wait3A_1002 : memref<1x6344x128xi32, #tpu.memory_space<hbm>> -> memref<6344x128xi32, #tpu.memory_space<hbm>>
      %dma_wait3A_1004 = arith.constant 0 : i32
      %dma_wait3A_1005 = tpu.memref_slice %dma_wait3A_1003[%add3A_993, %dma_wait3A_1004] : memref<6344x128xi32, #tpu.memory_space<hbm>> -> memref<6x128xi32, #tpu.memory_space<hbm>>
      tpu.wait_dma2 semaphore(%arg15 : memref<!tpu.dma_semaphore, #tpu.memory_space<semaphore_mem>>) src(%dma_wait3A_1005 : memref<6x128xi32, #tpu.memory_space<hbm>>) dst(%arg11 : memref<6x128xi32, #tpu.memory_space<vmem>>)
      %dma_start3A_1006 = arith.constant 0 : i32
      %dma_start3A_1007 = arith.constant 0 : i32
      %dma_start3A_1008 = arith.constant 0 : i32
      %dma_start3A_1009 = tpu.memref_slice %arg6[%dma_start3A_1007, %dma_start3A_1008] : memref<384x32xf32, #tpu.memory_space<vmem>> -> memref<128x32xf32, #tpu.memory_space<vmem>>
      %dma_start3A_1010 = arith.constant 0 : i32
      %dma_start3A_1011 = tpu.memref_slice %arg10[%dma_start3A_1006, %dma_start3A_1010] : memref<6x128xi32, #tpu.memory_space<vmem>> -> memref<1x128xi32, #tpu.memory_space<vmem>>
      %dma_start3A_1012 = tpu.memref_squeeze %dma_start3A_1011 : memref<1x128xi32, #tpu.memory_space<vmem>> -> memref<128xi32, #tpu.memory_space<vmem>>
      %dma_start3A_1013 = arith.constant 0 : i32
      %dma_start3A_1014 = arith.constant 0 : i32
      %dma_start3A_1015 = tpu.memref_slice %arg2[%arg0, %dma_start3A_1013, %dma_start3A_1014] : memref<2x50000x32xf32, #tpu.memory_space<hbm>> -> memref<1x50000x32xf32, #tpu.memory_space<hbm>>
      %dma_start3A_1016 = tpu.memref_squeeze %dma_start3A_1015 : memref<1x50000x32xf32, #tpu.memory_space<hbm>> -> memref<50000x32xf32, #tpu.memory_space<hbm>>
      %dma_start3A_1017 = arith.constant 0 : i32
      %dma_start3A_1018 = arith.constant 0 : i32
      %dma_start3A_1019 = tpu.memref_slice %dma_start3A_1016[%dma_start3A_1017, %dma_start3A_1018] : memref<50000x32xf32, #tpu.memory_space<hbm>> -> memref<50000x32xf32, #tpu.memory_space<hbm>>
      tpu.enqueue_indirect_dma source(%dma_start3A_1019 : memref<50000x32xf32, #tpu.memory_space<hbm>>) target(%dma_start3A_1009 : memref<128x32xf32, #tpu.memory_space<vmem>>) offsets(%dma_start3A_1012 : memref<128xi32, #tpu.memory_space<vmem>>) semaphore(%arg12 : memref<!tpu.dma_semaphore, #tpu.memory_space<semaphore_mem>>)
      %dma_start3A_1020 = arith.constant 1 : i32
      %dma_start3A_1021 = arith.constant 128 : i32
      %dma_start3A_1022 = arith.constant 0 : i32
      %dma_start3A_1023 = tpu.memref_slice %arg6[%dma_start3A_1021, %dma_start3A_1022] : memref<384x32xf32, #tpu.memory_space<vmem>> -> memref<128x32xf32, #tpu.memory_space<vmem>>
      %dma_start3A_1024 = arith.constant 0 : i32
      %dma_start3A_1025 = tpu.memref_slice %arg10[%dma_start3A_1020, %dma_start3A_1024] : memref<6x128xi32, #tpu.memory_space<vmem>> -> memref<1x128xi32, #tpu.memory_space<vmem>>
      %dma_start3A_1026 = tpu.memref_squeeze %dma_start3A_1025 : memref<1x128xi32, #tpu.memory_space<vmem>> -> memref<128xi32, #tpu.memory_space<vmem>>
      %dma_start3A_1027 = arith.constant 0 : i32
      %dma_start3A_1028 = arith.constant 0 : i32
      %dma_start3A_1029 = tpu.memref_slice %arg2[%arg0, %dma_start3A_1027, %dma_start3A_1028] : memref<2x50000x32xf32, #tpu.memory_space<hbm>> -> memref<1x50000x32xf32, #tpu.memory_space<hbm>>
      %dma_start3A_1030 = tpu.memref_squeeze %dma_start3A_1029 : memref<1x50000x32xf32, #tpu.memory_space<hbm>> -> memref<50000x32xf32, #tpu.memory_space<hbm>>
      %dma_start3A_1031 = arith.constant 0 : i32
      %dma_start3A_1032 = arith.constant 0 : i32
      %dma_start3A_1033 = tpu.memref_slice %dma_start3A_1030[%dma_start3A_1031, %dma_start3A_1032] : memref<50000x32xf32, #tpu.memory_space<hbm>> -> memref<50000x32xf32, #tpu.memory_space<hbm>>
      tpu.enqueue_indirect_dma source(%dma_start3A_1033 : memref<50000x32xf32, #tpu.memory_space<hbm>>) target(%dma_start3A_1023 : memref<128x32xf32, #tpu.memory_space<vmem>>) offsets(%dma_start3A_1026 : memref<128xi32, #tpu.memory_space<vmem>>) semaphore(%arg12 : memref<!tpu.dma_semaphore, #tpu.memory_space<semaphore_mem>>)
      %dma_start3A_1034 = arith.constant 2 : i32
      %dma_start3A_1035 = arith.constant 256 : i32
      %dma_start3A_1036 = arith.constant 0 : i32
      %dma_start3A_1037 = tpu.memref_slice %arg6[%dma_start3A_1035, %dma_start3A_1036] : memref<384x32xf32, #tpu.memory_space<vmem>> -> memref<128x32xf32, #tpu.memory_space<vmem>>
      %dma_start3A_1038 = arith.constant 0 : i32
      %dma_start3A_1039 = tpu.memref_slice %arg10[%dma_start3A_1034, %dma_start3A_1038] : memref<6x128xi32, #tpu.memory_space<vmem>> -> memref<1x128xi32, #tpu.memory_space<vmem>>
      %dma_start3A_1040 = tpu.memref_squeeze %dma_start3A_1039 : memref<1x128xi32, #tpu.memory_space<vmem>> -> memref<128xi32, #tpu.memory_space<vmem>>
      %dma_start3A_1041 = arith.constant 0 : i32
      %dma_start3A_1042 = arith.constant 0 : i32
      %dma_start3A_1043 = tpu.memref_slice %arg2[%arg0, %dma_start3A_1041, %dma_start3A_1042] : memref<2x50000x32xf32, #tpu.memory_space<hbm>> -> memref<1x50000x32xf32, #tpu.memory_space<hbm>>
      %dma_start3A_1044 = tpu.memref_squeeze %dma_start3A_1043 : memref<1x50000x32xf32, #tpu.memory_space<hbm>> -> memref<50000x32xf32, #tpu.memory_space<hbm>>
      %dma_start3A_1045 = arith.constant 0 : i32
      %dma_start3A_1046 = arith.constant 0 : i32
      %dma_start3A_1047 = tpu.memref_slice %dma_start3A_1044[%dma_start3A_1045, %dma_start3A_1046] : memref<50000x32xf32, #tpu.memory_space<hbm>> -> memref<50000x32xf32, #tpu.memory_space<hbm>>
      tpu.enqueue_indirect_dma source(%dma_start3A_1047 : memref<50000x32xf32, #tpu.memory_space<hbm>>) target(%dma_start3A_1037 : memref<128x32xf32, #tpu.memory_space<vmem>>) offsets(%dma_start3A_1040 : memref<128xi32, #tpu.memory_space<vmem>>) semaphore(%arg12 : memref<!tpu.dma_semaphore, #tpu.memory_space<semaphore_mem>>)
      %dma_wait3A_1048 = arith.constant 3 : i32
      %dma_wait3A_1049 = arith.constant 0 : i32
      %dma_wait3A_1050 = arith.constant 0 : i32
      %dma_wait3A_1051 = tpu.memref_slice %arg7[%dma_wait3A_1049, %dma_wait3A_1050] : memref<384x32xf32, #tpu.memory_space<vmem>> -> memref<128x32xf32, #tpu.memory_space<vmem>>
      %dma_wait3A_1052 = arith.constant 0 : i32
      %dma_wait3A_1053 = tpu.memref_slice %arg9[%dma_wait3A_1048, %dma_wait3A_1052] : memref<6x128xi32, #tpu.memory_space<vmem>> -> memref<1x128xi32, #tpu.memory_space<vmem>>
      %dma_wait3A_1054 = tpu.memref_squeeze %dma_wait3A_1053 : memref<1x128xi32, #tpu.memory_space<vmem>> -> memref<128xi32, #tpu.memory_space<vmem>>
      %dma_wait3A_1055 = arith.constant 0 : i32
      %dma_wait3A_1056 = arith.constant 0 : i32
      %dma_wait3A_1057 = tpu.memref_slice %arg5[%dma_wait3A_1055, %dma_wait3A_1056] : memref<50048x32xf32, #tpu.memory_space<vmem_shared>> -> memref<50048x32xf32, #tpu.memory_space<vmem_shared>>
      tpu.wait_indirect_dma semaphore(%arg14 : memref<!tpu.dma_semaphore, #tpu.memory_space<semaphore_mem>>) src(%dma_wait3A_1051 : memref<128x32xf32, #tpu.memory_space<vmem>>) dst(%dma_wait3A_1057 : memref<50048x32xf32, #tpu.memory_space<vmem_shared>>)
      %dma_wait3A_1058 = arith.constant 4 : i32
      %dma_wait3A_1059 = arith.constant 128 : i32
      %dma_wait3A_1060 = arith.constant 0 : i32
      %dma_wait3A_1061 = tpu.memref_slice %arg7[%dma_wait3A_1059, %dma_wait3A_1060] : memref<384x32xf32, #tpu.memory_space<vmem>> -> memref<128x32xf32, #tpu.memory_space<vmem>>
      %dma_wait3A_1062 = arith.constant 0 : i32
      %dma_wait3A_1063 = tpu.memref_slice %arg9[%dma_wait3A_1058, %dma_wait3A_1062] : memref<6x128xi32, #tpu.memory_space<vmem>> -> memref<1x128xi32, #tpu.memory_space<vmem>>
      %dma_wait3A_1064 = tpu.memref_squeeze %dma_wait3A_1063 : memref<1x128xi32, #tpu.memory_space<vmem>> -> memref<128xi32, #tpu.memory_space<vmem>>
      %dma_wait3A_1065 = arith.constant 0 : i32
      %dma_wait3A_1066 = arith.constant 0 : i32
      %dma_wait3A_1067 = tpu.memref_slice %arg5[%dma_wait3A_1065, %dma_wait3A_1066] : memref<50048x32xf32, #tpu.memory_space<vmem_shared>> -> memref<50048x32xf32, #tpu.memory_space<vmem_shared>>
      tpu.wait_indirect_dma semaphore(%arg14 : memref<!tpu.dma_semaphore, #tpu.memory_space<semaphore_mem>>) src(%dma_wait3A_1061 : memref<128x32xf32, #tpu.memory_space<vmem>>) dst(%dma_wait3A_1067 : memref<50048x32xf32, #tpu.memory_space<vmem_shared>>)
      %dma_wait3A_1068 = arith.constant 5 : i32
      %dma_wait3A_1069 = arith.constant 256 : i32
      %dma_wait3A_1070 = arith.constant 0 : i32
      %dma_wait3A_1071 = tpu.memref_slice %arg7[%dma_wait3A_1069, %dma_wait3A_1070] : memref<384x32xf32, #tpu.memory_space<vmem>> -> memref<128x32xf32, #tpu.memory_space<vmem>>
      %dma_wait3A_1072 = arith.constant 0 : i32
      %dma_wait3A_1073 = tpu.memref_slice %arg9[%dma_wait3A_1068, %dma_wait3A_1072] : memref<6x128xi32, #tpu.memory_space<vmem>> -> memref<1x128xi32, #tpu.memory_space<vmem>>
      %dma_wait3A_1074 = tpu.memref_squeeze %dma_wait3A_1073 : memref<1x128xi32, #tpu.memory_space<vmem>> -> memref<128xi32, #tpu.memory_space<vmem>>
      %dma_wait3A_1075 = arith.constant 0 : i32
      %dma_wait3A_1076 = arith.constant 0 : i32
      %dma_wait3A_1077 = tpu.memref_slice %arg5[%dma_wait3A_1075, %dma_wait3A_1076] : memref<50048x32xf32, #tpu.memory_space<vmem_shared>> -> memref<50048x32xf32, #tpu.memory_space<vmem_shared>>
      tpu.wait_indirect_dma semaphore(%arg14 : memref<!tpu.dma_semaphore, #tpu.memory_space<semaphore_mem>>) src(%dma_wait3A_1071 : memref<128x32xf32, #tpu.memory_space<vmem>>) dst(%dma_wait3A_1077 : memref<50048x32xf32, #tpu.memory_space<vmem_shared>>)
      %add3A_1078 = arith.constant 2 : i32
      %add3A_1079 = arith.addi %mul3A_639, %add3A_1078 : i32
      %mul3A_1080 = arith.constant 396 : i32
      %mul3A_1081 = arith.muli %arg1, %mul3A_1080 : i32
      %mul3A_1082 = arith.constant 6 : i32
      %mul3A_1083 = arith.muli %add3A_1079, %mul3A_1082 : i32
      %add3A_1084 = arith.addi %mul3A_1081, %mul3A_1083 : i32
      %dma_start3A_1085 = arith.constant 0 : i32
      %dma_start3A_1086 = arith.constant 0 : i32
      %dma_start3A_1087 = tpu.memref_slice %arg3[%scan3A_236, %dma_start3A_1085, %dma_start3A_1086] : memref<4x6344x128xi32, #tpu.memory_space<hbm>> -> memref<1x6344x128xi32, #tpu.memory_space<hbm>>
      %dma_start3A_1088 = tpu.memref_squeeze %dma_start3A_1087 : memref<1x6344x128xi32, #tpu.memory_space<hbm>> -> memref<6344x128xi32, #tpu.memory_space<hbm>>
      %dma_start3A_1089 = arith.constant 0 : i32
      %dma_start3A_1090 = tpu.memref_slice %dma_start3A_1088[%add3A_1084, %dma_start3A_1089] : memref<6344x128xi32, #tpu.memory_space<hbm>> -> memref<6x128xi32, #tpu.memory_space<hbm>>
      %dma_start3A_1091 = arith.constant 0 : i32
      %dma_start3A_1092 = arith.constant 0 : i32
      %dma_start3A_1093 = tpu.memref_slice %arg3[%scan3A_236, %dma_start3A_1091, %dma_start3A_1092] : memref<4x6344x128xi32, #tpu.memory_space<hbm>> -> memref<1x6344x128xi32, #tpu.memory_space<hbm>>
      %dma_start3A_1094 = tpu.memref_squeeze %dma_start3A_1093 : memref<1x6344x128xi32, #tpu.memory_space<hbm>> -> memref<6344x128xi32, #tpu.memory_space<hbm>>
      %dma_start3A_1095 = arith.constant 0 : i32
      %dma_start3A_1096 = tpu.memref_slice %dma_start3A_1094[%add3A_1084, %dma_start3A_1095] : memref<6344x128xi32, #tpu.memory_space<hbm>> -> memref<6x128xi32, #tpu.memory_space<hbm>>
      tpu.enqueue_dma source(%dma_start3A_1096 : memref<6x128xi32, #tpu.memory_space<hbm>>) target(%arg8 : memref<6x128xi32, #tpu.memory_space<vmem>>) target_semaphore(%arg15 : memref<!tpu.dma_semaphore, #tpu.memory_space<semaphore_mem>>)
      %mul3A_1097 = arith.constant 396 : i32
      %mul3A_1098 = arith.muli %arg1, %mul3A_1097 : i32
      %mul3A_1099 = arith.constant 6 : i32
      %mul3A_1100 = arith.muli %add3A_1079, %mul3A_1099 : i32
      %add3A_1101 = arith.addi %mul3A_1098, %mul3A_1100 : i32
      %dma_start3A_1102 = arith.constant 0 : i32
      %dma_start3A_1103 = arith.constant 0 : i32
      %dma_start3A_1104 = tpu.memref_slice %arg3[%scan3A_237, %dma_start3A_1102, %dma_start3A_1103] : memref<4x6344x128xi32, #tpu.memory_space<hbm>> -> memref<1x6344x128xi32, #tpu.memory_space<hbm>>
      %dma_start3A_1105 = tpu.memref_squeeze %dma_start3A_1104 : memref<1x6344x128xi32, #tpu.memory_space<hbm>> -> memref<6344x128xi32, #tpu.memory_space<hbm>>
      %dma_start3A_1106 = arith.constant 0 : i32
      %dma_start3A_1107 = tpu.memref_slice %dma_start3A_1105[%add3A_1101, %dma_start3A_1106] : memref<6344x128xi32, #tpu.memory_space<hbm>> -> memref<6x128xi32, #tpu.memory_space<hbm>>
      %dma_start3A_1108 = arith.constant 0 : i32
      %dma_start3A_1109 = arith.constant 0 : i32
      %dma_start3A_1110 = tpu.memref_slice %arg3[%scan3A_237, %dma_start3A_1108, %dma_start3A_1109] : memref<4x6344x128xi32, #tpu.memory_space<hbm>> -> memref<1x6344x128xi32, #tpu.memory_space<hbm>>
      %dma_start3A_1111 = tpu.memref_squeeze %dma_start3A_1110 : memref<1x6344x128xi32, #tpu.memory_space<hbm>> -> memref<6344x128xi32, #tpu.memory_space<hbm>>
      %dma_start3A_1112 = arith.constant 0 : i32
      %dma_start3A_1113 = tpu.memref_slice %dma_start3A_1111[%add3A_1101, %dma_start3A_1112] : memref<6344x128xi32, #tpu.memory_space<hbm>> -> memref<6x128xi32, #tpu.memory_space<hbm>>
      tpu.enqueue_dma source(%dma_start3A_1113 : memref<6x128xi32, #tpu.memory_space<hbm>>) target(%arg9 : memref<6x128xi32, #tpu.memory_space<vmem>>) target_semaphore(%arg15 : memref<!tpu.dma_semaphore, #tpu.memory_space<semaphore_mem>>)
      %dma_start3A_1114 = arith.constant 3 : i32
      %dma_start3A_1115 = arith.constant 0 : i32
      %dma_start3A_1116 = arith.constant 0 : i32
      %dma_start3A_1117 = tpu.memref_slice %arg7[%dma_start3A_1115, %dma_start3A_1116] : memref<384x32xf32, #tpu.memory_space<vmem>> -> memref<128x32xf32, #tpu.memory_space<vmem>>
      %dma_start3A_1118 = arith.constant 0 : i32
      %dma_start3A_1119 = tpu.memref_slice %arg10[%dma_start3A_1114, %dma_start3A_1118] : memref<6x128xi32, #tpu.memory_space<vmem>> -> memref<1x128xi32, #tpu.memory_space<vmem>>
      %dma_start3A_1120 = tpu.memref_squeeze %dma_start3A_1119 : memref<1x128xi32, #tpu.memory_space<vmem>> -> memref<128xi32, #tpu.memory_space<vmem>>
      %dma_start3A_1121 = arith.constant 0 : i32
      %dma_start3A_1122 = arith.constant 0 : i32
      %dma_start3A_1123 = tpu.memref_slice %arg2[%arg0, %dma_start3A_1121, %dma_start3A_1122] : memref<2x50000x32xf32, #tpu.memory_space<hbm>> -> memref<1x50000x32xf32, #tpu.memory_space<hbm>>
      %dma_start3A_1124 = tpu.memref_squeeze %dma_start3A_1123 : memref<1x50000x32xf32, #tpu.memory_space<hbm>> -> memref<50000x32xf32, #tpu.memory_space<hbm>>
      %dma_start3A_1125 = arith.constant 0 : i32
      %dma_start3A_1126 = arith.constant 0 : i32
      %dma_start3A_1127 = tpu.memref_slice %dma_start3A_1124[%dma_start3A_1125, %dma_start3A_1126] : memref<50000x32xf32, #tpu.memory_space<hbm>> -> memref<50000x32xf32, #tpu.memory_space<hbm>>
      tpu.enqueue_indirect_dma source(%dma_start3A_1127 : memref<50000x32xf32, #tpu.memory_space<hbm>>) target(%dma_start3A_1117 : memref<128x32xf32, #tpu.memory_space<vmem>>) offsets(%dma_start3A_1120 : memref<128xi32, #tpu.memory_space<vmem>>) semaphore(%arg12 : memref<!tpu.dma_semaphore, #tpu.memory_space<semaphore_mem>>)
      %dma_start3A_1128 = arith.constant 4 : i32
      %dma_start3A_1129 = arith.constant 128 : i32
      %dma_start3A_1130 = arith.constant 0 : i32
      %dma_start3A_1131 = tpu.memref_slice %arg7[%dma_start3A_1129, %dma_start3A_1130] : memref<384x32xf32, #tpu.memory_space<vmem>> -> memref<128x32xf32, #tpu.memory_space<vmem>>
      %dma_start3A_1132 = arith.constant 0 : i32
      %dma_start3A_1133 = tpu.memref_slice %arg10[%dma_start3A_1128, %dma_start3A_1132] : memref<6x128xi32, #tpu.memory_space<vmem>> -> memref<1x128xi32, #tpu.memory_space<vmem>>
      %dma_start3A_1134 = tpu.memref_squeeze %dma_start3A_1133 : memref<1x128xi32, #tpu.memory_space<vmem>> -> memref<128xi32, #tpu.memory_space<vmem>>
      %dma_start3A_1135 = arith.constant 0 : i32
      %dma_start3A_1136 = arith.constant 0 : i32
      %dma_start3A_1137 = tpu.memref_slice %arg2[%arg0, %dma_start3A_1135, %dma_start3A_1136] : memref<2x50000x32xf32, #tpu.memory_space<hbm>> -> memref<1x50000x32xf32, #tpu.memory_space<hbm>>
      %dma_start3A_1138 = tpu.memref_squeeze %dma_start3A_1137 : memref<1x50000x32xf32, #tpu.memory_space<hbm>> -> memref<50000x32xf32, #tpu.memory_space<hbm>>
      %dma_start3A_1139 = arith.constant 0 : i32
      %dma_start3A_1140 = arith.constant 0 : i32
      %dma_start3A_1141 = tpu.memref_slice %dma_start3A_1138[%dma_start3A_1139, %dma_start3A_1140] : memref<50000x32xf32, #tpu.memory_space<hbm>> -> memref<50000x32xf32, #tpu.memory_space<hbm>>
      tpu.enqueue_indirect_dma source(%dma_start3A_1141 : memref<50000x32xf32, #tpu.memory_space<hbm>>) target(%dma_start3A_1131 : memref<128x32xf32, #tpu.memory_space<vmem>>) offsets(%dma_start3A_1134 : memref<128xi32, #tpu.memory_space<vmem>>) semaphore(%arg12 : memref<!tpu.dma_semaphore, #tpu.memory_space<semaphore_mem>>)
      %dma_start3A_1142 = arith.constant 5 : i32
      %dma_start3A_1143 = arith.constant 256 : i32
      %dma_start3A_1144 = arith.constant 0 : i32
      %dma_start3A_1145 = tpu.memref_slice %arg7[%dma_start3A_1143, %dma_start3A_1144] : memref<384x32xf32, #tpu.memory_space<vmem>> -> memref<128x32xf32, #tpu.memory_space<vmem>>
      %dma_start3A_1146 = arith.constant 0 : i32
      %dma_start3A_1147 = tpu.memref_slice %arg10[%dma_start3A_1142, %dma_start3A_1146] : memref<6x128xi32, #tpu.memory_space<vmem>> -> memref<1x128xi32, #tpu.memory_space<vmem>>
      %dma_start3A_1148 = tpu.memref_squeeze %dma_start3A_1147 : memref<1x128xi32, #tpu.memory_space<vmem>> -> memref<128xi32, #tpu.memory_space<vmem>>
      %dma_start3A_1149 = arith.constant 0 : i32
      %dma_start3A_1150 = arith.constant 0 : i32
      %dma_start3A_1151 = tpu.memref_slice %arg2[%arg0, %dma_start3A_1149, %dma_start3A_1150] : memref<2x50000x32xf32, #tpu.memory_space<hbm>> -> memref<1x50000x32xf32, #tpu.memory_space<hbm>>
      %dma_start3A_1152 = tpu.memref_squeeze %dma_start3A_1151 : memref<1x50000x32xf32, #tpu.memory_space<hbm>> -> memref<50000x32xf32, #tpu.memory_space<hbm>>
      %dma_start3A_1153 = arith.constant 0 : i32
      %dma_start3A_1154 = arith.constant 0 : i32
      %dma_start3A_1155 = tpu.memref_slice %dma_start3A_1152[%dma_start3A_1153, %dma_start3A_1154] : memref<50000x32xf32, #tpu.memory_space<hbm>> -> memref<50000x32xf32, #tpu.memory_space<hbm>>
      tpu.enqueue_indirect_dma source(%dma_start3A_1155 : memref<50000x32xf32, #tpu.memory_space<hbm>>) target(%dma_start3A_1145 : memref<128x32xf32, #tpu.memory_space<vmem>>) offsets(%dma_start3A_1148 : memref<128xi32, #tpu.memory_space<vmem>>) semaphore(%arg12 : memref<!tpu.dma_semaphore, #tpu.memory_space<semaphore_mem>>)
      %dma_wait3A_1156 = arith.constant 0 : i32
      %dma_wait3A_1157 = arith.constant 0 : i32
      %dma_wait3A_1158 = arith.constant 0 : i32
      %dma_wait3A_1159 = tpu.memref_slice %arg6[%dma_wait3A_1157, %dma_wait3A_1158] : memref<384x32xf32, #tpu.memory_space<vmem>> -> memref<128x32xf32, #tpu.memory_space<vmem>>
      %dma_wait3A_1160 = arith.constant 0 : i32
      %dma_wait3A_1161 = tpu.memref_slice %arg10[%dma_wait3A_1156, %dma_wait3A_1160] : memref<6x128xi32, #tpu.memory_space<vmem>> -> memref<1x128xi32, #tpu.memory_space<vmem>>
      %dma_wait3A_1162 = tpu.memref_squeeze %dma_wait3A_1161 : memref<1x128xi32, #tpu.memory_space<vmem>> -> memref<128xi32, #tpu.memory_space<vmem>>
      %dma_wait3A_1163 = arith.constant 0 : i32
      %dma_wait3A_1164 = arith.constant 0 : i32
      %dma_wait3A_1165 = tpu.memref_slice %arg2[%arg0, %dma_wait3A_1163, %dma_wait3A_1164] : memref<2x50000x32xf32, #tpu.memory_space<hbm>> -> memref<1x50000x32xf32, #tpu.memory_space<hbm>>
      %dma_wait3A_1166 = tpu.memref_squeeze %dma_wait3A_1165 : memref<1x50000x32xf32, #tpu.memory_space<hbm>> -> memref<50000x32xf32, #tpu.memory_space<hbm>>
      %dma_wait3A_1167 = arith.constant 0 : i32
      %dma_wait3A_1168 = arith.constant 0 : i32
      %dma_wait3A_1169 = tpu.memref_slice %dma_wait3A_1166[%dma_wait3A_1167, %dma_wait3A_1168] : memref<50000x32xf32, #tpu.memory_space<hbm>> -> memref<50000x32xf32, #tpu.memory_space<hbm>>
      tpu.wait_indirect_dma semaphore(%arg12 : memref<!tpu.dma_semaphore, #tpu.memory_space<semaphore_mem>>) src(%dma_wait3A_1169 : memref<50000x32xf32, #tpu.memory_space<hbm>>) dst(%dma_wait3A_1159 : memref<128x32xf32, #tpu.memory_space<vmem>>)
      %dma_wait3A_1170 = arith.constant 1 : i32
      %dma_wait3A_1171 = arith.constant 128 : i32
      %dma_wait3A_1172 = arith.constant 0 : i32
      %dma_wait3A_1173 = tpu.memref_slice %arg6[%dma_wait3A_1171, %dma_wait3A_1172] : memref<384x32xf32, #tpu.memory_space<vmem>> -> memref<128x32xf32, #tpu.memory_space<vmem>>
      %dma_wait3A_1174 = arith.constant 0 : i32
      %dma_wait3A_1175 = tpu.memref_slice %arg10[%dma_wait3A_1170, %dma_wait3A_1174] : memref<6x128xi32, #tpu.memory_space<vmem>> -> memref<1x128xi32, #tpu.memory_space<vmem>>
      %dma_wait3A_1176 = tpu.memref_squeeze %dma_wait3A_1175 : memref<1x128xi32, #tpu.memory_space<vmem>> -> memref<128xi32, #tpu.memory_space<vmem>>
      %dma_wait3A_1177 = arith.constant 0 : i32
      %dma_wait3A_1178 = arith.constant 0 : i32
      %dma_wait3A_1179 = tpu.memref_slice %arg2[%arg0, %dma_wait3A_1177, %dma_wait3A_1178] : memref<2x50000x32xf32, #tpu.memory_space<hbm>> -> memref<1x50000x32xf32, #tpu.memory_space<hbm>>
      %dma_wait3A_1180 = tpu.memref_squeeze %dma_wait3A_1179 : memref<1x50000x32xf32, #tpu.memory_space<hbm>> -> memref<50000x32xf32, #tpu.memory_space<hbm>>
      %dma_wait3A_1181 = arith.constant 0 : i32
      %dma_wait3A_1182 = arith.constant 0 : i32
      %dma_wait3A_1183 = tpu.memref_slice %dma_wait3A_1180[%dma_wait3A_1181, %dma_wait3A_1182] : memref<50000x32xf32, #tpu.memory_space<hbm>> -> memref<50000x32xf32, #tpu.memory_space<hbm>>
      tpu.wait_indirect_dma semaphore(%arg12 : memref<!tpu.dma_semaphore, #tpu.memory_space<semaphore_mem>>) src(%dma_wait3A_1183 : memref<50000x32xf32, #tpu.memory_space<hbm>>) dst(%dma_wait3A_1173 : memref<128x32xf32, #tpu.memory_space<vmem>>)
      %dma_wait3A_1184 = arith.constant 2 : i32
      %dma_wait3A_1185 = arith.constant 256 : i32
      %dma_wait3A_1186 = arith.constant 0 : i32
      %dma_wait3A_1187 = tpu.memref_slice %arg6[%dma_wait3A_1185, %dma_wait3A_1186] : memref<384x32xf32, #tpu.memory_space<vmem>> -> memref<128x32xf32, #tpu.memory_space<vmem>>
      %dma_wait3A_1188 = arith.constant 0 : i32
      %dma_wait3A_1189 = tpu.memref_slice %arg10[%dma_wait3A_1184, %dma_wait3A_1188] : memref<6x128xi32, #tpu.memory_space<vmem>> -> memref<1x128xi32, #tpu.memory_space<vmem>>
      %dma_wait3A_1190 = tpu.memref_squeeze %dma_wait3A_1189 : memref<1x128xi32, #tpu.memory_space<vmem>> -> memref<128xi32, #tpu.memory_space<vmem>>
      %dma_wait3A_1191 = arith.constant 0 : i32
      %dma_wait3A_1192 = arith.constant 0 : i32
      %dma_wait3A_1193 = tpu.memref_slice %arg2[%arg0, %dma_wait3A_1191, %dma_wait3A_1192] : memref<2x50000x32xf32, #tpu.memory_space<hbm>> -> memref<1x50000x32xf32, #tpu.memory_space<hbm>>
      %dma_wait3A_1194 = tpu.memref_squeeze %dma_wait3A_1193 : memref<1x50000x32xf32, #tpu.memory_space<hbm>> -> memref<50000x32xf32, #tpu.memory_space<hbm>>
      %dma_wait3A_1195 = arith.constant 0 : i32
      %dma_wait3A_1196 = arith.constant 0 : i32
      %dma_wait3A_1197 = tpu.memref_slice %dma_wait3A_1194[%dma_wait3A_1195, %dma_wait3A_1196] : memref<50000x32xf32, #tpu.memory_space<hbm>> -> memref<50000x32xf32, #tpu.memory_space<hbm>>
      tpu.wait_indirect_dma semaphore(%arg12 : memref<!tpu.dma_semaphore, #tpu.memory_space<semaphore_mem>>) src(%dma_wait3A_1197 : memref<50000x32xf32, #tpu.memory_space<hbm>>) dst(%dma_wait3A_1187 : memref<128x32xf32, #tpu.memory_space<vmem>>)
      %dma_start3A_1198 = arith.constant 0 : i32
      %dma_start3A_1199 = arith.constant 0 : i32
      %dma_start3A_1200 = arith.constant 0 : i32
      %dma_start3A_1201 = tpu.memref_slice %arg6[%dma_start3A_1199, %dma_start3A_1200] : memref<384x32xf32, #tpu.memory_space<vmem>> -> memref<128x32xf32, #tpu.memory_space<vmem>>
      %dma_start3A_1202 = arith.constant 0 : i32
      %dma_start3A_1203 = tpu.memref_slice %arg11[%dma_start3A_1198, %dma_start3A_1202] : memref<6x128xi32, #tpu.memory_space<vmem>> -> memref<1x128xi32, #tpu.memory_space<vmem>>
      %dma_start3A_1204 = tpu.memref_squeeze %dma_start3A_1203 : memref<1x128xi32, #tpu.memory_space<vmem>> -> memref<128xi32, #tpu.memory_space<vmem>>
      %dma_start3A_1205 = arith.constant 0 : i32
      %dma_start3A_1206 = arith.constant 0 : i32
      %dma_start3A_1207 = tpu.memref_slice %arg5[%dma_start3A_1205, %dma_start3A_1206] : memref<50048x32xf32, #tpu.memory_space<vmem_shared>> -> memref<50048x32xf32, #tpu.memory_space<vmem_shared>>
      tpu.enqueue_indirect_dma source(%dma_start3A_1201 : memref<128x32xf32, #tpu.memory_space<vmem>>) target(%dma_start3A_1207 : memref<50048x32xf32, #tpu.memory_space<vmem_shared>>) offsets(%dma_start3A_1204 : memref<128xi32, #tpu.memory_space<vmem>>) semaphore(%arg13 : memref<!tpu.dma_semaphore, #tpu.memory_space<semaphore_mem>>) {add = true}
      %dma_start3A_1208 = arith.constant 1 : i32
      %dma_start3A_1209 = arith.constant 128 : i32
      %dma_start3A_1210 = arith.constant 0 : i32
      %dma_start3A_1211 = tpu.memref_slice %arg6[%dma_start3A_1209, %dma_start3A_1210] : memref<384x32xf32, #tpu.memory_space<vmem>> -> memref<128x32xf32, #tpu.memory_space<vmem>>
      %dma_start3A_1212 = arith.constant 0 : i32
      %dma_start3A_1213 = tpu.memref_slice %arg11[%dma_start3A_1208, %dma_start3A_1212] : memref<6x128xi32, #tpu.memory_space<vmem>> -> memref<1x128xi32, #tpu.memory_space<vmem>>
      %dma_start3A_1214 = tpu.memref_squeeze %dma_start3A_1213 : memref<1x128xi32, #tpu.memory_space<vmem>> -> memref<128xi32, #tpu.memory_space<vmem>>
      %dma_start3A_1215 = arith.constant 0 : i32
      %dma_start3A_1216 = arith.constant 0 : i32
      %dma_start3A_1217 = tpu.memref_slice %arg5[%dma_start3A_1215, %dma_start3A_1216] : memref<50048x32xf32, #tpu.memory_space<vmem_shared>> -> memref<50048x32xf32, #tpu.memory_space<vmem_shared>>
      tpu.enqueue_indirect_dma source(%dma_start3A_1211 : memref<128x32xf32, #tpu.memory_space<vmem>>) target(%dma_start3A_1217 : memref<50048x32xf32, #tpu.memory_space<vmem_shared>>) offsets(%dma_start3A_1214 : memref<128xi32, #tpu.memory_space<vmem>>) semaphore(%arg13 : memref<!tpu.dma_semaphore, #tpu.memory_space<semaphore_mem>>) {add = true}
      %dma_start3A_1218 = arith.constant 2 : i32
      %dma_start3A_1219 = arith.constant 256 : i32
      %dma_start3A_1220 = arith.constant 0 : i32
      %dma_start3A_1221 = tpu.memref_slice %arg6[%dma_start3A_1219, %dma_start3A_1220] : memref<384x32xf32, #tpu.memory_space<vmem>> -> memref<128x32xf32, #tpu.memory_space<vmem>>
      %dma_start3A_1222 = arith.constant 0 : i32
      %dma_start3A_1223 = tpu.memref_slice %arg11[%dma_start3A_1218, %dma_start3A_1222] : memref<6x128xi32, #tpu.memory_space<vmem>> -> memref<1x128xi32, #tpu.memory_space<vmem>>
      %dma_start3A_1224 = tpu.memref_squeeze %dma_start3A_1223 : memref<1x128xi32, #tpu.memory_space<vmem>> -> memref<128xi32, #tpu.memory_space<vmem>>
      %dma_start3A_1225 = arith.constant 0 : i32
      %dma_start3A_1226 = arith.constant 0 : i32
      %dma_start3A_1227 = tpu.memref_slice %arg5[%dma_start3A_1225, %dma_start3A_1226] : memref<50048x32xf32, #tpu.memory_space<vmem_shared>> -> memref<50048x32xf32, #tpu.memory_space<vmem_shared>>
      tpu.enqueue_indirect_dma source(%dma_start3A_1221 : memref<128x32xf32, #tpu.memory_space<vmem>>) target(%dma_start3A_1227 : memref<50048x32xf32, #tpu.memory_space<vmem_shared>>) offsets(%dma_start3A_1224 : memref<128xi32, #tpu.memory_space<vmem>>) semaphore(%arg13 : memref<!tpu.dma_semaphore, #tpu.memory_space<semaphore_mem>>) {add = true}
      %dma_wait3A_1228 = arith.constant 3 : i32
      %dma_wait3A_1229 = arith.constant 0 : i32
      %dma_wait3A_1230 = arith.constant 0 : i32
      %dma_wait3A_1231 = tpu.memref_slice %arg7[%dma_wait3A_1229, %dma_wait3A_1230] : memref<384x32xf32, #tpu.memory_space<vmem>> -> memref<128x32xf32, #tpu.memory_space<vmem>>
      %dma_wait3A_1232 = arith.constant 0 : i32
      %dma_wait3A_1233 = tpu.memref_slice %arg10[%dma_wait3A_1228, %dma_wait3A_1232] : memref<6x128xi32, #tpu.memory_space<vmem>> -> memref<1x128xi32, #tpu.memory_space<vmem>>
      %dma_wait3A_1234 = tpu.memref_squeeze %dma_wait3A_1233 : memref<1x128xi32, #tpu.memory_space<vmem>> -> memref<128xi32, #tpu.memory_space<vmem>>
      %dma_wait3A_1235 = arith.constant 0 : i32
      %dma_wait3A_1236 = arith.constant 0 : i32
      %dma_wait3A_1237 = tpu.memref_slice %arg2[%arg0, %dma_wait3A_1235, %dma_wait3A_1236] : memref<2x50000x32xf32, #tpu.memory_space<hbm>> -> memref<1x50000x32xf32, #tpu.memory_space<hbm>>
      %dma_wait3A_1238 = tpu.memref_squeeze %dma_wait3A_1237 : memref<1x50000x32xf32, #tpu.memory_space<hbm>> -> memref<50000x32xf32, #tpu.memory_space<hbm>>
      %dma_wait3A_1239 = arith.constant 0 : i32
      %dma_wait3A_1240 = arith.constant 0 : i32
      %dma_wait3A_1241 = tpu.memref_slice %dma_wait3A_1238[%dma_wait3A_1239, %dma_wait3A_1240] : memref<50000x32xf32, #tpu.memory_space<hbm>> -> memref<50000x32xf32, #tpu.memory_space<hbm>>
      tpu.wait_indirect_dma semaphore(%arg12 : memref<!tpu.dma_semaphore, #tpu.memory_space<semaphore_mem>>) src(%dma_wait3A_1241 : memref<50000x32xf32, #tpu.memory_space<hbm>>) dst(%dma_wait3A_1231 : memref<128x32xf32, #tpu.memory_space<vmem>>)
      %dma_wait3A_1242 = arith.constant 4 : i32
      %dma_wait3A_1243 = arith.constant 128 : i32
      %dma_wait3A_1244 = arith.constant 0 : i32
      %dma_wait3A_1245 = tpu.memref_slice %arg7[%dma_wait3A_1243, %dma_wait3A_1244] : memref<384x32xf32, #tpu.memory_space<vmem>> -> memref<128x32xf32, #tpu.memory_space<vmem>>
      %dma_wait3A_1246 = arith.constant 0 : i32
      %dma_wait3A_1247 = tpu.memref_slice %arg10[%dma_wait3A_1242, %dma_wait3A_1246] : memref<6x128xi32, #tpu.memory_space<vmem>> -> memref<1x128xi32, #tpu.memory_space<vmem>>
      %dma_wait3A_1248 = tpu.memref_squeeze %dma_wait3A_1247 : memref<1x128xi32, #tpu.memory_space<vmem>> -> memref<128xi32, #tpu.memory_space<vmem>>
      %dma_wait3A_1249 = arith.constant 0 : i32
      %dma_wait3A_1250 = arith.constant 0 : i32
      %dma_wait3A_1251 = tpu.memref_slice %arg2[%arg0, %dma_wait3A_1249, %dma_wait3A_1250] : memref<2x50000x32xf32, #tpu.memory_space<hbm>> -> memref<1x50000x32xf32, #tpu.memory_space<hbm>>
      %dma_wait3A_1252 = tpu.memref_squeeze %dma_wait3A_1251 : memref<1x50000x32xf32, #tpu.memory_space<hbm>> -> memref<50000x32xf32, #tpu.memory_space<hbm>>
      %dma_wait3A_1253 = arith.constant 0 : i32
      %dma_wait3A_1254 = arith.constant 0 : i32
      %dma_wait3A_1255 = tpu.memref_slice %dma_wait3A_1252[%dma_wait3A_1253, %dma_wait3A_1254] : memref<50000x32xf32, #tpu.memory_space<hbm>> -> memref<50000x32xf32, #tpu.memory_space<hbm>>
      tpu.wait_indirect_dma semaphore(%arg12 : memref<!tpu.dma_semaphore, #tpu.memory_space<semaphore_mem>>) src(%dma_wait3A_1255 : memref<50000x32xf32, #tpu.memory_space<hbm>>) dst(%dma_wait3A_1245 : memref<128x32xf32, #tpu.memory_space<vmem>>)
      %dma_wait3A_1256 = arith.constant 5 : i32
      %dma_wait3A_1257 = arith.constant 256 : i32
      %dma_wait3A_1258 = arith.constant 0 : i32
      %dma_wait3A_1259 = tpu.memref_slice %arg7[%dma_wait3A_1257, %dma_wait3A_1258] : memref<384x32xf32, #tpu.memory_space<vmem>> -> memref<128x32xf32, #tpu.memory_space<vmem>>
      %dma_wait3A_1260 = arith.constant 0 : i32
      %dma_wait3A_1261 = tpu.memref_slice %arg10[%dma_wait3A_1256, %dma_wait3A_1260] : memref<6x128xi32, #tpu.memory_space<vmem>> -> memref<1x128xi32, #tpu.memory_space<vmem>>
      %dma_wait3A_1262 = tpu.memref_squeeze %dma_wait3A_1261 : memref<1x128xi32, #tpu.memory_space<vmem>> -> memref<128xi32, #tpu.memory_space<vmem>>
      %dma_wait3A_1263 = arith.constant 0 : i32
      %dma_wait3A_1264 = arith.constant 0 : i32
      %dma_wait3A_1265 = tpu.memref_slice %arg2[%arg0, %dma_wait3A_1263, %dma_wait3A_1264] : memref<2x50000x32xf32, #tpu.memory_space<hbm>> -> memref<1x50000x32xf32, #tpu.memory_space<hbm>>
      %dma_wait3A_1266 = tpu.memref_squeeze %dma_wait3A_1265 : memref<1x50000x32xf32, #tpu.memory_space<hbm>> -> memref<50000x32xf32, #tpu.memory_space<hbm>>
      %dma_wait3A_1267 = arith.constant 0 : i32
      %dma_wait3A_1268 = arith.constant 0 : i32
      %dma_wait3A_1269 = tpu.memref_slice %dma_wait3A_1266[%dma_wait3A_1267, %dma_wait3A_1268] : memref<50000x32xf32, #tpu.memory_space<hbm>> -> memref<50000x32xf32, #tpu.memory_space<hbm>>
      tpu.wait_indirect_dma semaphore(%arg12 : memref<!tpu.dma_semaphore, #tpu.memory_space<semaphore_mem>>) src(%dma_wait3A_1269 : memref<50000x32xf32, #tpu.memory_space<hbm>>) dst(%dma_wait3A_1259 : memref<128x32xf32, #tpu.memory_space<vmem>>)
      %dma_wait3A_1270 = arith.constant 0 : i32
      %dma_wait3A_1271 = arith.constant 0 : i32
      %dma_wait3A_1272 = arith.constant 0 : i32
      %dma_wait3A_1273 = tpu.memref_slice %arg6[%dma_wait3A_1271, %dma_wait3A_1272] : memref<384x32xf32, #tpu.memory_space<vmem>> -> memref<128x32xf32, #tpu.memory_space<vmem>>
      %dma_wait3A_1274 = arith.constant 0 : i32
      %dma_wait3A_1275 = tpu.memref_slice %arg11[%dma_wait3A_1270, %dma_wait3A_1274] : memref<6x128xi32, #tpu.memory_space<vmem>> -> memref<1x128xi32, #tpu.memory_space<vmem>>
      %dma_wait3A_1276 = tpu.memref_squeeze %dma_wait3A_1275 : memref<1x128xi32, #tpu.memory_space<vmem>> -> memref<128xi32, #tpu.memory_space<vmem>>
      %dma_wait3A_1277 = arith.constant 0 : i32
      %dma_wait3A_1278 = arith.constant 0 : i32
      %dma_wait3A_1279 = tpu.memref_slice %arg5[%dma_wait3A_1277, %dma_wait3A_1278] : memref<50048x32xf32, #tpu.memory_space<vmem_shared>> -> memref<50048x32xf32, #tpu.memory_space<vmem_shared>>
      tpu.wait_indirect_dma semaphore(%arg13 : memref<!tpu.dma_semaphore, #tpu.memory_space<semaphore_mem>>) src(%dma_wait3A_1273 : memref<128x32xf32, #tpu.memory_space<vmem>>) dst(%dma_wait3A_1279 : memref<50048x32xf32, #tpu.memory_space<vmem_shared>>)
      %dma_wait3A_1280 = arith.constant 1 : i32
      %dma_wait3A_1281 = arith.constant 128 : i32
      %dma_wait3A_1282 = arith.constant 0 : i32
      %dma_wait3A_1283 = tpu.memref_slice %arg6[%dma_wait3A_1281, %dma_wait3A_1282] : memref<384x32xf32, #tpu.memory_space<vmem>> -> memref<128x32xf32, #tpu.memory_space<vmem>>
      %dma_wait3A_1284 = arith.constant 0 : i32
      %dma_wait3A_1285 = tpu.memref_slice %arg11[%dma_wait3A_1280, %dma_wait3A_1284] : memref<6x128xi32, #tpu.memory_space<vmem>> -> memref<1x128xi32, #tpu.memory_space<vmem>>
      %dma_wait3A_1286 = tpu.memref_squeeze %dma_wait3A_1285 : memref<1x128xi32, #tpu.memory_space<vmem>> -> memref<128xi32, #tpu.memory_space<vmem>>
      %dma_wait3A_1287 = arith.constant 0 : i32
      %dma_wait3A_1288 = arith.constant 0 : i32
      %dma_wait3A_1289 = tpu.memref_slice %arg5[%dma_wait3A_1287, %dma_wait3A_1288] : memref<50048x32xf32, #tpu.memory_space<vmem_shared>> -> memref<50048x32xf32, #tpu.memory_space<vmem_shared>>
      tpu.wait_indirect_dma semaphore(%arg13 : memref<!tpu.dma_semaphore, #tpu.memory_space<semaphore_mem>>) src(%dma_wait3A_1283 : memref<128x32xf32, #tpu.memory_space<vmem>>) dst(%dma_wait3A_1289 : memref<50048x32xf32, #tpu.memory_space<vmem_shared>>)
      %dma_wait3A_1290 = arith.constant 2 : i32
      %dma_wait3A_1291 = arith.constant 256 : i32
      %dma_wait3A_1292 = arith.constant 0 : i32
      %dma_wait3A_1293 = tpu.memref_slice %arg6[%dma_wait3A_1291, %dma_wait3A_1292] : memref<384x32xf32, #tpu.memory_space<vmem>> -> memref<128x32xf32, #tpu.memory_space<vmem>>
      %dma_wait3A_1294 = arith.constant 0 : i32
      %dma_wait3A_1295 = tpu.memref_slice %arg11[%dma_wait3A_1290, %dma_wait3A_1294] : memref<6x128xi32, #tpu.memory_space<vmem>> -> memref<1x128xi32, #tpu.memory_space<vmem>>
      %dma_wait3A_1296 = tpu.memref_squeeze %dma_wait3A_1295 : memref<1x128xi32, #tpu.memory_space<vmem>> -> memref<128xi32, #tpu.memory_space<vmem>>
      %dma_wait3A_1297 = arith.constant 0 : i32
      %dma_wait3A_1298 = arith.constant 0 : i32
      %dma_wait3A_1299 = tpu.memref_slice %arg5[%dma_wait3A_1297, %dma_wait3A_1298] : memref<50048x32xf32, #tpu.memory_space<vmem_shared>> -> memref<50048x32xf32, #tpu.memory_space<vmem_shared>>
      tpu.wait_indirect_dma semaphore(%arg13 : memref<!tpu.dma_semaphore, #tpu.memory_space<semaphore_mem>>) src(%dma_wait3A_1293 : memref<128x32xf32, #tpu.memory_space<vmem>>) dst(%dma_wait3A_1299 : memref<50048x32xf32, #tpu.memory_space<vmem_shared>>)
      %dma_start3A_1300 = arith.constant 3 : i32
      %dma_start3A_1301 = arith.constant 0 : i32
      %dma_start3A_1302 = arith.constant 0 : i32
      %dma_start3A_1303 = tpu.memref_slice %arg7[%dma_start3A_1301, %dma_start3A_1302] : memref<384x32xf32, #tpu.memory_space<vmem>> -> memref<128x32xf32, #tpu.memory_space<vmem>>
      %dma_start3A_1304 = arith.constant 0 : i32
      %dma_start3A_1305 = tpu.memref_slice %arg11[%dma_start3A_1300, %dma_start3A_1304] : memref<6x128xi32, #tpu.memory_space<vmem>> -> memref<1x128xi32, #tpu.memory_space<vmem>>
      %dma_start3A_1306 = tpu.memref_squeeze %dma_start3A_1305 : memref<1x128xi32, #tpu.memory_space<vmem>> -> memref<128xi32, #tpu.memory_space<vmem>>
      %dma_start3A_1307 = arith.constant 0 : i32
      %dma_start3A_1308 = arith.constant 0 : i32
      %dma_start3A_1309 = tpu.memref_slice %arg5[%dma_start3A_1307, %dma_start3A_1308] : memref<50048x32xf32, #tpu.memory_space<vmem_shared>> -> memref<50048x32xf32, #tpu.memory_space<vmem_shared>>
      tpu.enqueue_indirect_dma source(%dma_start3A_1303 : memref<128x32xf32, #tpu.memory_space<vmem>>) target(%dma_start3A_1309 : memref<50048x32xf32, #tpu.memory_space<vmem_shared>>) offsets(%dma_start3A_1306 : memref<128xi32, #tpu.memory_space<vmem>>) semaphore(%arg14 : memref<!tpu.dma_semaphore, #tpu.memory_space<semaphore_mem>>) {add = true}
      %dma_start3A_1310 = arith.constant 4 : i32
      %dma_start3A_1311 = arith.constant 128 : i32
      %dma_start3A_1312 = arith.constant 0 : i32
      %dma_start3A_1313 = tpu.memref_slice %arg7[%dma_start3A_1311, %dma_start3A_1312] : memref<384x32xf32, #tpu.memory_space<vmem>> -> memref<128x32xf32, #tpu.memory_space<vmem>>
      %dma_start3A_1314 = arith.constant 0 : i32
      %dma_start3A_1315 = tpu.memref_slice %arg11[%dma_start3A_1310, %dma_start3A_1314] : memref<6x128xi32, #tpu.memory_space<vmem>> -> memref<1x128xi32, #tpu.memory_space<vmem>>
      %dma_start3A_1316 = tpu.memref_squeeze %dma_start3A_1315 : memref<1x128xi32, #tpu.memory_space<vmem>> -> memref<128xi32, #tpu.memory_space<vmem>>
      %dma_start3A_1317 = arith.constant 0 : i32
      %dma_start3A_1318 = arith.constant 0 : i32
      %dma_start3A_1319 = tpu.memref_slice %arg5[%dma_start3A_1317, %dma_start3A_1318] : memref<50048x32xf32, #tpu.memory_space<vmem_shared>> -> memref<50048x32xf32, #tpu.memory_space<vmem_shared>>
      tpu.enqueue_indirect_dma source(%dma_start3A_1313 : memref<128x32xf32, #tpu.memory_space<vmem>>) target(%dma_start3A_1319 : memref<50048x32xf32, #tpu.memory_space<vmem_shared>>) offsets(%dma_start3A_1316 : memref<128xi32, #tpu.memory_space<vmem>>) semaphore(%arg14 : memref<!tpu.dma_semaphore, #tpu.memory_space<semaphore_mem>>) {add = true}
      %dma_start3A_1320 = arith.constant 5 : i32
      %dma_start3A_1321 = arith.constant 256 : i32
      %dma_start3A_1322 = arith.constant 0 : i32
      %dma_start3A_1323 = tpu.memref_slice %arg7[%dma_start3A_1321, %dma_start3A_1322] : memref<384x32xf32, #tpu.memory_space<vmem>> -> memref<128x32xf32, #tpu.memory_space<vmem>>
      %dma_start3A_1324 = arith.constant 0 : i32
      %dma_start3A_1325 = tpu.memref_slice %arg11[%dma_start3A_1320, %dma_start3A_1324] : memref<6x128xi32, #tpu.memory_space<vmem>> -> memref<1x128xi32, #tpu.memory_space<vmem>>
      %dma_start3A_1326 = tpu.memref_squeeze %dma_start3A_1325 : memref<1x128xi32, #tpu.memory_space<vmem>> -> memref<128xi32, #tpu.memory_space<vmem>>
      %dma_start3A_1327 = arith.constant 0 : i32
      %dma_start3A_1328 = arith.constant 0 : i32
      %dma_start3A_1329 = tpu.memref_slice %arg5[%dma_start3A_1327, %dma_start3A_1328] : memref<50048x32xf32, #tpu.memory_space<vmem_shared>> -> memref<50048x32xf32, #tpu.memory_space<vmem_shared>>
      tpu.enqueue_indirect_dma source(%dma_start3A_1323 : memref<128x32xf32, #tpu.memory_space<vmem>>) target(%dma_start3A_1329 : memref<50048x32xf32, #tpu.memory_space<vmem_shared>>) offsets(%dma_start3A_1326 : memref<128xi32, #tpu.memory_space<vmem>>) semaphore(%arg14 : memref<!tpu.dma_semaphore, #tpu.memory_space<semaphore_mem>>) {add = true}
    }
    %scan3A_242 = arith.constant 33 : i32
    %mul3A_243 = arith.constant 396 : i32
    %mul3A_244 = arith.muli %arg1, %mul3A_243 : i32
    %add3A_245 = arith.constant 396 : i32
    %add3A_246 = arith.addi %mul3A_244, %add3A_245 : i32
    %dma_wait3A_247 = arith.constant 0 : i32
    %dma_wait3A_248 = arith.constant 0 : i32
    %dma_wait3A_249 = arith.constant 0 : i32
    %dma_wait3A_250 = tpu.memref_slice %arg3[%dma_wait3A_247, %dma_wait3A_248, %dma_wait3A_249] : memref<4x6344x128xi32, #tpu.memory_space<hbm>> -> memref<1x6344x128xi32, #tpu.memory_space<hbm>>
    %dma_wait3A_251 = tpu.memref_squeeze %dma_wait3A_250 : memref<1x6344x128xi32, #tpu.memory_space<hbm>> -> memref<6344x128xi32, #tpu.memory_space<hbm>>
    %dma_wait3A_252 = arith.constant 0 : i32
    %dma_wait3A_253 = tpu.memref_slice %dma_wait3A_251[%add3A_246, %dma_wait3A_252] : memref<6344x128xi32, #tpu.memory_space<hbm>> -> memref<6x128xi32, #tpu.memory_space<hbm>>
    %dma_wait3A_254 = arith.constant 0 : i32
    %dma_wait3A_255 = arith.constant 0 : i32
    %dma_wait3A_256 = tpu.memref_slice %arg3[%dma_wait3A_247, %dma_wait3A_254, %dma_wait3A_255] : memref<4x6344x128xi32, #tpu.memory_space<hbm>> -> memref<1x6344x128xi32, #tpu.memory_space<hbm>>
    %dma_wait3A_257 = tpu.memref_squeeze %dma_wait3A_256 : memref<1x6344x128xi32, #tpu.memory_space<hbm>> -> memref<6344x128xi32, #tpu.memory_space<hbm>>
    %dma_wait3A_258 = arith.constant 0 : i32
    %dma_wait3A_259 = tpu.memref_slice %dma_wait3A_257[%add3A_246, %dma_wait3A_258] : memref<6344x128xi32, #tpu.memory_space<hbm>> -> memref<6x128xi32, #tpu.memory_space<hbm>>
    tpu.wait_dma2 semaphore(%arg15 : memref<!tpu.dma_semaphore, #tpu.memory_space<semaphore_mem>>) src(%dma_wait3A_259 : memref<6x128xi32, #tpu.memory_space<hbm>>) dst(%arg8 : memref<6x128xi32, #tpu.memory_space<vmem>>)
    %mul3A_260 = arith.constant 396 : i32
    %mul3A_261 = arith.muli %arg1, %mul3A_260 : i32
    %add3A_262 = arith.constant 396 : i32
    %add3A_263 = arith.addi %mul3A_261, %add3A_262 : i32
    %dma_wait3A_264 = arith.constant 2 : i32
    %dma_wait3A_265 = arith.constant 0 : i32
    %dma_wait3A_266 = arith.constant 0 : i32
    %dma_wait3A_267 = tpu.memref_slice %arg3[%dma_wait3A_264, %dma_wait3A_265, %dma_wait3A_266] : memref<4x6344x128xi32, #tpu.memory_space<hbm>> -> memref<1x6344x128xi32, #tpu.memory_space<hbm>>
    %dma_wait3A_268 = tpu.memref_squeeze %dma_wait3A_267 : memref<1x6344x128xi32, #tpu.memory_space<hbm>> -> memref<6344x128xi32, #tpu.memory_space<hbm>>
    %dma_wait3A_269 = arith.constant 0 : i32
    %dma_wait3A_270 = tpu.memref_slice %dma_wait3A_268[%add3A_263, %dma_wait3A_269] : memref<6344x128xi32, #tpu.memory_space<hbm>> -> memref<6x128xi32, #tpu.memory_space<hbm>>
    %dma_wait3A_271 = arith.constant 0 : i32
    %dma_wait3A_272 = arith.constant 0 : i32
    %dma_wait3A_273 = tpu.memref_slice %arg3[%dma_wait3A_264, %dma_wait3A_271, %dma_wait3A_272] : memref<4x6344x128xi32, #tpu.memory_space<hbm>> -> memref<1x6344x128xi32, #tpu.memory_space<hbm>>
    %dma_wait3A_274 = tpu.memref_squeeze %dma_wait3A_273 : memref<1x6344x128xi32, #tpu.memory_space<hbm>> -> memref<6344x128xi32, #tpu.memory_space<hbm>>
    %dma_wait3A_275 = arith.constant 0 : i32
    %dma_wait3A_276 = tpu.memref_slice %dma_wait3A_274[%add3A_263, %dma_wait3A_275] : memref<6344x128xi32, #tpu.memory_space<hbm>> -> memref<6x128xi32, #tpu.memory_space<hbm>>
    tpu.wait_dma2 semaphore(%arg15 : memref<!tpu.dma_semaphore, #tpu.memory_space<semaphore_mem>>) src(%dma_wait3A_276 : memref<6x128xi32, #tpu.memory_space<hbm>>) dst(%arg9 : memref<6x128xi32, #tpu.memory_space<vmem>>)
    %dma_wait3A_277 = arith.constant 3 : i32
    %dma_wait3A_278 = arith.constant 0 : i32
    %dma_wait3A_279 = arith.constant 0 : i32
    %dma_wait3A_280 = tpu.memref_slice %arg7[%dma_wait3A_278, %dma_wait3A_279] : memref<384x32xf32, #tpu.memory_space<vmem>> -> memref<128x32xf32, #tpu.memory_space<vmem>>
    %dma_wait3A_281 = arith.constant 0 : i32
    %dma_wait3A_282 = tpu.memref_slice %arg11[%dma_wait3A_277, %dma_wait3A_281] : memref<6x128xi32, #tpu.memory_space<vmem>> -> memref<1x128xi32, #tpu.memory_space<vmem>>
    %dma_wait3A_283 = tpu.memref_squeeze %dma_wait3A_282 : memref<1x128xi32, #tpu.memory_space<vmem>> -> memref<128xi32, #tpu.memory_space<vmem>>
    %dma_wait3A_284 = arith.constant 0 : i32
    %dma_wait3A_285 = arith.constant 0 : i32
    %dma_wait3A_286 = tpu.memref_slice %arg5[%dma_wait3A_284, %dma_wait3A_285] : memref<50048x32xf32, #tpu.memory_space<vmem_shared>> -> memref<50048x32xf32, #tpu.memory_space<vmem_shared>>
    tpu.wait_indirect_dma semaphore(%arg14 : memref<!tpu.dma_semaphore, #tpu.memory_space<semaphore_mem>>) src(%dma_wait3A_280 : memref<128x32xf32, #tpu.memory_space<vmem>>) dst(%dma_wait3A_286 : memref<50048x32xf32, #tpu.memory_space<vmem_shared>>)
    %dma_wait3A_287 = arith.constant 4 : i32
    %dma_wait3A_288 = arith.constant 128 : i32
    %dma_wait3A_289 = arith.constant 0 : i32
    %dma_wait3A_290 = tpu.memref_slice %arg7[%dma_wait3A_288, %dma_wait3A_289] : memref<384x32xf32, #tpu.memory_space<vmem>> -> memref<128x32xf32, #tpu.memory_space<vmem>>
    %dma_wait3A_291 = arith.constant 0 : i32
    %dma_wait3A_292 = tpu.memref_slice %arg11[%dma_wait3A_287, %dma_wait3A_291] : memref<6x128xi32, #tpu.memory_space<vmem>> -> memref<1x128xi32, #tpu.memory_space<vmem>>
    %dma_wait3A_293 = tpu.memref_squeeze %dma_wait3A_292 : memref<1x128xi32, #tpu.memory_space<vmem>> -> memref<128xi32, #tpu.memory_space<vmem>>
    %dma_wait3A_294 = arith.constant 0 : i32
    %dma_wait3A_295 = arith.constant 0 : i32
    %dma_wait3A_296 = tpu.memref_slice %arg5[%dma_wait3A_294, %dma_wait3A_295] : memref<50048x32xf32, #tpu.memory_space<vmem_shared>> -> memref<50048x32xf32, #tpu.memory_space<vmem_shared>>
    tpu.wait_indirect_dma semaphore(%arg14 : memref<!tpu.dma_semaphore, #tpu.memory_space<semaphore_mem>>) src(%dma_wait3A_290 : memref<128x32xf32, #tpu.memory_space<vmem>>) dst(%dma_wait3A_296 : memref<50048x32xf32, #tpu.memory_space<vmem_shared>>)
    %dma_wait3A_297 = arith.constant 5 : i32
    %dma_wait3A_298 = arith.constant 256 : i32
    %dma_wait3A_299 = arith.constant 0 : i32
    %dma_wait3A_300 = tpu.memref_slice %arg7[%dma_wait3A_298, %dma_wait3A_299] : memref<384x32xf32, #tpu.memory_space<vmem>> -> memref<128x32xf32, #tpu.memory_space<vmem>>
    %dma_wait3A_301 = arith.constant 0 : i32
    %dma_wait3A_302 = tpu.memref_slice %arg11[%dma_wait3A_297, %dma_wait3A_301] : memref<6x128xi32, #tpu.memory_space<vmem>> -> memref<1x128xi32, #tpu.memory_space<vmem>>
    %dma_wait3A_303 = tpu.memref_squeeze %dma_wait3A_302 : memref<1x128xi32, #tpu.memory_space<vmem>> -> memref<128xi32, #tpu.memory_space<vmem>>
    %dma_wait3A_304 = arith.constant 0 : i32
    %dma_wait3A_305 = arith.constant 0 : i32
    %dma_wait3A_306 = tpu.memref_slice %arg5[%dma_wait3A_304, %dma_wait3A_305] : memref<50048x32xf32, #tpu.memory_space<vmem_shared>> -> memref<50048x32xf32, #tpu.memory_space<vmem_shared>>
    tpu.wait_indirect_dma semaphore(%arg14 : memref<!tpu.dma_semaphore, #tpu.memory_space<semaphore_mem>>) src(%dma_wait3A_300 : memref<128x32xf32, #tpu.memory_space<vmem>>) dst(%dma_wait3A_306 : memref<50048x32xf32, #tpu.memory_space<vmem_shared>>)
    %barrier3A_307 = arith.constant 0 : index
    tpu.barrier barrier_id(%barrier3A_307)
    %scan3A_308 = arith.constant 0 : i32
    %scan3A_309 = arith.constant 0 : i32
    %scan3A_310 = arith.constant 384 : i32
    %scan3A_311 = arith.addi %scan3A_309, %scan3A_310 : i32
    %scan3A_312 = arith.constant 1 : i32
    scf.for %scan3A_637 = %scan3A_309 to %scan3A_311 step %scan3A_312  : i32 {
      %broadcast_in_dim3A = arith.constant 0.000000e+00 : f32
      %broadcast_in_dim3A_638 = vector.broadcast %broadcast_in_dim3A : f32 to vector<16xf32>
      %swap3A = arith.index_cast %scan3A_637 : i32 to index
      %swap3A_639 = arith.constant 0 : index
      %swap3A_640 = tpu.vector_load %arg6[%swap3A, %swap3A_639] {strides = array<i32>} : memref<384x32xf32, #tpu.memory_space<vmem>>, vector<1x16xf32>,
      %swap3A_641 = vector.shape_cast %swap3A_640 : vector<1x16xf32> to vector<16xf32>
      %swap3A_642 = vector.shape_cast %broadcast_in_dim3A_638 : vector<16xf32> to vector<1x16xf32>
      tpu.vector_store %arg6[%swap3A, %swap3A_639], %swap3A_642 {strides = array<i32>} : memref<384x32xf32, #tpu.memory_space<vmem>>, vector<1x16xf32>,
      %broadcast_in_dim3A_643 = arith.constant 0.000000e+00 : f32
      %broadcast_in_dim3A_644 = vector.broadcast %broadcast_in_dim3A_643 : f32 to vector<16xf32>
      %swap3A_645 = arith.index_cast %scan3A_637 : i32 to index
      %swap3A_646 = arith.constant 16 : index
      %swap3A_647 = tpu.vector_load %arg6[%swap3A_645, %swap3A_646] {strides = array<i32>} : memref<384x32xf32, #tpu.memory_space<vmem>>, vector<1x16xf32>,
      %swap3A_648 = vector.shape_cast %swap3A_647 : vector<1x16xf32> to vector<16xf32>
      %swap3A_649 = vector.shape_cast %broadcast_in_dim3A_644 : vector<16xf32> to vector<1x16xf32>
      tpu.vector_store %arg6[%swap3A_645, %swap3A_646], %swap3A_649 {strides = array<i32>} : memref<384x32xf32, #tpu.memory_space<vmem>>, vector<1x16xf32>,
    }
    %scan3A_313 = arith.constant 384 : i32
    %mul3A_314 = arith.constant 3128 : i32
    %mul3A_315 = arith.muli %arg1, %mul3A_314 : i32
    %mul3A_316 = arith.constant 50048 : i32
    %mul3A_317 = arith.muli %arg0, %mul3A_316 : i32
    %mul3A_318 = arith.constant 3128 : i32
    %mul3A_319 = arith.muli %arg1, %mul3A_318 : i32
    %add3A_320 = arith.addi %mul3A_317, %mul3A_319 : i32
    %run_scoped3A = arith.constant 0 : i32
    "tpu.region"() ({
      %run_scoped3A_637 = tpu.sem_alloc : memref<!tpu.dma_semaphore, #tpu.memory_space<semaphore_mem>>
      %dma_start3A_638 = arith.constant 0 : i32
      %dma_start3A_639 = arith.constant 0 : i32
      %dma_start3A_640 = tpu.memref_slice %arg4[%run_scoped3A, %dma_start3A_638, %dma_start3A_639] : memref<2x100096x32xf32, #tpu.memory_space<hbm>> -> memref<1x100096x32xf32, #tpu.memory_space<hbm>>
      %dma_start3A_641 = tpu.memref_squeeze %dma_start3A_640 : memref<1x100096x32xf32, #tpu.memory_space<hbm>> -> memref<100096x32xf32, #tpu.memory_space<hbm>>
      %dma_start3A_642 = arith.constant 0 : i32
      %dma_start3A_643 = tpu.memref_slice %dma_start3A_641[%add3A_320, %dma_start3A_642] : memref<100096x32xf32, #tpu.memory_space<hbm>> -> memref<3128x32xf32, #tpu.memory_space<hbm>>
      %dma_start3A_644 = arith.constant 0 : i32
      %dma_start3A_645 = tpu.memref_slice %arg5[%mul3A_315, %dma_start3A_644] : memref<50048x32xf32, #tpu.memory_space<vmem_shared>> -> memref<3128x32xf32, #tpu.memory_space<vmem_shared>>
      tpu.enqueue_dma source(%dma_start3A_645 : memref<3128x32xf32, #tpu.memory_space<vmem_shared>>) target(%dma_start3A_643 : memref<3128x32xf32, #tpu.memory_space<hbm>>) target_semaphore(%run_scoped3A_637 : memref<!tpu.dma_semaphore, #tpu.memory_space<semaphore_mem>>)
      %dma_wait3A_646 = arith.constant 0 : i32
      %dma_wait3A_647 = arith.constant 0 : i32
      %dma_wait3A_648 = tpu.memref_slice %arg4[%run_scoped3A, %dma_wait3A_646, %dma_wait3A_647] : memref<2x100096x32xf32, #tpu.memory_space<hbm>> -> memref<1x100096x32xf32, #tpu.memory_space<hbm>>
      %dma_wait3A_649 = tpu.memref_squeeze %dma_wait3A_648 : memref<1x100096x32xf32, #tpu.memory_space<hbm>> -> memref<100096x32xf32, #tpu.memory_space<hbm>>
      %dma_wait3A_650 = arith.constant 0 : i32
      %dma_wait3A_651 = tpu.memref_slice %dma_wait3A_649[%add3A_320, %dma_wait3A_650] : memref<100096x32xf32, #tpu.memory_space<hbm>> -> memref<3128x32xf32, #tpu.memory_space<hbm>>
      %dma_wait3A_652 = arith.constant 0 : i32
      %dma_wait3A_653 = tpu.memref_slice %arg5[%mul3A_315, %dma_wait3A_652] : memref<50048x32xf32, #tpu.memory_space<vmem_shared>> -> memref<3128x32xf32, #tpu.memory_space<vmem_shared>>
      tpu.wait_dma2 semaphore(%run_scoped3A_637 : memref<!tpu.dma_semaphore, #tpu.memory_space<semaphore_mem>>) src(%dma_wait3A_653 : memref<3128x32xf32, #tpu.memory_space<vmem_shared>>) dst(%dma_wait3A_651 : memref<3128x32xf32, #tpu.memory_space<hbm>>)
      tpu.yield
    }) : () -> ()
    %mul3A_321 = arith.constant 3128 : i32
    %mul3A_322 = arith.muli %arg1, %mul3A_321 : i32
    %add3A_323 = arith.constant 0 : i32
    %add3A_324 = arith.addi %mul3A_322, %add3A_323 : i32
    %dma_start3A_325 = arith.constant 0 : i32
    %dma_start3A_326 = arith.constant 0 : i32
    %dma_start3A_327 = tpu.memref_slice %arg6[%dma_start3A_325, %dma_start3A_326] : memref<384x32xf32, #tpu.memory_space<vmem>> -> memref<384x32xf32, #tpu.memory_space<vmem>>
    %dma_start3A_328 = arith.constant 0 : i32
    %dma_start3A_329 = tpu.memref_slice %arg5[%add3A_324, %dma_start3A_328] : memref<50048x32xf32, #tpu.memory_space<vmem_shared>> -> memref<384x32xf32, #tpu.memory_space<vmem_shared>>
    %dma_start3A_330 = arith.constant 0 : i32
    %dma_start3A_331 = tpu.memref_slice %arg5[%add3A_324, %dma_start3A_330] : memref<50048x32xf32, #tpu.memory_space<vmem_shared>> -> memref<384x32xf32, #tpu.memory_space<vmem_shared>>
    %dma_start3A_332 = arith.constant 0 : i32
    %dma_start3A_333 = arith.constant 0 : i32
    %dma_start3A_334 = tpu.memref_slice %arg6[%dma_start3A_332, %dma_start3A_333] : memref<384x32xf32, #tpu.memory_space<vmem>> -> memref<384x32xf32, #tpu.memory_space<vmem>>
    tpu.enqueue_dma source(%dma_start3A_334 : memref<384x32xf32, #tpu.memory_space<vmem>>) target(%dma_start3A_331 : memref<384x32xf32, #tpu.memory_space<vmem_shared>>) target_semaphore(%arg12 : memref<!tpu.dma_semaphore, #tpu.memory_space<semaphore_mem>>)
    %add3A_335 = arith.constant 384 : i32
    %add3A_336 = arith.addi %mul3A_322, %add3A_335 : i32
    %dma_start3A_337 = arith.constant 0 : i32
    %dma_start3A_338 = arith.constant 0 : i32
    %dma_start3A_339 = tpu.memref_slice %arg6[%dma_start3A_337, %dma_start3A_338] : memref<384x32xf32, #tpu.memory_space<vmem>> -> memref<384x32xf32, #tpu.memory_space<vmem>>
    %dma_start3A_340 = arith.constant 0 : i32
    %dma_start3A_341 = tpu.memref_slice %arg5[%add3A_336, %dma_start3A_340] : memref<50048x32xf32, #tpu.memory_space<vmem_shared>> -> memref<384x32xf32, #tpu.memory_space<vmem_shared>>
    %dma_start3A_342 = arith.constant 0 : i32
    %dma_start3A_343 = tpu.memref_slice %arg5[%add3A_336, %dma_start3A_342] : memref<50048x32xf32, #tpu.memory_space<vmem_shared>> -> memref<384x32xf32, #tpu.memory_space<vmem_shared>>
    %dma_start3A_344 = arith.constant 0 : i32
    %dma_start3A_345 = arith.constant 0 : i32
    %dma_start3A_346 = tpu.memref_slice %arg6[%dma_start3A_344, %dma_start3A_345] : memref<384x32xf32, #tpu.memory_space<vmem>> -> memref<384x32xf32, #tpu.memory_space<vmem>>
    tpu.enqueue_dma source(%dma_start3A_346 : memref<384x32xf32, #tpu.memory_space<vmem>>) target(%dma_start3A_343 : memref<384x32xf32, #tpu.memory_space<vmem_shared>>) target_semaphore(%arg12 : memref<!tpu.dma_semaphore, #tpu.memory_space<semaphore_mem>>)
    %add3A_347 = arith.constant 768 : i32
    %add3A_348 = arith.addi %mul3A_322, %add3A_347 : i32
    %dma_start3A_349 = arith.constant 0 : i32
    %dma_start3A_350 = arith.constant 0 : i32
    %dma_start3A_351 = tpu.memref_slice %arg6[%dma_start3A_349, %dma_start3A_350] : memref<384x32xf32, #tpu.memory_space<vmem>> -> memref<384x32xf32, #tpu.memory_space<vmem>>
    %dma_start3A_352 = arith.constant 0 : i32
    %dma_start3A_353 = tpu.memref_slice %arg5[%add3A_348, %dma_start3A_352] : memref<50048x32xf32, #tpu.memory_space<vmem_shared>> -> memref<384x32xf32, #tpu.memory_space<vmem_shared>>
    %dma_start3A_354 = arith.constant 0 : i32
    %dma_start3A_355 = tpu.memref_slice %arg5[%add3A_348, %dma_start3A_354] : memref<50048x32xf32, #tpu.memory_space<vmem_shared>> -> memref<384x32xf32, #tpu.memory_space<vmem_shared>>
    %dma_start3A_356 = arith.constant 0 : i32
    %dma_start3A_357 = arith.constant 0 : i32
    %dma_start3A_358 = tpu.memref_slice %arg6[%dma_start3A_356, %dma_start3A_357] : memref<384x32xf32, #tpu.memory_space<vmem>> -> memref<384x32xf32, #tpu.memory_space<vmem>>
    tpu.enqueue_dma source(%dma_start3A_358 : memref<384x32xf32, #tpu.memory_space<vmem>>) target(%dma_start3A_355 : memref<384x32xf32, #tpu.memory_space<vmem_shared>>) target_semaphore(%arg12 : memref<!tpu.dma_semaphore, #tpu.memory_space<semaphore_mem>>)
    %add3A_359 = arith.constant 1152 : i32
    %add3A_360 = arith.addi %mul3A_322, %add3A_359 : i32
    %dma_start3A_361 = arith.constant 0 : i32
    %dma_start3A_362 = arith.constant 0 : i32
    %dma_start3A_363 = tpu.memref_slice %arg6[%dma_start3A_361, %dma_start3A_362] : memref<384x32xf32, #tpu.memory_space<vmem>> -> memref<384x32xf32, #tpu.memory_space<vmem>>
    %dma_start3A_364 = arith.constant 0 : i32
    %dma_start3A_365 = tpu.memref_slice %arg5[%add3A_360, %dma_start3A_364] : memref<50048x32xf32, #tpu.memory_space<vmem_shared>> -> memref<384x32xf32, #tpu.memory_space<vmem_shared>>
    %dma_start3A_366 = arith.constant 0 : i32
    %dma_start3A_367 = tpu.memref_slice %arg5[%add3A_360, %dma_start3A_366] : memref<50048x32xf32, #tpu.memory_space<vmem_shared>> -> memref<384x32xf32, #tpu.memory_space<vmem_shared>>
    %dma_start3A_368 = arith.constant 0 : i32
    %dma_start3A_369 = arith.constant 0 : i32
    %dma_start3A_370 = tpu.memref_slice %arg6[%dma_start3A_368, %dma_start3A_369] : memref<384x32xf32, #tpu.memory_space<vmem>> -> memref<384x32xf32, #tpu.memory_space<vmem>>
    tpu.enqueue_dma source(%dma_start3A_370 : memref<384x32xf32, #tpu.memory_space<vmem>>) target(%dma_start3A_367 : memref<384x32xf32, #tpu.memory_space<vmem_shared>>) target_semaphore(%arg12 : memref<!tpu.dma_semaphore, #tpu.memory_space<semaphore_mem>>)
    %add3A_371 = arith.constant 1536 : i32
    %add3A_372 = arith.addi %mul3A_322, %add3A_371 : i32
    %dma_start3A_373 = arith.constant 0 : i32
    %dma_start3A_374 = arith.constant 0 : i32
    %dma_start3A_375 = tpu.memref_slice %arg6[%dma_start3A_373, %dma_start3A_374] : memref<384x32xf32, #tpu.memory_space<vmem>> -> memref<384x32xf32, #tpu.memory_space<vmem>>
    %dma_start3A_376 = arith.constant 0 : i32
    %dma_start3A_377 = tpu.memref_slice %arg5[%add3A_372, %dma_start3A_376] : memref<50048x32xf32, #tpu.memory_space<vmem_shared>> -> memref<384x32xf32, #tpu.memory_space<vmem_shared>>
    %dma_start3A_378 = arith.constant 0 : i32
    %dma_start3A_379 = tpu.memref_slice %arg5[%add3A_372, %dma_start3A_378] : memref<50048x32xf32, #tpu.memory_space<vmem_shared>> -> memref<384x32xf32, #tpu.memory_space<vmem_shared>>
    %dma_start3A_380 = arith.constant 0 : i32
    %dma_start3A_381 = arith.constant 0 : i32
    %dma_start3A_382 = tpu.memref_slice %arg6[%dma_start3A_380, %dma_start3A_381] : memref<384x32xf32, #tpu.memory_space<vmem>> -> memref<384x32xf32, #tpu.memory_space<vmem>>
    tpu.enqueue_dma source(%dma_start3A_382 : memref<384x32xf32, #tpu.memory_space<vmem>>) target(%dma_start3A_379 : memref<384x32xf32, #tpu.memory_space<vmem_shared>>) target_semaphore(%arg12 : memref<!tpu.dma_semaphore, #tpu.memory_space<semaphore_mem>>)
    %add3A_383 = arith.constant 1920 : i32
    %add3A_384 = arith.addi %mul3A_322, %add3A_383 : i32
    %dma_start3A_385 = arith.constant 0 : i32
    %dma_start3A_386 = arith.constant 0 : i32
    %dma_start3A_387 = tpu.memref_slice %arg6[%dma_start3A_385, %dma_start3A_386] : memref<384x32xf32, #tpu.memory_space<vmem>> -> memref<384x32xf32, #tpu.memory_space<vmem>>
    %dma_start3A_388 = arith.constant 0 : i32
    %dma_start3A_389 = tpu.memref_slice %arg5[%add3A_384, %dma_start3A_388] : memref<50048x32xf32, #tpu.memory_space<vmem_shared>> -> memref<384x32xf32, #tpu.memory_space<vmem_shared>>
    %dma_start3A_390 = arith.constant 0 : i32
    %dma_start3A_391 = tpu.memref_slice %arg5[%add3A_384, %dma_start3A_390] : memref<50048x32xf32, #tpu.memory_space<vmem_shared>> -> memref<384x32xf32, #tpu.memory_space<vmem_shared>>
    %dma_start3A_392 = arith.constant 0 : i32
    %dma_start3A_393 = arith.constant 0 : i32
    %dma_start3A_394 = tpu.memref_slice %arg6[%dma_start3A_392, %dma_start3A_393] : memref<384x32xf32, #tpu.memory_space<vmem>> -> memref<384x32xf32, #tpu.memory_space<vmem>>
    tpu.enqueue_dma source(%dma_start3A_394 : memref<384x32xf32, #tpu.memory_space<vmem>>) target(%dma_start3A_391 : memref<384x32xf32, #tpu.memory_space<vmem_shared>>) target_semaphore(%arg12 : memref<!tpu.dma_semaphore, #tpu.memory_space<semaphore_mem>>)
    %add3A_395 = arith.constant 2304 : i32
    %add3A_396 = arith.addi %mul3A_322, %add3A_395 : i32
    %dma_start3A_397 = arith.constant 0 : i32
    %dma_start3A_398 = arith.constant 0 : i32
    %dma_start3A_399 = tpu.memref_slice %arg6[%dma_start3A_397, %dma_start3A_398] : memref<384x32xf32, #tpu.memory_space<vmem>> -> memref<384x32xf32, #tpu.memory_space<vmem>>
    %dma_start3A_400 = arith.constant 0 : i32
    %dma_start3A_401 = tpu.memref_slice %arg5[%add3A_396, %dma_start3A_400] : memref<50048x32xf32, #tpu.memory_space<vmem_shared>> -> memref<384x32xf32, #tpu.memory_space<vmem_shared>>
    %dma_start3A_402 = arith.constant 0 : i32
    %dma_start3A_403 = tpu.memref_slice %arg5[%add3A_396, %dma_start3A_402] : memref<50048x32xf32, #tpu.memory_space<vmem_shared>> -> memref<384x32xf32, #tpu.memory_space<vmem_shared>>
    %dma_start3A_404 = arith.constant 0 : i32
    %dma_start3A_405 = arith.constant 0 : i32
    %dma_start3A_406 = tpu.memref_slice %arg6[%dma_start3A_404, %dma_start3A_405] : memref<384x32xf32, #tpu.memory_space<vmem>> -> memref<384x32xf32, #tpu.memory_space<vmem>>
    tpu.enqueue_dma source(%dma_start3A_406 : memref<384x32xf32, #tpu.memory_space<vmem>>) target(%dma_start3A_403 : memref<384x32xf32, #tpu.memory_space<vmem_shared>>) target_semaphore(%arg12 : memref<!tpu.dma_semaphore, #tpu.memory_space<semaphore_mem>>)
    %add3A_407 = arith.constant 2688 : i32
    %add3A_408 = arith.addi %mul3A_322, %add3A_407 : i32
    %dma_start3A_409 = arith.constant 0 : i32
    %dma_start3A_410 = arith.constant 0 : i32
    %dma_start3A_411 = tpu.memref_slice %arg6[%dma_start3A_409, %dma_start3A_410] : memref<384x32xf32, #tpu.memory_space<vmem>> -> memref<384x32xf32, #tpu.memory_space<vmem>>
    %dma_start3A_412 = arith.constant 0 : i32
    %dma_start3A_413 = tpu.memref_slice %arg5[%add3A_408, %dma_start3A_412] : memref<50048x32xf32, #tpu.memory_space<vmem_shared>> -> memref<384x32xf32, #tpu.memory_space<vmem_shared>>
    %dma_start3A_414 = arith.constant 0 : i32
    %dma_start3A_415 = tpu.memref_slice %arg5[%add3A_408, %dma_start3A_414] : memref<50048x32xf32, #tpu.memory_space<vmem_shared>> -> memref<384x32xf32, #tpu.memory_space<vmem_shared>>
    %dma_start3A_416 = arith.constant 0 : i32
    %dma_start3A_417 = arith.constant 0 : i32
    %dma_start3A_418 = tpu.memref_slice %arg6[%dma_start3A_416, %dma_start3A_417] : memref<384x32xf32, #tpu.memory_space<vmem>> -> memref<384x32xf32, #tpu.memory_space<vmem>>
    tpu.enqueue_dma source(%dma_start3A_418 : memref<384x32xf32, #tpu.memory_space<vmem>>) target(%dma_start3A_415 : memref<384x32xf32, #tpu.memory_space<vmem_shared>>) target_semaphore(%arg12 : memref<!tpu.dma_semaphore, #tpu.memory_space<semaphore_mem>>)
    %add3A_419 = arith.constant 3072 : i32
    %add3A_420 = arith.addi %mul3A_322, %add3A_419 : i32
    %dma_start3A_421 = arith.constant 0 : i32
    %dma_start3A_422 = arith.constant 0 : i32
    %dma_start3A_423 = tpu.memref_slice %arg6[%dma_start3A_421, %dma_start3A_422] : memref<384x32xf32, #tpu.memory_space<vmem>> -> memref<56x32xf32, #tpu.memory_space<vmem>>
    %dma_start3A_424 = arith.constant 0 : i32
    %dma_start3A_425 = tpu.memref_slice %arg5[%add3A_420, %dma_start3A_424] : memref<50048x32xf32, #tpu.memory_space<vmem_shared>> -> memref<56x32xf32, #tpu.memory_space<vmem_shared>>
    %dma_start3A_426 = arith.constant 0 : i32
    %dma_start3A_427 = tpu.memref_slice %arg5[%add3A_420, %dma_start3A_426] : memref<50048x32xf32, #tpu.memory_space<vmem_shared>> -> memref<56x32xf32, #tpu.memory_space<vmem_shared>>
    %dma_start3A_428 = arith.constant 0 : i32
    %dma_start3A_429 = arith.constant 0 : i32
    %dma_start3A_430 = tpu.memref_slice %arg6[%dma_start3A_428, %dma_start3A_429] : memref<384x32xf32, #tpu.memory_space<vmem>> -> memref<56x32xf32, #tpu.memory_space<vmem>>
    tpu.enqueue_dma source(%dma_start3A_430 : memref<56x32xf32, #tpu.memory_space<vmem>>) target(%dma_start3A_427 : memref<56x32xf32, #tpu.memory_space<vmem_shared>>) target_semaphore(%arg12 : memref<!tpu.dma_semaphore, #tpu.memory_space<semaphore_mem>>)
    %dma_wait3A_431 = arith.constant 0 : i32
    %dma_wait3A_432 = arith.constant 0 : i32
    %dma_wait3A_433 = tpu.memref_slice %arg6[%dma_wait3A_431, %dma_wait3A_432] : memref<384x32xf32, #tpu.memory_space<vmem>> -> memref<384x32xf32, #tpu.memory_space<vmem>>
    %dma_wait3A_434 = arith.constant 0 : i32
    %dma_wait3A_435 = tpu.memref_slice %arg5[%add3A_324, %dma_wait3A_434] : memref<50048x32xf32, #tpu.memory_space<vmem_shared>> -> memref<384x32xf32, #tpu.memory_space<vmem_shared>>
    %dma_wait3A_436 = arith.constant 0 : i32
    %dma_wait3A_437 = tpu.memref_slice %arg5[%add3A_324, %dma_wait3A_436] : memref<50048x32xf32, #tpu.memory_space<vmem_shared>> -> memref<384x32xf32, #tpu.memory_space<vmem_shared>>
    %dma_wait3A_438 = arith.constant 0 : i32
    %dma_wait3A_439 = arith.constant 0 : i32
    %dma_wait3A_440 = tpu.memref_slice %arg6[%dma_wait3A_438, %dma_wait3A_439] : memref<384x32xf32, #tpu.memory_space<vmem>> -> memref<384x32xf32, #tpu.memory_space<vmem>>
    tpu.wait_dma2 semaphore(%arg12 : memref<!tpu.dma_semaphore, #tpu.memory_space<semaphore_mem>>) src(%dma_wait3A_440 : memref<384x32xf32, #tpu.memory_space<vmem>>) dst(%dma_wait3A_437 : memref<384x32xf32, #tpu.memory_space<vmem_shared>>)
    %dma_wait3A_441 = arith.constant 0 : i32
    %dma_wait3A_442 = arith.constant 0 : i32
    %dma_wait3A_443 = tpu.memref_slice %arg6[%dma_wait3A_441, %dma_wait3A_442] : memref<384x32xf32, #tpu.memory_space<vmem>> -> memref<384x32xf32, #tpu.memory_space<vmem>>
    %dma_wait3A_444 = arith.constant 0 : i32
    %dma_wait3A_445 = tpu.memref_slice %arg5[%add3A_336, %dma_wait3A_444] : memref<50048x32xf32, #tpu.memory_space<vmem_shared>> -> memref<384x32xf32, #tpu.memory_space<vmem_shared>>
    %dma_wait3A_446 = arith.constant 0 : i32
    %dma_wait3A_447 = tpu.memref_slice %arg5[%add3A_336, %dma_wait3A_446] : memref<50048x32xf32, #tpu.memory_space<vmem_shared>> -> memref<384x32xf32, #tpu.memory_space<vmem_shared>>
    %dma_wait3A_448 = arith.constant 0 : i32
    %dma_wait3A_449 = arith.constant 0 : i32
    %dma_wait3A_450 = tpu.memref_slice %arg6[%dma_wait3A_448, %dma_wait3A_449] : memref<384x32xf32, #tpu.memory_space<vmem>> -> memref<384x32xf32, #tpu.memory_space<vmem>>
    tpu.wait_dma2 semaphore(%arg12 : memref<!tpu.dma_semaphore, #tpu.memory_space<semaphore_mem>>) src(%dma_wait3A_450 : memref<384x32xf32, #tpu.memory_space<vmem>>) dst(%dma_wait3A_447 : memref<384x32xf32, #tpu.memory_space<vmem_shared>>)
    %dma_wait3A_451 = arith.constant 0 : i32
    %dma_wait3A_452 = arith.constant 0 : i32
    %dma_wait3A_453 = tpu.memref_slice %arg6[%dma_wait3A_451, %dma_wait3A_452] : memref<384x32xf32, #tpu.memory_space<vmem>> -> memref<384x32xf32, #tpu.memory_space<vmem>>
    %dma_wait3A_454 = arith.constant 0 : i32
    %dma_wait3A_455 = tpu.memref_slice %arg5[%add3A_348, %dma_wait3A_454] : memref<50048x32xf32, #tpu.memory_space<vmem_shared>> -> memref<384x32xf32, #tpu.memory_space<vmem_shared>>
    %dma_wait3A_456 = arith.constant 0 : i32
    %dma_wait3A_457 = tpu.memref_slice %arg5[%add3A_348, %dma_wait3A_456] : memref<50048x32xf32, #tpu.memory_space<vmem_shared>> -> memref<384x32xf32, #tpu.memory_space<vmem_shared>>
    %dma_wait3A_458 = arith.constant 0 : i32
    %dma_wait3A_459 = arith.constant 0 : i32
    %dma_wait3A_460 = tpu.memref_slice %arg6[%dma_wait3A_458, %dma_wait3A_459] : memref<384x32xf32, #tpu.memory_space<vmem>> -> memref<384x32xf32, #tpu.memory_space<vmem>>
    tpu.wait_dma2 semaphore(%arg12 : memref<!tpu.dma_semaphore, #tpu.memory_space<semaphore_mem>>) src(%dma_wait3A_460 : memref<384x32xf32, #tpu.memory_space<vmem>>) dst(%dma_wait3A_457 : memref<384x32xf32, #tpu.memory_space<vmem_shared>>)
    %dma_wait3A_461 = arith.constant 0 : i32
    %dma_wait3A_462 = arith.constant 0 : i32
    %dma_wait3A_463 = tpu.memref_slice %arg6[%dma_wait3A_461, %dma_wait3A_462] : memref<384x32xf32, #tpu.memory_space<vmem>> -> memref<384x32xf32, #tpu.memory_space<vmem>>
    %dma_wait3A_464 = arith.constant 0 : i32
    %dma_wait3A_465 = tpu.memref_slice %arg5[%add3A_360, %dma_wait3A_464] : memref<50048x32xf32, #tpu.memory_space<vmem_shared>> -> memref<384x32xf32, #tpu.memory_space<vmem_shared>>
    %dma_wait3A_466 = arith.constant 0 : i32
    %dma_wait3A_467 = tpu.memref_slice %arg5[%add3A_360, %dma_wait3A_466] : memref<50048x32xf32, #tpu.memory_space<vmem_shared>> -> memref<384x32xf32, #tpu.memory_space<vmem_shared>>
    %dma_wait3A_468 = arith.constant 0 : i32
    %dma_wait3A_469 = arith.constant 0 : i32
    %dma_wait3A_470 = tpu.memref_slice %arg6[%dma_wait3A_468, %dma_wait3A_469] : memref<384x32xf32, #tpu.memory_space<vmem>> -> memref<384x32xf32, #tpu.memory_space<vmem>>
    tpu.wait_dma2 semaphore(%arg12 : memref<!tpu.dma_semaphore, #tpu.memory_space<semaphore_mem>>) src(%dma_wait3A_470 : memref<384x32xf32, #tpu.memory_space<vmem>>) dst(%dma_wait3A_467 : memref<384x32xf32, #tpu.memory_space<vmem_shared>>)
    %dma_wait3A_471 = arith.constant 0 : i32
    %dma_wait3A_472 = arith.constant 0 : i32
    %dma_wait3A_473 = tpu.memref_slice %arg6[%dma_wait3A_471, %dma_wait3A_472] : memref<384x32xf32, #tpu.memory_space<vmem>> -> memref<384x32xf32, #tpu.memory_space<vmem>>
    %dma_wait3A_474 = arith.constant 0 : i32
    %dma_wait3A_475 = tpu.memref_slice %arg5[%add3A_372, %dma_wait3A_474] : memref<50048x32xf32, #tpu.memory_space<vmem_shared>> -> memref<384x32xf32, #tpu.memory_space<vmem_shared>>
    %dma_wait3A_476 = arith.constant 0 : i32
    %dma_wait3A_477 = tpu.memref_slice %arg5[%add3A_372, %dma_wait3A_476] : memref<50048x32xf32, #tpu.memory_space<vmem_shared>> -> memref<384x32xf32, #tpu.memory_space<vmem_shared>>
    %dma_wait3A_478 = arith.constant 0 : i32
    %dma_wait3A_479 = arith.constant 0 : i32
    %dma_wait3A_480 = tpu.memref_slice %arg6[%dma_wait3A_478, %dma_wait3A_479] : memref<384x32xf32, #tpu.memory_space<vmem>> -> memref<384x32xf32, #tpu.memory_space<vmem>>
    tpu.wait_dma2 semaphore(%arg12 : memref<!tpu.dma_semaphore, #tpu.memory_space<semaphore_mem>>) src(%dma_wait3A_480 : memref<384x32xf32, #tpu.memory_space<vmem>>) dst(%dma_wait3A_477 : memref<384x32xf32, #tpu.memory_space<vmem_shared>>)
    %dma_wait3A_481 = arith.constant 0 : i32
    %dma_wait3A_482 = arith.constant 0 : i32
    %dma_wait3A_483 = tpu.memref_slice %arg6[%dma_wait3A_481, %dma_wait3A_482] : memref<384x32xf32, #tpu.memory_space<vmem>> -> memref<384x32xf32, #tpu.memory_space<vmem>>
    %dma_wait3A_484 = arith.constant 0 : i32
    %dma_wait3A_485 = tpu.memref_slice %arg5[%add3A_384, %dma_wait3A_484] : memref<50048x32xf32, #tpu.memory_space<vmem_shared>> -> memref<384x32xf32, #tpu.memory_space<vmem_shared>>
    %dma_wait3A_486 = arith.constant 0 : i32
    %dma_wait3A_487 = tpu.memref_slice %arg5[%add3A_384, %dma_wait3A_486] : memref<50048x32xf32, #tpu.memory_space<vmem_shared>> -> memref<384x32xf32, #tpu.memory_space<vmem_shared>>
    %dma_wait3A_488 = arith.constant 0 : i32
    %dma_wait3A_489 = arith.constant 0 : i32
    %dma_wait3A_490 = tpu.memref_slice %arg6[%dma_wait3A_488, %dma_wait3A_489] : memref<384x32xf32, #tpu.memory_space<vmem>> -> memref<384x32xf32, #tpu.memory_space<vmem>>
    tpu.wait_dma2 semaphore(%arg12 : memref<!tpu.dma_semaphore, #tpu.memory_space<semaphore_mem>>) src(%dma_wait3A_490 : memref<384x32xf32, #tpu.memory_space<vmem>>) dst(%dma_wait3A_487 : memref<384x32xf32, #tpu.memory_space<vmem_shared>>)
    %dma_wait3A_491 = arith.constant 0 : i32
    %dma_wait3A_492 = arith.constant 0 : i32
    %dma_wait3A_493 = tpu.memref_slice %arg6[%dma_wait3A_491, %dma_wait3A_492] : memref<384x32xf32, #tpu.memory_space<vmem>> -> memref<384x32xf32, #tpu.memory_space<vmem>>
    %dma_wait3A_494 = arith.constant 0 : i32
    %dma_wait3A_495 = tpu.memref_slice %arg5[%add3A_396, %dma_wait3A_494] : memref<50048x32xf32, #tpu.memory_space<vmem_shared>> -> memref<384x32xf32, #tpu.memory_space<vmem_shared>>
    %dma_wait3A_496 = arith.constant 0 : i32
    %dma_wait3A_497 = tpu.memref_slice %arg5[%add3A_396, %dma_wait3A_496] : memref<50048x32xf32, #tpu.memory_space<vmem_shared>> -> memref<384x32xf32, #tpu.memory_space<vmem_shared>>
    %dma_wait3A_498 = arith.constant 0 : i32
    %dma_wait3A_499 = arith.constant 0 : i32
    %dma_wait3A_500 = tpu.memref_slice %arg6[%dma_wait3A_498, %dma_wait3A_499] : memref<384x32xf32, #tpu.memory_space<vmem>> -> memref<384x32xf32, #tpu.memory_space<vmem>>
    tpu.wait_dma2 semaphore(%arg12 : memref<!tpu.dma_semaphore, #tpu.memory_space<semaphore_mem>>) src(%dma_wait3A_500 : memref<384x32xf32, #tpu.memory_space<vmem>>) dst(%dma_wait3A_497 : memref<384x32xf32, #tpu.memory_space<vmem_shared>>)
    %dma_wait3A_501 = arith.constant 0 : i32
    %dma_wait3A_502 = arith.constant 0 : i32
    %dma_wait3A_503 = tpu.memref_slice %arg6[%dma_wait3A_501, %dma_wait3A_502] : memref<384x32xf32, #tpu.memory_space<vmem>> -> memref<384x32xf32, #tpu.memory_space<vmem>>
    %dma_wait3A_504 = arith.constant 0 : i32
    %dma_wait3A_505 = tpu.memref_slice %arg5[%add3A_408, %dma_wait3A_504] : memref<50048x32xf32, #tpu.memory_space<vmem_shared>> -> memref<384x32xf32, #tpu.memory_space<vmem_shared>>
    %dma_wait3A_506 = arith.constant 0 : i32
    %dma_wait3A_507 = tpu.memref_slice %arg5[%add3A_408, %dma_wait3A_506] : memref<50048x32xf32, #tpu.memory_space<vmem_shared>> -> memref<384x32xf32, #tpu.memory_space<vmem_shared>>
    %dma_wait3A_508 = arith.constant 0 : i32
    %dma_wait3A_509 = arith.constant 0 : i32
    %dma_wait3A_510 = tpu.memref_slice %arg6[%dma_wait3A_508, %dma_wait3A_509] : memref<384x32xf32, #tpu.memory_space<vmem>> -> memref<384x32xf32, #tpu.memory_space<vmem>>
    tpu.wait_dma2 semaphore(%arg12 : memref<!tpu.dma_semaphore, #tpu.memory_space<semaphore_mem>>) src(%dma_wait3A_510 : memref<384x32xf32, #tpu.memory_space<vmem>>) dst(%dma_wait3A_507 : memref<384x32xf32, #tpu.memory_space<vmem_shared>>)
    %dma_wait3A_511 = arith.constant 0 : i32
    %dma_wait3A_512 = arith.constant 0 : i32
    %dma_wait3A_513 = tpu.memref_slice %arg6[%dma_wait3A_511, %dma_wait3A_512] : memref<384x32xf32, #tpu.memory_space<vmem>> -> memref<56x32xf32, #tpu.memory_space<vmem>>
    %dma_wait3A_514 = arith.constant 0 : i32
    %dma_wait3A_515 = tpu.memref_slice %arg5[%add3A_420, %dma_wait3A_514] : memref<50048x32xf32, #tpu.memory_space<vmem_shared>> -> memref<56x32xf32, #tpu.memory_space<vmem_shared>>
    %dma_wait3A_516 = arith.constant 0 : i32
    %dma_wait3A_517 = tpu.memref_slice %arg5[%add3A_420, %dma_wait3A_516] : memref<50048x32xf32, #tpu.memory_space<vmem_shared>> -> memref<56x32xf32, #tpu.memory_space<vmem_shared>>
    %dma_wait3A_518 = arith.constant 0 : i32
    %dma_wait3A_519 = arith.constant 0 : i32
    %dma_wait3A_520 = tpu.memref_slice %arg6[%dma_wait3A_518, %dma_wait3A_519] : memref<384x32xf32, #tpu.memory_space<vmem>> -> memref<56x32xf32, #tpu.memory_space<vmem>>
    tpu.wait_dma2 semaphore(%arg12 : memref<!tpu.dma_semaphore, #tpu.memory_space<semaphore_mem>>) src(%dma_wait3A_520 : memref<56x32xf32, #tpu.memory_space<vmem>>) dst(%dma_wait3A_517 : memref<56x32xf32, #tpu.memory_space<vmem_shared>>)
    %barrier3A_521 = arith.constant 0 : index
    tpu.barrier barrier_id(%barrier3A_521)
    %mul3A_522 = arith.constant 396 : i32
    %mul3A_523 = arith.muli %arg1, %mul3A_522 : i32
    %add3A_524 = arith.constant 0 : i32
    %add3A_525 = arith.addi %mul3A_523, %add3A_524 : i32
    %dma_start3A_526 = arith.constant 1 : i32
    %dma_start3A_527 = arith.constant 0 : i32
    %dma_start3A_528 = arith.constant 0 : i32
    %dma_start3A_529 = tpu.memref_slice %arg3[%dma_start3A_526, %dma_start3A_527, %dma_start3A_528] : memref<4x6344x128xi32, #tpu.memory_space<hbm>> -> memref<1x6344x128xi32, #tpu.memory_space<hbm>>
    %dma_start3A_530 = tpu.memref_squeeze %dma_start3A_529 : memref<1x6344x128xi32, #tpu.memory_space<hbm>> -> memref<6344x128xi32, #tpu.memory_space<hbm>>
    %dma_start3A_531 = arith.constant 0 : i32
    %dma_start3A_532 = tpu.memref_slice %dma_start3A_530[%add3A_525, %dma_start3A_531] : memref<6344x128xi32, #tpu.memory_space<hbm>> -> memref<6x128xi32, #tpu.memory_space<hbm>>
    %dma_start3A_533 = arith.constant 0 : i32
    %dma_start3A_534 = arith.constant 0 : i32
    %dma_start3A_535 = tpu.memref_slice %arg3[%dma_start3A_526, %dma_start3A_533, %dma_start3A_534] : memref<4x6344x128xi32, #tpu.memory_space<hbm>> -> memref<1x6344x128xi32, #tpu.memory_space<hbm>>
    %dma_start3A_536 = tpu.memref_squeeze %dma_start3A_535 : memref<1x6344x128xi32, #tpu.memory_space<hbm>> -> memref<6344x128xi32, #tpu.memory_space<hbm>>
    %dma_start3A_537 = arith.constant 0 : i32
    %dma_start3A_538 = tpu.memref_slice %dma_start3A_536[%add3A_525, %dma_start3A_537] : memref<6344x128xi32, #tpu.memory_space<hbm>> -> memref<6x128xi32, #tpu.memory_space<hbm>>
    tpu.enqueue_dma source(%dma_start3A_538 : memref<6x128xi32, #tpu.memory_space<hbm>>) target(%arg8 : memref<6x128xi32, #tpu.memory_space<vmem>>) target_semaphore(%arg15 : memref<!tpu.dma_semaphore, #tpu.memory_space<semaphore_mem>>)
    %mul3A_539 = arith.constant 396 : i32
    %mul3A_540 = arith.muli %arg1, %mul3A_539 : i32
    %add3A_541 = arith.constant 0 : i32
    %add3A_542 = arith.addi %mul3A_540, %add3A_541 : i32
    %dma_start3A_543 = arith.constant 3 : i32
    %dma_start3A_544 = arith.constant 0 : i32
    %dma_start3A_545 = arith.constant 0 : i32
    %dma_start3A_546 = tpu.memref_slice %arg3[%dma_start3A_543, %dma_start3A_544, %dma_start3A_545] : memref<4x6344x128xi32, #tpu.memory_space<hbm>> -> memref<1x6344x128xi32, #tpu.memory_space<hbm>>
    %dma_start3A_547 = tpu.memref_squeeze %dma_start3A_546 : memref<1x6344x128xi32, #tpu.memory_space<hbm>> -> memref<6344x128xi32, #tpu.memory_space<hbm>>
    %dma_start3A_548 = arith.constant 0 : i32
    %dma_start3A_549 = tpu.memref_slice %dma_start3A_547[%add3A_542, %dma_start3A_548] : memref<6344x128xi32, #tpu.memory_space<hbm>> -> memref<6x128xi32, #tpu.memory_space<hbm>>
    %dma_start3A_550 = arith.constant 0 : i32
    %dma_start3A_551 = arith.constant 0 : i32
    %dma_start3A_552 = tpu.memref_slice %arg3[%dma_start3A_543, %dma_start3A_550, %dma_start3A_551] : memref<4x6344x128xi32, #tpu.memory_space<hbm>> -> memref<1x6344x128xi32, #tpu.memory_space<hbm>>
    %dma_start3A_553 = tpu.memref_squeeze %dma_start3A_552 : memref<1x6344x128xi32, #tpu.memory_space<hbm>> -> memref<6344x128xi32, #tpu.memory_space<hbm>>
    %dma_start3A_554 = arith.constant 0 : i32
    %dma_start3A_555 = tpu.memref_slice %dma_start3A_553[%add3A_542, %dma_start3A_554] : memref<6344x128xi32, #tpu.memory_space<hbm>> -> memref<6x128xi32, #tpu.memory_space<hbm>>
    tpu.enqueue_dma source(%dma_start3A_555 : memref<6x128xi32, #tpu.memory_space<hbm>>) target(%arg9 : memref<6x128xi32, #tpu.memory_space<vmem>>) target_semaphore(%arg15 : memref<!tpu.dma_semaphore, #tpu.memory_space<semaphore_mem>>)
    %scan3A_556 = arith.constant 0 : i32
    %scan3A_557 = arith.constant 1 : i32
    %scan3A_558 = arith.constant 3 : i32
    %scan3A_559 = arith.constant 0 : i32
    %scan3A_560 = arith.constant 33 : i32
    %scan3A_561 = arith.addi %scan3A_559, %scan3A_560 : i32
    %scan3A_562 = arith.constant 1 : i32
    scf.for %scan3A_637 = %scan3A_559 to %scan3A_561 step %scan3A_562  : i32 {
      %mul3A_638 = arith.constant 2 : i32
      %mul3A_639 = arith.muli %mul3A_638, %scan3A_637 : i32
      %mul3A_640 = arith.constant 396 : i32
      %mul3A_641 = arith.muli %arg1, %mul3A_640 : i32
      %mul3A_642 = arith.constant 6 : i32
      %mul3A_643 = arith.muli %mul3A_639, %mul3A_642 : i32
      %add3A_644 = arith.addi %mul3A_641, %mul3A_643 : i32
      %dma_wait3A_645 = arith.constant 0 : i32
      %dma_wait3A_646 = arith.constant 0 : i32
      %dma_wait3A_647 = tpu.memref_slice %arg3[%scan3A_557, %dma_wait3A_645, %dma_wait3A_646] : memref<4x6344x128xi32, #tpu.memory_space<hbm>> -> memref<1x6344x128xi32, #tpu.memory_space<hbm>>
      %dma_wait3A_648 = tpu.memref_squeeze %dma_wait3A_647 : memref<1x6344x128xi32, #tpu.memory_space<hbm>> -> memref<6344x128xi32, #tpu.memory_space<hbm>>
      %dma_wait3A_649 = arith.constant 0 : i32
      %dma_wait3A_650 = tpu.memref_slice %dma_wait3A_648[%add3A_644, %dma_wait3A_649] : memref<6344x128xi32, #tpu.memory_space<hbm>> -> memref<6x128xi32, #tpu.memory_space<hbm>>
      %dma_wait3A_651 = arith.constant 0 : i32
      %dma_wait3A_652 = arith.constant 0 : i32
      %dma_wait3A_653 = tpu.memref_slice %arg3[%scan3A_557, %dma_wait3A_651, %dma_wait3A_652] : memref<4x6344x128xi32, #tpu.memory_space<hbm>> -> memref<1x6344x128xi32, #tpu.memory_space<hbm>>
      %dma_wait3A_654 = tpu.memref_squeeze %dma_wait3A_653 : memref<1x6344x128xi32, #tpu.memory_space<hbm>> -> memref<6344x128xi32, #tpu.memory_space<hbm>>
      %dma_wait3A_655 = arith.constant 0 : i32
      %dma_wait3A_656 = tpu.memref_slice %dma_wait3A_654[%add3A_644, %dma_wait3A_655] : memref<6344x128xi32, #tpu.memory_space<hbm>> -> memref<6x128xi32, #tpu.memory_space<hbm>>
      tpu.wait_dma2 semaphore(%arg15 : memref<!tpu.dma_semaphore, #tpu.memory_space<semaphore_mem>>) src(%dma_wait3A_656 : memref<6x128xi32, #tpu.memory_space<hbm>>) dst(%arg8 : memref<6x128xi32, #tpu.memory_space<vmem>>)
      %mul3A_657 = arith.constant 396 : i32
      %mul3A_658 = arith.muli %arg1, %mul3A_657 : i32
      %mul3A_659 = arith.constant 6 : i32
      %mul3A_660 = arith.muli %mul3A_639, %mul3A_659 : i32
      %add3A_661 = arith.addi %mul3A_658, %mul3A_660 : i32
      %dma_wait3A_662 = arith.constant 0 : i32
      %dma_wait3A_663 = arith.constant 0 : i32
      %dma_wait3A_664 = tpu.memref_slice %arg3[%scan3A_558, %dma_wait3A_662, %dma_wait3A_663] : memref<4x6344x128xi32, #tpu.memory_space<hbm>> -> memref<1x6344x128xi32, #tpu.memory_space<hbm>>
      %dma_wait3A_665 = tpu.memref_squeeze %dma_wait3A_664 : memref<1x6344x128xi32, #tpu.memory_space<hbm>> -> memref<6344x128xi32, #tpu.memory_space<hbm>>
      %dma_wait3A_666 = arith.constant 0 : i32
      %dma_wait3A_667 = tpu.memref_slice %dma_wait3A_665[%add3A_661, %dma_wait3A_666] : memref<6344x128xi32, #tpu.memory_space<hbm>> -> memref<6x128xi32, #tpu.memory_space<hbm>>
      %dma_wait3A_668 = arith.constant 0 : i32
      %dma_wait3A_669 = arith.constant 0 : i32
      %dma_wait3A_670 = tpu.memref_slice %arg3[%scan3A_558, %dma_wait3A_668, %dma_wait3A_669] : memref<4x6344x128xi32, #tpu.memory_space<hbm>> -> memref<1x6344x128xi32, #tpu.memory_space<hbm>>
      %dma_wait3A_671 = tpu.memref_squeeze %dma_wait3A_670 : memref<1x6344x128xi32, #tpu.memory_space<hbm>> -> memref<6344x128xi32, #tpu.memory_space<hbm>>
      %dma_wait3A_672 = arith.constant 0 : i32
      %dma_wait3A_673 = tpu.memref_slice %dma_wait3A_671[%add3A_661, %dma_wait3A_672] : memref<6344x128xi32, #tpu.memory_space<hbm>> -> memref<6x128xi32, #tpu.memory_space<hbm>>
      tpu.wait_dma2 semaphore(%arg15 : memref<!tpu.dma_semaphore, #tpu.memory_space<semaphore_mem>>) src(%dma_wait3A_673 : memref<6x128xi32, #tpu.memory_space<hbm>>) dst(%arg9 : memref<6x128xi32, #tpu.memory_space<vmem>>)
      %dma_start3A_674 = arith.constant 0 : i32
      %dma_start3A_675 = arith.constant 0 : i32
      %dma_start3A_676 = arith.constant 0 : i32
      %dma_start3A_677 = tpu.memref_slice %arg6[%dma_start3A_675, %dma_start3A_676] : memref<384x32xf32, #tpu.memory_space<vmem>> -> memref<128x32xf32, #tpu.memory_space<vmem>>
      %dma_start3A_678 = arith.constant 0 : i32
      %dma_start3A_679 = tpu.memref_slice %arg8[%dma_start3A_674, %dma_start3A_678] : memref<6x128xi32, #tpu.memory_space<vmem>> -> memref<1x128xi32, #tpu.memory_space<vmem>>
      %dma_start3A_680 = tpu.memref_squeeze %dma_start3A_679 : memref<1x128xi32, #tpu.memory_space<vmem>> -> memref<128xi32, #tpu.memory_space<vmem>>
      %dma_start3A_681 = arith.constant 0 : i32
      %dma_start3A_682 = arith.constant 0 : i32
      %dma_start3A_683 = tpu.memref_slice %arg2[%arg0, %dma_start3A_681, %dma_start3A_682] : memref<2x50000x32xf32, #tpu.memory_space<hbm>> -> memref<1x50000x32xf32, #tpu.memory_space<hbm>>
      %dma_start3A_684 = tpu.memref_squeeze %dma_start3A_683 : memref<1x50000x32xf32, #tpu.memory_space<hbm>> -> memref<50000x32xf32, #tpu.memory_space<hbm>>
      %dma_start3A_685 = arith.constant 0 : i32
      %dma_start3A_686 = arith.constant 0 : i32
      %dma_start3A_687 = tpu.memref_slice %dma_start3A_684[%dma_start3A_685, %dma_start3A_686] : memref<50000x32xf32, #tpu.memory_space<hbm>> -> memref<50000x32xf32, #tpu.memory_space<hbm>>
      tpu.enqueue_indirect_dma source(%dma_start3A_687 : memref<50000x32xf32, #tpu.memory_space<hbm>>) target(%dma_start3A_677 : memref<128x32xf32, #tpu.memory_space<vmem>>) offsets(%dma_start3A_680 : memref<128xi32, #tpu.memory_space<vmem>>) semaphore(%arg12 : memref<!tpu.dma_semaphore, #tpu.memory_space<semaphore_mem>>)
      %dma_start3A_688 = arith.constant 1 : i32
      %dma_start3A_689 = arith.constant 128 : i32
      %dma_start3A_690 = arith.constant 0 : i32
      %dma_start3A_691 = tpu.memref_slice %arg6[%dma_start3A_689, %dma_start3A_690] : memref<384x32xf32, #tpu.memory_space<vmem>> -> memref<128x32xf32, #tpu.memory_space<vmem>>
      %dma_start3A_692 = arith.constant 0 : i32
      %dma_start3A_693 = tpu.memref_slice %arg8[%dma_start3A_688, %dma_start3A_692] : memref<6x128xi32, #tpu.memory_space<vmem>> -> memref<1x128xi32, #tpu.memory_space<vmem>>
      %dma_start3A_694 = tpu.memref_squeeze %dma_start3A_693 : memref<1x128xi32, #tpu.memory_space<vmem>> -> memref<128xi32, #tpu.memory_space<vmem>>
      %dma_start3A_695 = arith.constant 0 : i32
      %dma_start3A_696 = arith.constant 0 : i32
      %dma_start3A_697 = tpu.memref_slice %arg2[%arg0, %dma_start3A_695, %dma_start3A_696] : memref<2x50000x32xf32, #tpu.memory_space<hbm>> -> memref<1x50000x32xf32, #tpu.memory_space<hbm>>
      %dma_start3A_698 = tpu.memref_squeeze %dma_start3A_697 : memref<1x50000x32xf32, #tpu.memory_space<hbm>> -> memref<50000x32xf32, #tpu.memory_space<hbm>>
      %dma_start3A_699 = arith.constant 0 : i32
      %dma_start3A_700 = arith.constant 0 : i32
      %dma_start3A_701 = tpu.memref_slice %dma_start3A_698[%dma_start3A_699, %dma_start3A_700] : memref<50000x32xf32, #tpu.memory_space<hbm>> -> memref<50000x32xf32, #tpu.memory_space<hbm>>
      tpu.enqueue_indirect_dma source(%dma_start3A_701 : memref<50000x32xf32, #tpu.memory_space<hbm>>) target(%dma_start3A_691 : memref<128x32xf32, #tpu.memory_space<vmem>>) offsets(%dma_start3A_694 : memref<128xi32, #tpu.memory_space<vmem>>) semaphore(%arg12 : memref<!tpu.dma_semaphore, #tpu.memory_space<semaphore_mem>>)
      %dma_start3A_702 = arith.constant 2 : i32
      %dma_start3A_703 = arith.constant 256 : i32
      %dma_start3A_704 = arith.constant 0 : i32
      %dma_start3A_705 = tpu.memref_slice %arg6[%dma_start3A_703, %dma_start3A_704] : memref<384x32xf32, #tpu.memory_space<vmem>> -> memref<128x32xf32, #tpu.memory_space<vmem>>
      %dma_start3A_706 = arith.constant 0 : i32
      %dma_start3A_707 = tpu.memref_slice %arg8[%dma_start3A_702, %dma_start3A_706] : memref<6x128xi32, #tpu.memory_space<vmem>> -> memref<1x128xi32, #tpu.memory_space<vmem>>
      %dma_start3A_708 = tpu.memref_squeeze %dma_start3A_707 : memref<1x128xi32, #tpu.memory_space<vmem>> -> memref<128xi32, #tpu.memory_space<vmem>>
      %dma_start3A_709 = arith.constant 0 : i32
      %dma_start3A_710 = arith.constant 0 : i32
      %dma_start3A_711 = tpu.memref_slice %arg2[%arg0, %dma_start3A_709, %dma_start3A_710] : memref<2x50000x32xf32, #tpu.memory_space<hbm>> -> memref<1x50000x32xf32, #tpu.memory_space<hbm>>
      %dma_start3A_712 = tpu.memref_squeeze %dma_start3A_711 : memref<1x50000x32xf32, #tpu.memory_space<hbm>> -> memref<50000x32xf32, #tpu.memory_space<hbm>>
      %dma_start3A_713 = arith.constant 0 : i32
      %dma_start3A_714 = arith.constant 0 : i32
      %dma_start3A_715 = tpu.memref_slice %dma_start3A_712[%dma_start3A_713, %dma_start3A_714] : memref<50000x32xf32, #tpu.memory_space<hbm>> -> memref<50000x32xf32, #tpu.memory_space<hbm>>
      tpu.enqueue_indirect_dma source(%dma_start3A_715 : memref<50000x32xf32, #tpu.memory_space<hbm>>) target(%dma_start3A_705 : memref<128x32xf32, #tpu.memory_space<vmem>>) offsets(%dma_start3A_708 : memref<128xi32, #tpu.memory_space<vmem>>) semaphore(%arg12 : memref<!tpu.dma_semaphore, #tpu.memory_space<semaphore_mem>>)
      %gt3A = arith.constant 0 : i32
      %gt3A_716 = arith.cmpi sgt, %scan3A_637, %gt3A : i32
      %convert_element_type3A = arith.extui %gt3A_716 : i1 to i32
      %cond3A = arith.constant 0 : i32
      %cond3A_717 = arith.cmpi ne, %convert_element_type3A, %cond3A : i32
      scf.if %cond3A_717 {
        %dma_wait3A_1330 = arith.constant 3 : i32
        %dma_wait3A_1331 = arith.constant 0 : i32
        %dma_wait3A_1332 = arith.constant 0 : i32
        %dma_wait3A_1333 = tpu.memref_slice %arg7[%dma_wait3A_1331, %dma_wait3A_1332] : memref<384x32xf32, #tpu.memory_space<vmem>> -> memref<128x32xf32, #tpu.memory_space<vmem>>
        %dma_wait3A_1334 = arith.constant 0 : i32
        %dma_wait3A_1335 = tpu.memref_slice %arg11[%dma_wait3A_1330, %dma_wait3A_1334] : memref<6x128xi32, #tpu.memory_space<vmem>> -> memref<1x128xi32, #tpu.memory_space<vmem>>
        %dma_wait3A_1336 = tpu.memref_squeeze %dma_wait3A_1335 : memref<1x128xi32, #tpu.memory_space<vmem>> -> memref<128xi32, #tpu.memory_space<vmem>>
        %dma_wait3A_1337 = arith.constant 0 : i32
        %dma_wait3A_1338 = arith.constant 0 : i32
        %dma_wait3A_1339 = tpu.memref_slice %arg5[%dma_wait3A_1337, %dma_wait3A_1338] : memref<50048x32xf32, #tpu.memory_space<vmem_shared>> -> memref<50048x32xf32, #tpu.memory_space<vmem_shared>>
        tpu.wait_indirect_dma semaphore(%arg14 : memref<!tpu.dma_semaphore, #tpu.memory_space<semaphore_mem>>) src(%dma_wait3A_1333 : memref<128x32xf32, #tpu.memory_space<vmem>>) dst(%dma_wait3A_1339 : memref<50048x32xf32, #tpu.memory_space<vmem_shared>>)
        %dma_wait3A_1340 = arith.constant 4 : i32
        %dma_wait3A_1341 = arith.constant 128 : i32
        %dma_wait3A_1342 = arith.constant 0 : i32
        %dma_wait3A_1343 = tpu.memref_slice %arg7[%dma_wait3A_1341, %dma_wait3A_1342] : memref<384x32xf32, #tpu.memory_space<vmem>> -> memref<128x32xf32, #tpu.memory_space<vmem>>
        %dma_wait3A_1344 = arith.constant 0 : i32
        %dma_wait3A_1345 = tpu.memref_slice %arg11[%dma_wait3A_1340, %dma_wait3A_1344] : memref<6x128xi32, #tpu.memory_space<vmem>> -> memref<1x128xi32, #tpu.memory_space<vmem>>
        %dma_wait3A_1346 = tpu.memref_squeeze %dma_wait3A_1345 : memref<1x128xi32, #tpu.memory_space<vmem>> -> memref<128xi32, #tpu.memory_space<vmem>>
        %dma_wait3A_1347 = arith.constant 0 : i32
        %dma_wait3A_1348 = arith.constant 0 : i32
        %dma_wait3A_1349 = tpu.memref_slice %arg5[%dma_wait3A_1347, %dma_wait3A_1348] : memref<50048x32xf32, #tpu.memory_space<vmem_shared>> -> memref<50048x32xf32, #tpu.memory_space<vmem_shared>>
        tpu.wait_indirect_dma semaphore(%arg14 : memref<!tpu.dma_semaphore, #tpu.memory_space<semaphore_mem>>) src(%dma_wait3A_1343 : memref<128x32xf32, #tpu.memory_space<vmem>>) dst(%dma_wait3A_1349 : memref<50048x32xf32, #tpu.memory_space<vmem_shared>>)
        %dma_wait3A_1350 = arith.constant 5 : i32
        %dma_wait3A_1351 = arith.constant 256 : i32
        %dma_wait3A_1352 = arith.constant 0 : i32
        %dma_wait3A_1353 = tpu.memref_slice %arg7[%dma_wait3A_1351, %dma_wait3A_1352] : memref<384x32xf32, #tpu.memory_space<vmem>> -> memref<128x32xf32, #tpu.memory_space<vmem>>
        %dma_wait3A_1354 = arith.constant 0 : i32
        %dma_wait3A_1355 = tpu.memref_slice %arg11[%dma_wait3A_1350, %dma_wait3A_1354] : memref<6x128xi32, #tpu.memory_space<vmem>> -> memref<1x128xi32, #tpu.memory_space<vmem>>
        %dma_wait3A_1356 = tpu.memref_squeeze %dma_wait3A_1355 : memref<1x128xi32, #tpu.memory_space<vmem>> -> memref<128xi32, #tpu.memory_space<vmem>>
        %dma_wait3A_1357 = arith.constant 0 : i32
        %dma_wait3A_1358 = arith.constant 0 : i32
        %dma_wait3A_1359 = tpu.memref_slice %arg5[%dma_wait3A_1357, %dma_wait3A_1358] : memref<50048x32xf32, #tpu.memory_space<vmem_shared>> -> memref<50048x32xf32, #tpu.memory_space<vmem_shared>>
        tpu.wait_indirect_dma semaphore(%arg14 : memref<!tpu.dma_semaphore, #tpu.memory_space<semaphore_mem>>) src(%dma_wait3A_1353 : memref<128x32xf32, #tpu.memory_space<vmem>>) dst(%dma_wait3A_1359 : memref<50048x32xf32, #tpu.memory_space<vmem_shared>>)
      } else {
      }
      %add3A_718 = arith.constant 1 : i32
      %add3A_719 = arith.addi %mul3A_639, %add3A_718 : i32
      %mul3A_720 = arith.constant 396 : i32
      %mul3A_721 = arith.muli %arg1, %mul3A_720 : i32
      %mul3A_722 = arith.constant 6 : i32
      %mul3A_723 = arith.muli %add3A_719, %mul3A_722 : i32
      %add3A_724 = arith.addi %mul3A_721, %mul3A_723 : i32
      %dma_start3A_725 = arith.constant 0 : i32
      %dma_start3A_726 = arith.constant 0 : i32
      %dma_start3A_727 = tpu.memref_slice %arg3[%scan3A_557, %dma_start3A_725, %dma_start3A_726] : memref<4x6344x128xi32, #tpu.memory_space<hbm>> -> memref<1x6344x128xi32, #tpu.memory_space<hbm>>
      %dma_start3A_728 = tpu.memref_squeeze %dma_start3A_727 : memref<1x6344x128xi32, #tpu.memory_space<hbm>> -> memref<6344x128xi32, #tpu.memory_space<hbm>>
      %dma_start3A_729 = arith.constant 0 : i32
      %dma_start3A_730 = tpu.memref_slice %dma_start3A_728[%add3A_724, %dma_start3A_729] : memref<6344x128xi32, #tpu.memory_space<hbm>> -> memref<6x128xi32, #tpu.memory_space<hbm>>
      %dma_start3A_731 = arith.constant 0 : i32
      %dma_start3A_732 = arith.constant 0 : i32
      %dma_start3A_733 = tpu.memref_slice %arg3[%scan3A_557, %dma_start3A_731, %dma_start3A_732] : memref<4x6344x128xi32, #tpu.memory_space<hbm>> -> memref<1x6344x128xi32, #tpu.memory_space<hbm>>
      %dma_start3A_734 = tpu.memref_squeeze %dma_start3A_733 : memref<1x6344x128xi32, #tpu.memory_space<hbm>> -> memref<6344x128xi32, #tpu.memory_space<hbm>>
      %dma_start3A_735 = arith.constant 0 : i32
      %dma_start3A_736 = tpu.memref_slice %dma_start3A_734[%add3A_724, %dma_start3A_735] : memref<6344x128xi32, #tpu.memory_space<hbm>> -> memref<6x128xi32, #tpu.memory_space<hbm>>
      tpu.enqueue_dma source(%dma_start3A_736 : memref<6x128xi32, #tpu.memory_space<hbm>>) target(%arg10 : memref<6x128xi32, #tpu.memory_space<vmem>>) target_semaphore(%arg15 : memref<!tpu.dma_semaphore, #tpu.memory_space<semaphore_mem>>)
      %mul3A_737 = arith.constant 396 : i32
      %mul3A_738 = arith.muli %arg1, %mul3A_737 : i32
      %mul3A_739 = arith.constant 6 : i32
      %mul3A_740 = arith.muli %add3A_719, %mul3A_739 : i32
      %add3A_741 = arith.addi %mul3A_738, %mul3A_740 : i32
      %dma_start3A_742 = arith.constant 0 : i32
      %dma_start3A_743 = arith.constant 0 : i32
      %dma_start3A_744 = tpu.memref_slice %arg3[%scan3A_558, %dma_start3A_742, %dma_start3A_743] : memref<4x6344x128xi32, #tpu.memory_space<hbm>> -> memref<1x6344x128xi32, #tpu.memory_space<hbm>>
      %dma_start3A_745 = tpu.memref_squeeze %dma_start3A_744 : memref<1x6344x128xi32, #tpu.memory_space<hbm>> -> memref<6344x128xi32, #tpu.memory_space<hbm>>
      %dma_start3A_746 = arith.constant 0 : i32
      %dma_start3A_747 = tpu.memref_slice %dma_start3A_745[%add3A_741, %dma_start3A_746] : memref<6344x128xi32, #tpu.memory_space<hbm>> -> memref<6x128xi32, #tpu.memory_space<hbm>>
      %dma_start3A_748 = arith.constant 0 : i32
      %dma_start3A_749 = arith.constant 0 : i32
      %dma_start3A_750 = tpu.memref_slice %arg3[%scan3A_558, %dma_start3A_748, %dma_start3A_749] : memref<4x6344x128xi32, #tpu.memory_space<hbm>> -> memref<1x6344x128xi32, #tpu.memory_space<hbm>>
      %dma_start3A_751 = tpu.memref_squeeze %dma_start3A_750 : memref<1x6344x128xi32, #tpu.memory_space<hbm>> -> memref<6344x128xi32, #tpu.memory_space<hbm>>
      %dma_start3A_752 = arith.constant 0 : i32
      %dma_start3A_753 = tpu.memref_slice %dma_start3A_751[%add3A_741, %dma_start3A_752] : memref<6344x128xi32, #tpu.memory_space<hbm>> -> memref<6x128xi32, #tpu.memory_space<hbm>>
      tpu.enqueue_dma source(%dma_start3A_753 : memref<6x128xi32, #tpu.memory_space<hbm>>) target(%arg11 : memref<6x128xi32, #tpu.memory_space<vmem>>) target_semaphore(%arg15 : memref<!tpu.dma_semaphore, #tpu.memory_space<semaphore_mem>>)
      %dma_start3A_754 = arith.constant 3 : i32
      %dma_start3A_755 = arith.constant 0 : i32
      %dma_start3A_756 = arith.constant 0 : i32
      %dma_start3A_757 = tpu.memref_slice %arg7[%dma_start3A_755, %dma_start3A_756] : memref<384x32xf32, #tpu.memory_space<vmem>> -> memref<128x32xf32, #tpu.memory_space<vmem>>
      %dma_start3A_758 = arith.constant 0 : i32
      %dma_start3A_759 = tpu.memref_slice %arg8[%dma_start3A_754, %dma_start3A_758] : memref<6x128xi32, #tpu.memory_space<vmem>> -> memref<1x128xi32, #tpu.memory_space<vmem>>
      %dma_start3A_760 = tpu.memref_squeeze %dma_start3A_759 : memref<1x128xi32, #tpu.memory_space<vmem>> -> memref<128xi32, #tpu.memory_space<vmem>>
      %dma_start3A_761 = arith.constant 0 : i32
      %dma_start3A_762 = arith.constant 0 : i32
      %dma_start3A_763 = tpu.memref_slice %arg2[%arg0, %dma_start3A_761, %dma_start3A_762] : memref<2x50000x32xf32, #tpu.memory_space<hbm>> -> memref<1x50000x32xf32, #tpu.memory_space<hbm>>
      %dma_start3A_764 = tpu.memref_squeeze %dma_start3A_763 : memref<1x50000x32xf32, #tpu.memory_space<hbm>> -> memref<50000x32xf32, #tpu.memory_space<hbm>>
      %dma_start3A_765 = arith.constant 0 : i32
      %dma_start3A_766 = arith.constant 0 : i32
      %dma_start3A_767 = tpu.memref_slice %dma_start3A_764[%dma_start3A_765, %dma_start3A_766] : memref<50000x32xf32, #tpu.memory_space<hbm>> -> memref<50000x32xf32, #tpu.memory_space<hbm>>
      tpu.enqueue_indirect_dma source(%dma_start3A_767 : memref<50000x32xf32, #tpu.memory_space<hbm>>) target(%dma_start3A_757 : memref<128x32xf32, #tpu.memory_space<vmem>>) offsets(%dma_start3A_760 : memref<128xi32, #tpu.memory_space<vmem>>) semaphore(%arg12 : memref<!tpu.dma_semaphore, #tpu.memory_space<semaphore_mem>>)
      %dma_start3A_768 = arith.constant 4 : i32
      %dma_start3A_769 = arith.constant 128 : i32
      %dma_start3A_770 = arith.constant 0 : i32
      %dma_start3A_771 = tpu.memref_slice %arg7[%dma_start3A_769, %dma_start3A_770] : memref<384x32xf32, #tpu.memory_space<vmem>> -> memref<128x32xf32, #tpu.memory_space<vmem>>
      %dma_start3A_772 = arith.constant 0 : i32
      %dma_start3A_773 = tpu.memref_slice %arg8[%dma_start3A_768, %dma_start3A_772] : memref<6x128xi32, #tpu.memory_space<vmem>> -> memref<1x128xi32, #tpu.memory_space<vmem>>
      %dma_start3A_774 = tpu.memref_squeeze %dma_start3A_773 : memref<1x128xi32, #tpu.memory_space<vmem>> -> memref<128xi32, #tpu.memory_space<vmem>>
      %dma_start3A_775 = arith.constant 0 : i32
      %dma_start3A_776 = arith.constant 0 : i32
      %dma_start3A_777 = tpu.memref_slice %arg2[%arg0, %dma_start3A_775, %dma_start3A_776] : memref<2x50000x32xf32, #tpu.memory_space<hbm>> -> memref<1x50000x32xf32, #tpu.memory_space<hbm>>
      %dma_start3A_778 = tpu.memref_squeeze %dma_start3A_777 : memref<1x50000x32xf32, #tpu.memory_space<hbm>> -> memref<50000x32xf32, #tpu.memory_space<hbm>>
      %dma_start3A_779 = arith.constant 0 : i32
      %dma_start3A_780 = arith.constant 0 : i32
      %dma_start3A_781 = tpu.memref_slice %dma_start3A_778[%dma_start3A_779, %dma_start3A_780] : memref<50000x32xf32, #tpu.memory_space<hbm>> -> memref<50000x32xf32, #tpu.memory_space<hbm>>
      tpu.enqueue_indirect_dma source(%dma_start3A_781 : memref<50000x32xf32, #tpu.memory_space<hbm>>) target(%dma_start3A_771 : memref<128x32xf32, #tpu.memory_space<vmem>>) offsets(%dma_start3A_774 : memref<128xi32, #tpu.memory_space<vmem>>) semaphore(%arg12 : memref<!tpu.dma_semaphore, #tpu.memory_space<semaphore_mem>>)
      %dma_start3A_782 = arith.constant 5 : i32
      %dma_start3A_783 = arith.constant 256 : i32
      %dma_start3A_784 = arith.constant 0 : i32
      %dma_start3A_785 = tpu.memref_slice %arg7[%dma_start3A_783, %dma_start3A_784] : memref<384x32xf32, #tpu.memory_space<vmem>> -> memref<128x32xf32, #tpu.memory_space<vmem>>
      %dma_start3A_786 = arith.constant 0 : i32
      %dma_start3A_787 = tpu.memref_slice %arg8[%dma_start3A_782, %dma_start3A_786] : memref<6x128xi32, #tpu.memory_space<vmem>> -> memref<1x128xi32, #tpu.memory_space<vmem>>
      %dma_start3A_788 = tpu.memref_squeeze %dma_start3A_787 : memref<1x128xi32, #tpu.memory_space<vmem>> -> memref<128xi32, #tpu.memory_space<vmem>>
      %dma_start3A_789 = arith.constant 0 : i32
      %dma_start3A_790 = arith.constant 0 : i32
      %dma_start3A_791 = tpu.memref_slice %arg2[%arg0, %dma_start3A_789, %dma_start3A_790] : memref<2x50000x32xf32, #tpu.memory_space<hbm>> -> memref<1x50000x32xf32, #tpu.memory_space<hbm>>
      %dma_start3A_792 = tpu.memref_squeeze %dma_start3A_791 : memref<1x50000x32xf32, #tpu.memory_space<hbm>> -> memref<50000x32xf32, #tpu.memory_space<hbm>>
      %dma_start3A_793 = arith.constant 0 : i32
      %dma_start3A_794 = arith.constant 0 : i32
      %dma_start3A_795 = tpu.memref_slice %dma_start3A_792[%dma_start3A_793, %dma_start3A_794] : memref<50000x32xf32, #tpu.memory_space<hbm>> -> memref<50000x32xf32, #tpu.memory_space<hbm>>
      tpu.enqueue_indirect_dma source(%dma_start3A_795 : memref<50000x32xf32, #tpu.memory_space<hbm>>) target(%dma_start3A_785 : memref<128x32xf32, #tpu.memory_space<vmem>>) offsets(%dma_start3A_788 : memref<128xi32, #tpu.memory_space<vmem>>) semaphore(%arg12 : memref<!tpu.dma_semaphore, #tpu.memory_space<semaphore_mem>>)
      %dma_wait3A_796 = arith.constant 0 : i32
      %dma_wait3A_797 = arith.constant 0 : i32
      %dma_wait3A_798 = arith.constant 0 : i32
      %dma_wait3A_799 = tpu.memref_slice %arg6[%dma_wait3A_797, %dma_wait3A_798] : memref<384x32xf32, #tpu.memory_space<vmem>> -> memref<128x32xf32, #tpu.memory_space<vmem>>
      %dma_wait3A_800 = arith.constant 0 : i32
      %dma_wait3A_801 = tpu.memref_slice %arg8[%dma_wait3A_796, %dma_wait3A_800] : memref<6x128xi32, #tpu.memory_space<vmem>> -> memref<1x128xi32, #tpu.memory_space<vmem>>
      %dma_wait3A_802 = tpu.memref_squeeze %dma_wait3A_801 : memref<1x128xi32, #tpu.memory_space<vmem>> -> memref<128xi32, #tpu.memory_space<vmem>>
      %dma_wait3A_803 = arith.constant 0 : i32
      %dma_wait3A_804 = arith.constant 0 : i32
      %dma_wait3A_805 = tpu.memref_slice %arg2[%arg0, %dma_wait3A_803, %dma_wait3A_804] : memref<2x50000x32xf32, #tpu.memory_space<hbm>> -> memref<1x50000x32xf32, #tpu.memory_space<hbm>>
      %dma_wait3A_806 = tpu.memref_squeeze %dma_wait3A_805 : memref<1x50000x32xf32, #tpu.memory_space<hbm>> -> memref<50000x32xf32, #tpu.memory_space<hbm>>
      %dma_wait3A_807 = arith.constant 0 : i32
      %dma_wait3A_808 = arith.constant 0 : i32
      %dma_wait3A_809 = tpu.memref_slice %dma_wait3A_806[%dma_wait3A_807, %dma_wait3A_808] : memref<50000x32xf32, #tpu.memory_space<hbm>> -> memref<50000x32xf32, #tpu.memory_space<hbm>>
      tpu.wait_indirect_dma semaphore(%arg12 : memref<!tpu.dma_semaphore, #tpu.memory_space<semaphore_mem>>) src(%dma_wait3A_809 : memref<50000x32xf32, #tpu.memory_space<hbm>>) dst(%dma_wait3A_799 : memref<128x32xf32, #tpu.memory_space<vmem>>)
      %dma_wait3A_810 = arith.constant 1 : i32
      %dma_wait3A_811 = arith.constant 128 : i32
      %dma_wait3A_812 = arith.constant 0 : i32
      %dma_wait3A_813 = tpu.memref_slice %arg6[%dma_wait3A_811, %dma_wait3A_812] : memref<384x32xf32, #tpu.memory_space<vmem>> -> memref<128x32xf32, #tpu.memory_space<vmem>>
      %dma_wait3A_814 = arith.constant 0 : i32
      %dma_wait3A_815 = tpu.memref_slice %arg8[%dma_wait3A_810, %dma_wait3A_814] : memref<6x128xi32, #tpu.memory_space<vmem>> -> memref<1x128xi32, #tpu.memory_space<vmem>>
      %dma_wait3A_816 = tpu.memref_squeeze %dma_wait3A_815 : memref<1x128xi32, #tpu.memory_space<vmem>> -> memref<128xi32, #tpu.memory_space<vmem>>
      %dma_wait3A_817 = arith.constant 0 : i32
      %dma_wait3A_818 = arith.constant 0 : i32
      %dma_wait3A_819 = tpu.memref_slice %arg2[%arg0, %dma_wait3A_817, %dma_wait3A_818] : memref<2x50000x32xf32, #tpu.memory_space<hbm>> -> memref<1x50000x32xf32, #tpu.memory_space<hbm>>
      %dma_wait3A_820 = tpu.memref_squeeze %dma_wait3A_819 : memref<1x50000x32xf32, #tpu.memory_space<hbm>> -> memref<50000x32xf32, #tpu.memory_space<hbm>>
      %dma_wait3A_821 = arith.constant 0 : i32
      %dma_wait3A_822 = arith.constant 0 : i32
      %dma_wait3A_823 = tpu.memref_slice %dma_wait3A_820[%dma_wait3A_821, %dma_wait3A_822] : memref<50000x32xf32, #tpu.memory_space<hbm>> -> memref<50000x32xf32, #tpu.memory_space<hbm>>
      tpu.wait_indirect_dma semaphore(%arg12 : memref<!tpu.dma_semaphore, #tpu.memory_space<semaphore_mem>>) src(%dma_wait3A_823 : memref<50000x32xf32, #tpu.memory_space<hbm>>) dst(%dma_wait3A_813 : memref<128x32xf32, #tpu.memory_space<vmem>>)
      %dma_wait3A_824 = arith.constant 2 : i32
      %dma_wait3A_825 = arith.constant 256 : i32
      %dma_wait3A_826 = arith.constant 0 : i32
      %dma_wait3A_827 = tpu.memref_slice %arg6[%dma_wait3A_825, %dma_wait3A_826] : memref<384x32xf32, #tpu.memory_space<vmem>> -> memref<128x32xf32, #tpu.memory_space<vmem>>
      %dma_wait3A_828 = arith.constant 0 : i32
      %dma_wait3A_829 = tpu.memref_slice %arg8[%dma_wait3A_824, %dma_wait3A_828] : memref<6x128xi32, #tpu.memory_space<vmem>> -> memref<1x128xi32, #tpu.memory_space<vmem>>
      %dma_wait3A_830 = tpu.memref_squeeze %dma_wait3A_829 : memref<1x128xi32, #tpu.memory_space<vmem>> -> memref<128xi32, #tpu.memory_space<vmem>>
      %dma_wait3A_831 = arith.constant 0 : i32
      %dma_wait3A_832 = arith.constant 0 : i32
      %dma_wait3A_833 = tpu.memref_slice %arg2[%arg0, %dma_wait3A_831, %dma_wait3A_832] : memref<2x50000x32xf32, #tpu.memory_space<hbm>> -> memref<1x50000x32xf32, #tpu.memory_space<hbm>>
      %dma_wait3A_834 = tpu.memref_squeeze %dma_wait3A_833 : memref<1x50000x32xf32, #tpu.memory_space<hbm>> -> memref<50000x32xf32, #tpu.memory_space<hbm>>
      %dma_wait3A_835 = arith.constant 0 : i32
      %dma_wait3A_836 = arith.constant 0 : i32
      %dma_wait3A_837 = tpu.memref_slice %dma_wait3A_834[%dma_wait3A_835, %dma_wait3A_836] : memref<50000x32xf32, #tpu.memory_space<hbm>> -> memref<50000x32xf32, #tpu.memory_space<hbm>>
      tpu.wait_indirect_dma semaphore(%arg12 : memref<!tpu.dma_semaphore, #tpu.memory_space<semaphore_mem>>) src(%dma_wait3A_837 : memref<50000x32xf32, #tpu.memory_space<hbm>>) dst(%dma_wait3A_827 : memref<128x32xf32, #tpu.memory_space<vmem>>)
      %dma_start3A_838 = arith.constant 0 : i32
      %dma_start3A_839 = arith.constant 0 : i32
      %dma_start3A_840 = arith.constant 0 : i32
      %dma_start3A_841 = tpu.memref_slice %arg6[%dma_start3A_839, %dma_start3A_840] : memref<384x32xf32, #tpu.memory_space<vmem>> -> memref<128x32xf32, #tpu.memory_space<vmem>>
      %dma_start3A_842 = arith.constant 0 : i32
      %dma_start3A_843 = tpu.memref_slice %arg9[%dma_start3A_838, %dma_start3A_842] : memref<6x128xi32, #tpu.memory_space<vmem>> -> memref<1x128xi32, #tpu.memory_space<vmem>>
      %dma_start3A_844 = tpu.memref_squeeze %dma_start3A_843 : memref<1x128xi32, #tpu.memory_space<vmem>> -> memref<128xi32, #tpu.memory_space<vmem>>
      %dma_start3A_845 = arith.constant 0 : i32
      %dma_start3A_846 = arith.constant 0 : i32
      %dma_start3A_847 = tpu.memref_slice %arg5[%dma_start3A_845, %dma_start3A_846] : memref<50048x32xf32, #tpu.memory_space<vmem_shared>> -> memref<50048x32xf32, #tpu.memory_space<vmem_shared>>
      tpu.enqueue_indirect_dma source(%dma_start3A_841 : memref<128x32xf32, #tpu.memory_space<vmem>>) target(%dma_start3A_847 : memref<50048x32xf32, #tpu.memory_space<vmem_shared>>) offsets(%dma_start3A_844 : memref<128xi32, #tpu.memory_space<vmem>>) semaphore(%arg13 : memref<!tpu.dma_semaphore, #tpu.memory_space<semaphore_mem>>) {add = true}
      %dma_start3A_848 = arith.constant 1 : i32
      %dma_start3A_849 = arith.constant 128 : i32
      %dma_start3A_850 = arith.constant 0 : i32
      %dma_start3A_851 = tpu.memref_slice %arg6[%dma_start3A_849, %dma_start3A_850] : memref<384x32xf32, #tpu.memory_space<vmem>> -> memref<128x32xf32, #tpu.memory_space<vmem>>
      %dma_start3A_852 = arith.constant 0 : i32
      %dma_start3A_853 = tpu.memref_slice %arg9[%dma_start3A_848, %dma_start3A_852] : memref<6x128xi32, #tpu.memory_space<vmem>> -> memref<1x128xi32, #tpu.memory_space<vmem>>
      %dma_start3A_854 = tpu.memref_squeeze %dma_start3A_853 : memref<1x128xi32, #tpu.memory_space<vmem>> -> memref<128xi32, #tpu.memory_space<vmem>>
      %dma_start3A_855 = arith.constant 0 : i32
      %dma_start3A_856 = arith.constant 0 : i32
      %dma_start3A_857 = tpu.memref_slice %arg5[%dma_start3A_855, %dma_start3A_856] : memref<50048x32xf32, #tpu.memory_space<vmem_shared>> -> memref<50048x32xf32, #tpu.memory_space<vmem_shared>>
      tpu.enqueue_indirect_dma source(%dma_start3A_851 : memref<128x32xf32, #tpu.memory_space<vmem>>) target(%dma_start3A_857 : memref<50048x32xf32, #tpu.memory_space<vmem_shared>>) offsets(%dma_start3A_854 : memref<128xi32, #tpu.memory_space<vmem>>) semaphore(%arg13 : memref<!tpu.dma_semaphore, #tpu.memory_space<semaphore_mem>>) {add = true}
      %dma_start3A_858 = arith.constant 2 : i32
      %dma_start3A_859 = arith.constant 256 : i32
      %dma_start3A_860 = arith.constant 0 : i32
      %dma_start3A_861 = tpu.memref_slice %arg6[%dma_start3A_859, %dma_start3A_860] : memref<384x32xf32, #tpu.memory_space<vmem>> -> memref<128x32xf32, #tpu.memory_space<vmem>>
      %dma_start3A_862 = arith.constant 0 : i32
      %dma_start3A_863 = tpu.memref_slice %arg9[%dma_start3A_858, %dma_start3A_862] : memref<6x128xi32, #tpu.memory_space<vmem>> -> memref<1x128xi32, #tpu.memory_space<vmem>>
      %dma_start3A_864 = tpu.memref_squeeze %dma_start3A_863 : memref<1x128xi32, #tpu.memory_space<vmem>> -> memref<128xi32, #tpu.memory_space<vmem>>
      %dma_start3A_865 = arith.constant 0 : i32
      %dma_start3A_866 = arith.constant 0 : i32
      %dma_start3A_867 = tpu.memref_slice %arg5[%dma_start3A_865, %dma_start3A_866] : memref<50048x32xf32, #tpu.memory_space<vmem_shared>> -> memref<50048x32xf32, #tpu.memory_space<vmem_shared>>
      tpu.enqueue_indirect_dma source(%dma_start3A_861 : memref<128x32xf32, #tpu.memory_space<vmem>>) target(%dma_start3A_867 : memref<50048x32xf32, #tpu.memory_space<vmem_shared>>) offsets(%dma_start3A_864 : memref<128xi32, #tpu.memory_space<vmem>>) semaphore(%arg13 : memref<!tpu.dma_semaphore, #tpu.memory_space<semaphore_mem>>) {add = true}
      %dma_wait3A_868 = arith.constant 3 : i32
      %dma_wait3A_869 = arith.constant 0 : i32
      %dma_wait3A_870 = arith.constant 0 : i32
      %dma_wait3A_871 = tpu.memref_slice %arg7[%dma_wait3A_869, %dma_wait3A_870] : memref<384x32xf32, #tpu.memory_space<vmem>> -> memref<128x32xf32, #tpu.memory_space<vmem>>
      %dma_wait3A_872 = arith.constant 0 : i32
      %dma_wait3A_873 = tpu.memref_slice %arg8[%dma_wait3A_868, %dma_wait3A_872] : memref<6x128xi32, #tpu.memory_space<vmem>> -> memref<1x128xi32, #tpu.memory_space<vmem>>
      %dma_wait3A_874 = tpu.memref_squeeze %dma_wait3A_873 : memref<1x128xi32, #tpu.memory_space<vmem>> -> memref<128xi32, #tpu.memory_space<vmem>>
      %dma_wait3A_875 = arith.constant 0 : i32
      %dma_wait3A_876 = arith.constant 0 : i32
      %dma_wait3A_877 = tpu.memref_slice %arg2[%arg0, %dma_wait3A_875, %dma_wait3A_876] : memref<2x50000x32xf32, #tpu.memory_space<hbm>> -> memref<1x50000x32xf32, #tpu.memory_space<hbm>>
      %dma_wait3A_878 = tpu.memref_squeeze %dma_wait3A_877 : memref<1x50000x32xf32, #tpu.memory_space<hbm>> -> memref<50000x32xf32, #tpu.memory_space<hbm>>
      %dma_wait3A_879 = arith.constant 0 : i32
      %dma_wait3A_880 = arith.constant 0 : i32
      %dma_wait3A_881 = tpu.memref_slice %dma_wait3A_878[%dma_wait3A_879, %dma_wait3A_880] : memref<50000x32xf32, #tpu.memory_space<hbm>> -> memref<50000x32xf32, #tpu.memory_space<hbm>>
      tpu.wait_indirect_dma semaphore(%arg12 : memref<!tpu.dma_semaphore, #tpu.memory_space<semaphore_mem>>) src(%dma_wait3A_881 : memref<50000x32xf32, #tpu.memory_space<hbm>>) dst(%dma_wait3A_871 : memref<128x32xf32, #tpu.memory_space<vmem>>)
      %dma_wait3A_882 = arith.constant 4 : i32
      %dma_wait3A_883 = arith.constant 128 : i32
      %dma_wait3A_884 = arith.constant 0 : i32
      %dma_wait3A_885 = tpu.memref_slice %arg7[%dma_wait3A_883, %dma_wait3A_884] : memref<384x32xf32, #tpu.memory_space<vmem>> -> memref<128x32xf32, #tpu.memory_space<vmem>>
      %dma_wait3A_886 = arith.constant 0 : i32
      %dma_wait3A_887 = tpu.memref_slice %arg8[%dma_wait3A_882, %dma_wait3A_886] : memref<6x128xi32, #tpu.memory_space<vmem>> -> memref<1x128xi32, #tpu.memory_space<vmem>>
      %dma_wait3A_888 = tpu.memref_squeeze %dma_wait3A_887 : memref<1x128xi32, #tpu.memory_space<vmem>> -> memref<128xi32, #tpu.memory_space<vmem>>
      %dma_wait3A_889 = arith.constant 0 : i32
      %dma_wait3A_890 = arith.constant 0 : i32
      %dma_wait3A_891 = tpu.memref_slice %arg2[%arg0, %dma_wait3A_889, %dma_wait3A_890] : memref<2x50000x32xf32, #tpu.memory_space<hbm>> -> memref<1x50000x32xf32, #tpu.memory_space<hbm>>
      %dma_wait3A_892 = tpu.memref_squeeze %dma_wait3A_891 : memref<1x50000x32xf32, #tpu.memory_space<hbm>> -> memref<50000x32xf32, #tpu.memory_space<hbm>>
      %dma_wait3A_893 = arith.constant 0 : i32
      %dma_wait3A_894 = arith.constant 0 : i32
      %dma_wait3A_895 = tpu.memref_slice %dma_wait3A_892[%dma_wait3A_893, %dma_wait3A_894] : memref<50000x32xf32, #tpu.memory_space<hbm>> -> memref<50000x32xf32, #tpu.memory_space<hbm>>
      tpu.wait_indirect_dma semaphore(%arg12 : memref<!tpu.dma_semaphore, #tpu.memory_space<semaphore_mem>>) src(%dma_wait3A_895 : memref<50000x32xf32, #tpu.memory_space<hbm>>) dst(%dma_wait3A_885 : memref<128x32xf32, #tpu.memory_space<vmem>>)
      %dma_wait3A_896 = arith.constant 5 : i32
      %dma_wait3A_897 = arith.constant 256 : i32
      %dma_wait3A_898 = arith.constant 0 : i32
      %dma_wait3A_899 = tpu.memref_slice %arg7[%dma_wait3A_897, %dma_wait3A_898] : memref<384x32xf32, #tpu.memory_space<vmem>> -> memref<128x32xf32, #tpu.memory_space<vmem>>
      %dma_wait3A_900 = arith.constant 0 : i32
      %dma_wait3A_901 = tpu.memref_slice %arg8[%dma_wait3A_896, %dma_wait3A_900] : memref<6x128xi32, #tpu.memory_space<vmem>> -> memref<1x128xi32, #tpu.memory_space<vmem>>
      %dma_wait3A_902 = tpu.memref_squeeze %dma_wait3A_901 : memref<1x128xi32, #tpu.memory_space<vmem>> -> memref<128xi32, #tpu.memory_space<vmem>>
      %dma_wait3A_903 = arith.constant 0 : i32
      %dma_wait3A_904 = arith.constant 0 : i32
      %dma_wait3A_905 = tpu.memref_slice %arg2[%arg0, %dma_wait3A_903, %dma_wait3A_904] : memref<2x50000x32xf32, #tpu.memory_space<hbm>> -> memref<1x50000x32xf32, #tpu.memory_space<hbm>>
      %dma_wait3A_906 = tpu.memref_squeeze %dma_wait3A_905 : memref<1x50000x32xf32, #tpu.memory_space<hbm>> -> memref<50000x32xf32, #tpu.memory_space<hbm>>
      %dma_wait3A_907 = arith.constant 0 : i32
      %dma_wait3A_908 = arith.constant 0 : i32
      %dma_wait3A_909 = tpu.memref_slice %dma_wait3A_906[%dma_wait3A_907, %dma_wait3A_908] : memref<50000x32xf32, #tpu.memory_space<hbm>> -> memref<50000x32xf32, #tpu.memory_space<hbm>>
      tpu.wait_indirect_dma semaphore(%arg12 : memref<!tpu.dma_semaphore, #tpu.memory_space<semaphore_mem>>) src(%dma_wait3A_909 : memref<50000x32xf32, #tpu.memory_space<hbm>>) dst(%dma_wait3A_899 : memref<128x32xf32, #tpu.memory_space<vmem>>)
      %dma_wait3A_910 = arith.constant 0 : i32
      %dma_wait3A_911 = arith.constant 0 : i32
      %dma_wait3A_912 = arith.constant 0 : i32
      %dma_wait3A_913 = tpu.memref_slice %arg6[%dma_wait3A_911, %dma_wait3A_912] : memref<384x32xf32, #tpu.memory_space<vmem>> -> memref<128x32xf32, #tpu.memory_space<vmem>>
      %dma_wait3A_914 = arith.constant 0 : i32
      %dma_wait3A_915 = tpu.memref_slice %arg9[%dma_wait3A_910, %dma_wait3A_914] : memref<6x128xi32, #tpu.memory_space<vmem>> -> memref<1x128xi32, #tpu.memory_space<vmem>>
      %dma_wait3A_916 = tpu.memref_squeeze %dma_wait3A_915 : memref<1x128xi32, #tpu.memory_space<vmem>> -> memref<128xi32, #tpu.memory_space<vmem>>
      %dma_wait3A_917 = arith.constant 0 : i32
      %dma_wait3A_918 = arith.constant 0 : i32
      %dma_wait3A_919 = tpu.memref_slice %arg5[%dma_wait3A_917, %dma_wait3A_918] : memref<50048x32xf32, #tpu.memory_space<vmem_shared>> -> memref<50048x32xf32, #tpu.memory_space<vmem_shared>>
      tpu.wait_indirect_dma semaphore(%arg13 : memref<!tpu.dma_semaphore, #tpu.memory_space<semaphore_mem>>) src(%dma_wait3A_913 : memref<128x32xf32, #tpu.memory_space<vmem>>) dst(%dma_wait3A_919 : memref<50048x32xf32, #tpu.memory_space<vmem_shared>>)
      %dma_wait3A_920 = arith.constant 1 : i32
      %dma_wait3A_921 = arith.constant 128 : i32
      %dma_wait3A_922 = arith.constant 0 : i32
      %dma_wait3A_923 = tpu.memref_slice %arg6[%dma_wait3A_921, %dma_wait3A_922] : memref<384x32xf32, #tpu.memory_space<vmem>> -> memref<128x32xf32, #tpu.memory_space<vmem>>
      %dma_wait3A_924 = arith.constant 0 : i32
      %dma_wait3A_925 = tpu.memref_slice %arg9[%dma_wait3A_920, %dma_wait3A_924] : memref<6x128xi32, #tpu.memory_space<vmem>> -> memref<1x128xi32, #tpu.memory_space<vmem>>
      %dma_wait3A_926 = tpu.memref_squeeze %dma_wait3A_925 : memref<1x128xi32, #tpu.memory_space<vmem>> -> memref<128xi32, #tpu.memory_space<vmem>>
      %dma_wait3A_927 = arith.constant 0 : i32
      %dma_wait3A_928 = arith.constant 0 : i32
      %dma_wait3A_929 = tpu.memref_slice %arg5[%dma_wait3A_927, %dma_wait3A_928] : memref<50048x32xf32, #tpu.memory_space<vmem_shared>> -> memref<50048x32xf32, #tpu.memory_space<vmem_shared>>
      tpu.wait_indirect_dma semaphore(%arg13 : memref<!tpu.dma_semaphore, #tpu.memory_space<semaphore_mem>>) src(%dma_wait3A_923 : memref<128x32xf32, #tpu.memory_space<vmem>>) dst(%dma_wait3A_929 : memref<50048x32xf32, #tpu.memory_space<vmem_shared>>)
      %dma_wait3A_930 = arith.constant 2 : i32
      %dma_wait3A_931 = arith.constant 256 : i32
      %dma_wait3A_932 = arith.constant 0 : i32
      %dma_wait3A_933 = tpu.memref_slice %arg6[%dma_wait3A_931, %dma_wait3A_932] : memref<384x32xf32, #tpu.memory_space<vmem>> -> memref<128x32xf32, #tpu.memory_space<vmem>>
      %dma_wait3A_934 = arith.constant 0 : i32
      %dma_wait3A_935 = tpu.memref_slice %arg9[%dma_wait3A_930, %dma_wait3A_934] : memref<6x128xi32, #tpu.memory_space<vmem>> -> memref<1x128xi32, #tpu.memory_space<vmem>>
      %dma_wait3A_936 = tpu.memref_squeeze %dma_wait3A_935 : memref<1x128xi32, #tpu.memory_space<vmem>> -> memref<128xi32, #tpu.memory_space<vmem>>
      %dma_wait3A_937 = arith.constant 0 : i32
      %dma_wait3A_938 = arith.constant 0 : i32
      %dma_wait3A_939 = tpu.memref_slice %arg5[%dma_wait3A_937, %dma_wait3A_938] : memref<50048x32xf32, #tpu.memory_space<vmem_shared>> -> memref<50048x32xf32, #tpu.memory_space<vmem_shared>>
      tpu.wait_indirect_dma semaphore(%arg13 : memref<!tpu.dma_semaphore, #tpu.memory_space<semaphore_mem>>) src(%dma_wait3A_933 : memref<128x32xf32, #tpu.memory_space<vmem>>) dst(%dma_wait3A_939 : memref<50048x32xf32, #tpu.memory_space<vmem_shared>>)
      %dma_start3A_940 = arith.constant 3 : i32
      %dma_start3A_941 = arith.constant 0 : i32
      %dma_start3A_942 = arith.constant 0 : i32
      %dma_start3A_943 = tpu.memref_slice %arg7[%dma_start3A_941, %dma_start3A_942] : memref<384x32xf32, #tpu.memory_space<vmem>> -> memref<128x32xf32, #tpu.memory_space<vmem>>
      %dma_start3A_944 = arith.constant 0 : i32
      %dma_start3A_945 = tpu.memref_slice %arg9[%dma_start3A_940, %dma_start3A_944] : memref<6x128xi32, #tpu.memory_space<vmem>> -> memref<1x128xi32, #tpu.memory_space<vmem>>
      %dma_start3A_946 = tpu.memref_squeeze %dma_start3A_945 : memref<1x128xi32, #tpu.memory_space<vmem>> -> memref<128xi32, #tpu.memory_space<vmem>>
      %dma_start3A_947 = arith.constant 0 : i32
      %dma_start3A_948 = arith.constant 0 : i32
      %dma_start3A_949 = tpu.memref_slice %arg5[%dma_start3A_947, %dma_start3A_948] : memref<50048x32xf32, #tpu.memory_space<vmem_shared>> -> memref<50048x32xf32, #tpu.memory_space<vmem_shared>>
      tpu.enqueue_indirect_dma source(%dma_start3A_943 : memref<128x32xf32, #tpu.memory_space<vmem>>) target(%dma_start3A_949 : memref<50048x32xf32, #tpu.memory_space<vmem_shared>>) offsets(%dma_start3A_946 : memref<128xi32, #tpu.memory_space<vmem>>) semaphore(%arg14 : memref<!tpu.dma_semaphore, #tpu.memory_space<semaphore_mem>>) {add = true}
      %dma_start3A_950 = arith.constant 4 : i32
      %dma_start3A_951 = arith.constant 128 : i32
      %dma_start3A_952 = arith.constant 0 : i32
      %dma_start3A_953 = tpu.memref_slice %arg7[%dma_start3A_951, %dma_start3A_952] : memref<384x32xf32, #tpu.memory_space<vmem>> -> memref<128x32xf32, #tpu.memory_space<vmem>>
      %dma_start3A_954 = arith.constant 0 : i32
      %dma_start3A_955 = tpu.memref_slice %arg9[%dma_start3A_950, %dma_start3A_954] : memref<6x128xi32, #tpu.memory_space<vmem>> -> memref<1x128xi32, #tpu.memory_space<vmem>>
      %dma_start3A_956 = tpu.memref_squeeze %dma_start3A_955 : memref<1x128xi32, #tpu.memory_space<vmem>> -> memref<128xi32, #tpu.memory_space<vmem>>
      %dma_start3A_957 = arith.constant 0 : i32
      %dma_start3A_958 = arith.constant 0 : i32
      %dma_start3A_959 = tpu.memref_slice %arg5[%dma_start3A_957, %dma_start3A_958] : memref<50048x32xf32, #tpu.memory_space<vmem_shared>> -> memref<50048x32xf32, #tpu.memory_space<vmem_shared>>
      tpu.enqueue_indirect_dma source(%dma_start3A_953 : memref<128x32xf32, #tpu.memory_space<vmem>>) target(%dma_start3A_959 : memref<50048x32xf32, #tpu.memory_space<vmem_shared>>) offsets(%dma_start3A_956 : memref<128xi32, #tpu.memory_space<vmem>>) semaphore(%arg14 : memref<!tpu.dma_semaphore, #tpu.memory_space<semaphore_mem>>) {add = true}
      %dma_start3A_960 = arith.constant 5 : i32
      %dma_start3A_961 = arith.constant 256 : i32
      %dma_start3A_962 = arith.constant 0 : i32
      %dma_start3A_963 = tpu.memref_slice %arg7[%dma_start3A_961, %dma_start3A_962] : memref<384x32xf32, #tpu.memory_space<vmem>> -> memref<128x32xf32, #tpu.memory_space<vmem>>
      %dma_start3A_964 = arith.constant 0 : i32
      %dma_start3A_965 = tpu.memref_slice %arg9[%dma_start3A_960, %dma_start3A_964] : memref<6x128xi32, #tpu.memory_space<vmem>> -> memref<1x128xi32, #tpu.memory_space<vmem>>
      %dma_start3A_966 = tpu.memref_squeeze %dma_start3A_965 : memref<1x128xi32, #tpu.memory_space<vmem>> -> memref<128xi32, #tpu.memory_space<vmem>>
      %dma_start3A_967 = arith.constant 0 : i32
      %dma_start3A_968 = arith.constant 0 : i32
      %dma_start3A_969 = tpu.memref_slice %arg5[%dma_start3A_967, %dma_start3A_968] : memref<50048x32xf32, #tpu.memory_space<vmem_shared>> -> memref<50048x32xf32, #tpu.memory_space<vmem_shared>>
      tpu.enqueue_indirect_dma source(%dma_start3A_963 : memref<128x32xf32, #tpu.memory_space<vmem>>) target(%dma_start3A_969 : memref<50048x32xf32, #tpu.memory_space<vmem_shared>>) offsets(%dma_start3A_966 : memref<128xi32, #tpu.memory_space<vmem>>) semaphore(%arg14 : memref<!tpu.dma_semaphore, #tpu.memory_space<semaphore_mem>>) {add = true}
      %add3A_970 = arith.constant 1 : i32
      %add3A_971 = arith.addi %mul3A_639, %add3A_970 : i32
      %mul3A_972 = arith.constant 396 : i32
      %mul3A_973 = arith.muli %arg1, %mul3A_972 : i32
      %mul3A_974 = arith.constant 6 : i32
      %mul3A_975 = arith.muli %add3A_971, %mul3A_974 : i32
      %add3A_976 = arith.addi %mul3A_973, %mul3A_975 : i32
      %dma_wait3A_977 = arith.constant 0 : i32
      %dma_wait3A_978 = arith.constant 0 : i32
      %dma_wait3A_979 = tpu.memref_slice %arg3[%scan3A_557, %dma_wait3A_977, %dma_wait3A_978] : memref<4x6344x128xi32, #tpu.memory_space<hbm>> -> memref<1x6344x128xi32, #tpu.memory_space<hbm>>
      %dma_wait3A_980 = tpu.memref_squeeze %dma_wait3A_979 : memref<1x6344x128xi32, #tpu.memory_space<hbm>> -> memref<6344x128xi32, #tpu.memory_space<hbm>>
      %dma_wait3A_981 = arith.constant 0 : i32
      %dma_wait3A_982 = tpu.memref_slice %dma_wait3A_980[%add3A_976, %dma_wait3A_981] : memref<6344x128xi32, #tpu.memory_space<hbm>> -> memref<6x128xi32, #tpu.memory_space<hbm>>
      %dma_wait3A_983 = arith.constant 0 : i32
      %dma_wait3A_984 = arith.constant 0 : i32
      %dma_wait3A_985 = tpu.memref_slice %arg3[%scan3A_557, %dma_wait3A_983, %dma_wait3A_984] : memref<4x6344x128xi32, #tpu.memory_space<hbm>> -> memref<1x6344x128xi32, #tpu.memory_space<hbm>>
      %dma_wait3A_986 = tpu.memref_squeeze %dma_wait3A_985 : memref<1x6344x128xi32, #tpu.memory_space<hbm>> -> memref<6344x128xi32, #tpu.memory_space<hbm>>
      %dma_wait3A_987 = arith.constant 0 : i32
      %dma_wait3A_988 = tpu.memref_slice %dma_wait3A_986[%add3A_976, %dma_wait3A_987] : memref<6344x128xi32, #tpu.memory_space<hbm>> -> memref<6x128xi32, #tpu.memory_space<hbm>>
      tpu.wait_dma2 semaphore(%arg15 : memref<!tpu.dma_semaphore, #tpu.memory_space<semaphore_mem>>) src(%dma_wait3A_988 : memref<6x128xi32, #tpu.memory_space<hbm>>) dst(%arg10 : memref<6x128xi32, #tpu.memory_space<vmem>>)
      %mul3A_989 = arith.constant 396 : i32
      %mul3A_990 = arith.muli %arg1, %mul3A_989 : i32
      %mul3A_991 = arith.constant 6 : i32
      %mul3A_992 = arith.muli %add3A_971, %mul3A_991 : i32
      %add3A_993 = arith.addi %mul3A_990, %mul3A_992 : i32
      %dma_wait3A_994 = arith.constant 0 : i32
      %dma_wait3A_995 = arith.constant 0 : i32
      %dma_wait3A_996 = tpu.memref_slice %arg3[%scan3A_558, %dma_wait3A_994, %dma_wait3A_995] : memref<4x6344x128xi32, #tpu.memory_space<hbm>> -> memref<1x6344x128xi32, #tpu.memory_space<hbm>>
      %dma_wait3A_997 = tpu.memref_squeeze %dma_wait3A_996 : memref<1x6344x128xi32, #tpu.memory_space<hbm>> -> memref<6344x128xi32, #tpu.memory_space<hbm>>
      %dma_wait3A_998 = arith.constant 0 : i32
      %dma_wait3A_999 = tpu.memref_slice %dma_wait3A_997[%add3A_993, %dma_wait3A_998] : memref<6344x128xi32, #tpu.memory_space<hbm>> -> memref<6x128xi32, #tpu.memory_space<hbm>>
      %dma_wait3A_1000 = arith.constant 0 : i32
      %dma_wait3A_1001 = arith.constant 0 : i32
      %dma_wait3A_1002 = tpu.memref_slice %arg3[%scan3A_558, %dma_wait3A_1000, %dma_wait3A_1001] : memref<4x6344x128xi32, #tpu.memory_space<hbm>> -> memref<1x6344x128xi32, #tpu.memory_space<hbm>>
      %dma_wait3A_1003 = tpu.memref_squeeze %dma_wait3A_1002 : memref<1x6344x128xi32, #tpu.memory_space<hbm>> -> memref<6344x128xi32, #tpu.memory_space<hbm>>
      %dma_wait3A_1004 = arith.constant 0 : i32
      %dma_wait3A_1005 = tpu.memref_slice %dma_wait3A_1003[%add3A_993, %dma_wait3A_1004] : memref<6344x128xi32, #tpu.memory_space<hbm>> -> memref<6x128xi32, #tpu.memory_space<hbm>>
      tpu.wait_dma2 semaphore(%arg15 : memref<!tpu.dma_semaphore, #tpu.memory_space<semaphore_mem>>) src(%dma_wait3A_1005 : memref<6x128xi32, #tpu.memory_space<hbm>>) dst(%arg11 : memref<6x128xi32, #tpu.memory_space<vmem>>)
      %dma_start3A_1006 = arith.constant 0 : i32
      %dma_start3A_1007 = arith.constant 0 : i32
      %dma_start3A_1008 = arith.constant 0 : i32
      %dma_start3A_1009 = tpu.memref_slice %arg6[%dma_start3A_1007, %dma_start3A_1008] : memref<384x32xf32, #tpu.memory_space<vmem>> -> memref<128x32xf32, #tpu.memory_space<vmem>>
      %dma_start3A_1010 = arith.constant 0 : i32
      %dma_start3A_1011 = tpu.memref_slice %arg10[%dma_start3A_1006, %dma_start3A_1010] : memref<6x128xi32, #tpu.memory_space<vmem>> -> memref<1x128xi32, #tpu.memory_space<vmem>>
      %dma_start3A_1012 = tpu.memref_squeeze %dma_start3A_1011 : memref<1x128xi32, #tpu.memory_space<vmem>> -> memref<128xi32, #tpu.memory_space<vmem>>
      %dma_start3A_1013 = arith.constant 0 : i32
      %dma_start3A_1014 = arith.constant 0 : i32
      %dma_start3A_1015 = tpu.memref_slice %arg2[%arg0, %dma_start3A_1013, %dma_start3A_1014] : memref<2x50000x32xf32, #tpu.memory_space<hbm>> -> memref<1x50000x32xf32, #tpu.memory_space<hbm>>
      %dma_start3A_1016 = tpu.memref_squeeze %dma_start3A_1015 : memref<1x50000x32xf32, #tpu.memory_space<hbm>> -> memref<50000x32xf32, #tpu.memory_space<hbm>>
      %dma_start3A_1017 = arith.constant 0 : i32
      %dma_start3A_1018 = arith.constant 0 : i32
      %dma_start3A_1019 = tpu.memref_slice %dma_start3A_1016[%dma_start3A_1017, %dma_start3A_1018] : memref<50000x32xf32, #tpu.memory_space<hbm>> -> memref<50000x32xf32, #tpu.memory_space<hbm>>
      tpu.enqueue_indirect_dma source(%dma_start3A_1019 : memref<50000x32xf32, #tpu.memory_space<hbm>>) target(%dma_start3A_1009 : memref<128x32xf32, #tpu.memory_space<vmem>>) offsets(%dma_start3A_1012 : memref<128xi32, #tpu.memory_space<vmem>>) semaphore(%arg12 : memref<!tpu.dma_semaphore, #tpu.memory_space<semaphore_mem>>)
      %dma_start3A_1020 = arith.constant 1 : i32
      %dma_start3A_1021 = arith.constant 128 : i32
      %dma_start3A_1022 = arith.constant 0 : i32
      %dma_start3A_1023 = tpu.memref_slice %arg6[%dma_start3A_1021, %dma_start3A_1022] : memref<384x32xf32, #tpu.memory_space<vmem>> -> memref<128x32xf32, #tpu.memory_space<vmem>>
      %dma_start3A_1024 = arith.constant 0 : i32
      %dma_start3A_1025 = tpu.memref_slice %arg10[%dma_start3A_1020, %dma_start3A_1024] : memref<6x128xi32, #tpu.memory_space<vmem>> -> memref<1x128xi32, #tpu.memory_space<vmem>>
      %dma_start3A_1026 = tpu.memref_squeeze %dma_start3A_1025 : memref<1x128xi32, #tpu.memory_space<vmem>> -> memref<128xi32, #tpu.memory_space<vmem>>
      %dma_start3A_1027 = arith.constant 0 : i32
      %dma_start3A_1028 = arith.constant 0 : i32
      %dma_start3A_1029 = tpu.memref_slice %arg2[%arg0, %dma_start3A_1027, %dma_start3A_1028] : memref<2x50000x32xf32, #tpu.memory_space<hbm>> -> memref<1x50000x32xf32, #tpu.memory_space<hbm>>
      %dma_start3A_1030 = tpu.memref_squeeze %dma_start3A_1029 : memref<1x50000x32xf32, #tpu.memory_space<hbm>> -> memref<50000x32xf32, #tpu.memory_space<hbm>>
      %dma_start3A_1031 = arith.constant 0 : i32
      %dma_start3A_1032 = arith.constant 0 : i32
      %dma_start3A_1033 = tpu.memref_slice %dma_start3A_1030[%dma_start3A_1031, %dma_start3A_1032] : memref<50000x32xf32, #tpu.memory_space<hbm>> -> memref<50000x32xf32, #tpu.memory_space<hbm>>
      tpu.enqueue_indirect_dma source(%dma_start3A_1033 : memref<50000x32xf32, #tpu.memory_space<hbm>>) target(%dma_start3A_1023 : memref<128x32xf32, #tpu.memory_space<vmem>>) offsets(%dma_start3A_1026 : memref<128xi32, #tpu.memory_space<vmem>>) semaphore(%arg12 : memref<!tpu.dma_semaphore, #tpu.memory_space<semaphore_mem>>)
      %dma_start3A_1034 = arith.constant 2 : i32
      %dma_start3A_1035 = arith.constant 256 : i32
      %dma_start3A_1036 = arith.constant 0 : i32
      %dma_start3A_1037 = tpu.memref_slice %arg6[%dma_start3A_1035, %dma_start3A_1036] : memref<384x32xf32, #tpu.memory_space<vmem>> -> memref<128x32xf32, #tpu.memory_space<vmem>>
      %dma_start3A_1038 = arith.constant 0 : i32
      %dma_start3A_1039 = tpu.memref_slice %arg10[%dma_start3A_1034, %dma_start3A_1038] : memref<6x128xi32, #tpu.memory_space<vmem>> -> memref<1x128xi32, #tpu.memory_space<vmem>>
      %dma_start3A_1040 = tpu.memref_squeeze %dma_start3A_1039 : memref<1x128xi32, #tpu.memory_space<vmem>> -> memref<128xi32, #tpu.memory_space<vmem>>
      %dma_start3A_1041 = arith.constant 0 : i32
      %dma_start3A_1042 = arith.constant 0 : i32
      %dma_start3A_1043 = tpu.memref_slice %arg2[%arg0, %dma_start3A_1041, %dma_start3A_1042] : memref<2x50000x32xf32, #tpu.memory_space<hbm>> -> memref<1x50000x32xf32, #tpu.memory_space<hbm>>
      %dma_start3A_1044 = tpu.memref_squeeze %dma_start3A_1043 : memref<1x50000x32xf32, #tpu.memory_space<hbm>> -> memref<50000x32xf32, #tpu.memory_space<hbm>>
      %dma_start3A_1045 = arith.constant 0 : i32
      %dma_start3A_1046 = arith.constant 0 : i32
      %dma_start3A_1047 = tpu.memref_slice %dma_start3A_1044[%dma_start3A_1045, %dma_start3A_1046] : memref<50000x32xf32, #tpu.memory_space<hbm>> -> memref<50000x32xf32, #tpu.memory_space<hbm>>
      tpu.enqueue_indirect_dma source(%dma_start3A_1047 : memref<50000x32xf32, #tpu.memory_space<hbm>>) target(%dma_start3A_1037 : memref<128x32xf32, #tpu.memory_space<vmem>>) offsets(%dma_start3A_1040 : memref<128xi32, #tpu.memory_space<vmem>>) semaphore(%arg12 : memref<!tpu.dma_semaphore, #tpu.memory_space<semaphore_mem>>)
      %dma_wait3A_1048 = arith.constant 3 : i32
      %dma_wait3A_1049 = arith.constant 0 : i32
      %dma_wait3A_1050 = arith.constant 0 : i32
      %dma_wait3A_1051 = tpu.memref_slice %arg7[%dma_wait3A_1049, %dma_wait3A_1050] : memref<384x32xf32, #tpu.memory_space<vmem>> -> memref<128x32xf32, #tpu.memory_space<vmem>>
      %dma_wait3A_1052 = arith.constant 0 : i32
      %dma_wait3A_1053 = tpu.memref_slice %arg9[%dma_wait3A_1048, %dma_wait3A_1052] : memref<6x128xi32, #tpu.memory_space<vmem>> -> memref<1x128xi32, #tpu.memory_space<vmem>>
      %dma_wait3A_1054 = tpu.memref_squeeze %dma_wait3A_1053 : memref<1x128xi32, #tpu.memory_space<vmem>> -> memref<128xi32, #tpu.memory_space<vmem>>
      %dma_wait3A_1055 = arith.constant 0 : i32
      %dma_wait3A_1056 = arith.constant 0 : i32
      %dma_wait3A_1057 = tpu.memref_slice %arg5[%dma_wait3A_1055, %dma_wait3A_1056] : memref<50048x32xf32, #tpu.memory_space<vmem_shared>> -> memref<50048x32xf32, #tpu.memory_space<vmem_shared>>
      tpu.wait_indirect_dma semaphore(%arg14 : memref<!tpu.dma_semaphore, #tpu.memory_space<semaphore_mem>>) src(%dma_wait3A_1051 : memref<128x32xf32, #tpu.memory_space<vmem>>) dst(%dma_wait3A_1057 : memref<50048x32xf32, #tpu.memory_space<vmem_shared>>)
      %dma_wait3A_1058 = arith.constant 4 : i32
      %dma_wait3A_1059 = arith.constant 128 : i32
      %dma_wait3A_1060 = arith.constant 0 : i32
      %dma_wait3A_1061 = tpu.memref_slice %arg7[%dma_wait3A_1059, %dma_wait3A_1060] : memref<384x32xf32, #tpu.memory_space<vmem>> -> memref<128x32xf32, #tpu.memory_space<vmem>>
      %dma_wait3A_1062 = arith.constant 0 : i32
      %dma_wait3A_1063 = tpu.memref_slice %arg9[%dma_wait3A_1058, %dma_wait3A_1062] : memref<6x128xi32, #tpu.memory_space<vmem>> -> memref<1x128xi32, #tpu.memory_space<vmem>>
      %dma_wait3A_1064 = tpu.memref_squeeze %dma_wait3A_1063 : memref<1x128xi32, #tpu.memory_space<vmem>> -> memref<128xi32, #tpu.memory_space<vmem>>
      %dma_wait3A_1065 = arith.constant 0 : i32
      %dma_wait3A_1066 = arith.constant 0 : i32
      %dma_wait3A_1067 = tpu.memref_slice %arg5[%dma_wait3A_1065, %dma_wait3A_1066] : memref<50048x32xf32, #tpu.memory_space<vmem_shared>> -> memref<50048x32xf32, #tpu.memory_space<vmem_shared>>
      tpu.wait_indirect_dma semaphore(%arg14 : memref<!tpu.dma_semaphore, #tpu.memory_space<semaphore_mem>>) src(%dma_wait3A_1061 : memref<128x32xf32, #tpu.memory_space<vmem>>) dst(%dma_wait3A_1067 : memref<50048x32xf32, #tpu.memory_space<vmem_shared>>)
      %dma_wait3A_1068 = arith.constant 5 : i32
      %dma_wait3A_1069 = arith.constant 256 : i32
      %dma_wait3A_1070 = arith.constant 0 : i32
      %dma_wait3A_1071 = tpu.memref_slice %arg7[%dma_wait3A_1069, %dma_wait3A_1070] : memref<384x32xf32, #tpu.memory_space<vmem>> -> memref<128x32xf32, #tpu.memory_space<vmem>>
      %dma_wait3A_1072 = arith.constant 0 : i32
      %dma_wait3A_1073 = tpu.memref_slice %arg9[%dma_wait3A_1068, %dma_wait3A_1072] : memref<6x128xi32, #tpu.memory_space<vmem>> -> memref<1x128xi32, #tpu.memory_space<vmem>>
      %dma_wait3A_1074 = tpu.memref_squeeze %dma_wait3A_1073 : memref<1x128xi32, #tpu.memory_space<vmem>> -> memref<128xi32, #tpu.memory_space<vmem>>
      %dma_wait3A_1075 = arith.constant 0 : i32
      %dma_wait3A_1076 = arith.constant 0 : i32
      %dma_wait3A_1077 = tpu.memref_slice %arg5[%dma_wait3A_1075, %dma_wait3A_1076] : memref<50048x32xf32, #tpu.memory_space<vmem_shared>> -> memref<50048x32xf32, #tpu.memory_space<vmem_shared>>
      tpu.wait_indirect_dma semaphore(%arg14 : memref<!tpu.dma_semaphore, #tpu.memory_space<semaphore_mem>>) src(%dma_wait3A_1071 : memref<128x32xf32, #tpu.memory_space<vmem>>) dst(%dma_wait3A_1077 : memref<50048x32xf32, #tpu.memory_space<vmem_shared>>)
      %add3A_1078 = arith.constant 2 : i32
      %add3A_1079 = arith.addi %mul3A_639, %add3A_1078 : i32
      %mul3A_1080 = arith.constant 396 : i32
      %mul3A_1081 = arith.muli %arg1, %mul3A_1080 : i32
      %mul3A_1082 = arith.constant 6 : i32
      %mul3A_1083 = arith.muli %add3A_1079, %mul3A_1082 : i32
      %add3A_1084 = arith.addi %mul3A_1081, %mul3A_1083 : i32
      %dma_start3A_1085 = arith.constant 0 : i32
      %dma_start3A_1086 = arith.constant 0 : i32
      %dma_start3A_1087 = tpu.memref_slice %arg3[%scan3A_557, %dma_start3A_1085, %dma_start3A_1086] : memref<4x6344x128xi32, #tpu.memory_space<hbm>> -> memref<1x6344x128xi32, #tpu.memory_space<hbm>>
      %dma_start3A_1088 = tpu.memref_squeeze %dma_start3A_1087 : memref<1x6344x128xi32, #tpu.memory_space<hbm>> -> memref<6344x128xi32, #tpu.memory_space<hbm>>
      %dma_start3A_1089 = arith.constant 0 : i32
      %dma_start3A_1090 = tpu.memref_slice %dma_start3A_1088[%add3A_1084, %dma_start3A_1089] : memref<6344x128xi32, #tpu.memory_space<hbm>> -> memref<6x128xi32, #tpu.memory_space<hbm>>
      %dma_start3A_1091 = arith.constant 0 : i32
      %dma_start3A_1092 = arith.constant 0 : i32
      %dma_start3A_1093 = tpu.memref_slice %arg3[%scan3A_557, %dma_start3A_1091, %dma_start3A_1092] : memref<4x6344x128xi32, #tpu.memory_space<hbm>> -> memref<1x6344x128xi32, #tpu.memory_space<hbm>>
      %dma_start3A_1094 = tpu.memref_squeeze %dma_start3A_1093 : memref<1x6344x128xi32, #tpu.memory_space<hbm>> -> memref<6344x128xi32, #tpu.memory_space<hbm>>
      %dma_start3A_1095 = arith.constant 0 : i32
      %dma_start3A_1096 = tpu.memref_slice %dma_start3A_1094[%add3A_1084, %dma_start3A_1095] : memref<6344x128xi32, #tpu.memory_space<hbm>> -> memref<6x128xi32, #tpu.memory_space<hbm>>
      tpu.enqueue_dma source(%dma_start3A_1096 : memref<6x128xi32, #tpu.memory_space<hbm>>) target(%arg8 : memref<6x128xi32, #tpu.memory_space<vmem>>) target_semaphore(%arg15 : memref<!tpu.dma_semaphore, #tpu.memory_space<semaphore_mem>>)
      %mul3A_1097 = arith.constant 396 : i32
      %mul3A_1098 = arith.muli %arg1, %mul3A_1097 : i32
      %mul3A_1099 = arith.constant 6 : i32
      %mul3A_1100 = arith.muli %add3A_1079, %mul3A_1099 : i32
      %add3A_1101 = arith.addi %mul3A_1098, %mul3A_1100 : i32
      %dma_start3A_1102 = arith.constant 0 : i32
      %dma_start3A_1103 = arith.constant 0 : i32
      %dma_start3A_1104 = tpu.memref_slice %arg3[%scan3A_558, %dma_start3A_1102, %dma_start3A_1103] : memref<4x6344x128xi32, #tpu.memory_space<hbm>> -> memref<1x6344x128xi32, #tpu.memory_space<hbm>>
      %dma_start3A_1105 = tpu.memref_squeeze %dma_start3A_1104 : memref<1x6344x128xi32, #tpu.memory_space<hbm>> -> memref<6344x128xi32, #tpu.memory_space<hbm>>
      %dma_start3A_1106 = arith.constant 0 : i32
      %dma_start3A_1107 = tpu.memref_slice %dma_start3A_1105[%add3A_1101, %dma_start3A_1106] : memref<6344x128xi32, #tpu.memory_space<hbm>> -> memref<6x128xi32, #tpu.memory_space<hbm>>
      %dma_start3A_1108 = arith.constant 0 : i32
      %dma_start3A_1109 = arith.constant 0 : i32
      %dma_start3A_1110 = tpu.memref_slice %arg3[%scan3A_558, %dma_start3A_1108, %dma_start3A_1109] : memref<4x6344x128xi32, #tpu.memory_space<hbm>> -> memref<1x6344x128xi32, #tpu.memory_space<hbm>>
      %dma_start3A_1111 = tpu.memref_squeeze %dma_start3A_1110 : memref<1x6344x128xi32, #tpu.memory_space<hbm>> -> memref<6344x128xi32, #tpu.memory_space<hbm>>
      %dma_start3A_1112 = arith.constant 0 : i32
      %dma_start3A_1113 = tpu.memref_slice %dma_start3A_1111[%add3A_1101, %dma_start3A_1112] : memref<6344x128xi32, #tpu.memory_space<hbm>> -> memref<6x128xi32, #tpu.memory_space<hbm>>
      tpu.enqueue_dma source(%dma_start3A_1113 : memref<6x128xi32, #tpu.memory_space<hbm>>) target(%arg9 : memref<6x128xi32, #tpu.memory_space<vmem>>) target_semaphore(%arg15 : memref<!tpu.dma_semaphore, #tpu.memory_space<semaphore_mem>>)
      %dma_start3A_1114 = arith.constant 3 : i32
      %dma_start3A_1115 = arith.constant 0 : i32
      %dma_start3A_1116 = arith.constant 0 : i32
      %dma_start3A_1117 = tpu.memref_slice %arg7[%dma_start3A_1115, %dma_start3A_1116] : memref<384x32xf32, #tpu.memory_space<vmem>> -> memref<128x32xf32, #tpu.memory_space<vmem>>
      %dma_start3A_1118 = arith.constant 0 : i32
      %dma_start3A_1119 = tpu.memref_slice %arg10[%dma_start3A_1114, %dma_start3A_1118] : memref<6x128xi32, #tpu.memory_space<vmem>> -> memref<1x128xi32, #tpu.memory_space<vmem>>
      %dma_start3A_1120 = tpu.memref_squeeze %dma_start3A_1119 : memref<1x128xi32, #tpu.memory_space<vmem>> -> memref<128xi32, #tpu.memory_space<vmem>>
      %dma_start3A_1121 = arith.constant 0 : i32
      %dma_start3A_1122 = arith.constant 0 : i32
      %dma_start3A_1123 = tpu.memref_slice %arg2[%arg0, %dma_start3A_1121, %dma_start3A_1122] : memref<2x50000x32xf32, #tpu.memory_space<hbm>> -> memref<1x50000x32xf32, #tpu.memory_space<hbm>>
      %dma_start3A_1124 = tpu.memref_squeeze %dma_start3A_1123 : memref<1x50000x32xf32, #tpu.memory_space<hbm>> -> memref<50000x32xf32, #tpu.memory_space<hbm>>
      %dma_start3A_1125 = arith.constant 0 : i32
      %dma_start3A_1126 = arith.constant 0 : i32
      %dma_start3A_1127 = tpu.memref_slice %dma_start3A_1124[%dma_start3A_1125, %dma_start3A_1126] : memref<50000x32xf32, #tpu.memory_space<hbm>> -> memref<50000x32xf32, #tpu.memory_space<hbm>>
      tpu.enqueue_indirect_dma source(%dma_start3A_1127 : memref<50000x32xf32, #tpu.memory_space<hbm>>) target(%dma_start3A_1117 : memref<128x32xf32, #tpu.memory_space<vmem>>) offsets(%dma_start3A_1120 : memref<128xi32, #tpu.memory_space<vmem>>) semaphore(%arg12 : memref<!tpu.dma_semaphore, #tpu.memory_space<semaphore_mem>>)
      %dma_start3A_1128 = arith.constant 4 : i32
      %dma_start3A_1129 = arith.constant 128 : i32
      %dma_start3A_1130 = arith.constant 0 : i32
      %dma_start3A_1131 = tpu.memref_slice %arg7[%dma_start3A_1129, %dma_start3A_1130] : memref<384x32xf32, #tpu.memory_space<vmem>> -> memref<128x32xf32, #tpu.memory_space<vmem>>
      %dma_start3A_1132 = arith.constant 0 : i32
      %dma_start3A_1133 = tpu.memref_slice %arg10[%dma_start3A_1128, %dma_start3A_1132] : memref<6x128xi32, #tpu.memory_space<vmem>> -> memref<1x128xi32, #tpu.memory_space<vmem>>
      %dma_start3A_1134 = tpu.memref_squeeze %dma_start3A_1133 : memref<1x128xi32, #tpu.memory_space<vmem>> -> memref<128xi32, #tpu.memory_space<vmem>>
      %dma_start3A_1135 = arith.constant 0 : i32
      %dma_start3A_1136 = arith.constant 0 : i32
      %dma_start3A_1137 = tpu.memref_slice %arg2[%arg0, %dma_start3A_1135, %dma_start3A_1136] : memref<2x50000x32xf32, #tpu.memory_space<hbm>> -> memref<1x50000x32xf32, #tpu.memory_space<hbm>>
      %dma_start3A_1138 = tpu.memref_squeeze %dma_start3A_1137 : memref<1x50000x32xf32, #tpu.memory_space<hbm>> -> memref<50000x32xf32, #tpu.memory_space<hbm>>
      %dma_start3A_1139 = arith.constant 0 : i32
      %dma_start3A_1140 = arith.constant 0 : i32
      %dma_start3A_1141 = tpu.memref_slice %dma_start3A_1138[%dma_start3A_1139, %dma_start3A_1140] : memref<50000x32xf32, #tpu.memory_space<hbm>> -> memref<50000x32xf32, #tpu.memory_space<hbm>>
      tpu.enqueue_indirect_dma source(%dma_start3A_1141 : memref<50000x32xf32, #tpu.memory_space<hbm>>) target(%dma_start3A_1131 : memref<128x32xf32, #tpu.memory_space<vmem>>) offsets(%dma_start3A_1134 : memref<128xi32, #tpu.memory_space<vmem>>) semaphore(%arg12 : memref<!tpu.dma_semaphore, #tpu.memory_space<semaphore_mem>>)
      %dma_start3A_1142 = arith.constant 5 : i32
      %dma_start3A_1143 = arith.constant 256 : i32
      %dma_start3A_1144 = arith.constant 0 : i32
      %dma_start3A_1145 = tpu.memref_slice %arg7[%dma_start3A_1143, %dma_start3A_1144] : memref<384x32xf32, #tpu.memory_space<vmem>> -> memref<128x32xf32, #tpu.memory_space<vmem>>
      %dma_start3A_1146 = arith.constant 0 : i32
      %dma_start3A_1147 = tpu.memref_slice %arg10[%dma_start3A_1142, %dma_start3A_1146] : memref<6x128xi32, #tpu.memory_space<vmem>> -> memref<1x128xi32, #tpu.memory_space<vmem>>
      %dma_start3A_1148 = tpu.memref_squeeze %dma_start3A_1147 : memref<1x128xi32, #tpu.memory_space<vmem>> -> memref<128xi32, #tpu.memory_space<vmem>>
      %dma_start3A_1149 = arith.constant 0 : i32
      %dma_start3A_1150 = arith.constant 0 : i32
      %dma_start3A_1151 = tpu.memref_slice %arg2[%arg0, %dma_start3A_1149, %dma_start3A_1150] : memref<2x50000x32xf32, #tpu.memory_space<hbm>> -> memref<1x50000x32xf32, #tpu.memory_space<hbm>>
      %dma_start3A_1152 = tpu.memref_squeeze %dma_start3A_1151 : memref<1x50000x32xf32, #tpu.memory_space<hbm>> -> memref<50000x32xf32, #tpu.memory_space<hbm>>
      %dma_start3A_1153 = arith.constant 0 : i32
      %dma_start3A_1154 = arith.constant 0 : i32
      %dma_start3A_1155 = tpu.memref_slice %dma_start3A_1152[%dma_start3A_1153, %dma_start3A_1154] : memref<50000x32xf32, #tpu.memory_space<hbm>> -> memref<50000x32xf32, #tpu.memory_space<hbm>>
      tpu.enqueue_indirect_dma source(%dma_start3A_1155 : memref<50000x32xf32, #tpu.memory_space<hbm>>) target(%dma_start3A_1145 : memref<128x32xf32, #tpu.memory_space<vmem>>) offsets(%dma_start3A_1148 : memref<128xi32, #tpu.memory_space<vmem>>) semaphore(%arg12 : memref<!tpu.dma_semaphore, #tpu.memory_space<semaphore_mem>>)
      %dma_wait3A_1156 = arith.constant 0 : i32
      %dma_wait3A_1157 = arith.constant 0 : i32
      %dma_wait3A_1158 = arith.constant 0 : i32
      %dma_wait3A_1159 = tpu.memref_slice %arg6[%dma_wait3A_1157, %dma_wait3A_1158] : memref<384x32xf32, #tpu.memory_space<vmem>> -> memref<128x32xf32, #tpu.memory_space<vmem>>
      %dma_wait3A_1160 = arith.constant 0 : i32
      %dma_wait3A_1161 = tpu.memref_slice %arg10[%dma_wait3A_1156, %dma_wait3A_1160] : memref<6x128xi32, #tpu.memory_space<vmem>> -> memref<1x128xi32, #tpu.memory_space<vmem>>
      %dma_wait3A_1162 = tpu.memref_squeeze %dma_wait3A_1161 : memref<1x128xi32, #tpu.memory_space<vmem>> -> memref<128xi32, #tpu.memory_space<vmem>>
      %dma_wait3A_1163 = arith.constant 0 : i32
      %dma_wait3A_1164 = arith.constant 0 : i32
      %dma_wait3A_1165 = tpu.memref_slice %arg2[%arg0, %dma_wait3A_1163, %dma_wait3A_1164] : memref<2x50000x32xf32, #tpu.memory_space<hbm>> -> memref<1x50000x32xf32, #tpu.memory_space<hbm>>
      %dma_wait3A_1166 = tpu.memref_squeeze %dma_wait3A_1165 : memref<1x50000x32xf32, #tpu.memory_space<hbm>> -> memref<50000x32xf32, #tpu.memory_space<hbm>>
      %dma_wait3A_1167 = arith.constant 0 : i32
      %dma_wait3A_1168 = arith.constant 0 : i32
      %dma_wait3A_1169 = tpu.memref_slice %dma_wait3A_1166[%dma_wait3A_1167, %dma_wait3A_1168] : memref<50000x32xf32, #tpu.memory_space<hbm>> -> memref<50000x32xf32, #tpu.memory_space<hbm>>
      tpu.wait_indirect_dma semaphore(%arg12 : memref<!tpu.dma_semaphore, #tpu.memory_space<semaphore_mem>>) src(%dma_wait3A_1169 : memref<50000x32xf32, #tpu.memory_space<hbm>>) dst(%dma_wait3A_1159 : memref<128x32xf32, #tpu.memory_space<vmem>>)
      %dma_wait3A_1170 = arith.constant 1 : i32
      %dma_wait3A_1171 = arith.constant 128 : i32
      %dma_wait3A_1172 = arith.constant 0 : i32
      %dma_wait3A_1173 = tpu.memref_slice %arg6[%dma_wait3A_1171, %dma_wait3A_1172] : memref<384x32xf32, #tpu.memory_space<vmem>> -> memref<128x32xf32, #tpu.memory_space<vmem>>
      %dma_wait3A_1174 = arith.constant 0 : i32
      %dma_wait3A_1175 = tpu.memref_slice %arg10[%dma_wait3A_1170, %dma_wait3A_1174] : memref<6x128xi32, #tpu.memory_space<vmem>> -> memref<1x128xi32, #tpu.memory_space<vmem>>
      %dma_wait3A_1176 = tpu.memref_squeeze %dma_wait3A_1175 : memref<1x128xi32, #tpu.memory_space<vmem>> -> memref<128xi32, #tpu.memory_space<vmem>>
      %dma_wait3A_1177 = arith.constant 0 : i32
      %dma_wait3A_1178 = arith.constant 0 : i32
      %dma_wait3A_1179 = tpu.memref_slice %arg2[%arg0, %dma_wait3A_1177, %dma_wait3A_1178] : memref<2x50000x32xf32, #tpu.memory_space<hbm>> -> memref<1x50000x32xf32, #tpu.memory_space<hbm>>
      %dma_wait3A_1180 = tpu.memref_squeeze %dma_wait3A_1179 : memref<1x50000x32xf32, #tpu.memory_space<hbm>> -> memref<50000x32xf32, #tpu.memory_space<hbm>>
      %dma_wait3A_1181 = arith.constant 0 : i32
      %dma_wait3A_1182 = arith.constant 0 : i32
      %dma_wait3A_1183 = tpu.memref_slice %dma_wait3A_1180[%dma_wait3A_1181, %dma_wait3A_1182] : memref<50000x32xf32, #tpu.memory_space<hbm>> -> memref<50000x32xf32, #tpu.memory_space<hbm>>
      tpu.wait_indirect_dma semaphore(%arg12 : memref<!tpu.dma_semaphore, #tpu.memory_space<semaphore_mem>>) src(%dma_wait3A_1183 : memref<50000x32xf32, #tpu.memory_space<hbm>>) dst(%dma_wait3A_1173 : memref<128x32xf32, #tpu.memory_space<vmem>>)
      %dma_wait3A_1184 = arith.constant 2 : i32
      %dma_wait3A_1185 = arith.constant 256 : i32
      %dma_wait3A_1186 = arith.constant 0 : i32
      %dma_wait3A_1187 = tpu.memref_slice %arg6[%dma_wait3A_1185, %dma_wait3A_1186] : memref<384x32xf32, #tpu.memory_space<vmem>> -> memref<128x32xf32, #tpu.memory_space<vmem>>
      %dma_wait3A_1188 = arith.constant 0 : i32
      %dma_wait3A_1189 = tpu.memref_slice %arg10[%dma_wait3A_1184, %dma_wait3A_1188] : memref<6x128xi32, #tpu.memory_space<vmem>> -> memref<1x128xi32, #tpu.memory_space<vmem>>
      %dma_wait3A_1190 = tpu.memref_squeeze %dma_wait3A_1189 : memref<1x128xi32, #tpu.memory_space<vmem>> -> memref<128xi32, #tpu.memory_space<vmem>>
      %dma_wait3A_1191 = arith.constant 0 : i32
      %dma_wait3A_1192 = arith.constant 0 : i32
      %dma_wait3A_1193 = tpu.memref_slice %arg2[%arg0, %dma_wait3A_1191, %dma_wait3A_1192] : memref<2x50000x32xf32, #tpu.memory_space<hbm>> -> memref<1x50000x32xf32, #tpu.memory_space<hbm>>
      %dma_wait3A_1194 = tpu.memref_squeeze %dma_wait3A_1193 : memref<1x50000x32xf32, #tpu.memory_space<hbm>> -> memref<50000x32xf32, #tpu.memory_space<hbm>>
      %dma_wait3A_1195 = arith.constant 0 : i32
      %dma_wait3A_1196 = arith.constant 0 : i32
      %dma_wait3A_1197 = tpu.memref_slice %dma_wait3A_1194[%dma_wait3A_1195, %dma_wait3A_1196] : memref<50000x32xf32, #tpu.memory_space<hbm>> -> memref<50000x32xf32, #tpu.memory_space<hbm>>
      tpu.wait_indirect_dma semaphore(%arg12 : memref<!tpu.dma_semaphore, #tpu.memory_space<semaphore_mem>>) src(%dma_wait3A_1197 : memref<50000x32xf32, #tpu.memory_space<hbm>>) dst(%dma_wait3A_1187 : memref<128x32xf32, #tpu.memory_space<vmem>>)
      %dma_start3A_1198 = arith.constant 0 : i32
      %dma_start3A_1199 = arith.constant 0 : i32
      %dma_start3A_1200 = arith.constant 0 : i32
      %dma_start3A_1201 = tpu.memref_slice %arg6[%dma_start3A_1199, %dma_start3A_1200] : memref<384x32xf32, #tpu.memory_space<vmem>> -> memref<128x32xf32, #tpu.memory_space<vmem>>
      %dma_start3A_1202 = arith.constant 0 : i32
      %dma_start3A_1203 = tpu.memref_slice %arg11[%dma_start3A_1198, %dma_start3A_1202] : memref<6x128xi32, #tpu.memory_space<vmem>> -> memref<1x128xi32, #tpu.memory_space<vmem>>
      %dma_start3A_1204 = tpu.memref_squeeze %dma_start3A_1203 : memref<1x128xi32, #tpu.memory_space<vmem>> -> memref<128xi32, #tpu.memory_space<vmem>>
      %dma_start3A_1205 = arith.constant 0 : i32
      %dma_start3A_1206 = arith.constant 0 : i32
      %dma_start3A_1207 = tpu.memref_slice %arg5[%dma_start3A_1205, %dma_start3A_1206] : memref<50048x32xf32, #tpu.memory_space<vmem_shared>> -> memref<50048x32xf32, #tpu.memory_space<vmem_shared>>
      tpu.enqueue_indirect_dma source(%dma_start3A_1201 : memref<128x32xf32, #tpu.memory_space<vmem>>) target(%dma_start3A_1207 : memref<50048x32xf32, #tpu.memory_space<vmem_shared>>) offsets(%dma_start3A_1204 : memref<128xi32, #tpu.memory_space<vmem>>) semaphore(%arg13 : memref<!tpu.dma_semaphore, #tpu.memory_space<semaphore_mem>>) {add = true}
      %dma_start3A_1208 = arith.constant 1 : i32
      %dma_start3A_1209 = arith.constant 128 : i32
      %dma_start3A_1210 = arith.constant 0 : i32
      %dma_start3A_1211 = tpu.memref_slice %arg6[%dma_start3A_1209, %dma_start3A_1210] : memref<384x32xf32, #tpu.memory_space<vmem>> -> memref<128x32xf32, #tpu.memory_space<vmem>>
      %dma_start3A_1212 = arith.constant 0 : i32
      %dma_start3A_1213 = tpu.memref_slice %arg11[%dma_start3A_1208, %dma_start3A_1212] : memref<6x128xi32, #tpu.memory_space<vmem>> -> memref<1x128xi32, #tpu.memory_space<vmem>>
      %dma_start3A_1214 = tpu.memref_squeeze %dma_start3A_1213 : memref<1x128xi32, #tpu.memory_space<vmem>> -> memref<128xi32, #tpu.memory_space<vmem>>
      %dma_start3A_1215 = arith.constant 0 : i32
      %dma_start3A_1216 = arith.constant 0 : i32
      %dma_start3A_1217 = tpu.memref_slice %arg5[%dma_start3A_1215, %dma_start3A_1216] : memref<50048x32xf32, #tpu.memory_space<vmem_shared>> -> memref<50048x32xf32, #tpu.memory_space<vmem_shared>>
      tpu.enqueue_indirect_dma source(%dma_start3A_1211 : memref<128x32xf32, #tpu.memory_space<vmem>>) target(%dma_start3A_1217 : memref<50048x32xf32, #tpu.memory_space<vmem_shared>>) offsets(%dma_start3A_1214 : memref<128xi32, #tpu.memory_space<vmem>>) semaphore(%arg13 : memref<!tpu.dma_semaphore, #tpu.memory_space<semaphore_mem>>) {add = true}
      %dma_start3A_1218 = arith.constant 2 : i32
      %dma_start3A_1219 = arith.constant 256 : i32
      %dma_start3A_1220 = arith.constant 0 : i32
      %dma_start3A_1221 = tpu.memref_slice %arg6[%dma_start3A_1219, %dma_start3A_1220] : memref<384x32xf32, #tpu.memory_space<vmem>> -> memref<128x32xf32, #tpu.memory_space<vmem>>
      %dma_start3A_1222 = arith.constant 0 : i32
      %dma_start3A_1223 = tpu.memref_slice %arg11[%dma_start3A_1218, %dma_start3A_1222] : memref<6x128xi32, #tpu.memory_space<vmem>> -> memref<1x128xi32, #tpu.memory_space<vmem>>
      %dma_start3A_1224 = tpu.memref_squeeze %dma_start3A_1223 : memref<1x128xi32, #tpu.memory_space<vmem>> -> memref<128xi32, #tpu.memory_space<vmem>>
      %dma_start3A_1225 = arith.constant 0 : i32
      %dma_start3A_1226 = arith.constant 0 : i32
      %dma_start3A_1227 = tpu.memref_slice %arg5[%dma_start3A_1225, %dma_start3A_1226] : memref<50048x32xf32, #tpu.memory_space<vmem_shared>> -> memref<50048x32xf32, #tpu.memory_space<vmem_shared>>
      tpu.enqueue_indirect_dma source(%dma_start3A_1221 : memref<128x32xf32, #tpu.memory_space<vmem>>) target(%dma_start3A_1227 : memref<50048x32xf32, #tpu.memory_space<vmem_shared>>) offsets(%dma_start3A_1224 : memref<128xi32, #tpu.memory_space<vmem>>) semaphore(%arg13 : memref<!tpu.dma_semaphore, #tpu.memory_space<semaphore_mem>>) {add = true}
      %dma_wait3A_1228 = arith.constant 3 : i32
      %dma_wait3A_1229 = arith.constant 0 : i32
      %dma_wait3A_1230 = arith.constant 0 : i32
      %dma_wait3A_1231 = tpu.memref_slice %arg7[%dma_wait3A_1229, %dma_wait3A_1230] : memref<384x32xf32, #tpu.memory_space<vmem>> -> memref<128x32xf32, #tpu.memory_space<vmem>>
      %dma_wait3A_1232 = arith.constant 0 : i32
      %dma_wait3A_1233 = tpu.memref_slice %arg10[%dma_wait3A_1228, %dma_wait3A_1232] : memref<6x128xi32, #tpu.memory_space<vmem>> -> memref<1x128xi32, #tpu.memory_space<vmem>>
      %dma_wait3A_1234 = tpu.memref_squeeze %dma_wait3A_1233 : memref<1x128xi32, #tpu.memory_space<vmem>> -> memref<128xi32, #tpu.memory_space<vmem>>
      %dma_wait3A_1235 = arith.constant 0 : i32
      %dma_wait3A_1236 = arith.constant 0 : i32
      %dma_wait3A_1237 = tpu.memref_slice %arg2[%arg0, %dma_wait3A_1235, %dma_wait3A_1236] : memref<2x50000x32xf32, #tpu.memory_space<hbm>> -> memref<1x50000x32xf32, #tpu.memory_space<hbm>>
      %dma_wait3A_1238 = tpu.memref_squeeze %dma_wait3A_1237 : memref<1x50000x32xf32, #tpu.memory_space<hbm>> -> memref<50000x32xf32, #tpu.memory_space<hbm>>
      %dma_wait3A_1239 = arith.constant 0 : i32
      %dma_wait3A_1240 = arith.constant 0 : i32
      %dma_wait3A_1241 = tpu.memref_slice %dma_wait3A_1238[%dma_wait3A_1239, %dma_wait3A_1240] : memref<50000x32xf32, #tpu.memory_space<hbm>> -> memref<50000x32xf32, #tpu.memory_space<hbm>>
      tpu.wait_indirect_dma semaphore(%arg12 : memref<!tpu.dma_semaphore, #tpu.memory_space<semaphore_mem>>) src(%dma_wait3A_1241 : memref<50000x32xf32, #tpu.memory_space<hbm>>) dst(%dma_wait3A_1231 : memref<128x32xf32, #tpu.memory_space<vmem>>)
      %dma_wait3A_1242 = arith.constant 4 : i32
      %dma_wait3A_1243 = arith.constant 128 : i32
      %dma_wait3A_1244 = arith.constant 0 : i32
      %dma_wait3A_1245 = tpu.memref_slice %arg7[%dma_wait3A_1243, %dma_wait3A_1244] : memref<384x32xf32, #tpu.memory_space<vmem>> -> memref<128x32xf32, #tpu.memory_space<vmem>>
      %dma_wait3A_1246 = arith.constant 0 : i32
      %dma_wait3A_1247 = tpu.memref_slice %arg10[%dma_wait3A_1242, %dma_wait3A_1246] : memref<6x128xi32, #tpu.memory_space<vmem>> -> memref<1x128xi32, #tpu.memory_space<vmem>>
      %dma_wait3A_1248 = tpu.memref_squeeze %dma_wait3A_1247 : memref<1x128xi32, #tpu.memory_space<vmem>> -> memref<128xi32, #tpu.memory_space<vmem>>
      %dma_wait3A_1249 = arith.constant 0 : i32
      %dma_wait3A_1250 = arith.constant 0 : i32
      %dma_wait3A_1251 = tpu.memref_slice %arg2[%arg0, %dma_wait3A_1249, %dma_wait3A_1250] : memref<2x50000x32xf32, #tpu.memory_space<hbm>> -> memref<1x50000x32xf32, #tpu.memory_space<hbm>>
      %dma_wait3A_1252 = tpu.memref_squeeze %dma_wait3A_1251 : memref<1x50000x32xf32, #tpu.memory_space<hbm>> -> memref<50000x32xf32, #tpu.memory_space<hbm>>
      %dma_wait3A_1253 = arith.constant 0 : i32
      %dma_wait3A_1254 = arith.constant 0 : i32
      %dma_wait3A_1255 = tpu.memref_slice %dma_wait3A_1252[%dma_wait3A_1253, %dma_wait3A_1254] : memref<50000x32xf32, #tpu.memory_space<hbm>> -> memref<50000x32xf32, #tpu.memory_space<hbm>>
      tpu.wait_indirect_dma semaphore(%arg12 : memref<!tpu.dma_semaphore, #tpu.memory_space<semaphore_mem>>) src(%dma_wait3A_1255 : memref<50000x32xf32, #tpu.memory_space<hbm>>) dst(%dma_wait3A_1245 : memref<128x32xf32, #tpu.memory_space<vmem>>)
      %dma_wait3A_1256 = arith.constant 5 : i32
      %dma_wait3A_1257 = arith.constant 256 : i32
      %dma_wait3A_1258 = arith.constant 0 : i32
      %dma_wait3A_1259 = tpu.memref_slice %arg7[%dma_wait3A_1257, %dma_wait3A_1258] : memref<384x32xf32, #tpu.memory_space<vmem>> -> memref<128x32xf32, #tpu.memory_space<vmem>>
      %dma_wait3A_1260 = arith.constant 0 : i32
      %dma_wait3A_1261 = tpu.memref_slice %arg10[%dma_wait3A_1256, %dma_wait3A_1260] : memref<6x128xi32, #tpu.memory_space<vmem>> -> memref<1x128xi32, #tpu.memory_space<vmem>>
      %dma_wait3A_1262 = tpu.memref_squeeze %dma_wait3A_1261 : memref<1x128xi32, #tpu.memory_space<vmem>> -> memref<128xi32, #tpu.memory_space<vmem>>
      %dma_wait3A_1263 = arith.constant 0 : i32
      %dma_wait3A_1264 = arith.constant 0 : i32
      %dma_wait3A_1265 = tpu.memref_slice %arg2[%arg0, %dma_wait3A_1263, %dma_wait3A_1264] : memref<2x50000x32xf32, #tpu.memory_space<hbm>> -> memref<1x50000x32xf32, #tpu.memory_space<hbm>>
      %dma_wait3A_1266 = tpu.memref_squeeze %dma_wait3A_1265 : memref<1x50000x32xf32, #tpu.memory_space<hbm>> -> memref<50000x32xf32, #tpu.memory_space<hbm>>
      %dma_wait3A_1267 = arith.constant 0 : i32
      %dma_wait3A_1268 = arith.constant 0 : i32
      %dma_wait3A_1269 = tpu.memref_slice %dma_wait3A_1266[%dma_wait3A_1267, %dma_wait3A_1268] : memref<50000x32xf32, #tpu.memory_space<hbm>> -> memref<50000x32xf32, #tpu.memory_space<hbm>>
      tpu.wait_indirect_dma semaphore(%arg12 : memref<!tpu.dma_semaphore, #tpu.memory_space<semaphore_mem>>) src(%dma_wait3A_1269 : memref<50000x32xf32, #tpu.memory_space<hbm>>) dst(%dma_wait3A_1259 : memref<128x32xf32, #tpu.memory_space<vmem>>)
      %dma_wait3A_1270 = arith.constant 0 : i32
      %dma_wait3A_1271 = arith.constant 0 : i32
      %dma_wait3A_1272 = arith.constant 0 : i32
      %dma_wait3A_1273 = tpu.memref_slice %arg6[%dma_wait3A_1271, %dma_wait3A_1272] : memref<384x32xf32, #tpu.memory_space<vmem>> -> memref<128x32xf32, #tpu.memory_space<vmem>>
      %dma_wait3A_1274 = arith.constant 0 : i32
      %dma_wait3A_1275 = tpu.memref_slice %arg11[%dma_wait3A_1270, %dma_wait3A_1274] : memref<6x128xi32, #tpu.memory_space<vmem>> -> memref<1x128xi32, #tpu.memory_space<vmem>>
      %dma_wait3A_1276 = tpu.memref_squeeze %dma_wait3A_1275 : memref<1x128xi32, #tpu.memory_space<vmem>> -> memref<128xi32, #tpu.memory_space<vmem>>
      %dma_wait3A_1277 = arith.constant 0 : i32
      %dma_wait3A_1278 = arith.constant 0 : i32
      %dma_wait3A_1279 = tpu.memref_slice %arg5[%dma_wait3A_1277, %dma_wait3A_1278] : memref<50048x32xf32, #tpu.memory_space<vmem_shared>> -> memref<50048x32xf32, #tpu.memory_space<vmem_shared>>
      tpu.wait_indirect_dma semaphore(%arg13 : memref<!tpu.dma_semaphore, #tpu.memory_space<semaphore_mem>>) src(%dma_wait3A_1273 : memref<128x32xf32, #tpu.memory_space<vmem>>) dst(%dma_wait3A_1279 : memref<50048x32xf32, #tpu.memory_space<vmem_shared>>)
      %dma_wait3A_1280 = arith.constant 1 : i32
      %dma_wait3A_1281 = arith.constant 128 : i32
      %dma_wait3A_1282 = arith.constant 0 : i32
      %dma_wait3A_1283 = tpu.memref_slice %arg6[%dma_wait3A_1281, %dma_wait3A_1282] : memref<384x32xf32, #tpu.memory_space<vmem>> -> memref<128x32xf32, #tpu.memory_space<vmem>>
      %dma_wait3A_1284 = arith.constant 0 : i32
      %dma_wait3A_1285 = tpu.memref_slice %arg11[%dma_wait3A_1280, %dma_wait3A_1284] : memref<6x128xi32, #tpu.memory_space<vmem>> -> memref<1x128xi32, #tpu.memory_space<vmem>>
      %dma_wait3A_1286 = tpu.memref_squeeze %dma_wait3A_1285 : memref<1x128xi32, #tpu.memory_space<vmem>> -> memref<128xi32, #tpu.memory_space<vmem>>
      %dma_wait3A_1287 = arith.constant 0 : i32
      %dma_wait3A_1288 = arith.constant 0 : i32
      %dma_wait3A_1289 = tpu.memref_slice %arg5[%dma_wait3A_1287, %dma_wait3A_1288] : memref<50048x32xf32, #tpu.memory_space<vmem_shared>> -> memref<50048x32xf32, #tpu.memory_space<vmem_shared>>
      tpu.wait_indirect_dma semaphore(%arg13 : memref<!tpu.dma_semaphore, #tpu.memory_space<semaphore_mem>>) src(%dma_wait3A_1283 : memref<128x32xf32, #tpu.memory_space<vmem>>) dst(%dma_wait3A_1289 : memref<50048x32xf32, #tpu.memory_space<vmem_shared>>)
      %dma_wait3A_1290 = arith.constant 2 : i32
      %dma_wait3A_1291 = arith.constant 256 : i32
      %dma_wait3A_1292 = arith.constant 0 : i32
      %dma_wait3A_1293 = tpu.memref_slice %arg6[%dma_wait3A_1291, %dma_wait3A_1292] : memref<384x32xf32, #tpu.memory_space<vmem>> -> memref<128x32xf32, #tpu.memory_space<vmem>>
      %dma_wait3A_1294 = arith.constant 0 : i32
      %dma_wait3A_1295 = tpu.memref_slice %arg11[%dma_wait3A_1290, %dma_wait3A_1294] : memref<6x128xi32, #tpu.memory_space<vmem>> -> memref<1x128xi32, #tpu.memory_space<vmem>>
      %dma_wait3A_1296 = tpu.memref_squeeze %dma_wait3A_1295 : memref<1x128xi32, #tpu.memory_space<vmem>> -> memref<128xi32, #tpu.memory_space<vmem>>
      %dma_wait3A_1297 = arith.constant 0 : i32
      %dma_wait3A_1298 = arith.constant 0 : i32
      %dma_wait3A_1299 = tpu.memref_slice %arg5[%dma_wait3A_1297, %dma_wait3A_1298] : memref<50048x32xf32, #tpu.memory_space<vmem_shared>> -> memref<50048x32xf32, #tpu.memory_space<vmem_shared>>
      tpu.wait_indirect_dma semaphore(%arg13 : memref<!tpu.dma_semaphore, #tpu.memory_space<semaphore_mem>>) src(%dma_wait3A_1293 : memref<128x32xf32, #tpu.memory_space<vmem>>) dst(%dma_wait3A_1299 : memref<50048x32xf32, #tpu.memory_space<vmem_shared>>)
      %dma_start3A_1300 = arith.constant 3 : i32
      %dma_start3A_1301 = arith.constant 0 : i32
      %dma_start3A_1302 = arith.constant 0 : i32
      %dma_start3A_1303 = tpu.memref_slice %arg7[%dma_start3A_1301, %dma_start3A_1302] : memref<384x32xf32, #tpu.memory_space<vmem>> -> memref<128x32xf32, #tpu.memory_space<vmem>>
      %dma_start3A_1304 = arith.constant 0 : i32
      %dma_start3A_1305 = tpu.memref_slice %arg11[%dma_start3A_1300, %dma_start3A_1304] : memref<6x128xi32, #tpu.memory_space<vmem>> -> memref<1x128xi32, #tpu.memory_space<vmem>>
      %dma_start3A_1306 = tpu.memref_squeeze %dma_start3A_1305 : memref<1x128xi32, #tpu.memory_space<vmem>> -> memref<128xi32, #tpu.memory_space<vmem>>
      %dma_start3A_1307 = arith.constant 0 : i32
      %dma_start3A_1308 = arith.constant 0 : i32
      %dma_start3A_1309 = tpu.memref_slice %arg5[%dma_start3A_1307, %dma_start3A_1308] : memref<50048x32xf32, #tpu.memory_space<vmem_shared>> -> memref<50048x32xf32, #tpu.memory_space<vmem_shared>>
      tpu.enqueue_indirect_dma source(%dma_start3A_1303 : memref<128x32xf32, #tpu.memory_space<vmem>>) target(%dma_start3A_1309 : memref<50048x32xf32, #tpu.memory_space<vmem_shared>>) offsets(%dma_start3A_1306 : memref<128xi32, #tpu.memory_space<vmem>>) semaphore(%arg14 : memref<!tpu.dma_semaphore, #tpu.memory_space<semaphore_mem>>) {add = true}
      %dma_start3A_1310 = arith.constant 4 : i32
      %dma_start3A_1311 = arith.constant 128 : i32
      %dma_start3A_1312 = arith.constant 0 : i32
      %dma_start3A_1313 = tpu.memref_slice %arg7[%dma_start3A_1311, %dma_start3A_1312] : memref<384x32xf32, #tpu.memory_space<vmem>> -> memref<128x32xf32, #tpu.memory_space<vmem>>
      %dma_start3A_1314 = arith.constant 0 : i32
      %dma_start3A_1315 = tpu.memref_slice %arg11[%dma_start3A_1310, %dma_start3A_1314] : memref<6x128xi32, #tpu.memory_space<vmem>> -> memref<1x128xi32, #tpu.memory_space<vmem>>
      %dma_start3A_1316 = tpu.memref_squeeze %dma_start3A_1315 : memref<1x128xi32, #tpu.memory_space<vmem>> -> memref<128xi32, #tpu.memory_space<vmem>>
      %dma_start3A_1317 = arith.constant 0 : i32
      %dma_start3A_1318 = arith.constant 0 : i32
      %dma_start3A_1319 = tpu.memref_slice %arg5[%dma_start3A_1317, %dma_start3A_1318] : memref<50048x32xf32, #tpu.memory_space<vmem_shared>> -> memref<50048x32xf32, #tpu.memory_space<vmem_shared>>
      tpu.enqueue_indirect_dma source(%dma_start3A_1313 : memref<128x32xf32, #tpu.memory_space<vmem>>) target(%dma_start3A_1319 : memref<50048x32xf32, #tpu.memory_space<vmem_shared>>) offsets(%dma_start3A_1316 : memref<128xi32, #tpu.memory_space<vmem>>) semaphore(%arg14 : memref<!tpu.dma_semaphore, #tpu.memory_space<semaphore_mem>>) {add = true}
      %dma_start3A_1320 = arith.constant 5 : i32
      %dma_start3A_1321 = arith.constant 256 : i32
      %dma_start3A_1322 = arith.constant 0 : i32
      %dma_start3A_1323 = tpu.memref_slice %arg7[%dma_start3A_1321, %dma_start3A_1322] : memref<384x32xf32, #tpu.memory_space<vmem>> -> memref<128x32xf32, #tpu.memory_space<vmem>>
      %dma_start3A_1324 = arith.constant 0 : i32
      %dma_start3A_1325 = tpu.memref_slice %arg11[%dma_start3A_1320, %dma_start3A_1324] : memref<6x128xi32, #tpu.memory_space<vmem>> -> memref<1x128xi32, #tpu.memory_space<vmem>>
      %dma_start3A_1326 = tpu.memref_squeeze %dma_start3A_1325 : memref<1x128xi32, #tpu.memory_space<vmem>> -> memref<128xi32, #tpu.memory_space<vmem>>
      %dma_start3A_1327 = arith.constant 0 : i32
      %dma_start3A_1328 = arith.constant 0 : i32
      %dma_start3A_1329 = tpu.memref_slice %arg5[%dma_start3A_1327, %dma_start3A_1328] : memref<50048x32xf32, #tpu.memory_space<vmem_shared>> -> memref<50048x32xf32, #tpu.memory_space<vmem_shared>>
      tpu.enqueue_indirect_dma source(%dma_start3A_1323 : memref<128x32xf32, #tpu.memory_space<vmem>>) target(%dma_start3A_1329 : memref<50048x32xf32, #tpu.memory_space<vmem_shared>>) offsets(%dma_start3A_1326 : memref<128xi32, #tpu.memory_space<vmem>>) semaphore(%arg14 : memref<!tpu.dma_semaphore, #tpu.memory_space<semaphore_mem>>) {add = true}
    }
    %scan3A_563 = arith.constant 33 : i32
    %mul3A_564 = arith.constant 396 : i32
    %mul3A_565 = arith.muli %arg1, %mul3A_564 : i32
    %add3A_566 = arith.constant 396 : i32
    %add3A_567 = arith.addi %mul3A_565, %add3A_566 : i32
    %dma_wait3A_568 = arith.constant 1 : i32
    %dma_wait3A_569 = arith.constant 0 : i32
    %dma_wait3A_570 = arith.constant 0 : i32
    %dma_wait3A_571 = tpu.memref_slice %arg3[%dma_wait3A_568, %dma_wait3A_569, %dma_wait3A_570] : memref<4x6344x128xi32, #tpu.memory_space<hbm>> -> memref<1x6344x128xi32, #tpu.memory_space<hbm>>
    %dma_wait3A_572 = tpu.memref_squeeze %dma_wait3A_571 : memref<1x6344x128xi32, #tpu.memory_space<hbm>> -> memref<6344x128xi32, #tpu.memory_space<hbm>>
    %dma_wait3A_573 = arith.constant 0 : i32
    %dma_wait3A_574 = tpu.memref_slice %dma_wait3A_572[%add3A_567, %dma_wait3A_573] : memref<6344x128xi32, #tpu.memory_space<hbm>> -> memref<6x128xi32, #tpu.memory_space<hbm>>
    %dma_wait3A_575 = arith.constant 0 : i32
    %dma_wait3A_576 = arith.constant 0 : i32
    %dma_wait3A_577 = tpu.memref_slice %arg3[%dma_wait3A_568, %dma_wait3A_575, %dma_wait3A_576] : memref<4x6344x128xi32, #tpu.memory_space<hbm>> -> memref<1x6344x128xi32, #tpu.memory_space<hbm>>
    %dma_wait3A_578 = tpu.memref_squeeze %dma_wait3A_577 : memref<1x6344x128xi32, #tpu.memory_space<hbm>> -> memref<6344x128xi32, #tpu.memory_space<hbm>>
    %dma_wait3A_579 = arith.constant 0 : i32
    %dma_wait3A_580 = tpu.memref_slice %dma_wait3A_578[%add3A_567, %dma_wait3A_579] : memref<6344x128xi32, #tpu.memory_space<hbm>> -> memref<6x128xi32, #tpu.memory_space<hbm>>
    tpu.wait_dma2 semaphore(%arg15 : memref<!tpu.dma_semaphore, #tpu.memory_space<semaphore_mem>>) src(%dma_wait3A_580 : memref<6x128xi32, #tpu.memory_space<hbm>>) dst(%arg8 : memref<6x128xi32, #tpu.memory_space<vmem>>)
    %mul3A_581 = arith.constant 396 : i32
    %mul3A_582 = arith.muli %arg1, %mul3A_581 : i32
    %add3A_583 = arith.constant 396 : i32
    %add3A_584 = arith.addi %mul3A_582, %add3A_583 : i32
    %dma_wait3A_585 = arith.constant 3 : i32
    %dma_wait3A_586 = arith.constant 0 : i32
    %dma_wait3A_587 = arith.constant 0 : i32
    %dma_wait3A_588 = tpu.memref_slice %arg3[%dma_wait3A_585, %dma_wait3A_586, %dma_wait3A_587] : memref<4x6344x128xi32, #tpu.memory_space<hbm>> -> memref<1x6344x128xi32, #tpu.memory_space<hbm>>
    %dma_wait3A_589 = tpu.memref_squeeze %dma_wait3A_588 : memref<1x6344x128xi32, #tpu.memory_space<hbm>> -> memref<6344x128xi32, #tpu.memory_space<hbm>>
    %dma_wait3A_590 = arith.constant 0 : i32
    %dma_wait3A_591 = tpu.memref_slice %dma_wait3A_589[%add3A_584, %dma_wait3A_590] : memref<6344x128xi32, #tpu.memory_space<hbm>> -> memref<6x128xi32, #tpu.memory_space<hbm>>
    %dma_wait3A_592 = arith.constant 0 : i32
    %dma_wait3A_593 = arith.constant 0 : i32
    %dma_wait3A_594 = tpu.memref_slice %arg3[%dma_wait3A_585, %dma_wait3A_592, %dma_wait3A_593] : memref<4x6344x128xi32, #tpu.memory_space<hbm>> -> memref<1x6344x128xi32, #tpu.memory_space<hbm>>
    %dma_wait3A_595 = tpu.memref_squeeze %dma_wait3A_594 : memref<1x6344x128xi32, #tpu.memory_space<hbm>> -> memref<6344x128xi32, #tpu.memory_space<hbm>>
    %dma_wait3A_596 = arith.constant 0 : i32
    %dma_wait3A_597 = tpu.memref_slice %dma_wait3A_595[%add3A_584, %dma_wait3A_596] : memref<6344x128xi32, #tpu.memory_space<hbm>> -> memref<6x128xi32, #tpu.memory_space<hbm>>
    tpu.wait_dma2 semaphore(%arg15 : memref<!tpu.dma_semaphore, #tpu.memory_space<semaphore_mem>>) src(%dma_wait3A_597 : memref<6x128xi32, #tpu.memory_space<hbm>>) dst(%arg9 : memref<6x128xi32, #tpu.memory_space<vmem>>)
    %dma_wait3A_598 = arith.constant 3 : i32
    %dma_wait3A_599 = arith.constant 0 : i32
    %dma_wait3A_600 = arith.constant 0 : i32
    %dma_wait3A_601 = tpu.memref_slice %arg7[%dma_wait3A_599, %dma_wait3A_600] : memref<384x32xf32, #tpu.memory_space<vmem>> -> memref<128x32xf32, #tpu.memory_space<vmem>>
    %dma_wait3A_602 = arith.constant 0 : i32
    %dma_wait3A_603 = tpu.memref_slice %arg11[%dma_wait3A_598, %dma_wait3A_602] : memref<6x128xi32, #tpu.memory_space<vmem>> -> memref<1x128xi32, #tpu.memory_space<vmem>>
    %dma_wait3A_604 = tpu.memref_squeeze %dma_wait3A_603 : memref<1x128xi32, #tpu.memory_space<vmem>> -> memref<128xi32, #tpu.memory_space<vmem>>
    %dma_wait3A_605 = arith.constant 0 : i32
    %dma_wait3A_606 = arith.constant 0 : i32
    %dma_wait3A_607 = tpu.memref_slice %arg5[%dma_wait3A_605, %dma_wait3A_606] : memref<50048x32xf32, #tpu.memory_space<vmem_shared>> -> memref<50048x32xf32, #tpu.memory_space<vmem_shared>>
    tpu.wait_indirect_dma semaphore(%arg14 : memref<!tpu.dma_semaphore, #tpu.memory_space<semaphore_mem>>) src(%dma_wait3A_601 : memref<128x32xf32, #tpu.memory_space<vmem>>) dst(%dma_wait3A_607 : memref<50048x32xf32, #tpu.memory_space<vmem_shared>>)
    %dma_wait3A_608 = arith.constant 4 : i32
    %dma_wait3A_609 = arith.constant 128 : i32
    %dma_wait3A_610 = arith.constant 0 : i32
    %dma_wait3A_611 = tpu.memref_slice %arg7[%dma_wait3A_609, %dma_wait3A_610] : memref<384x32xf32, #tpu.memory_space<vmem>> -> memref<128x32xf32, #tpu.memory_space<vmem>>
    %dma_wait3A_612 = arith.constant 0 : i32
    %dma_wait3A_613 = tpu.memref_slice %arg11[%dma_wait3A_608, %dma_wait3A_612] : memref<6x128xi32, #tpu.memory_space<vmem>> -> memref<1x128xi32, #tpu.memory_space<vmem>>
    %dma_wait3A_614 = tpu.memref_squeeze %dma_wait3A_613 : memref<1x128xi32, #tpu.memory_space<vmem>> -> memref<128xi32, #tpu.memory_space<vmem>>
    %dma_wait3A_615 = arith.constant 0 : i32
    %dma_wait3A_616 = arith.constant 0 : i32
    %dma_wait3A_617 = tpu.memref_slice %arg5[%dma_wait3A_615, %dma_wait3A_616] : memref<50048x32xf32, #tpu.memory_space<vmem_shared>> -> memref<50048x32xf32, #tpu.memory_space<vmem_shared>>
    tpu.wait_indirect_dma semaphore(%arg14 : memref<!tpu.dma_semaphore, #tpu.memory_space<semaphore_mem>>) src(%dma_wait3A_611 : memref<128x32xf32, #tpu.memory_space<vmem>>) dst(%dma_wait3A_617 : memref<50048x32xf32, #tpu.memory_space<vmem_shared>>)
    %dma_wait3A_618 = arith.constant 5 : i32
    %dma_wait3A_619 = arith.constant 256 : i32
    %dma_wait3A_620 = arith.constant 0 : i32
    %dma_wait3A_621 = tpu.memref_slice %arg7[%dma_wait3A_619, %dma_wait3A_620] : memref<384x32xf32, #tpu.memory_space<vmem>> -> memref<128x32xf32, #tpu.memory_space<vmem>>
    %dma_wait3A_622 = arith.constant 0 : i32
    %dma_wait3A_623 = tpu.memref_slice %arg11[%dma_wait3A_618, %dma_wait3A_622] : memref<6x128xi32, #tpu.memory_space<vmem>> -> memref<1x128xi32, #tpu.memory_space<vmem>>
    %dma_wait3A_624 = tpu.memref_squeeze %dma_wait3A_623 : memref<1x128xi32, #tpu.memory_space<vmem>> -> memref<128xi32, #tpu.memory_space<vmem>>
    %dma_wait3A_625 = arith.constant 0 : i32
    %dma_wait3A_626 = arith.constant 0 : i32
    %dma_wait3A_627 = tpu.memref_slice %arg5[%dma_wait3A_625, %dma_wait3A_626] : memref<50048x32xf32, #tpu.memory_space<vmem_shared>> -> memref<50048x32xf32, #tpu.memory_space<vmem_shared>>
    tpu.wait_indirect_dma semaphore(%arg14 : memref<!tpu.dma_semaphore, #tpu.memory_space<semaphore_mem>>) src(%dma_wait3A_621 : memref<128x32xf32, #tpu.memory_space<vmem>>) dst(%dma_wait3A_627 : memref<50048x32xf32, #tpu.memory_space<vmem_shared>>)
    %barrier3A_628 = arith.constant 0 : index
    tpu.barrier barrier_id(%barrier3A_628)
    %mul3A_629 = arith.constant 3128 : i32
    %mul3A_630 = arith.muli %arg1, %mul3A_629 : i32
    %mul3A_631 = arith.constant 50048 : i32
    %mul3A_632 = arith.muli %arg0, %mul3A_631 : i32
    %mul3A_633 = arith.constant 3128 : i32
    %mul3A_634 = arith.muli %arg1, %mul3A_633 : i32
    %add3A_635 = arith.addi %mul3A_632, %mul3A_634 : i32
    %run_scoped3A_636 = arith.constant 1 : i32
    "tpu.region"() ({
      %run_scoped3A_637 = tpu.sem_alloc : memref<!tpu.dma_semaphore, #tpu.memory_space<semaphore_mem>>
      %dma_start3A_638 = arith.constant 0 : i32
      %dma_start3A_639 = arith.constant 0 : i32
      %dma_start3A_640 = tpu.memref_slice %arg4[%run_scoped3A_636, %dma_start3A_638, %dma_start3A_639] : memref<2x100096x32xf32, #tpu.memory_space<hbm>> -> memref<1x100096x32xf32, #tpu.memory_space<hbm>>
      %dma_start3A_641 = tpu.memref_squeeze %dma_start3A_640 : memref<1x100096x32xf32, #tpu.memory_space<hbm>> -> memref<100096x32xf32, #tpu.memory_space<hbm>>
      %dma_start3A_642 = arith.constant 0 : i32
      %dma_start3A_643 = tpu.memref_slice %dma_start3A_641[%add3A_635, %dma_start3A_642] : memref<100096x32xf32, #tpu.memory_space<hbm>> -> memref<3128x32xf32, #tpu.memory_space<hbm>>
      %dma_start3A_644 = arith.constant 0 : i32
      %dma_start3A_645 = tpu.memref_slice %arg5[%mul3A_630, %dma_start3A_644] : memref<50048x32xf32, #tpu.memory_space<vmem_shared>> -> memref<3128x32xf32, #tpu.memory_space<vmem_shared>>
      tpu.enqueue_dma source(%dma_start3A_645 : memref<3128x32xf32, #tpu.memory_space<vmem_shared>>) target(%dma_start3A_643 : memref<3128x32xf32, #tpu.memory_space<hbm>>) target_semaphore(%run_scoped3A_637 : memref<!tpu.dma_semaphore, #tpu.memory_space<semaphore_mem>>)
      %dma_wait3A_646 = arith.constant 0 : i32
      %dma_wait3A_647 = arith.constant 0 : i32
      %dma_wait3A_648 = tpu.memref_slice %arg4[%run_scoped3A_636, %dma_wait3A_646, %dma_wait3A_647] : memref<2x100096x32xf32, #tpu.memory_space<hbm>> -> memref<1x100096x32xf32, #tpu.memory_space<hbm>>
      %dma_wait3A_649 = tpu.memref_squeeze %dma_wait3A_648 : memref<1x100096x32xf32, #tpu.memory_space<hbm>> -> memref<100096x32xf32, #tpu.memory_space<hbm>>
      %dma_wait3A_650 = arith.constant 0 : i32
      %dma_wait3A_651 = tpu.memref_slice %dma_wait3A_649[%add3A_635, %dma_wait3A_650] : memref<100096x32xf32, #tpu.memory_space<hbm>> -> memref<3128x32xf32, #tpu.memory_space<hbm>>
      %dma_wait3A_652 = arith.constant 0 : i32
      %dma_wait3A_653 = tpu.memref_slice %arg5[%mul3A_630, %dma_wait3A_652] : memref<50048x32xf32, #tpu.memory_space<vmem_shared>> -> memref<3128x32xf32, #tpu.memory_space<vmem_shared>>
      tpu.wait_dma2 semaphore(%run_scoped3A_637 : memref<!tpu.dma_semaphore, #tpu.memory_space<semaphore_mem>>) src(%dma_wait3A_653 : memref<3128x32xf32, #tpu.memory_space<vmem_shared>>) dst(%dma_wait3A_651 : memref<3128x32xf32, #tpu.memory_space<hbm>>)
      tpu.yield
    }) : () -> ()
    return
  }
}

module attributes {stable_mosaic.version = 14 : i64} {
  func.func @body(%arg0: i32, %arg1: memref<2x2x5000x32xf32, #tpu.memory_space<vmem>>, %arg2: memref<2x2x32x256xf32, #tpu.memory_space<vmem>>, %arg3: memref<1x256xf32, #tpu.memory_space<vmem>>, %arg4: memref<256x64xf32, #tpu.memory_space<vmem>>, %arg5: memref<1x64xf32, #tpu.memory_space<vmem>>, %arg6: memref<5000x64xf32, #tpu.memory_space<vmem>>) attributes {dimension_semantics = [#tpu.dimension_semantics<arbitrary>], iteration_bounds = array<i64: 10>, scalar_prefetch = 0 : i64, scratch_operands = 0 : i64, tpu.core_type = #tpu.core_type<tc>, window_params = [{transform_indices = @transform_0, window_bounds = array<i64: 2, 2, 5000, 32>}, {pipeline_mode = #tpu.pipeline_mode<synchronous>, transform_indices = @transform_1, window_bounds = array<i64: 2, 2, 32, 256>}, {pipeline_mode = #tpu.pipeline_mode<synchronous>, transform_indices = @transform_2, window_bounds = array<i64: 1, 256>}, {pipeline_mode = #tpu.pipeline_mode<synchronous>, transform_indices = @transform_3, window_bounds = array<i64: 256, 64>}, {pipeline_mode = #tpu.pipeline_mode<synchronous>, transform_indices = @transform_4, window_bounds = array<i64: 1, 64>}, {transform_indices = @transform_5, window_bounds = array<i64: 5000, 64>}]} {
    %get3A = arith.constant 0 : index
    %get3A_0 = arith.constant 0 : index
    %get3A_1 = arith.constant 0 : index
    %get3A_2 = arith.constant 0 : index
    %get3A_3 = vector.load %arg1[%get3A, %get3A_0, %get3A_1, %get3A_2] : memref<2x2x5000x32xf32, #tpu.memory_space<vmem>>, vector<1x1x5000x32xf32>
    %get3A_4 = vector.shape_cast %get3A_3 : vector<1x1x5000x32xf32> to vector<5000x32xf32>
    %get3A_5 = arith.constant 0 : index
    %get3A_6 = arith.constant 0 : index
    %get3A_7 = arith.constant 0 : index
    %get3A_8 = arith.constant 0 : index
    %get3A_9 = vector.load %arg2[%get3A_5, %get3A_6, %get3A_7, %get3A_8] : memref<2x2x32x256xf32, #tpu.memory_space<vmem>>, vector<1x1x32x256xf32>
    %get3A_10 = vector.shape_cast %get3A_9 : vector<1x1x32x256xf32> to vector<32x256xf32>
    %dot_general3A = arith.constant dense<0.000000e+00> : vector<5000x256xf32>
    %dot_general3A_11 = tpu.matmul %get3A_4, %get3A_10, %dot_general3A {dimension_numbers = #tpu.dot_dimension_numbers<[1], [0], [0], [1], [0, 0, 1, 1], [], []>, transpose_lhs_hint = false} : vector<5000x32xf32>, vector<32x256xf32>, vector<5000x256xf32> -> vector<5000x256xf32>
    %get3A_12 = arith.constant 0 : index
    %get3A_13 = arith.constant 1 : index
    %get3A_14 = arith.constant 0 : index
    %get3A_15 = arith.constant 0 : index
    %get3A_16 = vector.load %arg1[%get3A_12, %get3A_13, %get3A_14, %get3A_15] : memref<2x2x5000x32xf32, #tpu.memory_space<vmem>>, vector<1x1x5000x32xf32>
    %get3A_17 = vector.shape_cast %get3A_16 : vector<1x1x5000x32xf32> to vector<5000x32xf32>
    %get3A_18 = arith.constant 0 : index
    %get3A_19 = arith.constant 1 : index
    %get3A_20 = arith.constant 0 : index
    %get3A_21 = arith.constant 0 : index
    %get3A_22 = vector.load %arg2[%get3A_18, %get3A_19, %get3A_20, %get3A_21] : memref<2x2x32x256xf32, #tpu.memory_space<vmem>>, vector<1x1x32x256xf32>
    %get3A_23 = vector.shape_cast %get3A_22 : vector<1x1x32x256xf32> to vector<32x256xf32>
    %dot_general3A_24 = arith.constant dense<0.000000e+00> : vector<5000x256xf32>
    %dot_general3A_25 = tpu.matmul %get3A_17, %get3A_23, %dot_general3A_24 {dimension_numbers = #tpu.dot_dimension_numbers<[1], [0], [0], [1], [0, 0, 1, 1], [], []>, transpose_lhs_hint = false} : vector<5000x32xf32>, vector<32x256xf32>, vector<5000x256xf32> -> vector<5000x256xf32>
    %add3A = arith.addf %dot_general3A_11, %dot_general3A_25 : vector<5000x256xf32>
    %get3A_26 = arith.constant 1 : index
    %get3A_27 = arith.constant 0 : index
    %get3A_28 = arith.constant 0 : index
    %get3A_29 = arith.constant 0 : index
    %get3A_30 = vector.load %arg1[%get3A_26, %get3A_27, %get3A_28, %get3A_29] : memref<2x2x5000x32xf32, #tpu.memory_space<vmem>>, vector<1x1x5000x32xf32>
    %get3A_31 = vector.shape_cast %get3A_30 : vector<1x1x5000x32xf32> to vector<5000x32xf32>
    %get3A_32 = arith.constant 1 : index
    %get3A_33 = arith.constant 0 : index
    %get3A_34 = arith.constant 0 : index
    %get3A_35 = arith.constant 0 : index
    %get3A_36 = vector.load %arg2[%get3A_32, %get3A_33, %get3A_34, %get3A_35] : memref<2x2x32x256xf32, #tpu.memory_space<vmem>>, vector<1x1x32x256xf32>
    %get3A_37 = vector.shape_cast %get3A_36 : vector<1x1x32x256xf32> to vector<32x256xf32>
    %dot_general3A_38 = arith.constant dense<0.000000e+00> : vector<5000x256xf32>
    %dot_general3A_39 = tpu.matmul %get3A_31, %get3A_37, %dot_general3A_38 {dimension_numbers = #tpu.dot_dimension_numbers<[1], [0], [0], [1], [0, 0, 1, 1], [], []>, transpose_lhs_hint = false} : vector<5000x32xf32>, vector<32x256xf32>, vector<5000x256xf32> -> vector<5000x256xf32>
    %add3A_40 = arith.addf %add3A, %dot_general3A_39 : vector<5000x256xf32>
    %get3A_41 = arith.constant 1 : index
    %get3A_42 = arith.constant 1 : index
    %get3A_43 = arith.constant 0 : index
    %get3A_44 = arith.constant 0 : index
    %get3A_45 = vector.load %arg1[%get3A_41, %get3A_42, %get3A_43, %get3A_44] : memref<2x2x5000x32xf32, #tpu.memory_space<vmem>>, vector<1x1x5000x32xf32>
    %get3A_46 = vector.shape_cast %get3A_45 : vector<1x1x5000x32xf32> to vector<5000x32xf32>
    %get3A_47 = arith.constant 1 : index
    %get3A_48 = arith.constant 1 : index
    %get3A_49 = arith.constant 0 : index
    %get3A_50 = arith.constant 0 : index
    %get3A_51 = vector.load %arg2[%get3A_47, %get3A_48, %get3A_49, %get3A_50] : memref<2x2x32x256xf32, #tpu.memory_space<vmem>>, vector<1x1x32x256xf32>
    %get3A_52 = vector.shape_cast %get3A_51 : vector<1x1x32x256xf32> to vector<32x256xf32>
    %dot_general3A_53 = arith.constant dense<0.000000e+00> : vector<5000x256xf32>
    %dot_general3A_54 = tpu.matmul %get3A_46, %get3A_52, %dot_general3A_53 {dimension_numbers = #tpu.dot_dimension_numbers<[1], [0], [0], [1], [0, 0, 1, 1], [], []>, transpose_lhs_hint = false} : vector<5000x32xf32>, vector<32x256xf32>, vector<5000x256xf32> -> vector<5000x256xf32>
    %add3A_55 = arith.addf %add3A_40, %dot_general3A_54 : vector<5000x256xf32>
    %get3A_56 = arith.constant 0 : index
    %get3A_57 = arith.constant 0 : index
    %get3A_58 = vector.load %arg3[%get3A_56, %get3A_57] : memref<1x256xf32, #tpu.memory_space<vmem>>, vector<1x256xf32>
    %add3A_59 = vector.broadcast %get3A_58 : vector<1x256xf32> to vector<5000x256xf32>
    %add3A_60 = arith.addf %add3A_55, %add3A_59 : vector<5000x256xf32>
    %max3A = arith.constant 0.000000e+00 : f32
    %max3A_61 = vector.broadcast %max3A : f32 to vector<5000x256xf32>
    %max3A_62 = arith.maximumf %add3A_60, %max3A_61 : vector<5000x256xf32>
    %get3A_63 = arith.constant 0 : index
    %get3A_64 = arith.constant 0 : index
    %get3A_65 = vector.load %arg4[%get3A_63, %get3A_64] : memref<256x64xf32, #tpu.memory_space<vmem>>, vector<256x64xf32>
    %dot_general3A_66 = arith.constant dense<0.000000e+00> : vector<5000x64xf32>
    %dot_general3A_67 = tpu.matmul %max3A_62, %get3A_65, %dot_general3A_66 {dimension_numbers = #tpu.dot_dimension_numbers<[1], [0], [0], [1], [0, 0, 1, 1], [], []>, transpose_lhs_hint = false} : vector<5000x256xf32>, vector<256x64xf32>, vector<5000x64xf32> -> vector<5000x64xf32>
    %get3A_68 = arith.constant 0 : index
    %get3A_69 = arith.constant 0 : index
    %get3A_70 = vector.load %arg5[%get3A_68, %get3A_69] : memref<1x64xf32, #tpu.memory_space<vmem>>, vector<1x64xf32>
    %add3A_71 = vector.broadcast %get3A_70 : vector<1x64xf32> to vector<5000x64xf32>
    %add3A_72 = arith.addf %dot_general3A_67, %add3A_71 : vector<5000x64xf32>
    %swap3A = arith.constant 0 : index
    %swap3A_73 = arith.constant 0 : index
    %swap3A_74 = vector.load %arg6[%swap3A, %swap3A_73] : memref<5000x64xf32, #tpu.memory_space<vmem>>, vector<5000x64xf32>
    tpu.vector_store %arg6[%swap3A, %swap3A_73], %add3A_72 {strides = array<i32>} : memref<5000x64xf32, #tpu.memory_space<vmem>>, vector<5000x64xf32>,
    return
  }
  func.func @transform_0(%arg0: i32) -> (i32, i32, i32, i32) {
    %c0_i32 = arith.constant 0 : i32
    %c0_i32_0 = arith.constant 0 : i32
    %c0_i32_1 = arith.constant 0 : i32
    %c0_i32_2 = arith.constant 0 : i32
    return %c0_i32, %c0_i32_0, %arg0, %c0_i32_1 : i32, i32, i32, i32
  }
  func.func @transform_1(%arg0: i32) -> (i32, i32, i32, i32) {
    %c0_i32 = arith.constant 0 : i32
    %c0_i32_0 = arith.constant 0 : i32
    %c0_i32_1 = arith.constant 0 : i32
    %c0_i32_2 = arith.constant 0 : i32
    %c0_i32_3 = arith.constant 0 : i32
    return %c0_i32, %c0_i32_0, %c0_i32_1, %c0_i32_2 : i32, i32, i32, i32
  }
  func.func @transform_2(%arg0: i32) -> (i32, i32) {
    %c0_i32 = arith.constant 0 : i32
    %c0_i32_0 = arith.constant 0 : i32
    %c0_i32_1 = arith.constant 0 : i32
    return %c0_i32, %c0_i32_0 : i32, i32
  }
  func.func @transform_3(%arg0: i32) -> (i32, i32) {
    %c0_i32 = arith.constant 0 : i32
    %c0_i32_0 = arith.constant 0 : i32
    %c0_i32_1 = arith.constant 0 : i32
    return %c0_i32, %c0_i32_0 : i32, i32
  }
  func.func @transform_4(%arg0: i32) -> (i32, i32) {
    %c0_i32 = arith.constant 0 : i32
    %c0_i32_0 = arith.constant 0 : i32
    %c0_i32_1 = arith.constant 0 : i32
    return %c0_i32, %c0_i32_0 : i32, i32
  }
  func.func @transform_5(%arg0: i32) -> (i32, i32) {
    %c0_i32 = arith.constant 0 : i32
    %c0_i32_0 = arith.constant 0 : i32
    return %arg0, %c0_i32 : i32, i32
  }
}

</mosaic_0001>

<sc_bundles>
// kernel: kernel.4.cloned.1.call-start
scs
__scs_entry_jumppad:
0x0: {  	(pc) =	sbr.rel $0x88, $3  }
0x1: {  	(tag) =	ssettag $0x0;
	lr =	simm.s32 $0x1  }
0x2: {  	[smem:$0x3F9B] =	sst lr;
	_ =	strace $0xD0000000  }
0x3: {  	_ = 	snop  }
0x4: {  	_ = 	snop  }
0x5: {  	_ = 	snop  }
0x6: {  	_ = 	snop  }
0x7: {  	_ = 	snop  }
__scs_overlays_trampoline_lowered:
0x8: {  	[smem:$0x3FAA] =	sst s0  }
0x9: {  	[smem:$0x3FAB] =	sst s1  }
0xa: {  	[smem:$0x3FAC] =	sst s2  }
0xb: {  	[smem:$0x3FAD] =	sst s3  }
0xc: {  	[smem:$0x3FAE] =	sst s4  }
0xd: {  	[smem:$0x3FAF] =	sst s5  }
0xe: {  	[smem:$0x3FB0] =	sst s6  }
0xf: {  	[smem:$0x3FB1] =	sst s7  }
0x10: {  	[smem:$0x3FB2] =	sst s8  }
0x11: {  	[smem:$0x3FB3] =	sst s9;
	s0 =	simm.s32 @!p0 $0x0  }
0x12: {  	s1 =	sld [smem:$0x3F99];
	s0 =	simm.s32 @p0 $0x1  }
0x13: {  	[smem:$0x3FB4] =	sst s0;
	s0 =	simm.s32 @!p1 $0x0  }
0x14: {  	s2 =	sld [smem:$0x3F98];
	s0 =	simm.s32 @p1 $0x1  }
0x15: {  	[smem:$0x3FB5] =	sst s0;
	s0 =	simm.s32 @!p2 $0x0  }
0x16: {  	s3 =	sld [smem:$0x3FDB];
	s0 =	simm.s32 @p2 $0x1  }
0x17: {  	s4 =	simm.s32 $0x1BF5;
	[smem:$0x3FB7] =	sst s0  }
0x18: {  	s0 =	sld [smem:$0x3F9A];
	_ =	swait.ge [sflag:s4], $0x0  }
0x19: {  	s7 =	sld [smem:$0x3F9B]  }
0x1a: {  	s8 =	sadd.s32 $0xFFFFE003, lr  }
0x1b: {  	s9 =	sadd.s32 $0xFFFFFEF7, lr;
	s5 =	simm.s32 $0xFFFFFFFF;
	p2 =	slt.u32 s8, $0xFFFFF086  }
0x1c: {  	p1 =	slt.u32 s9, $0xF7A;
	s5 =	simm.s32 @!p2 $0x0  }
0x1d: {  	s5 =	simm.s32 @p1 $0x1;
	p0 =	seq.s32 s7, s2  }
0x1e: {  	s7 =	smul.u32 @!p0 $0xF7A, s2;
	p2 =	seq.s32 @!p0 s5, $0x0  }
0x1f: {  	s9 =	smul.u32 $0xF7A, s1;
	s8 =	simm.s32 @!p0 $0x1BF5;
	p2 =	por !p2, p0  }
0x20: {  	[sflag:s8] =	ssyncset.s32 @!p0 $0xFFFFF086;
	s6 =	sadd.s32 @!p0 s3, s7;
	s7 =	simm.s32 @!p0 $0x108  }
0x21: {  	s3 =	sadd.s32 s3, s9;
	s6 =	sadd.s32 @!p0 $0x88, s6;
	s7 =	simm.s32 @p2 $0x1082  }
0x22: {  	[simem:s7], [sflag:s8] =	dma.local @!p0 [hbm:s6], $0xF7A  }
0x23: {  	s9 =	sor.u32 $0xD0000000, s2;
	s6 =	simm.s32 $0x108;
	_ =	swait.ge @!p0 [sflag:s8], $0x0  }
0x24: {  	s3 =	sadd.s32 $0x88, s3;
	s6 =	simm.s32 @!p1 $0x1082;
	[sflag:s4] =	ssyncset.s32 $0xFFFFF086  }
0x25: {  	[simem:s6], [sflag:s4] =	dma.local [hbm:s3], $0xF7A  }
0x26: {  	[smem:$0x3F9B] =	sst s1;
	(tag) =	ssettag s2;
	_ =	strace s9  }
0x27: {  	s1 =	sld [smem:$0x3FAB]  }
0x28: {  	s2 =	sld [smem:$0x3FAC]  }
0x29: {  	s4 =	sld [smem:$0x3FAE]  }
0x2a: {  	p0 =	seq.s32 s5, $0x0;
	s5 =	sld [smem:$0x3FAF]  }
0x2b: {  	s6 =	sld [smem:$0x3FB0]  }
0x2c: {  	s7 =	sld [smem:$0x3FB1]  }
0x2d: {  	s3 =	simm.s32 $0x108;
	s8 =	sld [smem:$0x3FB2]  }
0x2e: {  	s3 =	simm.s32 @!p0 $0x1082;
	s9 =	sld [smem:$0x3FB3]  }
0x2f: {  	lr =	sadd.s32 s0, s3;
	s0 =	sld [smem:$0x3FAA]  }
0x30: {  	s3 =	sld [smem:$0x3FAD]  }
0x31: {  	[smem:$0x3FB6] =	sst s10  }
0x32: {  	s10 =	sld [smem:$0x3FB4];
	_ =	sdelay $0x3  }
0x33: {  	p0 =	seq.s32 s10, $0x1;
	s10 =	sld [smem:$0x3FB6];
	_ =	sdelay $0x3  }
0x34: {  	[smem:$0x3FB6] =	sst s10  }
0x35: {  	s10 =	sld [smem:$0x3FB5];
	_ =	sdelay $0x3  }
0x36: {  	p1 =	seq.s32 s10, $0x1;
	s10 =	sld [smem:$0x3FB6];
	_ =	sdelay $0x3  }
0x37: {  	[smem:$0x3FB6] =	sst s10  }
0x38: {  	s10 =	sld [smem:$0x3FB7]  }
0x39: {  	_ = 	snop;
	(pc) =	sbr.ind lr, $3  }
0x3a: {  	_ = 	snop  }
0x3b: {  	_ = 	snop  }
0x3c: {  	p2 =	seq.s32 s10, $0x1;
	s10 =	sld [smem:$0x3FB6]  }
0x3d: {  	_ =	shalt  }
0x3e: {  	_ =	shalt  }
0x3f: {  	_ =	shalt  }
0x40: {  	_ =	shalt  }
0x41: {  	_ =	shalt  }
0x42: {  	_ =	shalt  }
0x43: {  	_ =	shalt  }
0x44: {  	_ =	shalt  }
0x45: {  	_ =	shalt  }
0x46: {  	_ =	shalt  }
0x47: {  	_ =	shalt  }
0x48: {  	_ =	shalt  }
0x49: {  	_ =	shalt  }
0x4a: {  	_ =	shalt  }
0x4b: {  	_ =	shalt  }
0x4c: {  	_ =	shalt  }
0x4d: {  	_ =	shalt  }
0x4e: {  	_ =	shalt  }
0x4f: {  	_ =	shalt  }
0x50: {  	_ =	shalt  }
0x51: {  	_ =	shalt  }
0x52: {  	_ =	shalt  }
0x53: {  	_ =	shalt  }
0x54: {  	_ =	shalt  }
0x55: {  	_ =	shalt  }
0x56: {  	_ =	shalt  }
0x57: {  	_ =	shalt  }
0x58: {  	_ =	shalt  }
0x59: {  	_ =	shalt  }
0x5a: {  	_ =	shalt  }
0x5b: {  	_ =	shalt  }
0x5c: {  	_ =	shalt  }
0x5d: {  	_ =	shalt  }
0x5e: {  	_ =	shalt  }
0x5f: {  	_ =	shalt  }
0x60: {  	_ =	shalt  }
0x61: {  	_ =	shalt  }
0x62: {  	_ =	shalt  }
0x63: {  	_ =	shalt  }
0x64: {  	_ =	shalt  }
0x65: {  	_ =	shalt  }
0x66: {  	_ =	shalt  }
0x67: {  	_ =	shalt  }
0x68: {  	_ =	shalt  }
0x69: {  	_ =	shalt  }
0x6a: {  	_ =	shalt  }
0x6b: {  	_ =	shalt  }
0x6c: {  	_ =	shalt  }
0x6d: {  	_ =	shalt  }
0x6e: {  	_ =	shalt  }
0x6f: {  	_ =	shalt  }
0x70: {  	_ =	shalt  }
0x71: {  	_ =	shalt  }
0x72: {  	_ =	shalt  }
0x73: {  	_ =	shalt  }
0x74: {  	_ =	shalt  }
0x75: {  	_ =	shalt  }
0x76: {  	_ =	shalt  }
0x77: {  	_ =	shalt  }
0x78: {  	_ =	shalt  }
0x79: {  	_ =	shalt  }
0x7a: {  	_ =	shalt  }
0x7b: {  	_ =	shalt  }
0x7c: {  	_ =	shalt  }
0x7d: {  	_ =	shalt  }
0x7e: {  	_ =	shalt  }
0x7f: {  	_ =	shalt  }
0x80: {  	_ =	shalt  }
0x81: {  	_ =	shalt  }
0x82: {  	_ =	shalt  }
0x83: {  	_ =	shalt  }
0x84: {  	_ =	shalt  }
0x85: {  	_ =	shalt  }
0x86: {  	_ =	shalt  }
0x87: {  	_ =	shalt  }
.Lfunc_end0:
.L_simem_size_0:
called_computation_lowered:
.L_overlay_start_0:
0x88: {  	s2 =	sld [smem:$0x3FD9]  }
0x89: {  	s3 =	sld [smem:$0x3FFE];
	_ =	sdelay $0x1  }
0x8a: {  	s1 =	srdreg.scid  }
0x8b: {  	s0 =	sand.u32 $0x1, s1  }
0x8c: {  	s17 =	sshll.u32 s0, $0xA;
	s2 =	sadd.s32 s3, s2  }
0x8d: {  	s2 =	sadd.s32 s2, s17  }
0x8e: {  	[smem:$0x3FC2] =	sst s2  }
0x8f: {  	_ = 	snop  }
0x90: {  	s2 =	sld [smem:$0x3FD0];
	(tm) =	ssettm $0x1  }
0x91: {  	s18 =	sld [smem:$0x3FFB];
	_ =	sdelay $0x3  }
0x92: {  	_ =	strace s18  }
0x93: {  	s3 =	sld [smem:$0x3FFC];
	_ =	sdelay $0x3  }
0x94: {  	_ =	strace s3  }
0x95: {  	s3 =	sld [smem:$0x3FFD];
	_ =	sdelay $0x3  }
0x96: {  	_ =	strace s3  }
0x97: {  	_ =	strace $0x8FFFFFFF  }
0x98: {  	s19 =	sld [smem:$0x3FDB];
	_ =	sdelay $0x1  }
0x99: {  	s4 =	simm.s32 $_scs_section_size  }
0x9a: {  	s5 =	simm.s32 $_size__tile_overlayer_lowered;
	s6 =	simm.s32 $_tile_overlayer_lowered  }
0x9b: {  	s22 =	simm.s32 $0x1BFF;
	s21 =	sshll.u32 s6, $0x1;
	s3 =	sadd.s32 s4, s19  }
0x9c: {  	s7 =	simm.s32 $0x0;
	s20 =	sshll.u32 s5, $0x1;
	s5 =	sadd.s32 s21, s3  }
0x9d: {  	[timem:s7], [sflag:s22] =	dma.local [hbm:s5], s20  }
0x9e: {  	_ =	swait.ge [sflag:s22], s20  }
0x9f: {  	s4 =	ssub.s32 $0x0, s20;
	[sflag:s22] =	ssyncset.done $0x0  }
0xa0: {  	[sflag:s22] =	ssyncadd.s32 s4;
	_ =	sdelay $0x1  }
0xa1: {  	s23 =	simm.s32 $0x1B8B  }
0xa2: {  	_ =	swait.ge [sflag:s23], $0x1  }
0xa3: {  	[sflag:s23] =	ssyncset.done $0x0  }
0xa4: {  	s25 =	simm.s32 $0x1B8E;
	s24 =	sld [smem:$0x3FFE];
	[sflag:s23] =	ssyncadd.s32 $0xFFFFFFFF  }
0xa5: {  	s26 =	simm.s32 $execute0_lowered;
	[smem:$0x3FD2] =	sst s25  }
0xa6: {  	s5 =	sshll.u32 s26, $0x1;
	_ =	strace $0x80000046;
	[dreg:$0x1] =	wrdreg $0xFFFFFFFF  }
0xa7: {  	s28 =	simm.s32 $_size_execute0_lowered;
	s3 =	sadd.s32 s3, s5;
	[dreg:$0x0] =	wrdreg $0x0  }
0xa8: {  	s5 =	sshll.u32 s28, $0x1;
	[dreg:$0x2] =	wrdreg s3  }
0xa9: {  	[dreg:$0x3] =	wrdreg s5  }
0xaa: {  	[dreg:$0x4] =	wrdreg $0xC0  }
0xab: {  	_ =	task [dreg:s7], $0x5FFFF  }
0xac: {  	[dreg:$0x1] =	wrdreg $0xFFFFFFFF  }
0xad: {  	[dreg:$0x0] =	wrdreg $0x60  }
0xae: {  	[dreg:$0x2] =	wrdreg s2  }
0xaf: {  	[dreg:$0x3] =	wrdreg s24  }
0xb0: {  	[dreg:$0x4] =	wrdreg $0x0  }
0xb1: {  	[dreg:$0x5] =	wrdreg $0x9  }
0xb2: {  	_ =	task.clear_ibuf [dreg:s7], $0x6FFFF;
	_ =	strace $0x90000046  }
0xb3: {  	s29 =	simm.s32 $0x9;
	_ =	strace $0x80000048  }
0xb4: {  	_ =	swait.ge [sflag:s29], $0x1  }
0xb5: {  	[sflag:s29] =	ssyncadd.s32 $0xFFFFFFFF  }
0xb6: {  	_ =	strace $0x90000048  }
0xb7: {  	_ =	sfence  }
0xb8: {  	s30 =	sld [smem:$0x0];
	_ =	sdelay $0x2  }
0xb9: {  	s31 =	sshll.u32 s1, $0xD;
	s1 =	sshrl.u32 s1, $0x2  }
0xba: {  	s3 =	sand.u32 $0x4000, s31;
	s1 =	sadd.s32 s1, s30  }
0xbb: {  	s0 =	sor.u32 s3, s0;
	s1 =	sshll.u32 s1, $0x11  }
0xbc: {  	s0 =	sor.u32 s1, s0  }
0xbd: {  	s0 =	sadd.s32 $0x8F2B, s0  }
0xbe: {  	[sflag:s0] =	ssyncadd.remote.s32 $0x1  }
0xbf: {  	_ =	sfence.sel $0xFFFF  }
0xc0: {  	[dreg:$0x0] =	wrdreg $0xFFFFFFFF;
	(pc) =	sbr.abs _section_cstart, $3  }
0xc1: {  	[dreg:$0x1] =	wrdreg $0xFFFFFFFF  }
0xc2: {  	_ =	task.clear_ibuf [dreg:s7], $0x2FFFF;
	_ =	strace $0x9FFFFFFF  }
0xc3: {  	(tm) =	ssettm $0x7FFFFFFF  }
tec
execute0_lowered:
.L_overlay_start_1:
0x0: {  	(tag) =	ssettag $0x1  }
0x1: {  	s0 =	rddreg [dreg:$0x0]  }
0x2: {  	s1 =	rddreg [dreg:$0x1];
	s7 =	stileid.u32  }
0x3: {  	s2 =	srdreg.scid;
	s3 =	rddreg [dreg:$0x2];
	s4 =	simm.s32 $0x0  }
0x4: {  	s28 =	simm.s32 $0x80;
	s30 =	simm.s32 $0x19700;
	s29 =	smul.u32 $0x18C0, s7  }
0x5: {  	s11 =	simm.s32 $0x1EA80;
	s2 =	sand.u32 $0x1, s2;
	s5 =	smul.u32 $0xC38, s7  }
0x6: {  	[smem:$0x7FF] =	sst s4;
	s7 =	smul.u32 $0x61C00, s7;
	s22 =	sadd.s32 $0x32100, s1  }
0x7: {  	s24 =	sadd.s32 $0x19480, s1;
	s25 =	sadd.s32 $0x4AD80, s1;
	s26 =	sadd.s32 $0xC5600, s1  }
0x8: {  	s6 =	smul.u32 $0xC380, s2;
	_ =	strace $0x80000047;
	[dreg:$0x11] =	wrdreg s22  }
0x9: {  	s12 =	ssub.s32 $0x2, s2;
	s2 =	smul.u32 $0x30D40, s2;
	[dreg:$0x13] =	wrdreg s24  }
0xa: {  	[dreg:$0x14] =	wrdreg s25;
	s22 =	simm.s32 $0x1;
	s25 =	simm.s32 $0x1EA00  }
0xb: {  	s24 =	simm.s32 $0x1B700;
	s8 =	sadd.s32 s29, s1;
	s7 =	sshrl.u32 s7, $0x2  }
0xc: {  	s9 =	sshrl.u32 s12, $0x1;
	[dreg:$0x7] =	wrdreg s29;
	s10 =	sadd.s32 s7, s3  }
0xd: {  	s5 =	sadd.s32 s5, s6;
	s14 =	sadd.s32 $0x3000, s10;
	[dreg:$0x8] =	wrdreg s10  }
0xe: {  	s6 =	ssub.s32 s12, s9;
	s15 =	sadd.s32 $0x6000, s10;
	[dreg:$0x9] =	wrdreg s14  }
0xf: {  	s7 =	simm.s32 $0x1C700;
	s16 =	sadd.s32 $0x9000, s10;
	[dreg:$0xa] =	wrdreg s15  }
0x10: {  	s9 =	simm.s32 $0x1D700;
	s17 =	sadd.s32 $0xC000, s10;
	[dreg:$0xb] =	wrdreg s16  }
0x11: {  	s12 =	simm.s32 $0x2;
	s18 =	sadd.s32 $0xF000, s10;
	[dreg:$0xc] =	wrdreg s17  }
0x12: {  	s5 =	sshll.u32 s5, $0x2;
	s19 =	sadd.s32 $0x12000, s10;
	[dreg:$0xd] =	wrdreg s18  }
0x13: {  	s20 =	sadd.s32 $0x15000, s10;
	s21 =	sadd.s32 $0x18000, s10;
	[dreg:$0xe] =	wrdreg s19  }
0x14: {  	s31 =	smax.u32 s6, $0x1;
	s6 =	simm.s32 $0x1E880;
	[dreg:$0xf] =	wrdreg s20  }
0x15: {  	s10 =	simm.s32 $0x1E980;
	s13 =	sadd.s32 s5, s1;
	[dreg:$0x10] =	wrdreg s21  }
0x16: {  	s18 =	sadd.s32 $0x800, s8;
	s16 =	sadd.s32 s0, s2;
	[dreg:$0x15] =	wrdreg s31  }
0x17: {  	s21 =	simm.s32 $0x18700;
	s0 =	sadd.s32 s5, s26;
	s26 =	simm.s32 $0x4  }
0x18: {  	s19 =	simm.s32 $0x1E780;
	s20 =	simm.s32 $0x1E800;
	s1 =	simm.s32 $0x1A700  }
0x19: {  	s17 =	simm.s32 $0x1F000;
	s8 =	simm.s32 $0x1E900;
	s2 =	simm.s32 $0x3  }
0x1a: {  	s23 =	sadd.s32 $0x63A00, s13;
	[dreg:$0x16] =	wrdreg s0;
	s0 =	simm.s32 $0x1ED00  }
0x1b: {  	v0 =	vimm.f32 $0.0e+00;
	s13 =	simm.s32 $0x0;
	[dreg:$0x12] =	wrdreg s23;
	s23 =	simm.s32 $0x1E700  }
.LBB2_1:
0x1c: {  	[dreg:$0x17] =	wrdreg s13;
	s5 =	simm.s32 $0x80;
	s13 =	simm.s32 $0x0  }
.LBB2_2:
0x1d: {  	p0 =	sne.s32 s5, $0xBF80;
	[tilespmem:s13+$0x18700] =	vst v0;
	s15 =	smov.u32 s5;
	s5 =	sadd.s32 $0x80, s5  }
.Ltmp0:
0x1e: {  	[tilespmem:s13+$0x18710] =	vst v0;
	(pc) =	sbr.rel @p0 .LBB2_2-.Ltmp0, $2  }
0x1f: {  	_ =	sdelay $0x2  }
0x20: {  	s13 =	sshra.s32 s15, $0x2  }
0x21: {  	[tilespmem:s13+$0x18700] =	vst v0  }
0x22: {  	[tilespmem:s13+$0x18710] =	vst v0;
	s5 =	rddreg [dreg:$0x8]  }
0x23: {  	[spmem:s5] =	stream.linear.scatter [tilespmem:s21], [sflag:$0x1], $0x3000, $0x38;
	[tilespmem:$0x1F300] =	vst v63  }
0x24: {  	s15 =	rddreg [dreg:$0x9]  }
0x25: {  	[spmem:s15] =	stream.linear.scatter [tilespmem:s21], [sflag:$0x1], $0x3000, $0x38;
	[tilespmem:$0x1F300] =	vst v63  }
0x26: {  	s31 =	rddreg [dreg:$0xa]  }
0x27: {  	[spmem:s31] =	stream.linear.scatter [tilespmem:s21], [sflag:$0x1], $0x3000, $0x38;
	[tilespmem:$0x1F300] =	vst v63  }
0x28: {  	s13 =	rddreg [dreg:$0xb]  }
0x29: {  	[spmem:s13] =	stream.linear.scatter [tilespmem:s21], [sflag:$0x1], $0x3000, $0x38;
	[tilespmem:$0x1F300] =	vst v63  }
0x2a: {  	s14 =	rddreg [dreg:$0xc]  }
0x2b: {  	[spmem:s14] =	stream.linear.scatter [tilespmem:s21], [sflag:$0x1], $0x3000, $0x38;
	[tilespmem:$0x1F300] =	vst v63  }
0x2c: {  	s15 =	rddreg [dreg:$0xd]  }
0x2d: {  	[spmem:s15] =	stream.linear.scatter [tilespmem:s21], [sflag:$0x1], $0x3000, $0x38;
	[tilespmem:$0x1F300] =	vst v63  }
0x2e: {  	s31 =	rddreg [dreg:$0xe]  }
0x2f: {  	[spmem:s31] =	stream.linear.scatter [tilespmem:s21], [sflag:$0x1], $0x3000, $0x38;
	[tilespmem:$0x1F300] =	vst v63  }
0x30: {  	s13 =	rddreg [dreg:$0xf]  }
0x31: {  	[spmem:s13] =	stream.linear.scatter [tilespmem:s21], [sflag:$0x1], $0x3000, $0x38;
	[tilespmem:$0x1F300] =	vst v63  }
0x32: {  	s14 =	rddreg [dreg:$0x10]  }
0x33: {  	[spmem:s14] =	stream.linear.scatter [tilespmem:s21], [sflag:$0x1], $0x700, $0x38;
	[tilespmem:$0x1F300] =	vst v63  }
0x34: {  	_ =	swait.ge [sflag:s22], $0x3000  }
0x35: {  	[sflag:s22] =	ssyncset.done $0x0  }
0x36: {  	[sflag:s22] =	ssyncadd.s32 $0xFFFFD000  }
0x37: {  	_ =	swait.ge [sflag:s22], $0x3000  }
0x38: {  	[sflag:s22] =	ssyncset.done $0x0  }
0x39: {  	[sflag:s22] =	ssyncadd.s32 $0xFFFFD000  }
0x3a: {  	_ =	swait.ge [sflag:s22], $0x3000  }
0x3b: {  	[sflag:s22] =	ssyncset.done $0x0  }
0x3c: {  	[sflag:s22] =	ssyncadd.s32 $0xFFFFD000  }
0x3d: {  	_ =	swait.ge [sflag:s22], $0x3000  }
0x3e: {  	[sflag:s22] =	ssyncset.done $0x0  }
0x3f: {  	[sflag:s22] =	ssyncadd.s32 $0xFFFFD000  }
0x40: {  	_ =	swait.ge [sflag:s22], $0x3000  }
0x41: {  	[sflag:s22] =	ssyncset.done $0x0  }
0x42: {  	[sflag:s22] =	ssyncadd.s32 $0xFFFFD000  }
0x43: {  	_ =	swait.ge [sflag:s22], $0x3000  }
0x44: {  	[sflag:s22] =	ssyncset.done $0x0  }
0x45: {  	[sflag:s22] =	ssyncadd.s32 $0xFFFFD000  }
0x46: {  	_ =	swait.ge [sflag:s22], $0x3000  }
0x47: {  	[sflag:s22] =	ssyncset.done $0x0  }
0x48: {  	[sflag:s22] =	ssyncadd.s32 $0xFFFFD000  }
0x49: {  	_ =	swait.ge [sflag:s22], $0x3000  }
0x4a: {  	[sflag:s22] =	ssyncset.done $0x0  }
0x4b: {  	[sflag:s22] =	ssyncadd.s32 $0xFFFFD000  }
0x4c: {  	_ =	swait.ge [sflag:s22], $0x700  }
0x4d: {  	[sflag:s22] =	ssyncset.done $0x0  }
0x4e: {  	[sflag:s22] =	ssyncadd.s32 $0xFFFFF900  }
0x4f: {  	s13 =	simm.s32 $0x0;
	[bflag:$0x0] =	sbarrier.arrive $0xFFFF  }
0x50: {  	[tilespmem:s23], [sflag:$0x4] =	stream.linear.gather [hbm4b:s18+s13], $0x300, $0x38;
	[tilespmem:$0x1F300] =	vst v63  }
0x51: {  	s14 =	rddreg [dreg:$0x11]  }
0x52: {  	s15 =	sadd.s32 s29, s14;
	s31 =	sadd.s32 s14, s29  }
0x53: {  	[tilespmem:s25], [sflag:$0x4] =	stream.linear.gather [hbm4b:s15+s13], $0x300, $0x38;
	[tilespmem:$0x1F300] =	vst v63  }
0x54: {  	[dreg:$0x4] =	wrdreg s31  }
0x55: {  	_ =	swait.ge [sflag:s26], $0x300  }
0x56: {  	[sflag:s26] =	ssyncset.done $0x0  }
0x57: {  	[sflag:s26] =	ssyncadd.s32 $0xFFFFFD00  }
0x58: {  	_ =	swait.ge [sflag:s26], $0x300  }
0x59: {  	[sflag:s26] =	ssyncset.done $0x0  }
0x5a: {  	p0 =	por $0x1, $0x1;
	[sflag:s26] =	ssyncadd.s32 $0xFFFFFD00  }
0x5b: {  	[tilespmem:s21], [sflag:$0x1] =	stream.indirect.gather [hbm4b:s16+s28], $0x20, s23, s28, $0xb8;
	[tilespmem:$0x1F300] =	vst v63  }
0x5c: {  	p0 =	por p0, p0;
	s29 =	simm.s32 $0x1EB00;
	s15 =	simm.s32 $0xC0  }
0x5d: {  	[tilespmem:s30], [sflag:$0x1] =	stream.indirect.gather [hbm4b:s16+s28], $0x20, s19, s28, $0xb8;
	[tilespmem:$0x1F300] =	vst v63  }
.LBB2_4:
0x5e: {  	s5 =	simm.s32 @!p0 $0x3  }
0x5f: {  	[tilespmem:s1], [sflag:$0x1] =	stream.indirect.gather [hbm4b:s16+s28], $0x20, s20, s28, $0xb8;
	[tilespmem:$0x1F300] =	vst v63  }
0x60: {  	_ =	swait.ge @!p0 [sflag:s5], $0x1000  }
0x61: {  	[sflag:s5] =	ssyncset.done @!p0 $0x0  }
0x62: {  	[sflag:s5] =	ssyncadd.s32 @!p0 $0xFFFFF000  }
0x63: {  	_ =	swait.ge @!p0 [sflag:s5], $0x1000  }
0x64: {  	[sflag:s5] =	ssyncset.done @!p0 $0x0  }
0x65: {  	[sflag:s5] =	ssyncadd.s32 @!p0 $0xFFFFF000  }
0x66: {  	s14 =	smov.u32 s15;
	s31 =	smov.u32 s18;
	_ =	swait.ge @!p0 [sflag:s5], $0x1000  }
0x67: {  	s18 =	sadd.s32 s13, s18;
	[sflag:s5] =	ssyncset.done @!p0 $0x0;
	s19 =	rddreg [dreg:$0x4]  }
0x68: {  	[sflag:s5] =	ssyncadd.s32 @!p0 $0xFFFFF000;
	s5 =	sadd.s32 $0x60, s18;
	s19 =	sadd.s32 s13, s19  }
0x69: {  	[tilespmem:s0], [sflag:$0x4] =	stream.linear.gather [hbm4b:s5+s4], $0x300, $0x38;
	[tilespmem:$0x1F300] =	vst v63  }
0x6a: {  	s13 =	smov.u32 s14;
	s14 =	sadd.s32 $0x60, s19  }
0x6b: {  	[tilespmem:s17], [sflag:$0x4] =	stream.linear.gather [hbm4b:s14+s4], $0x300, $0x38;
	[tilespmem:$0x1F300] =	vst v63  }
0x6c: {  	_ = 	snop  }
0x6d: {  	[tilespmem:s24], [sflag:$0x1] =	stream.indirect.gather [hbm4b:s16+s28], $0x20, s6, s28, $0xb8;
	[tilespmem:$0x1F300] =	vst v63  }
0x6e: {  	_ = 	snop  }
0x6f: {  	[tilespmem:s7], [sflag:$0x1] =	stream.indirect.gather [hbm4b:s16+s28], $0x20, s8, s28, $0xb8;
	[tilespmem:$0x1F300] =	vst v63  }
0x70: {  	_ = 	snop  }
0x71: {  	[tilespmem:s9], [sflag:$0x1] =	stream.indirect.gather [hbm4b:s16+s28], $0x20, s10, s28, $0xb8;
	[tilespmem:$0x1F300] =	vst v63  }
0x72: {  	_ =	swait.ge [sflag:s22], $0x1000  }
0x73: {  	[sflag:s22] =	ssyncset.done $0x0  }
0x74: {  	[sflag:s22] =	ssyncadd.s32 $0xFFFFF000  }
0x75: {  	_ =	swait.ge [sflag:s22], $0x1000  }
0x76: {  	[sflag:s22] =	ssyncset.done $0x0  }
0x77: {  	[sflag:s22] =	ssyncadd.s32 $0xFFFFF000  }
0x78: {  	_ =	swait.ge [sflag:s22], $0x1000  }
0x79: {  	[sflag:s22] =	ssyncset.done $0x0  }
0x7a: {  	[sflag:s22] =	ssyncadd.s32 $0xFFFFF000  }
0x7b: {  	[spmem:s3] =	stream.indirect.scatter.add.f32 [tilespmem:s21], [sflag:$0x2], $0x20, s25, s28, $0xb8;
	[tilespmem:$0x1F300] =	vst v63  }
0x7c: {  	_ = 	snop  }
0x7d: {  	[spmem:s3] =	stream.indirect.scatter.add.f32 [tilespmem:s30], [sflag:$0x2], $0x20, s11, s28, $0xb8;
	[tilespmem:$0x1F300] =	vst v63  }
0x7e: {  	_ = 	snop  }
0x7f: {  	[spmem:s3] =	stream.indirect.scatter.add.f32 [tilespmem:s1], [sflag:$0x2], $0x20, s29, s28, $0xb8;
	[tilespmem:$0x1F300] =	vst v63  }
0x80: {  	_ =	swait.ge [sflag:s22], $0x1000  }
0x81: {  	[sflag:s22] =	ssyncset.done $0x0  }
0x82: {  	[sflag:s22] =	ssyncadd.s32 $0xFFFFF000  }
0x83: {  	_ =	swait.ge [sflag:s22], $0x1000  }
0x84: {  	[sflag:s22] =	ssyncset.done $0x0  }
0x85: {  	[sflag:s22] =	ssyncadd.s32 $0xFFFFF000  }
0x86: {  	_ =	swait.ge [sflag:s22], $0x1000  }
0x87: {  	[sflag:s22] =	ssyncset.done $0x0  }
0x88: {  	[sflag:s22] =	ssyncadd.s32 $0xFFFFF000  }
0x89: {  	_ =	swait.ge [sflag:s12], $0x1000  }
0x8a: {  	[sflag:s12] =	ssyncset.done $0x0  }
0x8b: {  	[sflag:s12] =	ssyncadd.s32 $0xFFFFF000  }
0x8c: {  	_ =	swait.ge [sflag:s12], $0x1000  }
0x8d: {  	[sflag:s12] =	ssyncset.done $0x0  }
0x8e: {  	[sflag:s12] =	ssyncadd.s32 $0xFFFFF000  }
0x8f: {  	_ =	swait.ge [sflag:s12], $0x1000  }
0x90: {  	[sflag:s12] =	ssyncset.done $0x0  }
0x91: {  	s14 =	simm.s32 $0x1EB80;
	[sflag:s12] =	ssyncadd.s32 $0xFFFFF000  }
0x92: {  	[spmem:s3] =	stream.indirect.scatter.add.f32 [tilespmem:s24], [sflag:$0x3], $0x20, s14, s28, $0xb8;
	[tilespmem:$0x1F300] =	vst v63  }
0x93: {  	s14 =	simm.s32 $0x1EC00  }
0x94: {  	[spmem:s3] =	stream.indirect.scatter.add.f32 [tilespmem:s7], [sflag:$0x3], $0x20, s14, s28, $0xb8;
	[tilespmem:$0x1F300] =	vst v63  }
0x95: {  	s14 =	simm.s32 $0x1EC80  }
0x96: {  	[spmem:s3] =	stream.indirect.scatter.add.f32 [tilespmem:s9], [sflag:$0x3], $0x20, s14, s28, $0xb8;
	[tilespmem:$0x1F300] =	vst v63  }
0x97: {  	_ =	swait.ge [sflag:s26], $0x300  }
0x98: {  	[sflag:s26] =	ssyncset.done $0x0  }
0x99: {  	[sflag:s26] =	ssyncadd.s32 $0xFFFFFD00  }
0x9a: {  	_ =	swait.ge [sflag:s26], $0x300  }
0x9b: {  	[sflag:s26] =	ssyncset.done $0x0  }
0x9c: {  	[sflag:s26] =	ssyncadd.s32 $0xFFFFFD00  }
0x9d: {  	[tilespmem:s21], [sflag:$0x1] =	stream.indirect.gather [hbm4b:s16+s28], $0x20, s0, s28, $0xb8;
	[tilespmem:$0x1F300] =	vst v63  }
0x9e: {  	s14 =	simm.s32 $0x1ED80  }
0x9f: {  	[tilespmem:s30], [sflag:$0x1] =	stream.indirect.gather [hbm4b:s16+s28], $0x20, s14, s28, $0xb8;
	[tilespmem:$0x1F300] =	vst v63  }
0xa0: {  	s14 =	simm.s32 $0x1EE00  }
0xa1: {  	[tilespmem:s1], [sflag:$0x1] =	stream.indirect.gather [hbm4b:s16+s28], $0x20, s14, s28, $0xb8;
	[tilespmem:$0x1F300] =	vst v63  }
0xa2: {  	_ =	swait.ge [sflag:s2], $0x1000  }
0xa3: {  	[sflag:s2] =	ssyncset.done $0x0  }
0xa4: {  	[sflag:s2] =	ssyncadd.s32 $0xFFFFF000  }
0xa5: {  	_ =	swait.ge [sflag:s2], $0x1000  }
0xa6: {  	[sflag:s2] =	ssyncset.done $0x0  }
0xa7: {  	[sflag:s2] =	ssyncadd.s32 $0xFFFFF000  }
0xa8: {  	_ =	swait.ge [sflag:s2], $0x1000  }
0xa9: {  	[sflag:s2] =	ssyncset.done $0x0  }
0xaa: {  	s5 =	sadd.s32 $0xC0, s18;
	[sflag:s2] =	ssyncadd.s32 $0xFFFFF000  }
0xab: {  	[tilespmem:s23], [sflag:$0x4] =	stream.linear.gather [hbm4b:s5+s4], $0x300, $0x38;
	[tilespmem:$0x1F300] =	vst v63  }
0xac: {  	s14 =	sadd.s32 $0xC0, s19  }
0xad: {  	[tilespmem:s25], [sflag:$0x4] =	stream.linear.gather [hbm4b:s14+s4], $0x300, $0x38;
	[tilespmem:$0x1F300] =	vst v63  }
0xae: {  	s14 =	simm.s32 $0x1EE80  }
0xaf: {  	[tilespmem:s24], [sflag:$0x1] =	stream.indirect.gather [hbm4b:s16+s28], $0x20, s14, s28, $0xb8;
	[tilespmem:$0x1F300] =	vst v63  }
0xb0: {  	s14 =	simm.s32 $0x1EF00  }
0xb1: {  	[tilespmem:s7], [sflag:$0x1] =	stream.indirect.gather [hbm4b:s16+s28], $0x20, s14, s28, $0xb8;
	[tilespmem:$0x1F300] =	vst v63  }
0xb2: {  	s14 =	simm.s32 $0x1EF80  }
0xb3: {  	[tilespmem:s9], [sflag:$0x1] =	stream.indirect.gather [hbm4b:s16+s28], $0x20, s14, s28, $0xb8;
	[tilespmem:$0x1F300] =	vst v63  }
0xb4: {  	_ =	swait.ge [sflag:s22], $0x1000  }
0xb5: {  	[sflag:s22] =	ssyncset.done $0x0  }
0xb6: {  	[sflag:s22] =	ssyncadd.s32 $0xFFFFF000  }
0xb7: {  	_ =	swait.ge [sflag:s22], $0x1000  }
0xb8: {  	[sflag:s22] =	ssyncset.done $0x0  }
0xb9: {  	[sflag:s22] =	ssyncadd.s32 $0xFFFFF000  }
0xba: {  	_ =	swait.ge [sflag:s22], $0x1000  }
0xbb: {  	[sflag:s22] =	ssyncset.done $0x0  }
0xbc: {  	[sflag:s22] =	ssyncadd.s32 $0xFFFFF000  }
0xbd: {  	[spmem:s3] =	stream.indirect.scatter.add.f32 [tilespmem:s21], [sflag:$0x2], $0x20, s17, s28, $0xb8;
	[tilespmem:$0x1F300] =	vst v63  }
0xbe: {  	s14 =	simm.s32 $0x1F080  }
0xbf: {  	[spmem:s3] =	stream.indirect.scatter.add.f32 [tilespmem:s30], [sflag:$0x2], $0x20, s14, s28, $0xb8;
	[tilespmem:$0x1F300] =	vst v63  }
0xc0: {  	s14 =	simm.s32 $0x1F100  }
0xc1: {  	[spmem:s3] =	stream.indirect.scatter.add.f32 [tilespmem:s1], [sflag:$0x2], $0x20, s14, s28, $0xb8;
	[tilespmem:$0x1F300] =	vst v63  }
0xc2: {  	_ =	swait.ge [sflag:s22], $0x1000  }
0xc3: {  	[sflag:s22] =	ssyncset.done $0x0  }
0xc4: {  	[sflag:s22] =	ssyncadd.s32 $0xFFFFF000  }
0xc5: {  	_ =	swait.ge [sflag:s22], $0x1000  }
0xc6: {  	[sflag:s22] =	ssyncset.done $0x0  }
0xc7: {  	[sflag:s22] =	ssyncadd.s32 $0xFFFFF000  }
0xc8: {  	_ =	swait.ge [sflag:s22], $0x1000  }
0xc9: {  	[sflag:s22] =	ssyncset.done $0x0  }
0xca: {  	[sflag:s22] =	ssyncadd.s32 $0xFFFFF000  }
0xcb: {  	_ =	swait.ge [sflag:s12], $0x1000  }
0xcc: {  	[sflag:s12] =	ssyncset.done $0x0  }
0xcd: {  	[sflag:s12] =	ssyncadd.s32 $0xFFFFF000  }
0xce: {  	_ =	swait.ge [sflag:s12], $0x1000  }
0xcf: {  	[sflag:s12] =	ssyncset.done $0x0  }
0xd0: {  	[sflag:s12] =	ssyncadd.s32 $0xFFFFF000  }
0xd1: {  	_ =	swait.ge [sflag:s12], $0x1000  }
0xd2: {  	[sflag:s12] =	ssyncset.done $0x0  }
0xd3: {  	s14 =	simm.s32 $0x1F180;
	[sflag:s12] =	ssyncadd.s32 $0xFFFFF000  }
0xd4: {  	[spmem:s3] =	stream.indirect.scatter.add.f32 [tilespmem:s24], [sflag:$0x3], $0x20, s14, s28, $0xb8;
	[tilespmem:$0x1F300] =	vst v63  }
0xd5: {  	s14 =	simm.s32 $0x1F200  }
0xd6: {  	[spmem:s3] =	stream.indirect.scatter.add.f32 [tilespmem:s7], [sflag:$0x3], $0x20, s14, s28, $0xb8;
	[tilespmem:$0x1F300] =	vst v63  }
0xd7: {  	s14 =	simm.s32 $0x1F280  }
0xd8: {  	[spmem:s3] =	stream.indirect.scatter.add.f32 [tilespmem:s9], [sflag:$0x3], $0x20, s14, s28, $0xb8;
	[tilespmem:$0x1F300] =	vst v63  }
0xd9: {  	_ =	swait.ge [sflag:s26], $0x300  }
0xda: {  	[sflag:s26] =	ssyncset.done $0x0  }
0xdb: {  	p2 =	seq.s32 s15, $0x0;
	s15 =	sadd.s32 $0xC0, s15;
	[sflag:s26] =	ssyncadd.s32 $0xFFFFFD00  }
0xdc: {  	p1 =	sne.s32 s15, $0x18C0;
	_ =	swait.ge [sflag:s26], $0x300  }
.Ltmp1:
0xdd: {  	[sflag:s26] =	ssyncset.done $0x0;
	(pc) =	sbr.rel @p1 .LBB2_4-.Ltmp1, $4  }
0xde: {  	[sflag:s26] =	ssyncadd.s32 $0xFFFFFD00  }
0xdf: {  	[tilespmem:s21], [sflag:$0x1] =	stream.indirect.gather [hbm4b:s16+s28], $0x20, s23, s28, $0xb8;
	[tilespmem:$0x1F300] =	vst v63  }
0xe0: {  	p0 =	por p2, p2;
	s18 =	smov.u32 s31;
	s19 =	simm.s32 $0x1E780  }
0xe1: {  	[tilespmem:s30], [sflag:$0x1] =	stream.indirect.gather [hbm4b:s16+s28], $0x20, s19, s28, $0xb8;
	[tilespmem:$0x1F300] =	vst v63  }
0xe2: {  	s5 =	simm.s32 @!p0 $0x3  }
0xe3: {  	[tilespmem:s1], [sflag:$0x1] =	stream.indirect.gather [hbm4b:s16+s28], $0x20, s20, s28, $0xb8;
	[tilespmem:$0x1F300] =	vst v63  }
0xe4: {  	_ =	swait.ge @!p0 [sflag:s5], $0x1000  }
0xe5: {  	[sflag:s5] =	ssyncset.done @!p0 $0x0  }
0xe6: {  	[sflag:s5] =	ssyncadd.s32 @!p0 $0xFFFFF000  }
0xe7: {  	_ =	swait.ge @!p0 [sflag:s5], $0x1000  }
0xe8: {  	[sflag:s5] =	ssyncset.done @!p0 $0x0  }
0xe9: {  	[sflag:s5] =	ssyncadd.s32 @!p0 $0xFFFFF000  }
0xea: {  	_ =	swait.ge @!p0 [sflag:s5], $0x1000  }
0xeb: {  	s14 =	sadd.s32 s13, s18;
	[sflag:s5] =	ssyncset.done @!p0 $0x0;
	s15 =	rddreg [dreg:$0x4]  }
0xec: {  	s18 =	sadd.s32 $0x60, s14;
	[sflag:s5] =	ssyncadd.s32 @!p0 $0xFFFFF000;
	s5 =	sadd.s32 s13, s15  }
0xed: {  	[tilespmem:s0], [sflag:$0x4] =	stream.linear.gather [hbm4b:s18+s4], $0x300, $0x38;
	[tilespmem:$0x1F300] =	vst v63  }
0xee: {  	s13 =	sadd.s32 $0x60, s5  }
0xef: {  	[tilespmem:s17], [sflag:$0x4] =	stream.linear.gather [hbm4b:s13+s4], $0x300, $0x38;
	[tilespmem:$0x1F300] =	vst v63  }
0xf0: {  	_ = 	snop  }
0xf1: {  	[tilespmem:s24], [sflag:$0x1] =	stream.indirect.gather [hbm4b:s16+s28], $0x20, s6, s28, $0xb8;
	[tilespmem:$0x1F300] =	vst v63  }
0xf2: {  	_ = 	snop  }
0xf3: {  	[tilespmem:s7], [sflag:$0x1] =	stream.indirect.gather [hbm4b:s16+s28], $0x20, s8, s28, $0xb8;
	[tilespmem:$0x1F300] =	vst v63  }
0xf4: {  	_ = 	snop  }
0xf5: {  	[tilespmem:s9], [sflag:$0x1] =	stream.indirect.gather [hbm4b:s16+s28], $0x20, s10, s28, $0xb8;
	[tilespmem:$0x1F300] =	vst v63  }
0xf6: {  	_ =	swait.ge [sflag:s22], $0x1000  }
0xf7: {  	[sflag:s22] =	ssyncset.done $0x0  }
0xf8: {  	[sflag:s22] =	ssyncadd.s32 $0xFFFFF000  }
0xf9: {  	_ =	swait.ge [sflag:s22], $0x1000  }
0xfa: {  	[sflag:s22] =	ssyncset.done $0x0  }
0xfb: {  	[sflag:s22] =	ssyncadd.s32 $0xFFFFF000  }
0xfc: {  	_ =	swait.ge [sflag:s22], $0x1000  }
0xfd: {  	[sflag:s22] =	ssyncset.done $0x0  }
0xfe: {  	[sflag:s22] =	ssyncadd.s32 $0xFFFFF000  }
0xff: {  	[spmem:s3] =	stream.indirect.scatter.add.f32 [tilespmem:s21], [sflag:$0x2], $0x20, s25, s28, $0xb8;
	[tilespmem:$0x1F300] =	vst v63  }
0x100: {  	_ = 	snop  }
0x101: {  	[spmem:s3] =	stream.indirect.scatter.add.f32 [tilespmem:s30], [sflag:$0x2], $0x20, s11, s28, $0xb8;
	[tilespmem:$0x1F300] =	vst v63  }
0x102: {  	_ = 	snop  }
0x103: {  	[spmem:s3] =	stream.indirect.scatter.add.f32 [tilespmem:s1], [sflag:$0x2], $0x20, s29, s28, $0xb8;
	[tilespmem:$0x1F300] =	vst v63  }
0x104: {  	_ =	swait.ge [sflag:s22], $0x1000  }
0x105: {  	[sflag:s22] =	ssyncset.done $0x0  }
0x106: {  	[sflag:s22] =	ssyncadd.s32 $0xFFFFF000  }
0x107: {  	_ =	swait.ge [sflag:s22], $0x1000  }
0x108: {  	[sflag:s22] =	ssyncset.done $0x0  }
0x109: {  	[sflag:s22] =	ssyncadd.s32 $0xFFFFF000  }
0x10a: {  	_ =	swait.ge [sflag:s22], $0x1000  }
0x10b: {  	[sflag:s22] =	ssyncset.done $0x0  }
0x10c: {  	[sflag:s22] =	ssyncadd.s32 $0xFFFFF000  }
0x10d: {  	_ =	swait.ge [sflag:s12], $0x1000  }
0x10e: {  	[sflag:s12] =	ssyncset.done $0x0  }
0x10f: {  	[sflag:s12] =	ssyncadd.s32 $0xFFFFF000  }
0x110: {  	_ =	swait.ge [sflag:s12], $0x1000  }
0x111: {  	[sflag:s12] =	ssyncset.done $0x0  }
0x112: {  	[sflag:s12] =	ssyncadd.s32 $0xFFFFF000  }
0x113: {  	_ =	swait.ge [sflag:s12], $0x1000  }
0x114: {  	[sflag:s12] =	ssyncset.done $0x0  }
0x115: {  	s11 =	simm.s32 $0x1EB80;
	[sflag:s12] =	ssyncadd.s32 $0xFFFFF000  }
0x116: {  	[spmem:s3] =	stream.indirect.scatter.add.f32 [tilespmem:s24], [sflag:$0x3], $0x20, s11, s28, $0xb8;
	[tilespmem:$0x1F300] =	vst v63  }
0x117: {  	s13 =	simm.s32 $0x1EC00  }
0x118: {  	[spmem:s3] =	stream.indirect.scatter.add.f32 [tilespmem:s7], [sflag:$0x3], $0x20, s13, s28, $0xb8;
	[tilespmem:$0x1F300] =	vst v63  }
0x119: {  	s15 =	simm.s32 $0x1EC80  }
0x11a: {  	[spmem:s3] =	stream.indirect.scatter.add.f32 [tilespmem:s9], [sflag:$0x3], $0x20, s15, s28, $0xb8;
	[tilespmem:$0x1F300] =	vst v63  }
0x11b: {  	_ =	swait.ge [sflag:s26], $0x300  }
0x11c: {  	[sflag:s26] =	ssyncset.done $0x0  }
0x11d: {  	[sflag:s26] =	ssyncadd.s32 $0xFFFFFD00  }
0x11e: {  	_ =	swait.ge [sflag:s26], $0x300  }
0x11f: {  	[sflag:s26] =	ssyncset.done $0x0  }
0x120: {  	[sflag:s26] =	ssyncadd.s32 $0xFFFFFD00  }
0x121: {  	[tilespmem:s21], [sflag:$0x1] =	stream.indirect.gather [hbm4b:s16+s28], $0x20, s0, s28, $0xb8;
	[tilespmem:$0x1F300] =	vst v63  }
0x122: {  	s18 =	simm.s32 $0x1ED80  }
0x123: {  	[tilespmem:s30], [sflag:$0x1] =	stream.indirect.gather [hbm4b:s16+s28], $0x20, s18, s28, $0xb8;
	[tilespmem:$0x1F300] =	vst v63  }
0x124: {  	s29 =	simm.s32 $0x1EE00  }
0x125: {  	[tilespmem:s1], [sflag:$0x1] =	stream.indirect.gather [hbm4b:s16+s28], $0x20, s29, s28, $0xb8;
	[tilespmem:$0x1F300] =	vst v63  }
0x126: {  	_ =	swait.ge [sflag:s2], $0x1000  }
0x127: {  	[sflag:s2] =	ssyncset.done $0x0  }
0x128: {  	[sflag:s2] =	ssyncadd.s32 $0xFFFFF000  }
0x129: {  	_ =	swait.ge [sflag:s2], $0x1000  }
0x12a: {  	[sflag:s2] =	ssyncset.done $0x0  }
0x12b: {  	[sflag:s2] =	ssyncadd.s32 $0xFFFFF000  }
0x12c: {  	_ =	swait.ge [sflag:s2], $0x1000  }
0x12d: {  	[sflag:s2] =	ssyncset.done $0x0  }
0x12e: {  	s6 =	sadd.s32 $0xC0, s14;
	[sflag:s2] =	ssyncadd.s32 $0xFFFFF000  }
0x12f: {  	[tilespmem:s23], [sflag:$0x4] =	stream.linear.gather [hbm4b:s6+s4], $0x300, $0x38;
	[tilespmem:$0x1F300] =	vst v63  }
0x130: {  	s5 =	sadd.s32 $0xC0, s5  }
0x131: {  	[tilespmem:s25], [sflag:$0x4] =	stream.linear.gather [hbm4b:s5+s4], $0x300, $0x38;
	[tilespmem:$0x1F300] =	vst v63  }
0x132: {  	s8 =	simm.s32 $0x1EE80  }
0x133: {  	[tilespmem:s24], [sflag:$0x1] =	stream.indirect.gather [hbm4b:s16+s28], $0x20, s8, s28, $0xb8;
	[tilespmem:$0x1F300] =	vst v63  }
0x134: {  	s10 =	simm.s32 $0x1EF00  }
0x135: {  	[tilespmem:s7], [sflag:$0x1] =	stream.indirect.gather [hbm4b:s16+s28], $0x20, s10, s28, $0xb8;
	[tilespmem:$0x1F300] =	vst v63  }
0x136: {  	s11 =	simm.s32 $0x1EF80  }
0x137: {  	[tilespmem:s9], [sflag:$0x1] =	stream.indirect.gather [hbm4b:s16+s28], $0x20, s11, s28, $0xb8;
	[tilespmem:$0x1F300] =	vst v63  }
0x138: {  	_ =	swait.ge [sflag:s22], $0x1000  }
0x139: {  	[sflag:s22] =	ssyncset.done $0x0  }
0x13a: {  	[sflag:s22] =	ssyncadd.s32 $0xFFFFF000  }
0x13b: {  	_ =	swait.ge [sflag:s22], $0x1000  }
0x13c: {  	[sflag:s22] =	ssyncset.done $0x0  }
0x13d: {  	[sflag:s22] =	ssyncadd.s32 $0xFFFFF000  }
0x13e: {  	_ =	swait.ge [sflag:s22], $0x1000  }
0x13f: {  	[sflag:s22] =	ssyncset.done $0x0  }
0x140: {  	[sflag:s22] =	ssyncadd.s32 $0xFFFFF000  }
0x141: {  	[spmem:s3] =	stream.indirect.scatter.add.f32 [tilespmem:s21], [sflag:$0x2], $0x20, s17, s28, $0xb8;
	[tilespmem:$0x1F300] =	vst v63  }
0x142: {  	s13 =	simm.s32 $0x1F080  }
0x143: {  	[spmem:s3] =	stream.indirect.scatter.add.f32 [tilespmem:s30], [sflag:$0x2], $0x20, s13, s28, $0xb8;
	[tilespmem:$0x1F300] =	vst v63  }
0x144: {  	s14 =	simm.s32 $0x1F100  }
0x145: {  	[spmem:s3] =	stream.indirect.scatter.add.f32 [tilespmem:s1], [sflag:$0x2], $0x20, s14, s28, $0xb8;
	[tilespmem:$0x1F300] =	vst v63  }
0x146: {  	_ =	swait.ge [sflag:s22], $0x1000  }
0x147: {  	[sflag:s22] =	ssyncset.done $0x0  }
0x148: {  	[sflag:s22] =	ssyncadd.s32 $0xFFFFF000  }
0x149: {  	_ =	swait.ge [sflag:s22], $0x1000  }
0x14a: {  	[sflag:s22] =	ssyncset.done $0x0  }
0x14b: {  	[sflag:s22] =	ssyncadd.s32 $0xFFFFF000  }
0x14c: {  	_ =	swait.ge [sflag:s22], $0x1000  }
0x14d: {  	[sflag:s22] =	ssyncset.done $0x0  }
0x14e: {  	[sflag:s22] =	ssyncadd.s32 $0xFFFFF000  }
0x14f: {  	_ =	swait.ge [sflag:s12], $0x1000  }
0x150: {  	[sflag:s12] =	ssyncset.done $0x0  }
0x151: {  	[sflag:s12] =	ssyncadd.s32 $0xFFFFF000  }
0x152: {  	_ =	swait.ge [sflag:s12], $0x1000  }
0x153: {  	[sflag:s12] =	ssyncset.done $0x0  }
0x154: {  	[sflag:s12] =	ssyncadd.s32 $0xFFFFF000  }
0x155: {  	_ =	swait.ge [sflag:s12], $0x1000  }
0x156: {  	[sflag:s12] =	ssyncset.done $0x0  }
0x157: {  	s15 =	simm.s32 $0x1F180;
	[sflag:s12] =	ssyncadd.s32 $0xFFFFF000  }
0x158: {  	[spmem:s3] =	stream.indirect.scatter.add.f32 [tilespmem:s24], [sflag:$0x3], $0x20, s15, s28, $0xb8;
	[tilespmem:$0x1F300] =	vst v63  }
0x159: {  	s18 =	simm.s32 $0x1F200  }
0x15a: {  	[spmem:s3] =	stream.indirect.scatter.add.f32 [tilespmem:s7], [sflag:$0x3], $0x20, s18, s28, $0xb8;
	[tilespmem:$0x1F300] =	vst v63  }
0x15b: {  	s29 =	simm.s32 $0x1F280  }
0x15c: {  	[spmem:s3] =	stream.indirect.scatter.add.f32 [tilespmem:s9], [sflag:$0x3], $0x20, s29, s28, $0xb8;
	[tilespmem:$0x1F300] =	vst v63  }
0x15d: {  	_ =	swait.ge [sflag:s26], $0x300  }
0x15e: {  	[sflag:s26] =	ssyncset.done $0x0  }
0x15f: {  	[sflag:s26] =	ssyncadd.s32 $0xFFFFFD00  }
0x160: {  	_ =	swait.ge [sflag:s26], $0x300  }
0x161: {  	[sflag:s26] =	ssyncset.done $0x0  }
0x162: {  	[sflag:s26] =	ssyncadd.s32 $0xFFFFFD00  }
0x163: {  	_ =	swait.ge [sflag:s2], $0x1000  }
0x164: {  	[sflag:s2] =	ssyncset.done $0x0  }
0x165: {  	[sflag:s2] =	ssyncadd.s32 $0xFFFFF000  }
0x166: {  	_ =	swait.ge [sflag:s2], $0x1000  }
0x167: {  	[sflag:s2] =	ssyncset.done $0x0  }
0x168: {  	[sflag:s2] =	ssyncadd.s32 $0xFFFFF000  }
0x169: {  	_ =	swait.ge [sflag:s2], $0x1000  }
0x16a: {  	[sflag:s2] =	ssyncset.done $0x0  }
0x16b: {  	[sflag:s2] =	ssyncadd.s32 $0xFFFFF000  }
0x16c: {  	s5 =	simm.s32 $0x80;
	s13 =	simm.s32 $0x0;
	[bflag:$0x0] =	sbarrier.arrive $0xFFFF  }
.LBB2_6:
0x16d: {  	p0 =	sne.s32 s5, $0xBF80;
	[tilespmem:s13+$0x18700] =	vst v0;
	s14 =	smov.u32 s5;
	s5 =	sadd.s32 $0x80, s5  }
.Ltmp2:
0x16e: {  	[tilespmem:s13+$0x18710] =	vst v0;
	(pc) =	sbr.rel @p0 .LBB2_6-.Ltmp2, $2  }
0x16f: {  	_ =	sdelay $0x2  }
0x170: {  	s13 =	sshra.s32 s14, $0x2  }
0x171: {  	s5 =	stileid.u32;
	s18 =	rddreg [dreg:$0x8]  }
0x172: {  	s29 =	rddreg [dreg:$0x12];
	s5 =	sshll.u32 s5, $0x6;
	s8 =	sshrl.u32 s18, $0x3  }
0x173: {  	[tilespmem:s13+$0x18700] =	vst v0;
	s6 =	sor.u32 $0x1C05, s5;
	[dreg:$0x19] =	wrdreg s8  }
0x174: {  	[tilespmem:s13+$0x18710] =	vst v0;
	[dreg:$0x18] =	wrdreg s6  }
0x175: {  	[hbm:s29], [sflag:s6] =	dma.local [spmem:s8], $0x30E0  }
0x176: {  	s8 =	simm.s32 $0x5  }
0x177: {  	_ =	swait.ge [sflag:s8], $0x30E0  }
0x178: {  	[sflag:s8] =	ssyncset.done $0x0  }
0x179: {  	[sflag:s8] =	ssyncadd.s32 $0xFFFFCF20  }
0x17a: {  	[spmem:s18] =	stream.linear.scatter [tilespmem:s21], [sflag:$0x1], $0x3000, $0x38;
	[tilespmem:$0x1F300] =	vst v63  }
0x17b: {  	s10 =	rddreg [dreg:$0x9]  }
0x17c: {  	[spmem:s10] =	stream.linear.scatter [tilespmem:s21], [sflag:$0x1], $0x3000, $0x38;
	[tilespmem:$0x1F300] =	vst v63  }
0x17d: {  	s11 =	rddreg [dreg:$0xa]  }
0x17e: {  	[spmem:s11] =	stream.linear.scatter [tilespmem:s21], [sflag:$0x1], $0x3000, $0x38;
	[tilespmem:$0x1F300] =	vst v63  }
0x17f: {  	s13 =	rddreg [dreg:$0xb]  }
0x180: {  	[spmem:s13] =	stream.linear.scatter [tilespmem:s21], [sflag:$0x1], $0x3000, $0x38;
	[tilespmem:$0x1F300] =	vst v63  }
0x181: {  	s14 =	rddreg [dreg:$0xc]  }
0x182: {  	[spmem:s14] =	stream.linear.scatter [tilespmem:s21], [sflag:$0x1], $0x3000, $0x38;
	[tilespmem:$0x1F300] =	vst v63  }
0x183: {  	s15 =	rddreg [dreg:$0xd]  }
0x184: {  	[spmem:s15] =	stream.linear.scatter [tilespmem:s21], [sflag:$0x1], $0x3000, $0x38;
	[tilespmem:$0x1F300] =	vst v63  }
0x185: {  	s18 =	rddreg [dreg:$0xe]  }
0x186: {  	[spmem:s18] =	stream.linear.scatter [tilespmem:s21], [sflag:$0x1], $0x3000, $0x38;
	[tilespmem:$0x1F300] =	vst v63  }
0x187: {  	s29 =	rddreg [dreg:$0xf]  }
0x188: {  	[spmem:s29] =	stream.linear.scatter [tilespmem:s21], [sflag:$0x1], $0x3000, $0x38;
	[tilespmem:$0x1F300] =	vst v63  }
0x189: {  	s6 =	rddreg [dreg:$0x10]  }
0x18a: {  	[spmem:s6] =	stream.linear.scatter [tilespmem:s21], [sflag:$0x1], $0x700, $0x38;
	[tilespmem:$0x1F300] =	vst v63  }
0x18b: {  	_ =	swait.ge [sflag:s22], $0x3000  }
0x18c: {  	[sflag:s22] =	ssyncset.done $0x0  }
0x18d: {  	[sflag:s22] =	ssyncadd.s32 $0xFFFFD000  }
0x18e: {  	_ =	swait.ge [sflag:s22], $0x3000  }
0x18f: {  	[sflag:s22] =	ssyncset.done $0x0  }
0x190: {  	[sflag:s22] =	ssyncadd.s32 $0xFFFFD000  }
0x191: {  	_ =	swait.ge [sflag:s22], $0x3000  }
0x192: {  	[sflag:s22] =	ssyncset.done $0x0  }
0x193: {  	[sflag:s22] =	ssyncadd.s32 $0xFFFFD000  }
0x194: {  	_ =	swait.ge [sflag:s22], $0x3000  }
0x195: {  	[sflag:s22] =	ssyncset.done $0x0  }
0x196: {  	[sflag:s22] =	ssyncadd.s32 $0xFFFFD000  }
0x197: {  	_ =	swait.ge [sflag:s22], $0x3000  }
0x198: {  	[sflag:s22] =	ssyncset.done $0x0  }
0x199: {  	[sflag:s22] =	ssyncadd.s32 $0xFFFFD000  }
0x19a: {  	_ =	swait.ge [sflag:s22], $0x3000  }
0x19b: {  	[sflag:s22] =	ssyncset.done $0x0  }
0x19c: {  	[sflag:s22] =	ssyncadd.s32 $0xFFFFD000  }
0x19d: {  	_ =	swait.ge [sflag:s22], $0x3000  }
0x19e: {  	[sflag:s22] =	ssyncset.done $0x0  }
0x19f: {  	[sflag:s22] =	ssyncadd.s32 $0xFFFFD000  }
0x1a0: {  	_ =	swait.ge [sflag:s22], $0x3000  }
0x1a1: {  	[sflag:s22] =	ssyncset.done $0x0  }
0x1a2: {  	[sflag:s22] =	ssyncadd.s32 $0xFFFFD000  }
0x1a3: {  	_ =	swait.ge [sflag:s22], $0x700  }
0x1a4: {  	[sflag:s22] =	ssyncset.done $0x0  }
0x1a5: {  	[sflag:s22] =	ssyncadd.s32 $0xFFFFF900  }
0x1a6: {  	[bflag:$0x0] =	sbarrier.arrive $0xFFFF  }
0x1a7: {  	s14 =	rddreg [dreg:$0x13]  }
0x1a8: {  	s8 =	rddreg [dreg:$0x7]  }
0x1a9: {  	s15 =	rddreg [dreg:$0x14]  }
0x1aa: {  	s13 =	simm.s32 $0x0;
	s10 =	sadd.s32 s8, s14;
	s18 =	sadd.s32 s15, s8  }
0x1ab: {  	[tilespmem:s23], [sflag:$0x4] =	stream.linear.gather [hbm4b:s10+s13], $0x300, $0x38;
	[tilespmem:$0x1F300] =	vst v63  }
0x1ac: {  	s29 =	sadd.s32 s14, s8;
	[dreg:$0x5] =	wrdreg s18  }
0x1ad: {  	s11 =	sadd.s32 s8, s15;
	[dreg:$0x6] =	wrdreg s29  }
0x1ae: {  	[tilespmem:s25], [sflag:$0x4] =	stream.linear.gather [hbm4b:s11+s13], $0x300, $0x38;
	[tilespmem:$0x1F300] =	vst v63  }
0x1af: {  	_ =	swait.ge [sflag:s26], $0x300  }
0x1b0: {  	[sflag:s26] =	ssyncset.done $0x0  }
0x1b1: {  	[sflag:s26] =	ssyncadd.s32 $0xFFFFFD00  }
0x1b2: {  	_ =	swait.ge [sflag:s26], $0x300  }
0x1b3: {  	[sflag:s26] =	ssyncset.done $0x0  }
0x1b4: {  	[sflag:s26] =	ssyncadd.s32 $0xFFFFFD00  }
0x1b5: {  	[tilespmem:s21], [sflag:$0x1] =	stream.indirect.gather [hbm4b:s16+s28], $0x20, s23, s28, $0xb8;
	[tilespmem:$0x1F300] =	vst v63  }
0x1b6: {  	p1 =	por $0x1, $0x1  }
0x1b7: {  	[tilespmem:s30], [sflag:$0x1] =	stream.indirect.gather [hbm4b:s16+s28], $0x20, s19, s28, $0xb8;
	[tilespmem:$0x1F300] =	vst v63  }
0x1b8: {  	s19 =	simm.s32 @!p1 $0x3  }
0x1b9: {  	[tilespmem:s1], [sflag:$0x1] =	stream.indirect.gather [hbm4b:s16+s28], $0x20, s20, s28, $0xb8;
	[tilespmem:$0x1F300] =	vst v63  }
0x1ba: {  	_ =	swait.ge @!p1 [sflag:s19], $0x1000  }
0x1bb: {  	[sflag:s19] =	ssyncset.done @!p1 $0x0  }
0x1bc: {  	[sflag:s19] =	ssyncadd.s32 @!p1 $0xFFFFF000  }
0x1bd: {  	_ =	swait.ge @!p1 [sflag:s19], $0x1000  }
0x1be: {  	[sflag:s19] =	ssyncset.done @!p1 $0x0  }
0x1bf: {  	[sflag:s19] =	ssyncadd.s32 @!p1 $0xFFFFF000  }
0x1c0: {  	s6 =	simm.s32 $0x1E800;
	s15 =	simm.s32 $0xC0;
	_ =	swait.ge @!p1 [sflag:s19], $0x1000  }
0x1c1: {  	s8 =	simm.s32 $0x1E880;
	s10 =	simm.s32 $0x1E900;
	s18 =	rddreg [dreg:$0x6]  }
0x1c2: {  	s11 =	simm.s32 $0x1E980;
	s20 =	simm.s32 $0x1E780;
	s5 =	rddreg [dreg:$0x5]  }
.LBB2_8:
0x1c3: {  	[sflag:s19] =	ssyncset.done @!p1 $0x0;
	s18 =	sadd.s32 s13, s18  }
0x1c4: {  	[sflag:s19] =	ssyncadd.s32 @!p1 $0xFFFFF000;
	s29 =	sadd.s32 $0x60, s18;
	s19 =	sadd.s32 s13, s5  }
0x1c5: {  	[tilespmem:s0], [sflag:$0x4] =	stream.linear.gather [hbm4b:s29+s4], $0x300, $0x38;
	[tilespmem:$0x1F300] =	vst v63  }
0x1c6: {  	s5 =	sadd.s32 $0x60, s19  }
0x1c7: {  	[tilespmem:s17], [sflag:$0x4] =	stream.linear.gather [hbm4b:s5+s4], $0x300, $0x38;
	[tilespmem:$0x1F300] =	vst v63  }
0x1c8: {  	_ = 	snop  }
0x1c9: {  	[tilespmem:s24], [sflag:$0x1] =	stream.indirect.gather [hbm4b:s16+s28], $0x20, s8, s28, $0xb8;
	[tilespmem:$0x1F300] =	vst v63  }
0x1ca: {  	_ = 	snop  }
0x1cb: {  	[tilespmem:s7], [sflag:$0x1] =	stream.indirect.gather [hbm4b:s16+s28], $0x20, s10, s28, $0xb8;
	[tilespmem:$0x1F300] =	vst v63  }
0x1cc: {  	_ = 	snop  }
0x1cd: {  	[tilespmem:s9], [sflag:$0x1] =	stream.indirect.gather [hbm4b:s16+s28], $0x20, s11, s28, $0xb8;
	[tilespmem:$0x1F300] =	vst v63  }
0x1ce: {  	_ =	swait.ge [sflag:s22], $0x1000  }
0x1cf: {  	[sflag:s22] =	ssyncset.done $0x0  }
0x1d0: {  	[sflag:s22] =	ssyncadd.s32 $0xFFFFF000  }
0x1d1: {  	_ =	swait.ge [sflag:s22], $0x1000  }
0x1d2: {  	[sflag:s22] =	ssyncset.done $0x0  }
0x1d3: {  	[sflag:s22] =	ssyncadd.s32 $0xFFFFF000  }
0x1d4: {  	_ =	swait.ge [sflag:s22], $0x1000  }
0x1d5: {  	[sflag:s22] =	ssyncset.done $0x0  }
0x1d6: {  	s14 =	smov.u32 s15;
	[sflag:s22] =	ssyncadd.s32 $0xFFFFF000  }
0x1d7: {  	[spmem:s3] =	stream.indirect.scatter.add.f32 [tilespmem:s21], [sflag:$0x2], $0x20, s25, s28, $0xb8;
	[tilespmem:$0x1F300] =	vst v63  }
0x1d8: {  	s13 =	smov.u32 s14;
	s14 =	simm.s32 $0x1EA80  }
0x1d9: {  	[spmem:s3] =	stream.indirect.scatter.add.f32 [tilespmem:s30], [sflag:$0x2], $0x20, s14, s28, $0xb8;
	[tilespmem:$0x1F300] =	vst v63  }
0x1da: {  	s14 =	simm.s32 $0x1EB00  }
0x1db: {  	[spmem:s3] =	stream.indirect.scatter.add.f32 [tilespmem:s1], [sflag:$0x2], $0x20, s14, s28, $0xb8;
	[tilespmem:$0x1F300] =	vst v63  }
0x1dc: {  	_ =	swait.ge [sflag:s22], $0x1000  }
0x1dd: {  	[sflag:s22] =	ssyncset.done $0x0  }
0x1de: {  	[sflag:s22] =	ssyncadd.s32 $0xFFFFF000  }
0x1df: {  	_ =	swait.ge [sflag:s22], $0x1000  }
0x1e0: {  	[sflag:s22] =	ssyncset.done $0x0  }
0x1e1: {  	[sflag:s22] =	ssyncadd.s32 $0xFFFFF000  }
0x1e2: {  	_ =	swait.ge [sflag:s22], $0x1000  }
0x1e3: {  	[sflag:s22] =	ssyncset.done $0x0  }
0x1e4: {  	[sflag:s22] =	ssyncadd.s32 $0xFFFFF000  }
0x1e5: {  	_ =	swait.ge [sflag:s12], $0x1000  }
0x1e6: {  	[sflag:s12] =	ssyncset.done $0x0  }
0x1e7: {  	[sflag:s12] =	ssyncadd.s32 $0xFFFFF000  }
0x1e8: {  	_ =	swait.ge [sflag:s12], $0x1000  }
0x1e9: {  	[sflag:s12] =	ssyncset.done $0x0  }
0x1ea: {  	[sflag:s12] =	ssyncadd.s32 $0xFFFFF000  }
0x1eb: {  	_ =	swait.ge [sflag:s12], $0x1000  }
0x1ec: {  	[sflag:s12] =	ssyncset.done $0x0  }
0x1ed: {  	s29 =	simm.s32 $0x1EB80;
	[sflag:s12] =	ssyncadd.s32 $0xFFFFF000  }
0x1ee: {  	[spmem:s3] =	stream.indirect.scatter.add.f32 [tilespmem:s24], [sflag:$0x3], $0x20, s29, s28, $0xb8;
	[tilespmem:$0x1F300] =	vst v63  }
0x1ef: {  	s14 =	simm.s32 $0x1EC00  }
0x1f0: {  	[spmem:s3] =	stream.indirect.scatter.add.f32 [tilespmem:s7], [sflag:$0x3], $0x20, s14, s28, $0xb8;
	[tilespmem:$0x1F300] =	vst v63  }
0x1f1: {  	s14 =	simm.s32 $0x1EC80  }
0x1f2: {  	[spmem:s3] =	stream.indirect.scatter.add.f32 [tilespmem:s9], [sflag:$0x3], $0x20, s14, s28, $0xb8;
	[tilespmem:$0x1F300] =	vst v63  }
0x1f3: {  	_ =	swait.ge [sflag:s26], $0x300  }
0x1f4: {  	[sflag:s26] =	ssyncset.done $0x0  }
0x1f5: {  	[sflag:s26] =	ssyncadd.s32 $0xFFFFFD00  }
0x1f6: {  	_ =	swait.ge [sflag:s26], $0x300  }
0x1f7: {  	[sflag:s26] =	ssyncset.done $0x0  }
0x1f8: {  	[sflag:s26] =	ssyncadd.s32 $0xFFFFFD00  }
0x1f9: {  	[tilespmem:s21], [sflag:$0x1] =	stream.indirect.gather [hbm4b:s16+s28], $0x20, s0, s28, $0xb8;
	[tilespmem:$0x1F300] =	vst v63  }
0x1fa: {  	s14 =	simm.s32 $0x1ED80  }
0x1fb: {  	[tilespmem:s30], [sflag:$0x1] =	stream.indirect.gather [hbm4b:s16+s28], $0x20, s14, s28, $0xb8;
	[tilespmem:$0x1F300] =	vst v63  }
0x1fc: {  	s14 =	simm.s32 $0x1EE00  }
0x1fd: {  	[tilespmem:s1], [sflag:$0x1] =	stream.indirect.gather [hbm4b:s16+s28], $0x20, s14, s28, $0xb8;
	[tilespmem:$0x1F300] =	vst v63  }
0x1fe: {  	_ =	swait.ge [sflag:s2], $0x1000  }
0x1ff: {  	[sflag:s2] =	ssyncset.done $0x0  }
0x200: {  	[sflag:s2] =	ssyncadd.s32 $0xFFFFF000  }
0x201: {  	_ =	swait.ge [sflag:s2], $0x1000  }
0x202: {  	[sflag:s2] =	ssyncset.done $0x0  }
0x203: {  	[sflag:s2] =	ssyncadd.s32 $0xFFFFF000  }
0x204: {  	_ =	swait.ge [sflag:s2], $0x1000  }
0x205: {  	[sflag:s2] =	ssyncset.done $0x0  }
0x206: {  	s18 =	sadd.s32 $0xC0, s18;
	[sflag:s2] =	ssyncadd.s32 $0xFFFFF000  }
0x207: {  	[tilespmem:s23], [sflag:$0x4] =	stream.linear.gather [hbm4b:s18+s4], $0x300, $0x38;
	[tilespmem:$0x1F300] =	vst v63  }
0x208: {  	s14 =	sadd.s32 $0xC0, s19  }
0x209: {  	[tilespmem:s25], [sflag:$0x4] =	stream.linear.gather [hbm4b:s14+s4], $0x300, $0x38;
	[tilespmem:$0x1F300] =	vst v63  }
0x20a: {  	s18 =	simm.s32 $0x1EE80  }
0x20b: {  	[tilespmem:s24], [sflag:$0x1] =	stream.indirect.gather [hbm4b:s16+s28], $0x20, s18, s28, $0xb8;
	[tilespmem:$0x1F300] =	vst v63  }
0x20c: {  	s19 =	simm.s32 $0x1EF00  }
0x20d: {  	[tilespmem:s7], [sflag:$0x1] =	stream.indirect.gather [hbm4b:s16+s28], $0x20, s19, s28, $0xb8;
	[tilespmem:$0x1F300] =	vst v63  }
0x20e: {  	s14 =	simm.s32 $0x1EF80  }
0x20f: {  	[tilespmem:s9], [sflag:$0x1] =	stream.indirect.gather [hbm4b:s16+s28], $0x20, s14, s28, $0xb8;
	[tilespmem:$0x1F300] =	vst v63  }
0x210: {  	_ =	swait.ge [sflag:s22], $0x1000  }
0x211: {  	[sflag:s22] =	ssyncset.done $0x0  }
0x212: {  	[sflag:s22] =	ssyncadd.s32 $0xFFFFF000  }
0x213: {  	_ =	swait.ge [sflag:s22], $0x1000  }
0x214: {  	[sflag:s22] =	ssyncset.done $0x0  }
0x215: {  	[sflag:s22] =	ssyncadd.s32 $0xFFFFF000  }
0x216: {  	_ =	swait.ge [sflag:s22], $0x1000  }
0x217: {  	[sflag:s22] =	ssyncset.done $0x0  }
0x218: {  	[sflag:s22] =	ssyncadd.s32 $0xFFFFF000  }
0x219: {  	[spmem:s3] =	stream.indirect.scatter.add.f32 [tilespmem:s21], [sflag:$0x2], $0x20, s17, s28, $0xb8;
	[tilespmem:$0x1F300] =	vst v63  }
0x21a: {  	s18 =	simm.s32 $0x1F080  }
0x21b: {  	[spmem:s3] =	stream.indirect.scatter.add.f32 [tilespmem:s30], [sflag:$0x2], $0x20, s18, s28, $0xb8;
	[tilespmem:$0x1F300] =	vst v63  }
0x21c: {  	s19 =	simm.s32 $0x1F100  }
0x21d: {  	[spmem:s3] =	stream.indirect.scatter.add.f32 [tilespmem:s1], [sflag:$0x2], $0x20, s19, s28, $0xb8;
	[tilespmem:$0x1F300] =	vst v63  }
0x21e: {  	_ =	swait.ge [sflag:s22], $0x1000  }
0x21f: {  	[sflag:s22] =	ssyncset.done $0x0  }
0x220: {  	[sflag:s22] =	ssyncadd.s32 $0xFFFFF000  }
0x221: {  	_ =	swait.ge [sflag:s22], $0x1000  }
0x222: {  	[sflag:s22] =	ssyncset.done $0x0  }
0x223: {  	[sflag:s22] =	ssyncadd.s32 $0xFFFFF000  }
0x224: {  	_ =	swait.ge [sflag:s22], $0x1000  }
0x225: {  	[sflag:s22] =	ssyncset.done $0x0  }
0x226: {  	[sflag:s22] =	ssyncadd.s32 $0xFFFFF000  }
0x227: {  	_ =	swait.ge [sflag:s12], $0x1000  }
0x228: {  	[sflag:s12] =	ssyncset.done $0x0  }
0x229: {  	[sflag:s12] =	ssyncadd.s32 $0xFFFFF000  }
0x22a: {  	_ =	swait.ge [sflag:s12], $0x1000  }
0x22b: {  	[sflag:s12] =	ssyncset.done $0x0  }
0x22c: {  	[sflag:s12] =	ssyncadd.s32 $0xFFFFF000  }
0x22d: {  	_ =	swait.ge [sflag:s12], $0x1000  }
0x22e: {  	[sflag:s12] =	ssyncset.done $0x0  }
0x22f: {  	s14 =	simm.s32 $0x1F180;
	[sflag:s12] =	ssyncadd.s32 $0xFFFFF000  }
0x230: {  	[spmem:s3] =	stream.indirect.scatter.add.f32 [tilespmem:s24], [sflag:$0x3], $0x20, s14, s28, $0xb8;
	[tilespmem:$0x1F300] =	vst v63  }
0x231: {  	s18 =	simm.s32 $0x1F200  }
0x232: {  	[spmem:s3] =	stream.indirect.scatter.add.f32 [tilespmem:s7], [sflag:$0x3], $0x20, s18, s28, $0xb8;
	[tilespmem:$0x1F300] =	vst v63  }
0x233: {  	s19 =	simm.s32 $0x1F280  }
0x234: {  	[spmem:s3] =	stream.indirect.scatter.add.f32 [tilespmem:s9], [sflag:$0x3], $0x20, s19, s28, $0xb8;
	[tilespmem:$0x1F300] =	vst v63  }
0x235: {  	_ =	swait.ge [sflag:s26], $0x300  }
0x236: {  	[sflag:s26] =	ssyncset.done $0x0  }
0x237: {  	[sflag:s26] =	ssyncadd.s32 $0xFFFFFD00  }
0x238: {  	_ =	swait.ge [sflag:s26], $0x300  }
0x239: {  	[sflag:s26] =	ssyncset.done $0x0  }
0x23a: {  	[sflag:s26] =	ssyncadd.s32 $0xFFFFFD00  }
0x23b: {  	[tilespmem:s21], [sflag:$0x1] =	stream.indirect.gather [hbm4b:s16+s28], $0x20, s23, s28, $0xb8;
	[tilespmem:$0x1F300] =	vst v63  }
0x23c: {  	p1 =	seq.s32 s13, $0x0  }
0x23d: {  	[tilespmem:s30], [sflag:$0x1] =	stream.indirect.gather [hbm4b:s16+s28], $0x20, s20, s28, $0xb8;
	[tilespmem:$0x1F300] =	vst v63  }
0x23e: {  	s19 =	simm.s32 @!p1 $0x3  }
0x23f: {  	[tilespmem:s1], [sflag:$0x1] =	stream.indirect.gather [hbm4b:s16+s28], $0x20, s6, s28, $0xb8;
	[tilespmem:$0x1F300] =	vst v63  }
0x240: {  	_ =	swait.ge @!p1 [sflag:s19], $0x1000  }
0x241: {  	[sflag:s19] =	ssyncset.done @!p1 $0x0  }
0x242: {  	s15 =	sadd.s32 $0xC0, s15;
	[sflag:s19] =	ssyncadd.s32 @!p1 $0xFFFFF000  }
0x243: {  	p0 =	sne.s32 s15, $0x18C0;
	_ =	swait.ge @!p1 [sflag:s19], $0x1000  }
.Ltmp3:
0x244: {  	[sflag:s19] =	ssyncset.done @!p1 $0x0;
	(pc) =	sbr.rel @p0 .LBB2_8-.Ltmp3, $4  }
0x245: {  	[sflag:s19] =	ssyncadd.s32 @!p1 $0xFFFFF000  }
0x246: {  	_ =	swait.ge @!p1 [sflag:s19], $0x1000  }
0x247: {  	s18 =	rddreg [dreg:$0x6]  }
0x248: {  	s5 =	rddreg [dreg:$0x5]  }
0x249: {  	[sflag:s19] =	ssyncset.done @!p1 $0x0;
	s14 =	sadd.s32 s13, s18  }
0x24a: {  	s5 =	sadd.s32 s13, s5;
	[sflag:s19] =	ssyncadd.s32 @!p1 $0xFFFFF000;
	s18 =	sadd.s32 $0x60, s14  }
0x24b: {  	[tilespmem:s0], [sflag:$0x4] =	stream.linear.gather [hbm4b:s18+s4], $0x300, $0x38;
	[tilespmem:$0x1F300] =	vst v63  }
0x24c: {  	s19 =	sadd.s32 $0x60, s5  }
0x24d: {  	[tilespmem:s17], [sflag:$0x4] =	stream.linear.gather [hbm4b:s19+s4], $0x300, $0x38;
	[tilespmem:$0x1F300] =	vst v63  }
0x24e: {  	_ = 	snop  }
0x24f: {  	[tilespmem:s24], [sflag:$0x1] =	stream.indirect.gather [hbm4b:s16+s28], $0x20, s8, s28, $0xb8;
	[tilespmem:$0x1F300] =	vst v63  }
0x250: {  	_ = 	snop  }
0x251: {  	[tilespmem:s7], [sflag:$0x1] =	stream.indirect.gather [hbm4b:s16+s28], $0x20, s10, s28, $0xb8;
	[tilespmem:$0x1F300] =	vst v63  }
0x252: {  	_ = 	snop  }
0x253: {  	[tilespmem:s9], [sflag:$0x1] =	stream.indirect.gather [hbm4b:s16+s28], $0x20, s11, s28, $0xb8;
	[tilespmem:$0x1F300] =	vst v63  }
0x254: {  	_ =	swait.ge [sflag:s22], $0x1000  }
0x255: {  	[sflag:s22] =	ssyncset.done $0x0  }
0x256: {  	[sflag:s22] =	ssyncadd.s32 $0xFFFFF000  }
0x257: {  	_ =	swait.ge [sflag:s22], $0x1000  }
0x258: {  	[sflag:s22] =	ssyncset.done $0x0  }
0x259: {  	[sflag:s22] =	ssyncadd.s32 $0xFFFFF000  }
0x25a: {  	_ =	swait.ge [sflag:s22], $0x1000  }
0x25b: {  	[sflag:s22] =	ssyncset.done $0x0  }
0x25c: {  	[sflag:s22] =	ssyncadd.s32 $0xFFFFF000  }
0x25d: {  	[spmem:s3] =	stream.indirect.scatter.add.f32 [tilespmem:s21], [sflag:$0x2], $0x20, s25, s28, $0xb8;
	[tilespmem:$0x1F300] =	vst v63  }
0x25e: {  	s6 =	simm.s32 $0x1EA80  }
0x25f: {  	[spmem:s3] =	stream.indirect.scatter.add.f32 [tilespmem:s30], [sflag:$0x2], $0x20, s6, s28, $0xb8;
	[tilespmem:$0x1F300] =	vst v63  }
0x260: {  	s20 =	simm.s32 $0x1EB00  }
0x261: {  	[spmem:s3] =	stream.indirect.scatter.add.f32 [tilespmem:s1], [sflag:$0x2], $0x20, s20, s28, $0xb8;
	[tilespmem:$0x1F300] =	vst v63  }
0x262: {  	_ =	swait.ge [sflag:s22], $0x1000  }
0x263: {  	[sflag:s22] =	ssyncset.done $0x0  }
0x264: {  	[sflag:s22] =	ssyncadd.s32 $0xFFFFF000  }
0x265: {  	_ =	swait.ge [sflag:s22], $0x1000  }
0x266: {  	[sflag:s22] =	ssyncset.done $0x0  }
0x267: {  	[sflag:s22] =	ssyncadd.s32 $0xFFFFF000  }
0x268: {  	_ =	swait.ge [sflag:s22], $0x1000  }
0x269: {  	[sflag:s22] =	ssyncset.done $0x0  }
0x26a: {  	[sflag:s22] =	ssyncadd.s32 $0xFFFFF000  }
0x26b: {  	_ =	swait.ge [sflag:s12], $0x1000  }
0x26c: {  	[sflag:s12] =	ssyncset.done $0x0  }
0x26d: {  	[sflag:s12] =	ssyncadd.s32 $0xFFFFF000  }
0x26e: {  	_ =	swait.ge [sflag:s12], $0x1000  }
0x26f: {  	[sflag:s12] =	ssyncset.done $0x0  }
0x270: {  	[sflag:s12] =	ssyncadd.s32 $0xFFFFF000  }
0x271: {  	_ =	swait.ge [sflag:s12], $0x1000  }
0x272: {  	[sflag:s12] =	ssyncset.done $0x0  }
0x273: {  	[sflag:s12] =	ssyncadd.s32 $0xFFFFF000  }
0x274: {  	[spmem:s3] =	stream.indirect.scatter.add.f32 [tilespmem:s24], [sflag:$0x3], $0x20, s29, s28, $0xb8;
	[tilespmem:$0x1F300] =	vst v63  }
0x275: {  	s8 =	simm.s32 $0x1EC00  }
0x276: {  	[spmem:s3] =	stream.indirect.scatter.add.f32 [tilespmem:s7], [sflag:$0x3], $0x20, s8, s28, $0xb8;
	[tilespmem:$0x1F300] =	vst v63  }
0x277: {  	s10 =	simm.s32 $0x1EC80  }
0x278: {  	[spmem:s3] =	stream.indirect.scatter.add.f32 [tilespmem:s9], [sflag:$0x3], $0x20, s10, s28, $0xb8;
	[tilespmem:$0x1F300] =	vst v63  }
0x279: {  	_ =	swait.ge [sflag:s26], $0x300  }
0x27a: {  	[sflag:s26] =	ssyncset.done $0x0  }
0x27b: {  	[sflag:s26] =	ssyncadd.s32 $0xFFFFFD00  }
0x27c: {  	_ =	swait.ge [sflag:s26], $0x300  }
0x27d: {  	[sflag:s26] =	ssyncset.done $0x0  }
0x27e: {  	[sflag:s26] =	ssyncadd.s32 $0xFFFFFD00  }
0x27f: {  	[tilespmem:s21], [sflag:$0x1] =	stream.indirect.gather [hbm4b:s16+s28], $0x20, s0, s28, $0xb8;
	[tilespmem:$0x1F300] =	vst v63  }
0x280: {  	s11 =	simm.s32 $0x1ED80  }
0x281: {  	[tilespmem:s30], [sflag:$0x1] =	stream.indirect.gather [hbm4b:s16+s28], $0x20, s11, s28, $0xb8;
	[tilespmem:$0x1F300] =	vst v63  }
0x282: {  	s13 =	simm.s32 $0x1EE00  }
0x283: {  	[tilespmem:s1], [sflag:$0x1] =	stream.indirect.gather [hbm4b:s16+s28], $0x20, s13, s28, $0xb8;
	[tilespmem:$0x1F300] =	vst v63  }
0x284: {  	_ =	swait.ge [sflag:s2], $0x1000  }
0x285: {  	[sflag:s2] =	ssyncset.done $0x0  }
0x286: {  	[sflag:s2] =	ssyncadd.s32 $0xFFFFF000  }
0x287: {  	_ =	swait.ge [sflag:s2], $0x1000  }
0x288: {  	[sflag:s2] =	ssyncset.done $0x0  }
0x289: {  	[sflag:s2] =	ssyncadd.s32 $0xFFFFF000  }
0x28a: {  	_ =	swait.ge [sflag:s2], $0x1000  }
0x28b: {  	[sflag:s2] =	ssyncset.done $0x0  }
0x28c: {  	s14 =	sadd.s32 $0xC0, s14;
	[sflag:s2] =	ssyncadd.s32 $0xFFFFF000  }
0x28d: {  	[tilespmem:s23], [sflag:$0x4] =	stream.linear.gather [hbm4b:s14+s4], $0x300, $0x38;
	[tilespmem:$0x1F300] =	vst v63  }
0x28e: {  	s5 =	sadd.s32 $0xC0, s5  }
0x28f: {  	[tilespmem:s25], [sflag:$0x4] =	stream.linear.gather [hbm4b:s5+s4], $0x300, $0x38;
	[tilespmem:$0x1F300] =	vst v63  }
0x290: {  	s15 =	simm.s32 $0x1EE80  }
0x291: {  	[tilespmem:s24], [sflag:$0x1] =	stream.indirect.gather [hbm4b:s16+s28], $0x20, s15, s28, $0xb8;
	[tilespmem:$0x1F300] =	vst v63  }
0x292: {  	s18 =	simm.s32 $0x1EF00  }
0x293: {  	[tilespmem:s7], [sflag:$0x1] =	stream.indirect.gather [hbm4b:s16+s28], $0x20, s18, s28, $0xb8;
	[tilespmem:$0x1F300] =	vst v63  }
0x294: {  	s19 =	simm.s32 $0x1EF80  }
0x295: {  	[tilespmem:s9], [sflag:$0x1] =	stream.indirect.gather [hbm4b:s16+s28], $0x20, s19, s28, $0xb8;
	[tilespmem:$0x1F300] =	vst v63  }
0x296: {  	_ =	swait.ge [sflag:s22], $0x1000  }
0x297: {  	[sflag:s22] =	ssyncset.done $0x0  }
0x298: {  	[sflag:s22] =	ssyncadd.s32 $0xFFFFF000  }
0x299: {  	_ =	swait.ge [sflag:s22], $0x1000  }
0x29a: {  	[sflag:s22] =	ssyncset.done $0x0  }
0x29b: {  	[sflag:s22] =	ssyncadd.s32 $0xFFFFF000  }
0x29c: {  	_ =	swait.ge [sflag:s22], $0x1000  }
0x29d: {  	[sflag:s22] =	ssyncset.done $0x0  }
0x29e: {  	[sflag:s22] =	ssyncadd.s32 $0xFFFFF000  }
0x29f: {  	[spmem:s3] =	stream.indirect.scatter.add.f32 [tilespmem:s21], [sflag:$0x2], $0x20, s17, s28, $0xb8;
	[tilespmem:$0x1F300] =	vst v63  }
0x2a0: {  	s20 =	simm.s32 $0x1F080  }
0x2a1: {  	[spmem:s3] =	stream.indirect.scatter.add.f32 [tilespmem:s30], [sflag:$0x2], $0x20, s20, s28, $0xb8;
	[tilespmem:$0x1F300] =	vst v63  }
0x2a2: {  	s6 =	simm.s32 $0x1F100  }
0x2a3: {  	[spmem:s3] =	stream.indirect.scatter.add.f32 [tilespmem:s1], [sflag:$0x2], $0x20, s6, s28, $0xb8;
	[tilespmem:$0x1F300] =	vst v63  }
0x2a4: {  	_ =	swait.ge [sflag:s22], $0x1000  }
0x2a5: {  	[sflag:s22] =	ssyncset.done $0x0  }
0x2a6: {  	[sflag:s22] =	ssyncadd.s32 $0xFFFFF000  }
0x2a7: {  	_ =	swait.ge [sflag:s22], $0x1000  }
0x2a8: {  	[sflag:s22] =	ssyncset.done $0x0  }
0x2a9: {  	[sflag:s22] =	ssyncadd.s32 $0xFFFFF000  }
0x2aa: {  	_ =	swait.ge [sflag:s22], $0x1000  }
0x2ab: {  	[sflag:s22] =	ssyncset.done $0x0  }
0x2ac: {  	[sflag:s22] =	ssyncadd.s32 $0xFFFFF000  }
0x2ad: {  	_ =	swait.ge [sflag:s12], $0x1000  }
0x2ae: {  	[sflag:s12] =	ssyncset.done $0x0  }
0x2af: {  	[sflag:s12] =	ssyncadd.s32 $0xFFFFF000  }
0x2b0: {  	_ =	swait.ge [sflag:s12], $0x1000  }
0x2b1: {  	[sflag:s12] =	ssyncset.done $0x0  }
0x2b2: {  	[sflag:s12] =	ssyncadd.s32 $0xFFFFF000  }
0x2b3: {  	_ =	swait.ge [sflag:s12], $0x1000  }
0x2b4: {  	[sflag:s12] =	ssyncset.done $0x0  }
0x2b5: {  	s8 =	simm.s32 $0x1F180;
	[sflag:s12] =	ssyncadd.s32 $0xFFFFF000  }
0x2b6: {  	[spmem:s3] =	stream.indirect.scatter.add.f32 [tilespmem:s24], [sflag:$0x3], $0x20, s8, s28, $0xb8;
	[tilespmem:$0x1F300] =	vst v63  }
0x2b7: {  	s10 =	simm.s32 $0x1F200  }
0x2b8: {  	[spmem:s3] =	stream.indirect.scatter.add.f32 [tilespmem:s7], [sflag:$0x3], $0x20, s10, s28, $0xb8;
	[tilespmem:$0x1F300] =	vst v63  }
0x2b9: {  	s11 =	simm.s32 $0x1F280  }
0x2ba: {  	[spmem:s3] =	stream.indirect.scatter.add.f32 [tilespmem:s9], [sflag:$0x3], $0x20, s11, s28, $0xb8;
	[tilespmem:$0x1F300] =	vst v63  }
0x2bb: {  	_ =	swait.ge [sflag:s26], $0x300  }
0x2bc: {  	[sflag:s26] =	ssyncset.done $0x0  }
0x2bd: {  	[sflag:s26] =	ssyncadd.s32 $0xFFFFFD00  }
0x2be: {  	_ =	swait.ge [sflag:s26], $0x300  }
0x2bf: {  	[sflag:s26] =	ssyncset.done $0x0  }
0x2c0: {  	[sflag:s26] =	ssyncadd.s32 $0xFFFFFD00  }
0x2c1: {  	_ =	swait.ge [sflag:s2], $0x1000  }
0x2c2: {  	[sflag:s2] =	ssyncset.done $0x0  }
0x2c3: {  	[sflag:s2] =	ssyncadd.s32 $0xFFFFF000  }
0x2c4: {  	_ =	swait.ge [sflag:s2], $0x1000  }
0x2c5: {  	[sflag:s2] =	ssyncset.done $0x0  }
0x2c6: {  	[sflag:s2] =	ssyncadd.s32 $0xFFFFF000  }
0x2c7: {  	_ =	swait.ge [sflag:s2], $0x1000  }
0x2c8: {  	[sflag:s2] =	ssyncset.done $0x0  }
0x2c9: {  	[sflag:s2] =	ssyncadd.s32 $0xFFFFF000  }
0x2ca: {  	[bflag:$0x0] =	sbarrier.arrive $0xFFFF  }
0x2cb: {  	s13 =	rddreg [dreg:$0x16]  }
0x2cc: {  	s14 =	rddreg [dreg:$0x18]  }
0x2cd: {  	s18 =	simm.s32 $0x5;
	s15 =	rddreg [dreg:$0x19]  }
0x2ce: {  	[hbm:s13], [sflag:s14] =	dma.local [spmem:s15], $0x30E0  }
0x2cf: {  	_ =	swait.ge [sflag:s18], $0x30E0  }
0x2d0: {  	s19 =	rddreg [dreg:$0x17]  }
0x2d1: {  	s20 =	rddreg [dreg:$0x15];
	s13 =	sadd.s32 $0x1, s19  }
0x2d2: {  	p0 =	sne.s32 s13, s20  }
.Ltmp4:
0x2d3: {  	_ = 	snop;
	(pc) =	sbr.rel @p0 .LBB2_1-.Ltmp4, $4  }
0x2d4: {  	s6 =	simm.s32 $0x1E880  }
0x2d5: {  	s8 =	simm.s32 $0x1E900;
	s10 =	simm.s32 $0x1E980;
	[sflag:s18] =	ssyncset.done $0x0  }
0x2d6: {  	s11 =	simm.s32 $0x1EA80;
	s29 =	rddreg [dreg:$0x7];
	[sflag:s18] =	ssyncadd.s32 $0xFFFFCF20  }
0x2d7: {  	s18 =	smov.u32 s31;
	s19 =	simm.s32 $0x1E780;
	s20 =	simm.s32 $0x1E800  }
0x2d8: {  	_ =	sfence.sel $0x180000  }
0x2d9: {  	[bflag:$0x0] =	sbarrier.arrive $0xFFFF  }
0x2da: {  	_ =	strace $0x90000047  }
0x2db: {  	s0 =	stileid.u32;
	[bflag:$0x2] =	sbarrier.arrive $0xFFFF  }
0x2dc: {  	p0 =	sne.s32 s0, $0x0;
	s0 =	rddreg [dreg:$0x3]  }
0x2dd: {  	s0 =	sadd.s32 @!p0 $0x100000, s0  }
0x2de: {  	[sflag:s0] =	ssyncadd.tile.s32 @!p0 $0x1;
	_ =	shalt  }
.Lfunc_end2:
_tile_overlayer_lowered:
.L_overlay_start_2:
0x2df: {  	(tag) =	ssettag $0x2  }
0x2e0: {  	s0 =	rddreg [dreg:$0x0];
	s2 =	stileid.u32  }
0x2e1: {  	s1 =	rddreg [dreg:$0x1];
	p0 =	sne.s32 s2, $0x0  }
0x2e2: {  	s3 =	rddreg [dreg:$0x2];
	[bflag:$0x3] =	sbarrier.arrive $0xFFFF;
	s2 =	simm.s32 @!p0 $0x1C05  }
0x2e3: {  	[timem:s3], [sflag:s2] =	dma.local @!p0 [hbm:s0], s1  }
0x2e4: {  	s0 =	simm.s32 @!p0 $0x5  }
0x2e5: {  	_ =	swait.ge @!p0 [sflag:s0], s1  }
0x2e6: {  	s1 =	ssub.s32 @!p0 $0x0, s1;
	[sflag:s0] =	ssyncset.done @!p0 $0x0  }
0x2e7: {  	[sflag:s0] =	ssyncadd.s32 @!p0 s1  }
0x2e8: {  	[bflag:$0x3] =	sbarrier.arrive $0xFFFF  }
0x2e9: {  	_ =	shalt  }

</sc_bundles>
